<compile_context>
chip_gen: v7x
topology: tpu7x:2x2x1
jax: 0.10.2.dev20260603
libtpu: 0.0.44.dev20260713+nightly
codegen_flags: <defaults>
</compile_context>

<pallas_src>
import functools

import jax
import jax.numpy as jnp
from jax import lax
from jax.experimental import pallas as pl
from jax.experimental.pallas import tpu as pltpu
from jax.experimental.pallas import tpu_sc as plsc

_NC = 2
_NS = 16
_NW = _NC * _NS
_B = 16384
_D = 64
_BPW = _B // _NW
_G = 16
_NG = _BPW // _G


def _build():
    mesh = plsc.VectorSubcoreMesh(core_axis_name="c", subcore_axis_name="s")

    @functools.partial(
        pl.kernel,
        mesh=mesh,
        out_type=jax.ShapeDtypeStruct((_B, _D), jnp.float32),
        compiler_params=pltpu.CompilerParams(
            use_tc_tiling_on_sc=True, needs_layout_passes=False
        ),
        scratch_types=[
            pltpu.VMEM((4, 128), jnp.int32),
            pltpu.VMEM((2, _G, 8, _D), jnp.float32),
            pltpu.VMEM((_BPW, _D), jnp.float32),
            pltpu.SemaphoreType.DMA,
            pltpu.SemaphoreType.DMA,
        ],
    )
    def gather_kernel(
        idx_hbm, table_hbm, out_hbm, idx_v, slab_v, rows_v, sem_a, sem_b
    ):
        wid = lax.axis_index("s") * _NC + lax.axis_index("c")
        pltpu.sync_copy(idx_hbm.at[wid], idx_v)
        lanes16 = lax.broadcasted_iota(jnp.int32, (16,), 0)

        def load_vec(g):
            return idx_v[g // 8, pl.ds((g % 8) * 16, 16)]

        def fire(g, buf, sem):
            vec = load_vec(g)
            for j in range(_G):
                base = pl.multiple_of((vec[j] // 8) * 8, 8)
                pltpu.async_copy(
                    table_hbm.at[pl.ds(base, 8), :], slab_v.at[buf, j], sem
                )

        def drain(buf, sem):
            for j in range(_G):
                pltpu.make_async_copy(
                    table_hbm.at[pl.ds(0, 8), :], slab_v.at[buf, j], sem
                ).wait()

        def extract(g, buf):
            vec = load_vec(g)
            sub = vec & 7
            rowvec = g * _G + lanes16
            for col in range(_D):
                vals = plsc.load_gather(
                    slab_v.at[buf],
                    [lanes16, sub, jnp.full((16,), col, jnp.int32)],
                )
                plsc.store_scatter(
                    rows_v, [rowvec, jnp.full((16,), col, jnp.int32)], vals
                )

        fire(0, 0, sem_a)

        def pair_body(p, _):
            g = p * 2
            fire(g + 1, 1, sem_b)
            drain(0, sem_a)
            extract(g, 0)

            @pl.when(p < _NG // 2 - 1)
            def _():
                fire(g + 2, 0, sem_a)

            drain(1, sem_b)
            extract(g + 1, 1)
            return ()

        lax.fori_loop(0, _NG // 2, pair_body, ())
        pltpu.sync_copy(rows_v, out_hbm.at[pl.ds(wid * _BPW, _BPW)])

    return gather_kernel


_gather = _build()


def kernel(input_, dim, index):
    idx = (index + jnp.asarray(dim, index.dtype)).reshape(_NW, 4, 128)
    table = jnp.swapaxes(lax.optimization_barrier(jnp.swapaxes(input_, 0, 1)), 0, 1)
    return _gather(idx, table)

# --- scband reference (transcript-rebuilt; emitter-appended) ---
"""Pipeline reference for scband-simple-index-select-with-dim0-23141283791658 (READ-ONLY COPY).

The authoritative reference and input builder live on the scoring server;
editing this copy changes nothing except your own understanding.
"""

import jax, jax.numpy as jnp
import numpy as np

def setup_inputs(seed: int = 0) -> dict:
    key = jax.random.key(seed)
    k1, k2 = jax.random.split(key)
    input_ = jax.random.normal(k1, (1000000, 64), dtype=jnp.float32)
    index = jax.random.randint(k2, (16384,), 0, 1000000, dtype=jnp.int32)
    return {"input_": input_, "dim": 0, "index": index}

def reference(input_, dim, index):
    # torch.index_select(input_, dim, index) -> gather rows along `dim`
    index = index + jnp.asarray(dim, dtype=index.dtype)
    return jnp.take(input_, index, axis=0)

if __name__ == "__main__":
    import jax
    _d = setup_inputs()
    print(jax.jit(kernel)(*tuple(_d.values())))

</pallas_src>

<mosaic_0001>
#map = affine_map<(d0, d1) -> (0, 0, 0)>
#map1 = affine_map<(d0, d1) -> (0, 0)>
module attributes {stable_mosaic.version = 14 : i64} {
  func.func @gather_kernel(%arg0: i32, %arg1: i32, %arg2: memref<32x4x128xi32, #tpu.memory_space<hbm>>, %arg3: memref<1000000x64xf32, #tpu.memory_space<hbm>>, %arg4: memref<16384x64xf32, #tpu.memory_space<hbm>>, %arg5: memref<4x128xi32, #tpu.memory_space<vmem>>, %arg6: memref<2x16x8x64xf32, #tpu.memory_space<vmem>>, %arg7: memref<512x64xf32, #tpu.memory_space<vmem>>, %arg8: memref<!tpu.dma_semaphore, #tpu.memory_space<semaphore_mem>>, %arg9: memref<!tpu.dma_semaphore, #tpu.memory_space<semaphore_mem>>) attributes {dimension_semantics = [#tpu.dimension_semantics<core_parallel>, #tpu.dimension_semantics<subcore_parallel>], iteration_bounds = array<i64: 2, 16>, scalar_prefetch = 0 : i64, scratch_operands = 5 : i64, tpu.core_type = #tpu.core_type<sc_vector_subcore>, window_params = [{transform_indices = #map}, {transform_indices = #map1}, {transform_indices = #map1}]} {
    %mul3A = arith.constant 2 : i32
    %mul3A_0 = arith.muli %arg1, %mul3A : i32
    %add3A = arith.addi %mul3A_0, %arg0 : i32
    "tpu.region"() ({
      %run_scoped3A = tpu.sem_alloc : memref<!tpu.dma_semaphore, #tpu.memory_space<semaphore_mem>>
      %dma_start3A_686 = arith.constant 0 : i32
      %dma_start3A_687 = arith.constant 0 : i32
      %dma_start3A_688 = tpu.memref_slice %arg2[%add3A, %dma_start3A_686, %dma_start3A_687] : memref<32x4x128xi32, #tpu.memory_space<hbm>> -> memref<1x4x128xi32, #tpu.memory_space<hbm>>
      %dma_start3A_689 = tpu.memref_squeeze %dma_start3A_688 : memref<1x4x128xi32, #tpu.memory_space<hbm>> -> memref<4x128xi32, #tpu.memory_space<hbm>>
      %dma_start3A_690 = arith.constant 0 : i32
      %dma_start3A_691 = arith.constant 0 : i32
      %dma_start3A_692 = tpu.memref_slice %arg2[%add3A, %dma_start3A_690, %dma_start3A_691] : memref<32x4x128xi32, #tpu.memory_space<hbm>> -> memref<1x4x128xi32, #tpu.memory_space<hbm>>
      %dma_start3A_693 = tpu.memref_squeeze %dma_start3A_692 : memref<1x4x128xi32, #tpu.memory_space<hbm>> -> memref<4x128xi32, #tpu.memory_space<hbm>>
      tpu.enqueue_dma source(%dma_start3A_693 : memref<4x128xi32, #tpu.memory_space<hbm>>) target(%arg5 : memref<4x128xi32, #tpu.memory_space<vmem>>) target_semaphore(%run_scoped3A : memref<!tpu.dma_semaphore, #tpu.memory_space<semaphore_mem>>)
      %dma_wait3A = arith.constant 0 : i32
      %dma_wait3A_694 = arith.constant 0 : i32
      %dma_wait3A_695 = tpu.memref_slice %arg2[%add3A, %dma_wait3A, %dma_wait3A_694] : memref<32x4x128xi32, #tpu.memory_space<hbm>> -> memref<1x4x128xi32, #tpu.memory_space<hbm>>
      %dma_wait3A_696 = tpu.memref_squeeze %dma_wait3A_695 : memref<1x4x128xi32, #tpu.memory_space<hbm>> -> memref<4x128xi32, #tpu.memory_space<hbm>>
      %dma_wait3A_697 = arith.constant 0 : i32
      %dma_wait3A_698 = arith.constant 0 : i32
      %dma_wait3A_699 = tpu.memref_slice %arg2[%add3A, %dma_wait3A_697, %dma_wait3A_698] : memref<32x4x128xi32, #tpu.memory_space<hbm>> -> memref<1x4x128xi32, #tpu.memory_space<hbm>>
      %dma_wait3A_700 = tpu.memref_squeeze %dma_wait3A_699 : memref<1x4x128xi32, #tpu.memory_space<hbm>> -> memref<4x128xi32, #tpu.memory_space<hbm>>
      tpu.wait_dma2 semaphore(%run_scoped3A : memref<!tpu.dma_semaphore, #tpu.memory_space<semaphore_mem>>) src(%dma_wait3A_700 : memref<4x128xi32, #tpu.memory_space<hbm>>) dst(%arg5 : memref<4x128xi32, #tpu.memory_space<vmem>>)
      tpu.yield
    }) : () -> ()
    %iota3A = tpu.iota {dimensions = array<i32: 0>} : vector<16xi32>
    %get3A = arith.constant 0 : i32
    %get3A_1 = arith.index_cast %get3A : i32 to index
    %get3A_2 = arith.constant 0 : index
    %get3A_3 = tpu.vector_load %arg5[%get3A_1, %get3A_2] {strides = array<i32>} : memref<4x128xi32, #tpu.memory_space<vmem>>, vector<16xi32>,
    %slice3A = vector.extract_strided_slice %get3A_3 {offsets = [0], sizes = [1], strides = [1]} : vector<16xi32> to vector<1xi32>
    %squeeze3A = vector.extract %slice3A[0] : i32 from vector<1xi32>
    %jit3A = arith.constant 8 : i32
    %div3A = arith.divsi %squeeze3A, %jit3A : i32
    %sign3A = arith.constant 0 : i32
    %sign3A_4 = arith.cmpi sgt, %squeeze3A, %sign3A : i32
    %sign3A_5 = arith.extui %sign3A_4 : i1 to i32
    %sign3A_6 = arith.constant 0 : i32
    %sign3A_7 = arith.cmpi slt, %squeeze3A, %sign3A_6 : i32
    %sign3A_8 = arith.extui %sign3A_7 : i1 to i32
    %sign3A_9 = arith.subi %sign3A_5, %sign3A_8 : i32
    %sign3A_10 = arith.constant 0 : i32
    %sign3A_11 = arith.cmpi sgt, %jit3A, %sign3A_10 : i32
    %sign3A_12 = arith.extui %sign3A_11 : i1 to i32
    %sign3A_13 = arith.constant 0 : i32
    %sign3A_14 = arith.cmpi slt, %jit3A, %sign3A_13 : i32
    %sign3A_15 = arith.extui %sign3A_14 : i1 to i32
    %sign3A_16 = arith.subi %sign3A_12, %sign3A_15 : i32
    %ne3A = arith.cmpi ne, %sign3A_9, %sign3A_16 : i32
    %rem3A = arith.remsi %squeeze3A, %jit3A : i32
    %ne3A_17 = arith.constant 0 : i32
    %ne3A_18 = arith.cmpi ne, %rem3A, %ne3A_17 : i32
    %and3A = arith.andi %ne3A, %ne3A_18 : i1
    %sub3A = arith.constant 1 : i32
    %sub3A_19 = arith.subi %div3A, %sub3A : i32
    %select_n3A = arith.select %and3A, %sub3A_19, %div3A : i32
    %mul3A_20 = arith.constant 8 : i32
    %mul3A_21 = arith.muli %select_n3A, %mul3A_20 : i32
    %multiple_of3A = tpu.assume_multiple %mul3A_21, 8 : i32
    %dma_start3A = arith.constant 0 : i32
    %dma_start3A_22 = arith.constant 0 : i32
    %dma_start3A_23 = arith.constant 0 : i32
    %dma_start3A_24 = arith.constant 0 : i32
    %dma_start3A_25 = tpu.memref_slice %arg6[%dma_start3A, %dma_start3A_22, %dma_start3A_23, %dma_start3A_24] : memref<2x16x8x64xf32, #tpu.memory_space<vmem>> -> memref<1x1x8x64xf32, #tpu.memory_space<vmem>>
    %dma_start3A_26 = tpu.memref_squeeze %dma_start3A_25 : memref<1x1x8x64xf32, #tpu.memory_space<vmem>> -> memref<8x64xf32, #tpu.memory_space<vmem>>
    %dma_start3A_27 = arith.constant 0 : i32
    %dma_start3A_28 = tpu.memref_slice %arg3[%multiple_of3A, %dma_start3A_27] : memref<1000000x64xf32, #tpu.memory_space<hbm>> -> memref<8x64xf32, #tpu.memory_space<hbm>>
    %dma_start3A_29 = arith.constant 0 : i32
    %dma_start3A_30 = arith.constant 0 : i32
    %dma_start3A_31 = tpu.memref_slice %arg6[%dma_start3A, %dma_start3A_22, %dma_start3A_29, %dma_start3A_30] : memref<2x16x8x64xf32, #tpu.memory_space<vmem>> -> memref<1x1x8x64xf32, #tpu.memory_space<vmem>>
    %dma_start3A_32 = tpu.memref_squeeze %dma_start3A_31 : memref<1x1x8x64xf32, #tpu.memory_space<vmem>> -> memref<8x64xf32, #tpu.memory_space<vmem>>
    %dma_start3A_33 = arith.constant 0 : i32
    %dma_start3A_34 = tpu.memref_slice %arg3[%multiple_of3A, %dma_start3A_33] : memref<1000000x64xf32, #tpu.memory_space<hbm>> -> memref<8x64xf32, #tpu.memory_space<hbm>>
    tpu.enqueue_dma source(%dma_start3A_34 : memref<8x64xf32, #tpu.memory_space<hbm>>) target(%dma_start3A_32 : memref<8x64xf32, #tpu.memory_space<vmem>>) target_semaphore(%arg8 : memref<!tpu.dma_semaphore, #tpu.memory_space<semaphore_mem>>)
    %slice3A_35 = vector.extract_strided_slice %get3A_3 {offsets = [1], sizes = [1], strides = [1]} : vector<16xi32> to vector<1xi32>
    %squeeze3A_36 = vector.extract %slice3A_35[0] : i32 from vector<1xi32>
    %jit3A_37 = arith.constant 8 : i32
    %div3A_38 = arith.divsi %squeeze3A_36, %jit3A_37 : i32
    %sign3A_39 = arith.constant 0 : i32
    %sign3A_40 = arith.cmpi sgt, %squeeze3A_36, %sign3A_39 : i32
    %sign3A_41 = arith.extui %sign3A_40 : i1 to i32
    %sign3A_42 = arith.constant 0 : i32
    %sign3A_43 = arith.cmpi slt, %squeeze3A_36, %sign3A_42 : i32
    %sign3A_44 = arith.extui %sign3A_43 : i1 to i32
    %sign3A_45 = arith.subi %sign3A_41, %sign3A_44 : i32
    %sign3A_46 = arith.constant 0 : i32
    %sign3A_47 = arith.cmpi sgt, %jit3A_37, %sign3A_46 : i32
    %sign3A_48 = arith.extui %sign3A_47 : i1 to i32
    %sign3A_49 = arith.constant 0 : i32
    %sign3A_50 = arith.cmpi slt, %jit3A_37, %sign3A_49 : i32
    %sign3A_51 = arith.extui %sign3A_50 : i1 to i32
    %sign3A_52 = arith.subi %sign3A_48, %sign3A_51 : i32
    %ne3A_53 = arith.cmpi ne, %sign3A_45, %sign3A_52 : i32
    %rem3A_54 = arith.remsi %squeeze3A_36, %jit3A_37 : i32
    %ne3A_55 = arith.constant 0 : i32
    %ne3A_56 = arith.cmpi ne, %rem3A_54, %ne3A_55 : i32
    %and3A_57 = arith.andi %ne3A_53, %ne3A_56 : i1
    %sub3A_58 = arith.constant 1 : i32
    %sub3A_59 = arith.subi %div3A_38, %sub3A_58 : i32
    %select_n3A_60 = arith.select %and3A_57, %sub3A_59, %div3A_38 : i32
    %mul3A_61 = arith.constant 8 : i32
    %mul3A_62 = arith.muli %select_n3A_60, %mul3A_61 : i32
    %multiple_of3A_63 = tpu.assume_multiple %mul3A_62, 8 : i32
    %dma_start3A_64 = arith.constant 0 : i32
    %dma_start3A_65 = arith.constant 1 : i32
    %dma_start3A_66 = arith.constant 0 : i32
    %dma_start3A_67 = arith.constant 0 : i32
    %dma_start3A_68 = tpu.memref_slice %arg6[%dma_start3A_64, %dma_start3A_65, %dma_start3A_66, %dma_start3A_67] : memref<2x16x8x64xf32, #tpu.memory_space<vmem>> -> memref<1x1x8x64xf32, #tpu.memory_space<vmem>>
    %dma_start3A_69 = tpu.memref_squeeze %dma_start3A_68 : memref<1x1x8x64xf32, #tpu.memory_space<vmem>> -> memref<8x64xf32, #tpu.memory_space<vmem>>
    %dma_start3A_70 = arith.constant 0 : i32
    %dma_start3A_71 = tpu.memref_slice %arg3[%multiple_of3A_63, %dma_start3A_70] : memref<1000000x64xf32, #tpu.memory_space<hbm>> -> memref<8x64xf32, #tpu.memory_space<hbm>>
    %dma_start3A_72 = arith.constant 0 : i32
    %dma_start3A_73 = arith.constant 0 : i32
    %dma_start3A_74 = tpu.memref_slice %arg6[%dma_start3A_64, %dma_start3A_65, %dma_start3A_72, %dma_start3A_73] : memref<2x16x8x64xf32, #tpu.memory_space<vmem>> -> memref<1x1x8x64xf32, #tpu.memory_space<vmem>>
    %dma_start3A_75 = tpu.memref_squeeze %dma_start3A_74 : memref<1x1x8x64xf32, #tpu.memory_space<vmem>> -> memref<8x64xf32, #tpu.memory_space<vmem>>
    %dma_start3A_76 = arith.constant 0 : i32
    %dma_start3A_77 = tpu.memref_slice %arg3[%multiple_of3A_63, %dma_start3A_76] : memref<1000000x64xf32, #tpu.memory_space<hbm>> -> memref<8x64xf32, #tpu.memory_space<hbm>>
    tpu.enqueue_dma source(%dma_start3A_77 : memref<8x64xf32, #tpu.memory_space<hbm>>) target(%dma_start3A_75 : memref<8x64xf32, #tpu.memory_space<vmem>>) target_semaphore(%arg8 : memref<!tpu.dma_semaphore, #tpu.memory_space<semaphore_mem>>)
    %slice3A_78 = vector.extract_strided_slice %get3A_3 {offsets = [2], sizes = [1], strides = [1]} : vector<16xi32> to vector<1xi32>
    %squeeze3A_79 = vector.extract %slice3A_78[0] : i32 from vector<1xi32>
    %jit3A_80 = arith.constant 8 : i32
    %div3A_81 = arith.divsi %squeeze3A_79, %jit3A_80 : i32
    %sign3A_82 = arith.constant 0 : i32
    %sign3A_83 = arith.cmpi sgt, %squeeze3A_79, %sign3A_82 : i32
    %sign3A_84 = arith.extui %sign3A_83 : i1 to i32
    %sign3A_85 = arith.constant 0 : i32
    %sign3A_86 = arith.cmpi slt, %squeeze3A_79, %sign3A_85 : i32
    %sign3A_87 = arith.extui %sign3A_86 : i1 to i32
    %sign3A_88 = arith.subi %sign3A_84, %sign3A_87 : i32
    %sign3A_89 = arith.constant 0 : i32
    %sign3A_90 = arith.cmpi sgt, %jit3A_80, %sign3A_89 : i32
    %sign3A_91 = arith.extui %sign3A_90 : i1 to i32
    %sign3A_92 = arith.constant 0 : i32
    %sign3A_93 = arith.cmpi slt, %jit3A_80, %sign3A_92 : i32
    %sign3A_94 = arith.extui %sign3A_93 : i1 to i32
    %sign3A_95 = arith.subi %sign3A_91, %sign3A_94 : i32
    %ne3A_96 = arith.cmpi ne, %sign3A_88, %sign3A_95 : i32
    %rem3A_97 = arith.remsi %squeeze3A_79, %jit3A_80 : i32
    %ne3A_98 = arith.constant 0 : i32
    %ne3A_99 = arith.cmpi ne, %rem3A_97, %ne3A_98 : i32
    %and3A_100 = arith.andi %ne3A_96, %ne3A_99 : i1
    %sub3A_101 = arith.constant 1 : i32
    %sub3A_102 = arith.subi %div3A_81, %sub3A_101 : i32
    %select_n3A_103 = arith.select %and3A_100, %sub3A_102, %div3A_81 : i32
    %mul3A_104 = arith.constant 8 : i32
    %mul3A_105 = arith.muli %select_n3A_103, %mul3A_104 : i32
    %multiple_of3A_106 = tpu.assume_multiple %mul3A_105, 8 : i32
    %dma_start3A_107 = arith.constant 0 : i32
    %dma_start3A_108 = arith.constant 2 : i32
    %dma_start3A_109 = arith.constant 0 : i32
    %dma_start3A_110 = arith.constant 0 : i32
    %dma_start3A_111 = tpu.memref_slice %arg6[%dma_start3A_107, %dma_start3A_108, %dma_start3A_109, %dma_start3A_110] : memref<2x16x8x64xf32, #tpu.memory_space<vmem>> -> memref<1x1x8x64xf32, #tpu.memory_space<vmem>>
    %dma_start3A_112 = tpu.memref_squeeze %dma_start3A_111 : memref<1x1x8x64xf32, #tpu.memory_space<vmem>> -> memref<8x64xf32, #tpu.memory_space<vmem>>
    %dma_start3A_113 = arith.constant 0 : i32
    %dma_start3A_114 = tpu.memref_slice %arg3[%multiple_of3A_106, %dma_start3A_113] : memref<1000000x64xf32, #tpu.memory_space<hbm>> -> memref<8x64xf32, #tpu.memory_space<hbm>>
    %dma_start3A_115 = arith.constant 0 : i32
    %dma_start3A_116 = arith.constant 0 : i32
    %dma_start3A_117 = tpu.memref_slice %arg6[%dma_start3A_107, %dma_start3A_108, %dma_start3A_115, %dma_start3A_116] : memref<2x16x8x64xf32, #tpu.memory_space<vmem>> -> memref<1x1x8x64xf32, #tpu.memory_space<vmem>>
    %dma_start3A_118 = tpu.memref_squeeze %dma_start3A_117 : memref<1x1x8x64xf32, #tpu.memory_space<vmem>> -> memref<8x64xf32, #tpu.memory_space<vmem>>
    %dma_start3A_119 = arith.constant 0 : i32
    %dma_start3A_120 = tpu.memref_slice %arg3[%multiple_of3A_106, %dma_start3A_119] : memref<1000000x64xf32, #tpu.memory_space<hbm>> -> memref<8x64xf32, #tpu.memory_space<hbm>>
    tpu.enqueue_dma source(%dma_start3A_120 : memref<8x64xf32, #tpu.memory_space<hbm>>) target(%dma_start3A_118 : memref<8x64xf32, #tpu.memory_space<vmem>>) target_semaphore(%arg8 : memref<!tpu.dma_semaphore, #tpu.memory_space<semaphore_mem>>)
    %slice3A_121 = vector.extract_strided_slice %get3A_3 {offsets = [3], sizes = [1], strides = [1]} : vector<16xi32> to vector<1xi32>
    %squeeze3A_122 = vector.extract %slice3A_121[0] : i32 from vector<1xi32>
    %jit3A_123 = arith.constant 8 : i32
    %div3A_124 = arith.divsi %squeeze3A_122, %jit3A_123 : i32
    %sign3A_125 = arith.constant 0 : i32
    %sign3A_126 = arith.cmpi sgt, %squeeze3A_122, %sign3A_125 : i32
    %sign3A_127 = arith.extui %sign3A_126 : i1 to i32
    %sign3A_128 = arith.constant 0 : i32
    %sign3A_129 = arith.cmpi slt, %squeeze3A_122, %sign3A_128 : i32
    %sign3A_130 = arith.extui %sign3A_129 : i1 to i32
    %sign3A_131 = arith.subi %sign3A_127, %sign3A_130 : i32
    %sign3A_132 = arith.constant 0 : i32
    %sign3A_133 = arith.cmpi sgt, %jit3A_123, %sign3A_132 : i32
    %sign3A_134 = arith.extui %sign3A_133 : i1 to i32
    %sign3A_135 = arith.constant 0 : i32
    %sign3A_136 = arith.cmpi slt, %jit3A_123, %sign3A_135 : i32
    %sign3A_137 = arith.extui %sign3A_136 : i1 to i32
    %sign3A_138 = arith.subi %sign3A_134, %sign3A_137 : i32
    %ne3A_139 = arith.cmpi ne, %sign3A_131, %sign3A_138 : i32
    %rem3A_140 = arith.remsi %squeeze3A_122, %jit3A_123 : i32
    %ne3A_141 = arith.constant 0 : i32
    %ne3A_142 = arith.cmpi ne, %rem3A_140, %ne3A_141 : i32
    %and3A_143 = arith.andi %ne3A_139, %ne3A_142 : i1
    %sub3A_144 = arith.constant 1 : i32
    %sub3A_145 = arith.subi %div3A_124, %sub3A_144 : i32
    %select_n3A_146 = arith.select %and3A_143, %sub3A_145, %div3A_124 : i32
    %mul3A_147 = arith.constant 8 : i32
    %mul3A_148 = arith.muli %select_n3A_146, %mul3A_147 : i32
    %multiple_of3A_149 = tpu.assume_multiple %mul3A_148, 8 : i32
    %dma_start3A_150 = arith.constant 0 : i32
    %dma_start3A_151 = arith.constant 3 : i32
    %dma_start3A_152 = arith.constant 0 : i32
    %dma_start3A_153 = arith.constant 0 : i32
    %dma_start3A_154 = tpu.memref_slice %arg6[%dma_start3A_150, %dma_start3A_151, %dma_start3A_152, %dma_start3A_153] : memref<2x16x8x64xf32, #tpu.memory_space<vmem>> -> memref<1x1x8x64xf32, #tpu.memory_space<vmem>>
    %dma_start3A_155 = tpu.memref_squeeze %dma_start3A_154 : memref<1x1x8x64xf32, #tpu.memory_space<vmem>> -> memref<8x64xf32, #tpu.memory_space<vmem>>
    %dma_start3A_156 = arith.constant 0 : i32
    %dma_start3A_157 = tpu.memref_slice %arg3[%multiple_of3A_149, %dma_start3A_156] : memref<1000000x64xf32, #tpu.memory_space<hbm>> -> memref<8x64xf32, #tpu.memory_space<hbm>>
    %dma_start3A_158 = arith.constant 0 : i32
    %dma_start3A_159 = arith.constant 0 : i32
    %dma_start3A_160 = tpu.memref_slice %arg6[%dma_start3A_150, %dma_start3A_151, %dma_start3A_158, %dma_start3A_159] : memref<2x16x8x64xf32, #tpu.memory_space<vmem>> -> memref<1x1x8x64xf32, #tpu.memory_space<vmem>>
    %dma_start3A_161 = tpu.memref_squeeze %dma_start3A_160 : memref<1x1x8x64xf32, #tpu.memory_space<vmem>> -> memref<8x64xf32, #tpu.memory_space<vmem>>
    %dma_start3A_162 = arith.constant 0 : i32
    %dma_start3A_163 = tpu.memref_slice %arg3[%multiple_of3A_149, %dma_start3A_162] : memref<1000000x64xf32, #tpu.memory_space<hbm>> -> memref<8x64xf32, #tpu.memory_space<hbm>>
    tpu.enqueue_dma source(%dma_start3A_163 : memref<8x64xf32, #tpu.memory_space<hbm>>) target(%dma_start3A_161 : memref<8x64xf32, #tpu.memory_space<vmem>>) target_semaphore(%arg8 : memref<!tpu.dma_semaphore, #tpu.memory_space<semaphore_mem>>)
    %slice3A_164 = vector.extract_strided_slice %get3A_3 {offsets = [4], sizes = [1], strides = [1]} : vector<16xi32> to vector<1xi32>
    %squeeze3A_165 = vector.extract %slice3A_164[0] : i32 from vector<1xi32>
    %jit3A_166 = arith.constant 8 : i32
    %div3A_167 = arith.divsi %squeeze3A_165, %jit3A_166 : i32
    %sign3A_168 = arith.constant 0 : i32
    %sign3A_169 = arith.cmpi sgt, %squeeze3A_165, %sign3A_168 : i32
    %sign3A_170 = arith.extui %sign3A_169 : i1 to i32
    %sign3A_171 = arith.constant 0 : i32
    %sign3A_172 = arith.cmpi slt, %squeeze3A_165, %sign3A_171 : i32
    %sign3A_173 = arith.extui %sign3A_172 : i1 to i32
    %sign3A_174 = arith.subi %sign3A_170, %sign3A_173 : i32
    %sign3A_175 = arith.constant 0 : i32
    %sign3A_176 = arith.cmpi sgt, %jit3A_166, %sign3A_175 : i32
    %sign3A_177 = arith.extui %sign3A_176 : i1 to i32
    %sign3A_178 = arith.constant 0 : i32
    %sign3A_179 = arith.cmpi slt, %jit3A_166, %sign3A_178 : i32
    %sign3A_180 = arith.extui %sign3A_179 : i1 to i32
    %sign3A_181 = arith.subi %sign3A_177, %sign3A_180 : i32
    %ne3A_182 = arith.cmpi ne, %sign3A_174, %sign3A_181 : i32
    %rem3A_183 = arith.remsi %squeeze3A_165, %jit3A_166 : i32
    %ne3A_184 = arith.constant 0 : i32
    %ne3A_185 = arith.cmpi ne, %rem3A_183, %ne3A_184 : i32
    %and3A_186 = arith.andi %ne3A_182, %ne3A_185 : i1
    %sub3A_187 = arith.constant 1 : i32
    %sub3A_188 = arith.subi %div3A_167, %sub3A_187 : i32
    %select_n3A_189 = arith.select %and3A_186, %sub3A_188, %div3A_167 : i32
    %mul3A_190 = arith.constant 8 : i32
    %mul3A_191 = arith.muli %select_n3A_189, %mul3A_190 : i32
    %multiple_of3A_192 = tpu.assume_multiple %mul3A_191, 8 : i32
    %dma_start3A_193 = arith.constant 0 : i32
    %dma_start3A_194 = arith.constant 4 : i32
    %dma_start3A_195 = arith.constant 0 : i32
    %dma_start3A_196 = arith.constant 0 : i32
    %dma_start3A_197 = tpu.memref_slice %arg6[%dma_start3A_193, %dma_start3A_194, %dma_start3A_195, %dma_start3A_196] : memref<2x16x8x64xf32, #tpu.memory_space<vmem>> -> memref<1x1x8x64xf32, #tpu.memory_space<vmem>>
    %dma_start3A_198 = tpu.memref_squeeze %dma_start3A_197 : memref<1x1x8x64xf32, #tpu.memory_space<vmem>> -> memref<8x64xf32, #tpu.memory_space<vmem>>
    %dma_start3A_199 = arith.constant 0 : i32
    %dma_start3A_200 = tpu.memref_slice %arg3[%multiple_of3A_192, %dma_start3A_199] : memref<1000000x64xf32, #tpu.memory_space<hbm>> -> memref<8x64xf32, #tpu.memory_space<hbm>>
    %dma_start3A_201 = arith.constant 0 : i32
    %dma_start3A_202 = arith.constant 0 : i32
    %dma_start3A_203 = tpu.memref_slice %arg6[%dma_start3A_193, %dma_start3A_194, %dma_start3A_201, %dma_start3A_202] : memref<2x16x8x64xf32, #tpu.memory_space<vmem>> -> memref<1x1x8x64xf32, #tpu.memory_space<vmem>>
    %dma_start3A_204 = tpu.memref_squeeze %dma_start3A_203 : memref<1x1x8x64xf32, #tpu.memory_space<vmem>> -> memref<8x64xf32, #tpu.memory_space<vmem>>
    %dma_start3A_205 = arith.constant 0 : i32
    %dma_start3A_206 = tpu.memref_slice %arg3[%multiple_of3A_192, %dma_start3A_205] : memref<1000000x64xf32, #tpu.memory_space<hbm>> -> memref<8x64xf32, #tpu.memory_space<hbm>>
    tpu.enqueue_dma source(%dma_start3A_206 : memref<8x64xf32, #tpu.memory_space<hbm>>) target(%dma_start3A_204 : memref<8x64xf32, #tpu.memory_space<vmem>>) target_semaphore(%arg8 : memref<!tpu.dma_semaphore, #tpu.memory_space<semaphore_mem>>)
    %slice3A_207 = vector.extract_strided_slice %get3A_3 {offsets = [5], sizes = [1], strides = [1]} : vector<16xi32> to vector<1xi32>
    %squeeze3A_208 = vector.extract %slice3A_207[0] : i32 from vector<1xi32>
    %jit3A_209 = arith.constant 8 : i32
    %div3A_210 = arith.divsi %squeeze3A_208, %jit3A_209 : i32
    %sign3A_211 = arith.constant 0 : i32
    %sign3A_212 = arith.cmpi sgt, %squeeze3A_208, %sign3A_211 : i32
    %sign3A_213 = arith.extui %sign3A_212 : i1 to i32
    %sign3A_214 = arith.constant 0 : i32
    %sign3A_215 = arith.cmpi slt, %squeeze3A_208, %sign3A_214 : i32
    %sign3A_216 = arith.extui %sign3A_215 : i1 to i32
    %sign3A_217 = arith.subi %sign3A_213, %sign3A_216 : i32
    %sign3A_218 = arith.constant 0 : i32
    %sign3A_219 = arith.cmpi sgt, %jit3A_209, %sign3A_218 : i32
    %sign3A_220 = arith.extui %sign3A_219 : i1 to i32
    %sign3A_221 = arith.constant 0 : i32
    %sign3A_222 = arith.cmpi slt, %jit3A_209, %sign3A_221 : i32
    %sign3A_223 = arith.extui %sign3A_222 : i1 to i32
    %sign3A_224 = arith.subi %sign3A_220, %sign3A_223 : i32
    %ne3A_225 = arith.cmpi ne, %sign3A_217, %sign3A_224 : i32
    %rem3A_226 = arith.remsi %squeeze3A_208, %jit3A_209 : i32
    %ne3A_227 = arith.constant 0 : i32
    %ne3A_228 = arith.cmpi ne, %rem3A_226, %ne3A_227 : i32
    %and3A_229 = arith.andi %ne3A_225, %ne3A_228 : i1
    %sub3A_230 = arith.constant 1 : i32
    %sub3A_231 = arith.subi %div3A_210, %sub3A_230 : i32
    %select_n3A_232 = arith.select %and3A_229, %sub3A_231, %div3A_210 : i32
    %mul3A_233 = arith.constant 8 : i32
    %mul3A_234 = arith.muli %select_n3A_232, %mul3A_233 : i32
    %multiple_of3A_235 = tpu.assume_multiple %mul3A_234, 8 : i32
    %dma_start3A_236 = arith.constant 0 : i32
    %dma_start3A_237 = arith.constant 5 : i32
    %dma_start3A_238 = arith.constant 0 : i32
    %dma_start3A_239 = arith.constant 0 : i32
    %dma_start3A_240 = tpu.memref_slice %arg6[%dma_start3A_236, %dma_start3A_237, %dma_start3A_238, %dma_start3A_239] : memref<2x16x8x64xf32, #tpu.memory_space<vmem>> -> memref<1x1x8x64xf32, #tpu.memory_space<vmem>>
    %dma_start3A_241 = tpu.memref_squeeze %dma_start3A_240 : memref<1x1x8x64xf32, #tpu.memory_space<vmem>> -> memref<8x64xf32, #tpu.memory_space<vmem>>
    %dma_start3A_242 = arith.constant 0 : i32
    %dma_start3A_243 = tpu.memref_slice %arg3[%multiple_of3A_235, %dma_start3A_242] : memref<1000000x64xf32, #tpu.memory_space<hbm>> -> memref<8x64xf32, #tpu.memory_space<hbm>>
    %dma_start3A_244 = arith.constant 0 : i32
    %dma_start3A_245 = arith.constant 0 : i32
    %dma_start3A_246 = tpu.memref_slice %arg6[%dma_start3A_236, %dma_start3A_237, %dma_start3A_244, %dma_start3A_245] : memref<2x16x8x64xf32, #tpu.memory_space<vmem>> -> memref<1x1x8x64xf32, #tpu.memory_space<vmem>>
    %dma_start3A_247 = tpu.memref_squeeze %dma_start3A_246 : memref<1x1x8x64xf32, #tpu.memory_space<vmem>> -> memref<8x64xf32, #tpu.memory_space<vmem>>
    %dma_start3A_248 = arith.constant 0 : i32
    %dma_start3A_249 = tpu.memref_slice %arg3[%multiple_of3A_235, %dma_start3A_248] : memref<1000000x64xf32, #tpu.memory_space<hbm>> -> memref<8x64xf32, #tpu.memory_space<hbm>>
    tpu.enqueue_dma source(%dma_start3A_249 : memref<8x64xf32, #tpu.memory_space<hbm>>) target(%dma_start3A_247 : memref<8x64xf32, #tpu.memory_space<vmem>>) target_semaphore(%arg8 : memref<!tpu.dma_semaphore, #tpu.memory_space<semaphore_mem>>)
    %slice3A_250 = vector.extract_strided_slice %get3A_3 {offsets = [6], sizes = [1], strides = [1]} : vector<16xi32> to vector<1xi32>
    %squeeze3A_251 = vector.extract %slice3A_250[0] : i32 from vector<1xi32>
    %jit3A_252 = arith.constant 8 : i32
    %div3A_253 = arith.divsi %squeeze3A_251, %jit3A_252 : i32
    %sign3A_254 = arith.constant 0 : i32
    %sign3A_255 = arith.cmpi sgt, %squeeze3A_251, %sign3A_254 : i32
    %sign3A_256 = arith.extui %sign3A_255 : i1 to i32
    %sign3A_257 = arith.constant 0 : i32
    %sign3A_258 = arith.cmpi slt, %squeeze3A_251, %sign3A_257 : i32
    %sign3A_259 = arith.extui %sign3A_258 : i1 to i32
    %sign3A_260 = arith.subi %sign3A_256, %sign3A_259 : i32
    %sign3A_261 = arith.constant 0 : i32
    %sign3A_262 = arith.cmpi sgt, %jit3A_252, %sign3A_261 : i32
    %sign3A_263 = arith.extui %sign3A_262 : i1 to i32
    %sign3A_264 = arith.constant 0 : i32
    %sign3A_265 = arith.cmpi slt, %jit3A_252, %sign3A_264 : i32
    %sign3A_266 = arith.extui %sign3A_265 : i1 to i32
    %sign3A_267 = arith.subi %sign3A_263, %sign3A_266 : i32
    %ne3A_268 = arith.cmpi ne, %sign3A_260, %sign3A_267 : i32
    %rem3A_269 = arith.remsi %squeeze3A_251, %jit3A_252 : i32
    %ne3A_270 = arith.constant 0 : i32
    %ne3A_271 = arith.cmpi ne, %rem3A_269, %ne3A_270 : i32
    %and3A_272 = arith.andi %ne3A_268, %ne3A_271 : i1
    %sub3A_273 = arith.constant 1 : i32
    %sub3A_274 = arith.subi %div3A_253, %sub3A_273 : i32
    %select_n3A_275 = arith.select %and3A_272, %sub3A_274, %div3A_253 : i32
    %mul3A_276 = arith.constant 8 : i32
    %mul3A_277 = arith.muli %select_n3A_275, %mul3A_276 : i32
    %multiple_of3A_278 = tpu.assume_multiple %mul3A_277, 8 : i32
    %dma_start3A_279 = arith.constant 0 : i32
    %dma_start3A_280 = arith.constant 6 : i32
    %dma_start3A_281 = arith.constant 0 : i32
    %dma_start3A_282 = arith.constant 0 : i32
    %dma_start3A_283 = tpu.memref_slice %arg6[%dma_start3A_279, %dma_start3A_280, %dma_start3A_281, %dma_start3A_282] : memref<2x16x8x64xf32, #tpu.memory_space<vmem>> -> memref<1x1x8x64xf32, #tpu.memory_space<vmem>>
    %dma_start3A_284 = tpu.memref_squeeze %dma_start3A_283 : memref<1x1x8x64xf32, #tpu.memory_space<vmem>> -> memref<8x64xf32, #tpu.memory_space<vmem>>
    %dma_start3A_285 = arith.constant 0 : i32
    %dma_start3A_286 = tpu.memref_slice %arg3[%multiple_of3A_278, %dma_start3A_285] : memref<1000000x64xf32, #tpu.memory_space<hbm>> -> memref<8x64xf32, #tpu.memory_space<hbm>>
    %dma_start3A_287 = arith.constant 0 : i32
    %dma_start3A_288 = arith.constant 0 : i32
    %dma_start3A_289 = tpu.memref_slice %arg6[%dma_start3A_279, %dma_start3A_280, %dma_start3A_287, %dma_start3A_288] : memref<2x16x8x64xf32, #tpu.memory_space<vmem>> -> memref<1x1x8x64xf32, #tpu.memory_space<vmem>>
    %dma_start3A_290 = tpu.memref_squeeze %dma_start3A_289 : memref<1x1x8x64xf32, #tpu.memory_space<vmem>> -> memref<8x64xf32, #tpu.memory_space<vmem>>
    %dma_start3A_291 = arith.constant 0 : i32
    %dma_start3A_292 = tpu.memref_slice %arg3[%multiple_of3A_278, %dma_start3A_291] : memref<1000000x64xf32, #tpu.memory_space<hbm>> -> memref<8x64xf32, #tpu.memory_space<hbm>>
    tpu.enqueue_dma source(%dma_start3A_292 : memref<8x64xf32, #tpu.memory_space<hbm>>) target(%dma_start3A_290 : memref<8x64xf32, #tpu.memory_space<vmem>>) target_semaphore(%arg8 : memref<!tpu.dma_semaphore, #tpu.memory_space<semaphore_mem>>)
    %slice3A_293 = vector.extract_strided_slice %get3A_3 {offsets = [7], sizes = [1], strides = [1]} : vector<16xi32> to vector<1xi32>
    %squeeze3A_294 = vector.extract %slice3A_293[0] : i32 from vector<1xi32>
    %jit3A_295 = arith.constant 8 : i32
    %div3A_296 = arith.divsi %squeeze3A_294, %jit3A_295 : i32
    %sign3A_297 = arith.constant 0 : i32
    %sign3A_298 = arith.cmpi sgt, %squeeze3A_294, %sign3A_297 : i32
    %sign3A_299 = arith.extui %sign3A_298 : i1 to i32
    %sign3A_300 = arith.constant 0 : i32
    %sign3A_301 = arith.cmpi slt, %squeeze3A_294, %sign3A_300 : i32
    %sign3A_302 = arith.extui %sign3A_301 : i1 to i32
    %sign3A_303 = arith.subi %sign3A_299, %sign3A_302 : i32
    %sign3A_304 = arith.constant 0 : i32
    %sign3A_305 = arith.cmpi sgt, %jit3A_295, %sign3A_304 : i32
    %sign3A_306 = arith.extui %sign3A_305 : i1 to i32
    %sign3A_307 = arith.constant 0 : i32
    %sign3A_308 = arith.cmpi slt, %jit3A_295, %sign3A_307 : i32
    %sign3A_309 = arith.extui %sign3A_308 : i1 to i32
    %sign3A_310 = arith.subi %sign3A_306, %sign3A_309 : i32
    %ne3A_311 = arith.cmpi ne, %sign3A_303, %sign3A_310 : i32
    %rem3A_312 = arith.remsi %squeeze3A_294, %jit3A_295 : i32
    %ne3A_313 = arith.constant 0 : i32
    %ne3A_314 = arith.cmpi ne, %rem3A_312, %ne3A_313 : i32
    %and3A_315 = arith.andi %ne3A_311, %ne3A_314 : i1
    %sub3A_316 = arith.constant 1 : i32
    %sub3A_317 = arith.subi %div3A_296, %sub3A_316 : i32
    %select_n3A_318 = arith.select %and3A_315, %sub3A_317, %div3A_296 : i32
    %mul3A_319 = arith.constant 8 : i32
    %mul3A_320 = arith.muli %select_n3A_318, %mul3A_319 : i32
    %multiple_of3A_321 = tpu.assume_multiple %mul3A_320, 8 : i32
    %dma_start3A_322 = arith.constant 0 : i32
    %dma_start3A_323 = arith.constant 7 : i32
    %dma_start3A_324 = arith.constant 0 : i32
    %dma_start3A_325 = arith.constant 0 : i32
    %dma_start3A_326 = tpu.memref_slice %arg6[%dma_start3A_322, %dma_start3A_323, %dma_start3A_324, %dma_start3A_325] : memref<2x16x8x64xf32, #tpu.memory_space<vmem>> -> memref<1x1x8x64xf32, #tpu.memory_space<vmem>>
    %dma_start3A_327 = tpu.memref_squeeze %dma_start3A_326 : memref<1x1x8x64xf32, #tpu.memory_space<vmem>> -> memref<8x64xf32, #tpu.memory_space<vmem>>
    %dma_start3A_328 = arith.constant 0 : i32
    %dma_start3A_329 = tpu.memref_slice %arg3[%multiple_of3A_321, %dma_start3A_328] : memref<1000000x64xf32, #tpu.memory_space<hbm>> -> memref<8x64xf32, #tpu.memory_space<hbm>>
    %dma_start3A_330 = arith.constant 0 : i32
    %dma_start3A_331 = arith.constant 0 : i32
    %dma_start3A_332 = tpu.memref_slice %arg6[%dma_start3A_322, %dma_start3A_323, %dma_start3A_330, %dma_start3A_331] : memref<2x16x8x64xf32, #tpu.memory_space<vmem>> -> memref<1x1x8x64xf32, #tpu.memory_space<vmem>>
    %dma_start3A_333 = tpu.memref_squeeze %dma_start3A_332 : memref<1x1x8x64xf32, #tpu.memory_space<vmem>> -> memref<8x64xf32, #tpu.memory_space<vmem>>
    %dma_start3A_334 = arith.constant 0 : i32
    %dma_start3A_335 = tpu.memref_slice %arg3[%multiple_of3A_321, %dma_start3A_334] : memref<1000000x64xf32, #tpu.memory_space<hbm>> -> memref<8x64xf32, #tpu.memory_space<hbm>>
    tpu.enqueue_dma source(%dma_start3A_335 : memref<8x64xf32, #tpu.memory_space<hbm>>) target(%dma_start3A_333 : memref<8x64xf32, #tpu.memory_space<vmem>>) target_semaphore(%arg8 : memref<!tpu.dma_semaphore, #tpu.memory_space<semaphore_mem>>)
    %slice3A_336 = vector.extract_strided_slice %get3A_3 {offsets = [8], sizes = [1], strides = [1]} : vector<16xi32> to vector<1xi32>
    %squeeze3A_337 = vector.extract %slice3A_336[0] : i32 from vector<1xi32>
    %jit3A_338 = arith.constant 8 : i32
    %div3A_339 = arith.divsi %squeeze3A_337, %jit3A_338 : i32
    %sign3A_340 = arith.constant 0 : i32
    %sign3A_341 = arith.cmpi sgt, %squeeze3A_337, %sign3A_340 : i32
    %sign3A_342 = arith.extui %sign3A_341 : i1 to i32
    %sign3A_343 = arith.constant 0 : i32
    %sign3A_344 = arith.cmpi slt, %squeeze3A_337, %sign3A_343 : i32
    %sign3A_345 = arith.extui %sign3A_344 : i1 to i32
    %sign3A_346 = arith.subi %sign3A_342, %sign3A_345 : i32
    %sign3A_347 = arith.constant 0 : i32
    %sign3A_348 = arith.cmpi sgt, %jit3A_338, %sign3A_347 : i32
    %sign3A_349 = arith.extui %sign3A_348 : i1 to i32
    %sign3A_350 = arith.constant 0 : i32
    %sign3A_351 = arith.cmpi slt, %jit3A_338, %sign3A_350 : i32
    %sign3A_352 = arith.extui %sign3A_351 : i1 to i32
    %sign3A_353 = arith.subi %sign3A_349, %sign3A_352 : i32
    %ne3A_354 = arith.cmpi ne, %sign3A_346, %sign3A_353 : i32
    %rem3A_355 = arith.remsi %squeeze3A_337, %jit3A_338 : i32
    %ne3A_356 = arith.constant 0 : i32
    %ne3A_357 = arith.cmpi ne, %rem3A_355, %ne3A_356 : i32
    %and3A_358 = arith.andi %ne3A_354, %ne3A_357 : i1
    %sub3A_359 = arith.constant 1 : i32
    %sub3A_360 = arith.subi %div3A_339, %sub3A_359 : i32
    %select_n3A_361 = arith.select %and3A_358, %sub3A_360, %div3A_339 : i32
    %mul3A_362 = arith.constant 8 : i32
    %mul3A_363 = arith.muli %select_n3A_361, %mul3A_362 : i32
    %multiple_of3A_364 = tpu.assume_multiple %mul3A_363, 8 : i32
    %dma_start3A_365 = arith.constant 0 : i32
    %dma_start3A_366 = arith.constant 8 : i32
    %dma_start3A_367 = arith.constant 0 : i32
    %dma_start3A_368 = arith.constant 0 : i32
    %dma_start3A_369 = tpu.memref_slice %arg6[%dma_start3A_365, %dma_start3A_366, %dma_start3A_367, %dma_start3A_368] : memref<2x16x8x64xf32, #tpu.memory_space<vmem>> -> memref<1x1x8x64xf32, #tpu.memory_space<vmem>>
    %dma_start3A_370 = tpu.memref_squeeze %dma_start3A_369 : memref<1x1x8x64xf32, #tpu.memory_space<vmem>> -> memref<8x64xf32, #tpu.memory_space<vmem>>
    %dma_start3A_371 = arith.constant 0 : i32
    %dma_start3A_372 = tpu.memref_slice %arg3[%multiple_of3A_364, %dma_start3A_371] : memref<1000000x64xf32, #tpu.memory_space<hbm>> -> memref<8x64xf32, #tpu.memory_space<hbm>>
    %dma_start3A_373 = arith.constant 0 : i32
    %dma_start3A_374 = arith.constant 0 : i32
    %dma_start3A_375 = tpu.memref_slice %arg6[%dma_start3A_365, %dma_start3A_366, %dma_start3A_373, %dma_start3A_374] : memref<2x16x8x64xf32, #tpu.memory_space<vmem>> -> memref<1x1x8x64xf32, #tpu.memory_space<vmem>>
    %dma_start3A_376 = tpu.memref_squeeze %dma_start3A_375 : memref<1x1x8x64xf32, #tpu.memory_space<vmem>> -> memref<8x64xf32, #tpu.memory_space<vmem>>
    %dma_start3A_377 = arith.constant 0 : i32
    %dma_start3A_378 = tpu.memref_slice %arg3[%multiple_of3A_364, %dma_start3A_377] : memref<1000000x64xf32, #tpu.memory_space<hbm>> -> memref<8x64xf32, #tpu.memory_space<hbm>>
    tpu.enqueue_dma source(%dma_start3A_378 : memref<8x64xf32, #tpu.memory_space<hbm>>) target(%dma_start3A_376 : memref<8x64xf32, #tpu.memory_space<vmem>>) target_semaphore(%arg8 : memref<!tpu.dma_semaphore, #tpu.memory_space<semaphore_mem>>)
    %slice3A_379 = vector.extract_strided_slice %get3A_3 {offsets = [9], sizes = [1], strides = [1]} : vector<16xi32> to vector<1xi32>
    %squeeze3A_380 = vector.extract %slice3A_379[0] : i32 from vector<1xi32>
    %jit3A_381 = arith.constant 8 : i32
    %div3A_382 = arith.divsi %squeeze3A_380, %jit3A_381 : i32
    %sign3A_383 = arith.constant 0 : i32
    %sign3A_384 = arith.cmpi sgt, %squeeze3A_380, %sign3A_383 : i32
    %sign3A_385 = arith.extui %sign3A_384 : i1 to i32
    %sign3A_386 = arith.constant 0 : i32
    %sign3A_387 = arith.cmpi slt, %squeeze3A_380, %sign3A_386 : i32
    %sign3A_388 = arith.extui %sign3A_387 : i1 to i32
    %sign3A_389 = arith.subi %sign3A_385, %sign3A_388 : i32
    %sign3A_390 = arith.constant 0 : i32
    %sign3A_391 = arith.cmpi sgt, %jit3A_381, %sign3A_390 : i32
    %sign3A_392 = arith.extui %sign3A_391 : i1 to i32
    %sign3A_393 = arith.constant 0 : i32
    %sign3A_394 = arith.cmpi slt, %jit3A_381, %sign3A_393 : i32
    %sign3A_395 = arith.extui %sign3A_394 : i1 to i32
    %sign3A_396 = arith.subi %sign3A_392, %sign3A_395 : i32
    %ne3A_397 = arith.cmpi ne, %sign3A_389, %sign3A_396 : i32
    %rem3A_398 = arith.remsi %squeeze3A_380, %jit3A_381 : i32
    %ne3A_399 = arith.constant 0 : i32
    %ne3A_400 = arith.cmpi ne, %rem3A_398, %ne3A_399 : i32
    %and3A_401 = arith.andi %ne3A_397, %ne3A_400 : i1
    %sub3A_402 = arith.constant 1 : i32
    %sub3A_403 = arith.subi %div3A_382, %sub3A_402 : i32
    %select_n3A_404 = arith.select %and3A_401, %sub3A_403, %div3A_382 : i32
    %mul3A_405 = arith.constant 8 : i32
    %mul3A_406 = arith.muli %select_n3A_404, %mul3A_405 : i32
    %multiple_of3A_407 = tpu.assume_multiple %mul3A_406, 8 : i32
    %dma_start3A_408 = arith.constant 0 : i32
    %dma_start3A_409 = arith.constant 9 : i32
    %dma_start3A_410 = arith.constant 0 : i32
    %dma_start3A_411 = arith.constant 0 : i32
    %dma_start3A_412 = tpu.memref_slice %arg6[%dma_start3A_408, %dma_start3A_409, %dma_start3A_410, %dma_start3A_411] : memref<2x16x8x64xf32, #tpu.memory_space<vmem>> -> memref<1x1x8x64xf32, #tpu.memory_space<vmem>>
    %dma_start3A_413 = tpu.memref_squeeze %dma_start3A_412 : memref<1x1x8x64xf32, #tpu.memory_space<vmem>> -> memref<8x64xf32, #tpu.memory_space<vmem>>
    %dma_start3A_414 = arith.constant 0 : i32
    %dma_start3A_415 = tpu.memref_slice %arg3[%multiple_of3A_407, %dma_start3A_414] : memref<1000000x64xf32, #tpu.memory_space<hbm>> -> memref<8x64xf32, #tpu.memory_space<hbm>>
    %dma_start3A_416 = arith.constant 0 : i32
    %dma_start3A_417 = arith.constant 0 : i32
    %dma_start3A_418 = tpu.memref_slice %arg6[%dma_start3A_408, %dma_start3A_409, %dma_start3A_416, %dma_start3A_417] : memref<2x16x8x64xf32, #tpu.memory_space<vmem>> -> memref<1x1x8x64xf32, #tpu.memory_space<vmem>>
    %dma_start3A_419 = tpu.memref_squeeze %dma_start3A_418 : memref<1x1x8x64xf32, #tpu.memory_space<vmem>> -> memref<8x64xf32, #tpu.memory_space<vmem>>
    %dma_start3A_420 = arith.constant 0 : i32
    %dma_start3A_421 = tpu.memref_slice %arg3[%multiple_of3A_407, %dma_start3A_420] : memref<1000000x64xf32, #tpu.memory_space<hbm>> -> memref<8x64xf32, #tpu.memory_space<hbm>>
    tpu.enqueue_dma source(%dma_start3A_421 : memref<8x64xf32, #tpu.memory_space<hbm>>) target(%dma_start3A_419 : memref<8x64xf32, #tpu.memory_space<vmem>>) target_semaphore(%arg8 : memref<!tpu.dma_semaphore, #tpu.memory_space<semaphore_mem>>)
    %slice3A_422 = vector.extract_strided_slice %get3A_3 {offsets = [10], sizes = [1], strides = [1]} : vector<16xi32> to vector<1xi32>
    %squeeze3A_423 = vector.extract %slice3A_422[0] : i32 from vector<1xi32>
    %jit3A_424 = arith.constant 8 : i32
    %div3A_425 = arith.divsi %squeeze3A_423, %jit3A_424 : i32
    %sign3A_426 = arith.constant 0 : i32
    %sign3A_427 = arith.cmpi sgt, %squeeze3A_423, %sign3A_426 : i32
    %sign3A_428 = arith.extui %sign3A_427 : i1 to i32
    %sign3A_429 = arith.constant 0 : i32
    %sign3A_430 = arith.cmpi slt, %squeeze3A_423, %sign3A_429 : i32
    %sign3A_431 = arith.extui %sign3A_430 : i1 to i32
    %sign3A_432 = arith.subi %sign3A_428, %sign3A_431 : i32
    %sign3A_433 = arith.constant 0 : i32
    %sign3A_434 = arith.cmpi sgt, %jit3A_424, %sign3A_433 : i32
    %sign3A_435 = arith.extui %sign3A_434 : i1 to i32
    %sign3A_436 = arith.constant 0 : i32
    %sign3A_437 = arith.cmpi slt, %jit3A_424, %sign3A_436 : i32
    %sign3A_438 = arith.extui %sign3A_437 : i1 to i32
    %sign3A_439 = arith.subi %sign3A_435, %sign3A_438 : i32
    %ne3A_440 = arith.cmpi ne, %sign3A_432, %sign3A_439 : i32
    %rem3A_441 = arith.remsi %squeeze3A_423, %jit3A_424 : i32
    %ne3A_442 = arith.constant 0 : i32
    %ne3A_443 = arith.cmpi ne, %rem3A_441, %ne3A_442 : i32
    %and3A_444 = arith.andi %ne3A_440, %ne3A_443 : i1
    %sub3A_445 = arith.constant 1 : i32
    %sub3A_446 = arith.subi %div3A_425, %sub3A_445 : i32
    %select_n3A_447 = arith.select %and3A_444, %sub3A_446, %div3A_425 : i32
    %mul3A_448 = arith.constant 8 : i32
    %mul3A_449 = arith.muli %select_n3A_447, %mul3A_448 : i32
    %multiple_of3A_450 = tpu.assume_multiple %mul3A_449, 8 : i32
    %dma_start3A_451 = arith.constant 0 : i32
    %dma_start3A_452 = arith.constant 10 : i32
    %dma_start3A_453 = arith.constant 0 : i32
    %dma_start3A_454 = arith.constant 0 : i32
    %dma_start3A_455 = tpu.memref_slice %arg6[%dma_start3A_451, %dma_start3A_452, %dma_start3A_453, %dma_start3A_454] : memref<2x16x8x64xf32, #tpu.memory_space<vmem>> -> memref<1x1x8x64xf32, #tpu.memory_space<vmem>>
    %dma_start3A_456 = tpu.memref_squeeze %dma_start3A_455 : memref<1x1x8x64xf32, #tpu.memory_space<vmem>> -> memref<8x64xf32, #tpu.memory_space<vmem>>
    %dma_start3A_457 = arith.constant 0 : i32
    %dma_start3A_458 = tpu.memref_slice %arg3[%multiple_of3A_450, %dma_start3A_457] : memref<1000000x64xf32, #tpu.memory_space<hbm>> -> memref<8x64xf32, #tpu.memory_space<hbm>>
    %dma_start3A_459 = arith.constant 0 : i32
    %dma_start3A_460 = arith.constant 0 : i32
    %dma_start3A_461 = tpu.memref_slice %arg6[%dma_start3A_451, %dma_start3A_452, %dma_start3A_459, %dma_start3A_460] : memref<2x16x8x64xf32, #tpu.memory_space<vmem>> -> memref<1x1x8x64xf32, #tpu.memory_space<vmem>>
    %dma_start3A_462 = tpu.memref_squeeze %dma_start3A_461 : memref<1x1x8x64xf32, #tpu.memory_space<vmem>> -> memref<8x64xf32, #tpu.memory_space<vmem>>
    %dma_start3A_463 = arith.constant 0 : i32
    %dma_start3A_464 = tpu.memref_slice %arg3[%multiple_of3A_450, %dma_start3A_463] : memref<1000000x64xf32, #tpu.memory_space<hbm>> -> memref<8x64xf32, #tpu.memory_space<hbm>>
    tpu.enqueue_dma source(%dma_start3A_464 : memref<8x64xf32, #tpu.memory_space<hbm>>) target(%dma_start3A_462 : memref<8x64xf32, #tpu.memory_space<vmem>>) target_semaphore(%arg8 : memref<!tpu.dma_semaphore, #tpu.memory_space<semaphore_mem>>)
    %slice3A_465 = vector.extract_strided_slice %get3A_3 {offsets = [11], sizes = [1], strides = [1]} : vector<16xi32> to vector<1xi32>
    %squeeze3A_466 = vector.extract %slice3A_465[0] : i32 from vector<1xi32>
    %jit3A_467 = arith.constant 8 : i32
    %div3A_468 = arith.divsi %squeeze3A_466, %jit3A_467 : i32
    %sign3A_469 = arith.constant 0 : i32
    %sign3A_470 = arith.cmpi sgt, %squeeze3A_466, %sign3A_469 : i32
    %sign3A_471 = arith.extui %sign3A_470 : i1 to i32
    %sign3A_472 = arith.constant 0 : i32
    %sign3A_473 = arith.cmpi slt, %squeeze3A_466, %sign3A_472 : i32
    %sign3A_474 = arith.extui %sign3A_473 : i1 to i32
    %sign3A_475 = arith.subi %sign3A_471, %sign3A_474 : i32
    %sign3A_476 = arith.constant 0 : i32
    %sign3A_477 = arith.cmpi sgt, %jit3A_467, %sign3A_476 : i32
    %sign3A_478 = arith.extui %sign3A_477 : i1 to i32
    %sign3A_479 = arith.constant 0 : i32
    %sign3A_480 = arith.cmpi slt, %jit3A_467, %sign3A_479 : i32
    %sign3A_481 = arith.extui %sign3A_480 : i1 to i32
    %sign3A_482 = arith.subi %sign3A_478, %sign3A_481 : i32
    %ne3A_483 = arith.cmpi ne, %sign3A_475, %sign3A_482 : i32
    %rem3A_484 = arith.remsi %squeeze3A_466, %jit3A_467 : i32
    %ne3A_485 = arith.constant 0 : i32
    %ne3A_486 = arith.cmpi ne, %rem3A_484, %ne3A_485 : i32
    %and3A_487 = arith.andi %ne3A_483, %ne3A_486 : i1
    %sub3A_488 = arith.constant 1 : i32
    %sub3A_489 = arith.subi %div3A_468, %sub3A_488 : i32
    %select_n3A_490 = arith.select %and3A_487, %sub3A_489, %div3A_468 : i32
    %mul3A_491 = arith.constant 8 : i32
    %mul3A_492 = arith.muli %select_n3A_490, %mul3A_491 : i32
    %multiple_of3A_493 = tpu.assume_multiple %mul3A_492, 8 : i32
    %dma_start3A_494 = arith.constant 0 : i32
    %dma_start3A_495 = arith.constant 11 : i32
    %dma_start3A_496 = arith.constant 0 : i32
    %dma_start3A_497 = arith.constant 0 : i32
    %dma_start3A_498 = tpu.memref_slice %arg6[%dma_start3A_494, %dma_start3A_495, %dma_start3A_496, %dma_start3A_497] : memref<2x16x8x64xf32, #tpu.memory_space<vmem>> -> memref<1x1x8x64xf32, #tpu.memory_space<vmem>>
    %dma_start3A_499 = tpu.memref_squeeze %dma_start3A_498 : memref<1x1x8x64xf32, #tpu.memory_space<vmem>> -> memref<8x64xf32, #tpu.memory_space<vmem>>
    %dma_start3A_500 = arith.constant 0 : i32
    %dma_start3A_501 = tpu.memref_slice %arg3[%multiple_of3A_493, %dma_start3A_500] : memref<1000000x64xf32, #tpu.memory_space<hbm>> -> memref<8x64xf32, #tpu.memory_space<hbm>>
    %dma_start3A_502 = arith.constant 0 : i32
    %dma_start3A_503 = arith.constant 0 : i32
    %dma_start3A_504 = tpu.memref_slice %arg6[%dma_start3A_494, %dma_start3A_495, %dma_start3A_502, %dma_start3A_503] : memref<2x16x8x64xf32, #tpu.memory_space<vmem>> -> memref<1x1x8x64xf32, #tpu.memory_space<vmem>>
    %dma_start3A_505 = tpu.memref_squeeze %dma_start3A_504 : memref<1x1x8x64xf32, #tpu.memory_space<vmem>> -> memref<8x64xf32, #tpu.memory_space<vmem>>
    %dma_start3A_506 = arith.constant 0 : i32
    %dma_start3A_507 = tpu.memref_slice %arg3[%multiple_of3A_493, %dma_start3A_506] : memref<1000000x64xf32, #tpu.memory_space<hbm>> -> memref<8x64xf32, #tpu.memory_space<hbm>>
    tpu.enqueue_dma source(%dma_start3A_507 : memref<8x64xf32, #tpu.memory_space<hbm>>) target(%dma_start3A_505 : memref<8x64xf32, #tpu.memory_space<vmem>>) target_semaphore(%arg8 : memref<!tpu.dma_semaphore, #tpu.memory_space<semaphore_mem>>)
    %slice3A_508 = vector.extract_strided_slice %get3A_3 {offsets = [12], sizes = [1], strides = [1]} : vector<16xi32> to vector<1xi32>
    %squeeze3A_509 = vector.extract %slice3A_508[0] : i32 from vector<1xi32>
    %jit3A_510 = arith.constant 8 : i32
    %div3A_511 = arith.divsi %squeeze3A_509, %jit3A_510 : i32
    %sign3A_512 = arith.constant 0 : i32
    %sign3A_513 = arith.cmpi sgt, %squeeze3A_509, %sign3A_512 : i32
    %sign3A_514 = arith.extui %sign3A_513 : i1 to i32
    %sign3A_515 = arith.constant 0 : i32
    %sign3A_516 = arith.cmpi slt, %squeeze3A_509, %sign3A_515 : i32
    %sign3A_517 = arith.extui %sign3A_516 : i1 to i32
    %sign3A_518 = arith.subi %sign3A_514, %sign3A_517 : i32
    %sign3A_519 = arith.constant 0 : i32
    %sign3A_520 = arith.cmpi sgt, %jit3A_510, %sign3A_519 : i32
    %sign3A_521 = arith.extui %sign3A_520 : i1 to i32
    %sign3A_522 = arith.constant 0 : i32
    %sign3A_523 = arith.cmpi slt, %jit3A_510, %sign3A_522 : i32
    %sign3A_524 = arith.extui %sign3A_523 : i1 to i32
    %sign3A_525 = arith.subi %sign3A_521, %sign3A_524 : i32
    %ne3A_526 = arith.cmpi ne, %sign3A_518, %sign3A_525 : i32
    %rem3A_527 = arith.remsi %squeeze3A_509, %jit3A_510 : i32
    %ne3A_528 = arith.constant 0 : i32
    %ne3A_529 = arith.cmpi ne, %rem3A_527, %ne3A_528 : i32
    %and3A_530 = arith.andi %ne3A_526, %ne3A_529 : i1
    %sub3A_531 = arith.constant 1 : i32
    %sub3A_532 = arith.subi %div3A_511, %sub3A_531 : i32
    %select_n3A_533 = arith.select %and3A_530, %sub3A_532, %div3A_511 : i32
    %mul3A_534 = arith.constant 8 : i32
    %mul3A_535 = arith.muli %select_n3A_533, %mul3A_534 : i32
    %multiple_of3A_536 = tpu.assume_multiple %mul3A_535, 8 : i32
    %dma_start3A_537 = arith.constant 0 : i32
    %dma_start3A_538 = arith.constant 12 : i32
    %dma_start3A_539 = arith.constant 0 : i32
    %dma_start3A_540 = arith.constant 0 : i32
    %dma_start3A_541 = tpu.memref_slice %arg6[%dma_start3A_537, %dma_start3A_538, %dma_start3A_539, %dma_start3A_540] : memref<2x16x8x64xf32, #tpu.memory_space<vmem>> -> memref<1x1x8x64xf32, #tpu.memory_space<vmem>>
    %dma_start3A_542 = tpu.memref_squeeze %dma_start3A_541 : memref<1x1x8x64xf32, #tpu.memory_space<vmem>> -> memref<8x64xf32, #tpu.memory_space<vmem>>
    %dma_start3A_543 = arith.constant 0 : i32
    %dma_start3A_544 = tpu.memref_slice %arg3[%multiple_of3A_536, %dma_start3A_543] : memref<1000000x64xf32, #tpu.memory_space<hbm>> -> memref<8x64xf32, #tpu.memory_space<hbm>>
    %dma_start3A_545 = arith.constant 0 : i32
    %dma_start3A_546 = arith.constant 0 : i32
    %dma_start3A_547 = tpu.memref_slice %arg6[%dma_start3A_537, %dma_start3A_538, %dma_start3A_545, %dma_start3A_546] : memref<2x16x8x64xf32, #tpu.memory_space<vmem>> -> memref<1x1x8x64xf32, #tpu.memory_space<vmem>>
    %dma_start3A_548 = tpu.memref_squeeze %dma_start3A_547 : memref<1x1x8x64xf32, #tpu.memory_space<vmem>> -> memref<8x64xf32, #tpu.memory_space<vmem>>
    %dma_start3A_549 = arith.constant 0 : i32
    %dma_start3A_550 = tpu.memref_slice %arg3[%multiple_of3A_536, %dma_start3A_549] : memref<1000000x64xf32, #tpu.memory_space<hbm>> -> memref<8x64xf32, #tpu.memory_space<hbm>>
    tpu.enqueue_dma source(%dma_start3A_550 : memref<8x64xf32, #tpu.memory_space<hbm>>) target(%dma_start3A_548 : memref<8x64xf32, #tpu.memory_space<vmem>>) target_semaphore(%arg8 : memref<!tpu.dma_semaphore, #tpu.memory_space<semaphore_mem>>)
    %slice3A_551 = vector.extract_strided_slice %get3A_3 {offsets = [13], sizes = [1], strides = [1]} : vector<16xi32> to vector<1xi32>
    %squeeze3A_552 = vector.extract %slice3A_551[0] : i32 from vector<1xi32>
    %jit3A_553 = arith.constant 8 : i32
    %div3A_554 = arith.divsi %squeeze3A_552, %jit3A_553 : i32
    %sign3A_555 = arith.constant 0 : i32
    %sign3A_556 = arith.cmpi sgt, %squeeze3A_552, %sign3A_555 : i32
    %sign3A_557 = arith.extui %sign3A_556 : i1 to i32
    %sign3A_558 = arith.constant 0 : i32
    %sign3A_559 = arith.cmpi slt, %squeeze3A_552, %sign3A_558 : i32
    %sign3A_560 = arith.extui %sign3A_559 : i1 to i32
    %sign3A_561 = arith.subi %sign3A_557, %sign3A_560 : i32
    %sign3A_562 = arith.constant 0 : i32
    %sign3A_563 = arith.cmpi sgt, %jit3A_553, %sign3A_562 : i32
    %sign3A_564 = arith.extui %sign3A_563 : i1 to i32
    %sign3A_565 = arith.constant 0 : i32
    %sign3A_566 = arith.cmpi slt, %jit3A_553, %sign3A_565 : i32
    %sign3A_567 = arith.extui %sign3A_566 : i1 to i32
    %sign3A_568 = arith.subi %sign3A_564, %sign3A_567 : i32
    %ne3A_569 = arith.cmpi ne, %sign3A_561, %sign3A_568 : i32
    %rem3A_570 = arith.remsi %squeeze3A_552, %jit3A_553 : i32
    %ne3A_571 = arith.constant 0 : i32
    %ne3A_572 = arith.cmpi ne, %rem3A_570, %ne3A_571 : i32
    %and3A_573 = arith.andi %ne3A_569, %ne3A_572 : i1
    %sub3A_574 = arith.constant 1 : i32
    %sub3A_575 = arith.subi %div3A_554, %sub3A_574 : i32
    %select_n3A_576 = arith.select %and3A_573, %sub3A_575, %div3A_554 : i32
    %mul3A_577 = arith.constant 8 : i32
    %mul3A_578 = arith.muli %select_n3A_576, %mul3A_577 : i32
    %multiple_of3A_579 = tpu.assume_multiple %mul3A_578, 8 : i32
    %dma_start3A_580 = arith.constant 0 : i32
    %dma_start3A_581 = arith.constant 13 : i32
    %dma_start3A_582 = arith.constant 0 : i32
    %dma_start3A_583 = arith.constant 0 : i32
    %dma_start3A_584 = tpu.memref_slice %arg6[%dma_start3A_580, %dma_start3A_581, %dma_start3A_582, %dma_start3A_583] : memref<2x16x8x64xf32, #tpu.memory_space<vmem>> -> memref<1x1x8x64xf32, #tpu.memory_space<vmem>>
    %dma_start3A_585 = tpu.memref_squeeze %dma_start3A_584 : memref<1x1x8x64xf32, #tpu.memory_space<vmem>> -> memref<8x64xf32, #tpu.memory_space<vmem>>
    %dma_start3A_586 = arith.constant 0 : i32
    %dma_start3A_587 = tpu.memref_slice %arg3[%multiple_of3A_579, %dma_start3A_586] : memref<1000000x64xf32, #tpu.memory_space<hbm>> -> memref<8x64xf32, #tpu.memory_space<hbm>>
    %dma_start3A_588 = arith.constant 0 : i32
    %dma_start3A_589 = arith.constant 0 : i32
    %dma_start3A_590 = tpu.memref_slice %arg6[%dma_start3A_580, %dma_start3A_581, %dma_start3A_588, %dma_start3A_589] : memref<2x16x8x64xf32, #tpu.memory_space<vmem>> -> memref<1x1x8x64xf32, #tpu.memory_space<vmem>>
    %dma_start3A_591 = tpu.memref_squeeze %dma_start3A_590 : memref<1x1x8x64xf32, #tpu.memory_space<vmem>> -> memref<8x64xf32, #tpu.memory_space<vmem>>
    %dma_start3A_592 = arith.constant 0 : i32
    %dma_start3A_593 = tpu.memref_slice %arg3[%multiple_of3A_579, %dma_start3A_592] : memref<1000000x64xf32, #tpu.memory_space<hbm>> -> memref<8x64xf32, #tpu.memory_space<hbm>>
    tpu.enqueue_dma source(%dma_start3A_593 : memref<8x64xf32, #tpu.memory_space<hbm>>) target(%dma_start3A_591 : memref<8x64xf32, #tpu.memory_space<vmem>>) target_semaphore(%arg8 : memref<!tpu.dma_semaphore, #tpu.memory_space<semaphore_mem>>)
    %slice3A_594 = vector.extract_strided_slice %get3A_3 {offsets = [14], sizes = [1], strides = [1]} : vector<16xi32> to vector<1xi32>
    %squeeze3A_595 = vector.extract %slice3A_594[0] : i32 from vector<1xi32>
    %jit3A_596 = arith.constant 8 : i32
    %div3A_597 = arith.divsi %squeeze3A_595, %jit3A_596 : i32
    %sign3A_598 = arith.constant 0 : i32
    %sign3A_599 = arith.cmpi sgt, %squeeze3A_595, %sign3A_598 : i32
    %sign3A_600 = arith.extui %sign3A_599 : i1 to i32
    %sign3A_601 = arith.constant 0 : i32
    %sign3A_602 = arith.cmpi slt, %squeeze3A_595, %sign3A_601 : i32
    %sign3A_603 = arith.extui %sign3A_602 : i1 to i32
    %sign3A_604 = arith.subi %sign3A_600, %sign3A_603 : i32
    %sign3A_605 = arith.constant 0 : i32
    %sign3A_606 = arith.cmpi sgt, %jit3A_596, %sign3A_605 : i32
    %sign3A_607 = arith.extui %sign3A_606 : i1 to i32
    %sign3A_608 = arith.constant 0 : i32
    %sign3A_609 = arith.cmpi slt, %jit3A_596, %sign3A_608 : i32
    %sign3A_610 = arith.extui %sign3A_609 : i1 to i32
    %sign3A_611 = arith.subi %sign3A_607, %sign3A_610 : i32
    %ne3A_612 = arith.cmpi ne, %sign3A_604, %sign3A_611 : i32
    %rem3A_613 = arith.remsi %squeeze3A_595, %jit3A_596 : i32
    %ne3A_614 = arith.constant 0 : i32
    %ne3A_615 = arith.cmpi ne, %rem3A_613, %ne3A_614 : i32
    %and3A_616 = arith.andi %ne3A_612, %ne3A_615 : i1
    %sub3A_617 = arith.constant 1 : i32
    %sub3A_618 = arith.subi %div3A_597, %sub3A_617 : i32
    %select_n3A_619 = arith.select %and3A_616, %sub3A_618, %div3A_597 : i32
    %mul3A_620 = arith.constant 8 : i32
    %mul3A_621 = arith.muli %select_n3A_619, %mul3A_620 : i32
    %multiple_of3A_622 = tpu.assume_multiple %mul3A_621, 8 : i32
    %dma_start3A_623 = arith.constant 0 : i32
    %dma_start3A_624 = arith.constant 14 : i32
    %dma_start3A_625 = arith.constant 0 : i32
    %dma_start3A_626 = arith.constant 0 : i32
    %dma_start3A_627 = tpu.memref_slice %arg6[%dma_start3A_623, %dma_start3A_624, %dma_start3A_625, %dma_start3A_626] : memref<2x16x8x64xf32, #tpu.memory_space<vmem>> -> memref<1x1x8x64xf32, #tpu.memory_space<vmem>>
    %dma_start3A_628 = tpu.memref_squeeze %dma_start3A_627 : memref<1x1x8x64xf32, #tpu.memory_space<vmem>> -> memref<8x64xf32, #tpu.memory_space<vmem>>
    %dma_start3A_629 = arith.constant 0 : i32
    %dma_start3A_630 = tpu.memref_slice %arg3[%multiple_of3A_622, %dma_start3A_629] : memref<1000000x64xf32, #tpu.memory_space<hbm>> -> memref<8x64xf32, #tpu.memory_space<hbm>>
    %dma_start3A_631 = arith.constant 0 : i32
    %dma_start3A_632 = arith.constant 0 : i32
    %dma_start3A_633 = tpu.memref_slice %arg6[%dma_start3A_623, %dma_start3A_624, %dma_start3A_631, %dma_start3A_632] : memref<2x16x8x64xf32, #tpu.memory_space<vmem>> -> memref<1x1x8x64xf32, #tpu.memory_space<vmem>>
    %dma_start3A_634 = tpu.memref_squeeze %dma_start3A_633 : memref<1x1x8x64xf32, #tpu.memory_space<vmem>> -> memref<8x64xf32, #tpu.memory_space<vmem>>
    %dma_start3A_635 = arith.constant 0 : i32
    %dma_start3A_636 = tpu.memref_slice %arg3[%multiple_of3A_622, %dma_start3A_635] : memref<1000000x64xf32, #tpu.memory_space<hbm>> -> memref<8x64xf32, #tpu.memory_space<hbm>>
    tpu.enqueue_dma source(%dma_start3A_636 : memref<8x64xf32, #tpu.memory_space<hbm>>) target(%dma_start3A_634 : memref<8x64xf32, #tpu.memory_space<vmem>>) target_semaphore(%arg8 : memref<!tpu.dma_semaphore, #tpu.memory_space<semaphore_mem>>)
    %slice3A_637 = vector.extract_strided_slice %get3A_3 {offsets = [15], sizes = [1], strides = [1]} : vector<16xi32> to vector<1xi32>
    %squeeze3A_638 = vector.extract %slice3A_637[0] : i32 from vector<1xi32>
    %jit3A_639 = arith.constant 8 : i32
    %div3A_640 = arith.divsi %squeeze3A_638, %jit3A_639 : i32
    %sign3A_641 = arith.constant 0 : i32
    %sign3A_642 = arith.cmpi sgt, %squeeze3A_638, %sign3A_641 : i32
    %sign3A_643 = arith.extui %sign3A_642 : i1 to i32
    %sign3A_644 = arith.constant 0 : i32
    %sign3A_645 = arith.cmpi slt, %squeeze3A_638, %sign3A_644 : i32
    %sign3A_646 = arith.extui %sign3A_645 : i1 to i32
    %sign3A_647 = arith.subi %sign3A_643, %sign3A_646 : i32
    %sign3A_648 = arith.constant 0 : i32
    %sign3A_649 = arith.cmpi sgt, %jit3A_639, %sign3A_648 : i32
    %sign3A_650 = arith.extui %sign3A_649 : i1 to i32
    %sign3A_651 = arith.constant 0 : i32
    %sign3A_652 = arith.cmpi slt, %jit3A_639, %sign3A_651 : i32
    %sign3A_653 = arith.extui %sign3A_652 : i1 to i32
    %sign3A_654 = arith.subi %sign3A_650, %sign3A_653 : i32
    %ne3A_655 = arith.cmpi ne, %sign3A_647, %sign3A_654 : i32
    %rem3A_656 = arith.remsi %squeeze3A_638, %jit3A_639 : i32
    %ne3A_657 = arith.constant 0 : i32
    %ne3A_658 = arith.cmpi ne, %rem3A_656, %ne3A_657 : i32
    %and3A_659 = arith.andi %ne3A_655, %ne3A_658 : i1
    %sub3A_660 = arith.constant 1 : i32
    %sub3A_661 = arith.subi %div3A_640, %sub3A_660 : i32
    %select_n3A_662 = arith.select %and3A_659, %sub3A_661, %div3A_640 : i32
    %mul3A_663 = arith.constant 8 : i32
    %mul3A_664 = arith.muli %select_n3A_662, %mul3A_663 : i32
    %multiple_of3A_665 = tpu.assume_multiple %mul3A_664, 8 : i32
    %dma_start3A_666 = arith.constant 0 : i32
    %dma_start3A_667 = arith.constant 15 : i32
    %dma_start3A_668 = arith.constant 0 : i32
    %dma_start3A_669 = arith.constant 0 : i32
    %dma_start3A_670 = tpu.memref_slice %arg6[%dma_start3A_666, %dma_start3A_667, %dma_start3A_668, %dma_start3A_669] : memref<2x16x8x64xf32, #tpu.memory_space<vmem>> -> memref<1x1x8x64xf32, #tpu.memory_space<vmem>>
    %dma_start3A_671 = tpu.memref_squeeze %dma_start3A_670 : memref<1x1x8x64xf32, #tpu.memory_space<vmem>> -> memref<8x64xf32, #tpu.memory_space<vmem>>
    %dma_start3A_672 = arith.constant 0 : i32
    %dma_start3A_673 = tpu.memref_slice %arg3[%multiple_of3A_665, %dma_start3A_672] : memref<1000000x64xf32, #tpu.memory_space<hbm>> -> memref<8x64xf32, #tpu.memory_space<hbm>>
    %dma_start3A_674 = arith.constant 0 : i32
    %dma_start3A_675 = arith.constant 0 : i32
    %dma_start3A_676 = tpu.memref_slice %arg6[%dma_start3A_666, %dma_start3A_667, %dma_start3A_674, %dma_start3A_675] : memref<2x16x8x64xf32, #tpu.memory_space<vmem>> -> memref<1x1x8x64xf32, #tpu.memory_space<vmem>>
    %dma_start3A_677 = tpu.memref_squeeze %dma_start3A_676 : memref<1x1x8x64xf32, #tpu.memory_space<vmem>> -> memref<8x64xf32, #tpu.memory_space<vmem>>
    %dma_start3A_678 = arith.constant 0 : i32
    %dma_start3A_679 = tpu.memref_slice %arg3[%multiple_of3A_665, %dma_start3A_678] : memref<1000000x64xf32, #tpu.memory_space<hbm>> -> memref<8x64xf32, #tpu.memory_space<hbm>>
    tpu.enqueue_dma source(%dma_start3A_679 : memref<8x64xf32, #tpu.memory_space<hbm>>) target(%dma_start3A_677 : memref<8x64xf32, #tpu.memory_space<vmem>>) target_semaphore(%arg8 : memref<!tpu.dma_semaphore, #tpu.memory_space<semaphore_mem>>)
    %scan3A = arith.constant 0 : i32
    %scan3A_680 = arith.constant 16 : i32
    %scan3A_681 = arith.addi %scan3A, %scan3A_680 : i32
    %scan3A_682 = arith.constant 1 : i32
    scf.for %scan3A_686 = %scan3A to %scan3A_681 step %scan3A_682  : i32 {
      %mul3A_687 = arith.constant 2 : i32
      %mul3A_688 = arith.muli %scan3A_686, %mul3A_687 : i32
      %add3A_689 = arith.constant 1 : i32
      %add3A_690 = arith.addi %mul3A_688, %add3A_689 : i32
      %jit3A_691 = arith.constant 8 : i32
      %div3A_692 = arith.divsi %add3A_690, %jit3A_691 : i32
      %sign3A_693 = arith.constant 0 : i32
      %sign3A_694 = arith.cmpi sgt, %add3A_690, %sign3A_693 : i32
      %sign3A_695 = arith.extui %sign3A_694 : i1 to i32
      %sign3A_696 = arith.constant 0 : i32
      %sign3A_697 = arith.cmpi slt, %add3A_690, %sign3A_696 : i32
      %sign3A_698 = arith.extui %sign3A_697 : i1 to i32
      %sign3A_699 = arith.subi %sign3A_695, %sign3A_698 : i32
      %sign3A_700 = arith.constant 0 : i32
      %sign3A_701 = arith.cmpi sgt, %jit3A_691, %sign3A_700 : i32
      %sign3A_702 = arith.extui %sign3A_701 : i1 to i32
      %sign3A_703 = arith.constant 0 : i32
      %sign3A_704 = arith.cmpi slt, %jit3A_691, %sign3A_703 : i32
      %sign3A_705 = arith.extui %sign3A_704 : i1 to i32
      %sign3A_706 = arith.subi %sign3A_702, %sign3A_705 : i32
      %ne3A_707 = arith.cmpi ne, %sign3A_699, %sign3A_706 : i32
      %rem3A_708 = arith.remsi %add3A_690, %jit3A_691 : i32
      %ne3A_709 = arith.constant 0 : i32
      %ne3A_710 = arith.cmpi ne, %rem3A_708, %ne3A_709 : i32
      %and3A_711 = arith.andi %ne3A_707, %ne3A_710 : i1
      %sub3A_712 = arith.constant 1 : i32
      %sub3A_713 = arith.subi %div3A_692, %sub3A_712 : i32
      %select_n3A_714 = arith.select %and3A_711, %sub3A_713, %div3A_692 : i32
      %jit3A_715 = arith.constant 8 : i32
      %eq3A = arith.constant 0 : i32
      %eq3A_716 = arith.cmpi eq, %jit3A_715, %eq3A : i32
      %jit3A_717 = arith.constant 1 : i32
      %select_n3A_718 = arith.select %eq3A_716, %jit3A_717, %jit3A_715 : i32
      %rem3A_719 = arith.remsi %add3A_690, %select_n3A_718 : i32
      %ne3A_720 = arith.constant 0 : i32
      %ne3A_721 = arith.cmpi ne, %rem3A_719, %ne3A_720 : i32
      %lt3A = arith.constant 0 : i32
      %lt3A_722 = arith.cmpi slt, %rem3A_719, %lt3A : i32
      %lt3A_723 = arith.constant 0 : i32
      %lt3A_724 = arith.cmpi slt, %select_n3A_718, %lt3A_723 : i32
      %ne3A_725 = arith.xori %lt3A_722, %lt3A_724 : i1
      %and3A_726 = arith.andi %ne3A_725, %ne3A_721 : i1
      %add3A_727 = arith.addi %rem3A_719, %select_n3A_718 : i32
      %select_n3A_728 = arith.select %and3A_726, %add3A_727, %rem3A_719 : i32
      %mul3A_729 = arith.constant 16 : i32
      %mul3A_730 = arith.muli %select_n3A_728, %mul3A_729 : i32
      %get3A_731 = arith.index_cast %select_n3A_714 : i32 to index
      %get3A_732 = arith.index_cast %mul3A_730 : i32 to index
      %get3A_733 = tpu.vector_load %arg5[%get3A_731, %get3A_732] {strides = array<i32>} : memref<4x128xi32, #tpu.memory_space<vmem>>, vector<16xi32>,
      %slice3A_734 = vector.extract_strided_slice %get3A_733 {offsets = [0], sizes = [1], strides = [1]} : vector<16xi32> to vector<1xi32>
      %squeeze3A_735 = vector.extract %slice3A_734[0] : i32 from vector<1xi32>
      %jit3A_736 = arith.constant 8 : i32
      %div3A_737 = arith.divsi %squeeze3A_735, %jit3A_736 : i32
      %sign3A_738 = arith.constant 0 : i32
      %sign3A_739 = arith.cmpi sgt, %squeeze3A_735, %sign3A_738 : i32
      %sign3A_740 = arith.extui %sign3A_739 : i1 to i32
      %sign3A_741 = arith.constant 0 : i32
      %sign3A_742 = arith.cmpi slt, %squeeze3A_735, %sign3A_741 : i32
      %sign3A_743 = arith.extui %sign3A_742 : i1 to i32
      %sign3A_744 = arith.subi %sign3A_740, %sign3A_743 : i32
      %sign3A_745 = arith.constant 0 : i32
      %sign3A_746 = arith.cmpi sgt, %jit3A_736, %sign3A_745 : i32
      %sign3A_747 = arith.extui %sign3A_746 : i1 to i32
      %sign3A_748 = arith.constant 0 : i32
      %sign3A_749 = arith.cmpi slt, %jit3A_736, %sign3A_748 : i32
      %sign3A_750 = arith.extui %sign3A_749 : i1 to i32
      %sign3A_751 = arith.subi %sign3A_747, %sign3A_750 : i32
      %ne3A_752 = arith.cmpi ne, %sign3A_744, %sign3A_751 : i32
      %rem3A_753 = arith.remsi %squeeze3A_735, %jit3A_736 : i32
      %ne3A_754 = arith.constant 0 : i32
      %ne3A_755 = arith.cmpi ne, %rem3A_753, %ne3A_754 : i32
      %and3A_756 = arith.andi %ne3A_752, %ne3A_755 : i1
      %sub3A_757 = arith.constant 1 : i32
      %sub3A_758 = arith.subi %div3A_737, %sub3A_757 : i32
      %select_n3A_759 = arith.select %and3A_756, %sub3A_758, %div3A_737 : i32
      %mul3A_760 = arith.constant 8 : i32
      %mul3A_761 = arith.muli %select_n3A_759, %mul3A_760 : i32
      %multiple_of3A_762 = tpu.assume_multiple %mul3A_761, 8 : i32
      %dma_start3A_763 = arith.constant 1 : i32
      %dma_start3A_764 = arith.constant 0 : i32
      %dma_start3A_765 = arith.constant 0 : i32
      %dma_start3A_766 = arith.constant 0 : i32
      %dma_start3A_767 = tpu.memref_slice %arg6[%dma_start3A_763, %dma_start3A_764, %dma_start3A_765, %dma_start3A_766] : memref<2x16x8x64xf32, #tpu.memory_space<vmem>> -> memref<1x1x8x64xf32, #tpu.memory_space<vmem>>
      %dma_start3A_768 = tpu.memref_squeeze %dma_start3A_767 : memref<1x1x8x64xf32, #tpu.memory_space<vmem>> -> memref<8x64xf32, #tpu.memory_space<vmem>>
      %dma_start3A_769 = arith.constant 0 : i32
      %dma_start3A_770 = tpu.memref_slice %arg3[%multiple_of3A_762, %dma_start3A_769] : memref<1000000x64xf32, #tpu.memory_space<hbm>> -> memref<8x64xf32, #tpu.memory_space<hbm>>
      %dma_start3A_771 = arith.constant 0 : i32
      %dma_start3A_772 = arith.constant 0 : i32
      %dma_start3A_773 = tpu.memref_slice %arg6[%dma_start3A_763, %dma_start3A_764, %dma_start3A_771, %dma_start3A_772] : memref<2x16x8x64xf32, #tpu.memory_space<vmem>> -> memref<1x1x8x64xf32, #tpu.memory_space<vmem>>
      %dma_start3A_774 = tpu.memref_squeeze %dma_start3A_773 : memref<1x1x8x64xf32, #tpu.memory_space<vmem>> -> memref<8x64xf32, #tpu.memory_space<vmem>>
      %dma_start3A_775 = arith.constant 0 : i32
      %dma_start3A_776 = tpu.memref_slice %arg3[%multiple_of3A_762, %dma_start3A_775] : memref<1000000x64xf32, #tpu.memory_space<hbm>> -> memref<8x64xf32, #tpu.memory_space<hbm>>
      tpu.enqueue_dma source(%dma_start3A_776 : memref<8x64xf32, #tpu.memory_space<hbm>>) target(%dma_start3A_774 : memref<8x64xf32, #tpu.memory_space<vmem>>) target_semaphore(%arg9 : memref<!tpu.dma_semaphore, #tpu.memory_space<semaphore_mem>>)
      %slice3A_777 = vector.extract_strided_slice %get3A_733 {offsets = [1], sizes = [1], strides = [1]} : vector<16xi32> to vector<1xi32>
      %squeeze3A_778 = vector.extract %slice3A_777[0] : i32 from vector<1xi32>
      %jit3A_779 = arith.constant 8 : i32
      %div3A_780 = arith.divsi %squeeze3A_778, %jit3A_779 : i32
      %sign3A_781 = arith.constant 0 : i32
      %sign3A_782 = arith.cmpi sgt, %squeeze3A_778, %sign3A_781 : i32
      %sign3A_783 = arith.extui %sign3A_782 : i1 to i32
      %sign3A_784 = arith.constant 0 : i32
      %sign3A_785 = arith.cmpi slt, %squeeze3A_778, %sign3A_784 : i32
      %sign3A_786 = arith.extui %sign3A_785 : i1 to i32
      %sign3A_787 = arith.subi %sign3A_783, %sign3A_786 : i32
      %sign3A_788 = arith.constant 0 : i32
      %sign3A_789 = arith.cmpi sgt, %jit3A_779, %sign3A_788 : i32
      %sign3A_790 = arith.extui %sign3A_789 : i1 to i32
      %sign3A_791 = arith.constant 0 : i32
      %sign3A_792 = arith.cmpi slt, %jit3A_779, %sign3A_791 : i32
      %sign3A_793 = arith.extui %sign3A_792 : i1 to i32
      %sign3A_794 = arith.subi %sign3A_790, %sign3A_793 : i32
      %ne3A_795 = arith.cmpi ne, %sign3A_787, %sign3A_794 : i32
      %rem3A_796 = arith.remsi %squeeze3A_778, %jit3A_779 : i32
      %ne3A_797 = arith.constant 0 : i32
      %ne3A_798 = arith.cmpi ne, %rem3A_796, %ne3A_797 : i32
      %and3A_799 = arith.andi %ne3A_795, %ne3A_798 : i1
      %sub3A_800 = arith.constant 1 : i32
      %sub3A_801 = arith.subi %div3A_780, %sub3A_800 : i32
      %select_n3A_802 = arith.select %and3A_799, %sub3A_801, %div3A_780 : i32
      %mul3A_803 = arith.constant 8 : i32
      %mul3A_804 = arith.muli %select_n3A_802, %mul3A_803 : i32
      %multiple_of3A_805 = tpu.assume_multiple %mul3A_804, 8 : i32
      %dma_start3A_806 = arith.constant 1 : i32
      %dma_start3A_807 = arith.constant 1 : i32
      %dma_start3A_808 = arith.constant 0 : i32
      %dma_start3A_809 = arith.constant 0 : i32
      %dma_start3A_810 = tpu.memref_slice %arg6[%dma_start3A_806, %dma_start3A_807, %dma_start3A_808, %dma_start3A_809] : memref<2x16x8x64xf32, #tpu.memory_space<vmem>> -> memref<1x1x8x64xf32, #tpu.memory_space<vmem>>
      %dma_start3A_811 = tpu.memref_squeeze %dma_start3A_810 : memref<1x1x8x64xf32, #tpu.memory_space<vmem>> -> memref<8x64xf32, #tpu.memory_space<vmem>>
      %dma_start3A_812 = arith.constant 0 : i32
      %dma_start3A_813 = tpu.memref_slice %arg3[%multiple_of3A_805, %dma_start3A_812] : memref<1000000x64xf32, #tpu.memory_space<hbm>> -> memref<8x64xf32, #tpu.memory_space<hbm>>
      %dma_start3A_814 = arith.constant 0 : i32
      %dma_start3A_815 = arith.constant 0 : i32
      %dma_start3A_816 = tpu.memref_slice %arg6[%dma_start3A_806, %dma_start3A_807, %dma_start3A_814, %dma_start3A_815] : memref<2x16x8x64xf32, #tpu.memory_space<vmem>> -> memref<1x1x8x64xf32, #tpu.memory_space<vmem>>
      %dma_start3A_817 = tpu.memref_squeeze %dma_start3A_816 : memref<1x1x8x64xf32, #tpu.memory_space<vmem>> -> memref<8x64xf32, #tpu.memory_space<vmem>>
      %dma_start3A_818 = arith.constant 0 : i32
      %dma_start3A_819 = tpu.memref_slice %arg3[%multiple_of3A_805, %dma_start3A_818] : memref<1000000x64xf32, #tpu.memory_space<hbm>> -> memref<8x64xf32, #tpu.memory_space<hbm>>
      tpu.enqueue_dma source(%dma_start3A_819 : memref<8x64xf32, #tpu.memory_space<hbm>>) target(%dma_start3A_817 : memref<8x64xf32, #tpu.memory_space<vmem>>) target_semaphore(%arg9 : memref<!tpu.dma_semaphore, #tpu.memory_space<semaphore_mem>>)
      %slice3A_820 = vector.extract_strided_slice %get3A_733 {offsets = [2], sizes = [1], strides = [1]} : vector<16xi32> to vector<1xi32>
      %squeeze3A_821 = vector.extract %slice3A_820[0] : i32 from vector<1xi32>
      %jit3A_822 = arith.constant 8 : i32
      %div3A_823 = arith.divsi %squeeze3A_821, %jit3A_822 : i32
      %sign3A_824 = arith.constant 0 : i32
      %sign3A_825 = arith.cmpi sgt, %squeeze3A_821, %sign3A_824 : i32
      %sign3A_826 = arith.extui %sign3A_825 : i1 to i32
      %sign3A_827 = arith.constant 0 : i32
      %sign3A_828 = arith.cmpi slt, %squeeze3A_821, %sign3A_827 : i32
      %sign3A_829 = arith.extui %sign3A_828 : i1 to i32
      %sign3A_830 = arith.subi %sign3A_826, %sign3A_829 : i32
      %sign3A_831 = arith.constant 0 : i32
      %sign3A_832 = arith.cmpi sgt, %jit3A_822, %sign3A_831 : i32
      %sign3A_833 = arith.extui %sign3A_832 : i1 to i32
      %sign3A_834 = arith.constant 0 : i32
      %sign3A_835 = arith.cmpi slt, %jit3A_822, %sign3A_834 : i32
      %sign3A_836 = arith.extui %sign3A_835 : i1 to i32
      %sign3A_837 = arith.subi %sign3A_833, %sign3A_836 : i32
      %ne3A_838 = arith.cmpi ne, %sign3A_830, %sign3A_837 : i32
      %rem3A_839 = arith.remsi %squeeze3A_821, %jit3A_822 : i32
      %ne3A_840 = arith.constant 0 : i32
      %ne3A_841 = arith.cmpi ne, %rem3A_839, %ne3A_840 : i32
      %and3A_842 = arith.andi %ne3A_838, %ne3A_841 : i1
      %sub3A_843 = arith.constant 1 : i32
      %sub3A_844 = arith.subi %div3A_823, %sub3A_843 : i32
      %select_n3A_845 = arith.select %and3A_842, %sub3A_844, %div3A_823 : i32
      %mul3A_846 = arith.constant 8 : i32
      %mul3A_847 = arith.muli %select_n3A_845, %mul3A_846 : i32
      %multiple_of3A_848 = tpu.assume_multiple %mul3A_847, 8 : i32
      %dma_start3A_849 = arith.constant 1 : i32
      %dma_start3A_850 = arith.constant 2 : i32
      %dma_start3A_851 = arith.constant 0 : i32
      %dma_start3A_852 = arith.constant 0 : i32
      %dma_start3A_853 = tpu.memref_slice %arg6[%dma_start3A_849, %dma_start3A_850, %dma_start3A_851, %dma_start3A_852] : memref<2x16x8x64xf32, #tpu.memory_space<vmem>> -> memref<1x1x8x64xf32, #tpu.memory_space<vmem>>
      %dma_start3A_854 = tpu.memref_squeeze %dma_start3A_853 : memref<1x1x8x64xf32, #tpu.memory_space<vmem>> -> memref<8x64xf32, #tpu.memory_space<vmem>>
      %dma_start3A_855 = arith.constant 0 : i32
      %dma_start3A_856 = tpu.memref_slice %arg3[%multiple_of3A_848, %dma_start3A_855] : memref<1000000x64xf32, #tpu.memory_space<hbm>> -> memref<8x64xf32, #tpu.memory_space<hbm>>
      %dma_start3A_857 = arith.constant 0 : i32
      %dma_start3A_858 = arith.constant 0 : i32
      %dma_start3A_859 = tpu.memref_slice %arg6[%dma_start3A_849, %dma_start3A_850, %dma_start3A_857, %dma_start3A_858] : memref<2x16x8x64xf32, #tpu.memory_space<vmem>> -> memref<1x1x8x64xf32, #tpu.memory_space<vmem>>
      %dma_start3A_860 = tpu.memref_squeeze %dma_start3A_859 : memref<1x1x8x64xf32, #tpu.memory_space<vmem>> -> memref<8x64xf32, #tpu.memory_space<vmem>>
      %dma_start3A_861 = arith.constant 0 : i32
      %dma_start3A_862 = tpu.memref_slice %arg3[%multiple_of3A_848, %dma_start3A_861] : memref<1000000x64xf32, #tpu.memory_space<hbm>> -> memref<8x64xf32, #tpu.memory_space<hbm>>
      tpu.enqueue_dma source(%dma_start3A_862 : memref<8x64xf32, #tpu.memory_space<hbm>>) target(%dma_start3A_860 : memref<8x64xf32, #tpu.memory_space<vmem>>) target_semaphore(%arg9 : memref<!tpu.dma_semaphore, #tpu.memory_space<semaphore_mem>>)
      %slice3A_863 = vector.extract_strided_slice %get3A_733 {offsets = [3], sizes = [1], strides = [1]} : vector<16xi32> to vector<1xi32>
      %squeeze3A_864 = vector.extract %slice3A_863[0] : i32 from vector<1xi32>
      %jit3A_865 = arith.constant 8 : i32
      %div3A_866 = arith.divsi %squeeze3A_864, %jit3A_865 : i32
      %sign3A_867 = arith.constant 0 : i32
      %sign3A_868 = arith.cmpi sgt, %squeeze3A_864, %sign3A_867 : i32
      %sign3A_869 = arith.extui %sign3A_868 : i1 to i32
      %sign3A_870 = arith.constant 0 : i32
      %sign3A_871 = arith.cmpi slt, %squeeze3A_864, %sign3A_870 : i32
      %sign3A_872 = arith.extui %sign3A_871 : i1 to i32
      %sign3A_873 = arith.subi %sign3A_869, %sign3A_872 : i32
      %sign3A_874 = arith.constant 0 : i32
      %sign3A_875 = arith.cmpi sgt, %jit3A_865, %sign3A_874 : i32
      %sign3A_876 = arith.extui %sign3A_875 : i1 to i32
      %sign3A_877 = arith.constant 0 : i32
      %sign3A_878 = arith.cmpi slt, %jit3A_865, %sign3A_877 : i32
      %sign3A_879 = arith.extui %sign3A_878 : i1 to i32
      %sign3A_880 = arith.subi %sign3A_876, %sign3A_879 : i32
      %ne3A_881 = arith.cmpi ne, %sign3A_873, %sign3A_880 : i32
      %rem3A_882 = arith.remsi %squeeze3A_864, %jit3A_865 : i32
      %ne3A_883 = arith.constant 0 : i32
      %ne3A_884 = arith.cmpi ne, %rem3A_882, %ne3A_883 : i32
      %and3A_885 = arith.andi %ne3A_881, %ne3A_884 : i1
      %sub3A_886 = arith.constant 1 : i32
      %sub3A_887 = arith.subi %div3A_866, %sub3A_886 : i32
      %select_n3A_888 = arith.select %and3A_885, %sub3A_887, %div3A_866 : i32
      %mul3A_889 = arith.constant 8 : i32
      %mul3A_890 = arith.muli %select_n3A_888, %mul3A_889 : i32
      %multiple_of3A_891 = tpu.assume_multiple %mul3A_890, 8 : i32
      %dma_start3A_892 = arith.constant 1 : i32
      %dma_start3A_893 = arith.constant 3 : i32
      %dma_start3A_894 = arith.constant 0 : i32
      %dma_start3A_895 = arith.constant 0 : i32
      %dma_start3A_896 = tpu.memref_slice %arg6[%dma_start3A_892, %dma_start3A_893, %dma_start3A_894, %dma_start3A_895] : memref<2x16x8x64xf32, #tpu.memory_space<vmem>> -> memref<1x1x8x64xf32, #tpu.memory_space<vmem>>
      %dma_start3A_897 = tpu.memref_squeeze %dma_start3A_896 : memref<1x1x8x64xf32, #tpu.memory_space<vmem>> -> memref<8x64xf32, #tpu.memory_space<vmem>>
      %dma_start3A_898 = arith.constant 0 : i32
      %dma_start3A_899 = tpu.memref_slice %arg3[%multiple_of3A_891, %dma_start3A_898] : memref<1000000x64xf32, #tpu.memory_space<hbm>> -> memref<8x64xf32, #tpu.memory_space<hbm>>
      %dma_start3A_900 = arith.constant 0 : i32
      %dma_start3A_901 = arith.constant 0 : i32
      %dma_start3A_902 = tpu.memref_slice %arg6[%dma_start3A_892, %dma_start3A_893, %dma_start3A_900, %dma_start3A_901] : memref<2x16x8x64xf32, #tpu.memory_space<vmem>> -> memref<1x1x8x64xf32, #tpu.memory_space<vmem>>
      %dma_start3A_903 = tpu.memref_squeeze %dma_start3A_902 : memref<1x1x8x64xf32, #tpu.memory_space<vmem>> -> memref<8x64xf32, #tpu.memory_space<vmem>>
      %dma_start3A_904 = arith.constant 0 : i32
      %dma_start3A_905 = tpu.memref_slice %arg3[%multiple_of3A_891, %dma_start3A_904] : memref<1000000x64xf32, #tpu.memory_space<hbm>> -> memref<8x64xf32, #tpu.memory_space<hbm>>
      tpu.enqueue_dma source(%dma_start3A_905 : memref<8x64xf32, #tpu.memory_space<hbm>>) target(%dma_start3A_903 : memref<8x64xf32, #tpu.memory_space<vmem>>) target_semaphore(%arg9 : memref<!tpu.dma_semaphore, #tpu.memory_space<semaphore_mem>>)
      %slice3A_906 = vector.extract_strided_slice %get3A_733 {offsets = [4], sizes = [1], strides = [1]} : vector<16xi32> to vector<1xi32>
      %squeeze3A_907 = vector.extract %slice3A_906[0] : i32 from vector<1xi32>
      %jit3A_908 = arith.constant 8 : i32
      %div3A_909 = arith.divsi %squeeze3A_907, %jit3A_908 : i32
      %sign3A_910 = arith.constant 0 : i32
      %sign3A_911 = arith.cmpi sgt, %squeeze3A_907, %sign3A_910 : i32
      %sign3A_912 = arith.extui %sign3A_911 : i1 to i32
      %sign3A_913 = arith.constant 0 : i32
      %sign3A_914 = arith.cmpi slt, %squeeze3A_907, %sign3A_913 : i32
      %sign3A_915 = arith.extui %sign3A_914 : i1 to i32
      %sign3A_916 = arith.subi %sign3A_912, %sign3A_915 : i32
      %sign3A_917 = arith.constant 0 : i32
      %sign3A_918 = arith.cmpi sgt, %jit3A_908, %sign3A_917 : i32
      %sign3A_919 = arith.extui %sign3A_918 : i1 to i32
      %sign3A_920 = arith.constant 0 : i32
      %sign3A_921 = arith.cmpi slt, %jit3A_908, %sign3A_920 : i32
      %sign3A_922 = arith.extui %sign3A_921 : i1 to i32
      %sign3A_923 = arith.subi %sign3A_919, %sign3A_922 : i32
      %ne3A_924 = arith.cmpi ne, %sign3A_916, %sign3A_923 : i32
      %rem3A_925 = arith.remsi %squeeze3A_907, %jit3A_908 : i32
      %ne3A_926 = arith.constant 0 : i32
      %ne3A_927 = arith.cmpi ne, %rem3A_925, %ne3A_926 : i32
      %and3A_928 = arith.andi %ne3A_924, %ne3A_927 : i1
      %sub3A_929 = arith.constant 1 : i32
      %sub3A_930 = arith.subi %div3A_909, %sub3A_929 : i32
      %select_n3A_931 = arith.select %and3A_928, %sub3A_930, %div3A_909 : i32
      %mul3A_932 = arith.constant 8 : i32
      %mul3A_933 = arith.muli %select_n3A_931, %mul3A_932 : i32
      %multiple_of3A_934 = tpu.assume_multiple %mul3A_933, 8 : i32
      %dma_start3A_935 = arith.constant 1 : i32
      %dma_start3A_936 = arith.constant 4 : i32
      %dma_start3A_937 = arith.constant 0 : i32
      %dma_start3A_938 = arith.constant 0 : i32
      %dma_start3A_939 = tpu.memref_slice %arg6[%dma_start3A_935, %dma_start3A_936, %dma_start3A_937, %dma_start3A_938] : memref<2x16x8x64xf32, #tpu.memory_space<vmem>> -> memref<1x1x8x64xf32, #tpu.memory_space<vmem>>
      %dma_start3A_940 = tpu.memref_squeeze %dma_start3A_939 : memref<1x1x8x64xf32, #tpu.memory_space<vmem>> -> memref<8x64xf32, #tpu.memory_space<vmem>>
      %dma_start3A_941 = arith.constant 0 : i32
      %dma_start3A_942 = tpu.memref_slice %arg3[%multiple_of3A_934, %dma_start3A_941] : memref<1000000x64xf32, #tpu.memory_space<hbm>> -> memref<8x64xf32, #tpu.memory_space<hbm>>
      %dma_start3A_943 = arith.constant 0 : i32
      %dma_start3A_944 = arith.constant 0 : i32
      %dma_start3A_945 = tpu.memref_slice %arg6[%dma_start3A_935, %dma_start3A_936, %dma_start3A_943, %dma_start3A_944] : memref<2x16x8x64xf32, #tpu.memory_space<vmem>> -> memref<1x1x8x64xf32, #tpu.memory_space<vmem>>
      %dma_start3A_946 = tpu.memref_squeeze %dma_start3A_945 : memref<1x1x8x64xf32, #tpu.memory_space<vmem>> -> memref<8x64xf32, #tpu.memory_space<vmem>>
      %dma_start3A_947 = arith.constant 0 : i32
      %dma_start3A_948 = tpu.memref_slice %arg3[%multiple_of3A_934, %dma_start3A_947] : memref<1000000x64xf32, #tpu.memory_space<hbm>> -> memref<8x64xf32, #tpu.memory_space<hbm>>
      tpu.enqueue_dma source(%dma_start3A_948 : memref<8x64xf32, #tpu.memory_space<hbm>>) target(%dma_start3A_946 : memref<8x64xf32, #tpu.memory_space<vmem>>) target_semaphore(%arg9 : memref<!tpu.dma_semaphore, #tpu.memory_space<semaphore_mem>>)
      %slice3A_949 = vector.extract_strided_slice %get3A_733 {offsets = [5], sizes = [1], strides = [1]} : vector<16xi32> to vector<1xi32>
      %squeeze3A_950 = vector.extract %slice3A_949[0] : i32 from vector<1xi32>
      %jit3A_951 = arith.constant 8 : i32
      %div3A_952 = arith.divsi %squeeze3A_950, %jit3A_951 : i32
      %sign3A_953 = arith.constant 0 : i32
      %sign3A_954 = arith.cmpi sgt, %squeeze3A_950, %sign3A_953 : i32
      %sign3A_955 = arith.extui %sign3A_954 : i1 to i32
      %sign3A_956 = arith.constant 0 : i32
      %sign3A_957 = arith.cmpi slt, %squeeze3A_950, %sign3A_956 : i32
      %sign3A_958 = arith.extui %sign3A_957 : i1 to i32
      %sign3A_959 = arith.subi %sign3A_955, %sign3A_958 : i32
      %sign3A_960 = arith.constant 0 : i32
      %sign3A_961 = arith.cmpi sgt, %jit3A_951, %sign3A_960 : i32
      %sign3A_962 = arith.extui %sign3A_961 : i1 to i32
      %sign3A_963 = arith.constant 0 : i32
      %sign3A_964 = arith.cmpi slt, %jit3A_951, %sign3A_963 : i32
      %sign3A_965 = arith.extui %sign3A_964 : i1 to i32
      %sign3A_966 = arith.subi %sign3A_962, %sign3A_965 : i32
      %ne3A_967 = arith.cmpi ne, %sign3A_959, %sign3A_966 : i32
      %rem3A_968 = arith.remsi %squeeze3A_950, %jit3A_951 : i32
      %ne3A_969 = arith.constant 0 : i32
      %ne3A_970 = arith.cmpi ne, %rem3A_968, %ne3A_969 : i32
      %and3A_971 = arith.andi %ne3A_967, %ne3A_970 : i1
      %sub3A_972 = arith.constant 1 : i32
      %sub3A_973 = arith.subi %div3A_952, %sub3A_972 : i32
      %select_n3A_974 = arith.select %and3A_971, %sub3A_973, %div3A_952 : i32
      %mul3A_975 = arith.constant 8 : i32
      %mul3A_976 = arith.muli %select_n3A_974, %mul3A_975 : i32
      %multiple_of3A_977 = tpu.assume_multiple %mul3A_976, 8 : i32
      %dma_start3A_978 = arith.constant 1 : i32
      %dma_start3A_979 = arith.constant 5 : i32
      %dma_start3A_980 = arith.constant 0 : i32
      %dma_start3A_981 = arith.constant 0 : i32
      %dma_start3A_982 = tpu.memref_slice %arg6[%dma_start3A_978, %dma_start3A_979, %dma_start3A_980, %dma_start3A_981] : memref<2x16x8x64xf32, #tpu.memory_space<vmem>> -> memref<1x1x8x64xf32, #tpu.memory_space<vmem>>
      %dma_start3A_983 = tpu.memref_squeeze %dma_start3A_982 : memref<1x1x8x64xf32, #tpu.memory_space<vmem>> -> memref<8x64xf32, #tpu.memory_space<vmem>>
      %dma_start3A_984 = arith.constant 0 : i32
      %dma_start3A_985 = tpu.memref_slice %arg3[%multiple_of3A_977, %dma_start3A_984] : memref<1000000x64xf32, #tpu.memory_space<hbm>> -> memref<8x64xf32, #tpu.memory_space<hbm>>
      %dma_start3A_986 = arith.constant 0 : i32
      %dma_start3A_987 = arith.constant 0 : i32
      %dma_start3A_988 = tpu.memref_slice %arg6[%dma_start3A_978, %dma_start3A_979, %dma_start3A_986, %dma_start3A_987] : memref<2x16x8x64xf32, #tpu.memory_space<vmem>> -> memref<1x1x8x64xf32, #tpu.memory_space<vmem>>
      %dma_start3A_989 = tpu.memref_squeeze %dma_start3A_988 : memref<1x1x8x64xf32, #tpu.memory_space<vmem>> -> memref<8x64xf32, #tpu.memory_space<vmem>>
      %dma_start3A_990 = arith.constant 0 : i32
      %dma_start3A_991 = tpu.memref_slice %arg3[%multiple_of3A_977, %dma_start3A_990] : memref<1000000x64xf32, #tpu.memory_space<hbm>> -> memref<8x64xf32, #tpu.memory_space<hbm>>
      tpu.enqueue_dma source(%dma_start3A_991 : memref<8x64xf32, #tpu.memory_space<hbm>>) target(%dma_start3A_989 : memref<8x64xf32, #tpu.memory_space<vmem>>) target_semaphore(%arg9 : memref<!tpu.dma_semaphore, #tpu.memory_space<semaphore_mem>>)
      %slice3A_992 = vector.extract_strided_slice %get3A_733 {offsets = [6], sizes = [1], strides = [1]} : vector<16xi32> to vector<1xi32>
      %squeeze3A_993 = vector.extract %slice3A_992[0] : i32 from vector<1xi32>
      %jit3A_994 = arith.constant 8 : i32
      %div3A_995 = arith.divsi %squeeze3A_993, %jit3A_994 : i32
      %sign3A_996 = arith.constant 0 : i32
      %sign3A_997 = arith.cmpi sgt, %squeeze3A_993, %sign3A_996 : i32
      %sign3A_998 = arith.extui %sign3A_997 : i1 to i32
      %sign3A_999 = arith.constant 0 : i32
      %sign3A_1000 = arith.cmpi slt, %squeeze3A_993, %sign3A_999 : i32
      %sign3A_1001 = arith.extui %sign3A_1000 : i1 to i32
      %sign3A_1002 = arith.subi %sign3A_998, %sign3A_1001 : i32
      %sign3A_1003 = arith.constant 0 : i32
      %sign3A_1004 = arith.cmpi sgt, %jit3A_994, %sign3A_1003 : i32
      %sign3A_1005 = arith.extui %sign3A_1004 : i1 to i32
      %sign3A_1006 = arith.constant 0 : i32
      %sign3A_1007 = arith.cmpi slt, %jit3A_994, %sign3A_1006 : i32
      %sign3A_1008 = arith.extui %sign3A_1007 : i1 to i32
      %sign3A_1009 = arith.subi %sign3A_1005, %sign3A_1008 : i32
      %ne3A_1010 = arith.cmpi ne, %sign3A_1002, %sign3A_1009 : i32
      %rem3A_1011 = arith.remsi %squeeze3A_993, %jit3A_994 : i32
      %ne3A_1012 = arith.constant 0 : i32
      %ne3A_1013 = arith.cmpi ne, %rem3A_1011, %ne3A_1012 : i32
      %and3A_1014 = arith.andi %ne3A_1010, %ne3A_1013 : i1
      %sub3A_1015 = arith.constant 1 : i32
      %sub3A_1016 = arith.subi %div3A_995, %sub3A_1015 : i32
      %select_n3A_1017 = arith.select %and3A_1014, %sub3A_1016, %div3A_995 : i32
      %mul3A_1018 = arith.constant 8 : i32
      %mul3A_1019 = arith.muli %select_n3A_1017, %mul3A_1018 : i32
      %multiple_of3A_1020 = tpu.assume_multiple %mul3A_1019, 8 : i32
      %dma_start3A_1021 = arith.constant 1 : i32
      %dma_start3A_1022 = arith.constant 6 : i32
      %dma_start3A_1023 = arith.constant 0 : i32
      %dma_start3A_1024 = arith.constant 0 : i32
      %dma_start3A_1025 = tpu.memref_slice %arg6[%dma_start3A_1021, %dma_start3A_1022, %dma_start3A_1023, %dma_start3A_1024] : memref<2x16x8x64xf32, #tpu.memory_space<vmem>> -> memref<1x1x8x64xf32, #tpu.memory_space<vmem>>
      %dma_start3A_1026 = tpu.memref_squeeze %dma_start3A_1025 : memref<1x1x8x64xf32, #tpu.memory_space<vmem>> -> memref<8x64xf32, #tpu.memory_space<vmem>>
      %dma_start3A_1027 = arith.constant 0 : i32
      %dma_start3A_1028 = tpu.memref_slice %arg3[%multiple_of3A_1020, %dma_start3A_1027] : memref<1000000x64xf32, #tpu.memory_space<hbm>> -> memref<8x64xf32, #tpu.memory_space<hbm>>
      %dma_start3A_1029 = arith.constant 0 : i32
      %dma_start3A_1030 = arith.constant 0 : i32
      %dma_start3A_1031 = tpu.memref_slice %arg6[%dma_start3A_1021, %dma_start3A_1022, %dma_start3A_1029, %dma_start3A_1030] : memref<2x16x8x64xf32, #tpu.memory_space<vmem>> -> memref<1x1x8x64xf32, #tpu.memory_space<vmem>>
      %dma_start3A_1032 = tpu.memref_squeeze %dma_start3A_1031 : memref<1x1x8x64xf32, #tpu.memory_space<vmem>> -> memref<8x64xf32, #tpu.memory_space<vmem>>
      %dma_start3A_1033 = arith.constant 0 : i32
      %dma_start3A_1034 = tpu.memref_slice %arg3[%multiple_of3A_1020, %dma_start3A_1033] : memref<1000000x64xf32, #tpu.memory_space<hbm>> -> memref<8x64xf32, #tpu.memory_space<hbm>>
      tpu.enqueue_dma source(%dma_start3A_1034 : memref<8x64xf32, #tpu.memory_space<hbm>>) target(%dma_start3A_1032 : memref<8x64xf32, #tpu.memory_space<vmem>>) target_semaphore(%arg9 : memref<!tpu.dma_semaphore, #tpu.memory_space<semaphore_mem>>)
      %slice3A_1035 = vector.extract_strided_slice %get3A_733 {offsets = [7], sizes = [1], strides = [1]} : vector<16xi32> to vector<1xi32>
      %squeeze3A_1036 = vector.extract %slice3A_1035[0] : i32 from vector<1xi32>
      %jit3A_1037 = arith.constant 8 : i32
      %div3A_1038 = arith.divsi %squeeze3A_1036, %jit3A_1037 : i32
      %sign3A_1039 = arith.constant 0 : i32
      %sign3A_1040 = arith.cmpi sgt, %squeeze3A_1036, %sign3A_1039 : i32
      %sign3A_1041 = arith.extui %sign3A_1040 : i1 to i32
      %sign3A_1042 = arith.constant 0 : i32
      %sign3A_1043 = arith.cmpi slt, %squeeze3A_1036, %sign3A_1042 : i32
      %sign3A_1044 = arith.extui %sign3A_1043 : i1 to i32
      %sign3A_1045 = arith.subi %sign3A_1041, %sign3A_1044 : i32
      %sign3A_1046 = arith.constant 0 : i32
      %sign3A_1047 = arith.cmpi sgt, %jit3A_1037, %sign3A_1046 : i32
      %sign3A_1048 = arith.extui %sign3A_1047 : i1 to i32
      %sign3A_1049 = arith.constant 0 : i32
      %sign3A_1050 = arith.cmpi slt, %jit3A_1037, %sign3A_1049 : i32
      %sign3A_1051 = arith.extui %sign3A_1050 : i1 to i32
      %sign3A_1052 = arith.subi %sign3A_1048, %sign3A_1051 : i32
      %ne3A_1053 = arith.cmpi ne, %sign3A_1045, %sign3A_1052 : i32
      %rem3A_1054 = arith.remsi %squeeze3A_1036, %jit3A_1037 : i32
      %ne3A_1055 = arith.constant 0 : i32
      %ne3A_1056 = arith.cmpi ne, %rem3A_1054, %ne3A_1055 : i32
      %and3A_1057 = arith.andi %ne3A_1053, %ne3A_1056 : i1
      %sub3A_1058 = arith.constant 1 : i32
      %sub3A_1059 = arith.subi %div3A_1038, %sub3A_1058 : i32
      %select_n3A_1060 = arith.select %and3A_1057, %sub3A_1059, %div3A_1038 : i32
      %mul3A_1061 = arith.constant 8 : i32
      %mul3A_1062 = arith.muli %select_n3A_1060, %mul3A_1061 : i32
      %multiple_of3A_1063 = tpu.assume_multiple %mul3A_1062, 8 : i32
      %dma_start3A_1064 = arith.constant 1 : i32
      %dma_start3A_1065 = arith.constant 7 : i32
      %dma_start3A_1066 = arith.constant 0 : i32
      %dma_start3A_1067 = arith.constant 0 : i32
      %dma_start3A_1068 = tpu.memref_slice %arg6[%dma_start3A_1064, %dma_start3A_1065, %dma_start3A_1066, %dma_start3A_1067] : memref<2x16x8x64xf32, #tpu.memory_space<vmem>> -> memref<1x1x8x64xf32, #tpu.memory_space<vmem>>
      %dma_start3A_1069 = tpu.memref_squeeze %dma_start3A_1068 : memref<1x1x8x64xf32, #tpu.memory_space<vmem>> -> memref<8x64xf32, #tpu.memory_space<vmem>>
      %dma_start3A_1070 = arith.constant 0 : i32
      %dma_start3A_1071 = tpu.memref_slice %arg3[%multiple_of3A_1063, %dma_start3A_1070] : memref<1000000x64xf32, #tpu.memory_space<hbm>> -> memref<8x64xf32, #tpu.memory_space<hbm>>
      %dma_start3A_1072 = arith.constant 0 : i32
      %dma_start3A_1073 = arith.constant 0 : i32
      %dma_start3A_1074 = tpu.memref_slice %arg6[%dma_start3A_1064, %dma_start3A_1065, %dma_start3A_1072, %dma_start3A_1073] : memref<2x16x8x64xf32, #tpu.memory_space<vmem>> -> memref<1x1x8x64xf32, #tpu.memory_space<vmem>>
      %dma_start3A_1075 = tpu.memref_squeeze %dma_start3A_1074 : memref<1x1x8x64xf32, #tpu.memory_space<vmem>> -> memref<8x64xf32, #tpu.memory_space<vmem>>
      %dma_start3A_1076 = arith.constant 0 : i32
      %dma_start3A_1077 = tpu.memref_slice %arg3[%multiple_of3A_1063, %dma_start3A_1076] : memref<1000000x64xf32, #tpu.memory_space<hbm>> -> memref<8x64xf32, #tpu.memory_space<hbm>>
      tpu.enqueue_dma source(%dma_start3A_1077 : memref<8x64xf32, #tpu.memory_space<hbm>>) target(%dma_start3A_1075 : memref<8x64xf32, #tpu.memory_space<vmem>>) target_semaphore(%arg9 : memref<!tpu.dma_semaphore, #tpu.memory_space<semaphore_mem>>)
      %slice3A_1078 = vector.extract_strided_slice %get3A_733 {offsets = [8], sizes = [1], strides = [1]} : vector<16xi32> to vector<1xi32>
      %squeeze3A_1079 = vector.extract %slice3A_1078[0] : i32 from vector<1xi32>
      %jit3A_1080 = arith.constant 8 : i32
      %div3A_1081 = arith.divsi %squeeze3A_1079, %jit3A_1080 : i32
      %sign3A_1082 = arith.constant 0 : i32
      %sign3A_1083 = arith.cmpi sgt, %squeeze3A_1079, %sign3A_1082 : i32
      %sign3A_1084 = arith.extui %sign3A_1083 : i1 to i32
      %sign3A_1085 = arith.constant 0 : i32
      %sign3A_1086 = arith.cmpi slt, %squeeze3A_1079, %sign3A_1085 : i32
      %sign3A_1087 = arith.extui %sign3A_1086 : i1 to i32
      %sign3A_1088 = arith.subi %sign3A_1084, %sign3A_1087 : i32
      %sign3A_1089 = arith.constant 0 : i32
      %sign3A_1090 = arith.cmpi sgt, %jit3A_1080, %sign3A_1089 : i32
      %sign3A_1091 = arith.extui %sign3A_1090 : i1 to i32
      %sign3A_1092 = arith.constant 0 : i32
      %sign3A_1093 = arith.cmpi slt, %jit3A_1080, %sign3A_1092 : i32
      %sign3A_1094 = arith.extui %sign3A_1093 : i1 to i32
      %sign3A_1095 = arith.subi %sign3A_1091, %sign3A_1094 : i32
      %ne3A_1096 = arith.cmpi ne, %sign3A_1088, %sign3A_1095 : i32
      %rem3A_1097 = arith.remsi %squeeze3A_1079, %jit3A_1080 : i32
      %ne3A_1098 = arith.constant 0 : i32
      %ne3A_1099 = arith.cmpi ne, %rem3A_1097, %ne3A_1098 : i32
      %and3A_1100 = arith.andi %ne3A_1096, %ne3A_1099 : i1
      %sub3A_1101 = arith.constant 1 : i32
      %sub3A_1102 = arith.subi %div3A_1081, %sub3A_1101 : i32
      %select_n3A_1103 = arith.select %and3A_1100, %sub3A_1102, %div3A_1081 : i32
      %mul3A_1104 = arith.constant 8 : i32
      %mul3A_1105 = arith.muli %select_n3A_1103, %mul3A_1104 : i32
      %multiple_of3A_1106 = tpu.assume_multiple %mul3A_1105, 8 : i32
      %dma_start3A_1107 = arith.constant 1 : i32
      %dma_start3A_1108 = arith.constant 8 : i32
      %dma_start3A_1109 = arith.constant 0 : i32
      %dma_start3A_1110 = arith.constant 0 : i32
      %dma_start3A_1111 = tpu.memref_slice %arg6[%dma_start3A_1107, %dma_start3A_1108, %dma_start3A_1109, %dma_start3A_1110] : memref<2x16x8x64xf32, #tpu.memory_space<vmem>> -> memref<1x1x8x64xf32, #tpu.memory_space<vmem>>
      %dma_start3A_1112 = tpu.memref_squeeze %dma_start3A_1111 : memref<1x1x8x64xf32, #tpu.memory_space<vmem>> -> memref<8x64xf32, #tpu.memory_space<vmem>>
      %dma_start3A_1113 = arith.constant 0 : i32
      %dma_start3A_1114 = tpu.memref_slice %arg3[%multiple_of3A_1106, %dma_start3A_1113] : memref<1000000x64xf32, #tpu.memory_space<hbm>> -> memref<8x64xf32, #tpu.memory_space<hbm>>
      %dma_start3A_1115 = arith.constant 0 : i32
      %dma_start3A_1116 = arith.constant 0 : i32
      %dma_start3A_1117 = tpu.memref_slice %arg6[%dma_start3A_1107, %dma_start3A_1108, %dma_start3A_1115, %dma_start3A_1116] : memref<2x16x8x64xf32, #tpu.memory_space<vmem>> -> memref<1x1x8x64xf32, #tpu.memory_space<vmem>>
      %dma_start3A_1118 = tpu.memref_squeeze %dma_start3A_1117 : memref<1x1x8x64xf32, #tpu.memory_space<vmem>> -> memref<8x64xf32, #tpu.memory_space<vmem>>
      %dma_start3A_1119 = arith.constant 0 : i32
      %dma_start3A_1120 = tpu.memref_slice %arg3[%multiple_of3A_1106, %dma_start3A_1119] : memref<1000000x64xf32, #tpu.memory_space<hbm>> -> memref<8x64xf32, #tpu.memory_space<hbm>>
      tpu.enqueue_dma source(%dma_start3A_1120 : memref<8x64xf32, #tpu.memory_space<hbm>>) target(%dma_start3A_1118 : memref<8x64xf32, #tpu.memory_space<vmem>>) target_semaphore(%arg9 : memref<!tpu.dma_semaphore, #tpu.memory_space<semaphore_mem>>)
      %slice3A_1121 = vector.extract_strided_slice %get3A_733 {offsets = [9], sizes = [1], strides = [1]} : vector<16xi32> to vector<1xi32>
      %squeeze3A_1122 = vector.extract %slice3A_1121[0] : i32 from vector<1xi32>
      %jit3A_1123 = arith.constant 8 : i32
      %div3A_1124 = arith.divsi %squeeze3A_1122, %jit3A_1123 : i32
      %sign3A_1125 = arith.constant 0 : i32
      %sign3A_1126 = arith.cmpi sgt, %squeeze3A_1122, %sign3A_1125 : i32
      %sign3A_1127 = arith.extui %sign3A_1126 : i1 to i32
      %sign3A_1128 = arith.constant 0 : i32
      %sign3A_1129 = arith.cmpi slt, %squeeze3A_1122, %sign3A_1128 : i32
      %sign3A_1130 = arith.extui %sign3A_1129 : i1 to i32
      %sign3A_1131 = arith.subi %sign3A_1127, %sign3A_1130 : i32
      %sign3A_1132 = arith.constant 0 : i32
      %sign3A_1133 = arith.cmpi sgt, %jit3A_1123, %sign3A_1132 : i32
      %sign3A_1134 = arith.extui %sign3A_1133 : i1 to i32
      %sign3A_1135 = arith.constant 0 : i32
      %sign3A_1136 = arith.cmpi slt, %jit3A_1123, %sign3A_1135 : i32
      %sign3A_1137 = arith.extui %sign3A_1136 : i1 to i32
      %sign3A_1138 = arith.subi %sign3A_1134, %sign3A_1137 : i32
      %ne3A_1139 = arith.cmpi ne, %sign3A_1131, %sign3A_1138 : i32
      %rem3A_1140 = arith.remsi %squeeze3A_1122, %jit3A_1123 : i32
      %ne3A_1141 = arith.constant 0 : i32
      %ne3A_1142 = arith.cmpi ne, %rem3A_1140, %ne3A_1141 : i32
      %and3A_1143 = arith.andi %ne3A_1139, %ne3A_1142 : i1
      %sub3A_1144 = arith.constant 1 : i32
      %sub3A_1145 = arith.subi %div3A_1124, %sub3A_1144 : i32
      %select_n3A_1146 = arith.select %and3A_1143, %sub3A_1145, %div3A_1124 : i32
      %mul3A_1147 = arith.constant 8 : i32
      %mul3A_1148 = arith.muli %select_n3A_1146, %mul3A_1147 : i32
      %multiple_of3A_1149 = tpu.assume_multiple %mul3A_1148, 8 : i32
      %dma_start3A_1150 = arith.constant 1 : i32
      %dma_start3A_1151 = arith.constant 9 : i32
      %dma_start3A_1152 = arith.constant 0 : i32
      %dma_start3A_1153 = arith.constant 0 : i32
      %dma_start3A_1154 = tpu.memref_slice %arg6[%dma_start3A_1150, %dma_start3A_1151, %dma_start3A_1152, %dma_start3A_1153] : memref<2x16x8x64xf32, #tpu.memory_space<vmem>> -> memref<1x1x8x64xf32, #tpu.memory_space<vmem>>
      %dma_start3A_1155 = tpu.memref_squeeze %dma_start3A_1154 : memref<1x1x8x64xf32, #tpu.memory_space<vmem>> -> memref<8x64xf32, #tpu.memory_space<vmem>>
      %dma_start3A_1156 = arith.constant 0 : i32
      %dma_start3A_1157 = tpu.memref_slice %arg3[%multiple_of3A_1149, %dma_start3A_1156] : memref<1000000x64xf32, #tpu.memory_space<hbm>> -> memref<8x64xf32, #tpu.memory_space<hbm>>
      %dma_start3A_1158 = arith.constant 0 : i32
      %dma_start3A_1159 = arith.constant 0 : i32
      %dma_start3A_1160 = tpu.memref_slice %arg6[%dma_start3A_1150, %dma_start3A_1151, %dma_start3A_1158, %dma_start3A_1159] : memref<2x16x8x64xf32, #tpu.memory_space<vmem>> -> memref<1x1x8x64xf32, #tpu.memory_space<vmem>>
      %dma_start3A_1161 = tpu.memref_squeeze %dma_start3A_1160 : memref<1x1x8x64xf32, #tpu.memory_space<vmem>> -> memref<8x64xf32, #tpu.memory_space<vmem>>
      %dma_start3A_1162 = arith.constant 0 : i32
      %dma_start3A_1163 = tpu.memref_slice %arg3[%multiple_of3A_1149, %dma_start3A_1162] : memref<1000000x64xf32, #tpu.memory_space<hbm>> -> memref<8x64xf32, #tpu.memory_space<hbm>>
      tpu.enqueue_dma source(%dma_start3A_1163 : memref<8x64xf32, #tpu.memory_space<hbm>>) target(%dma_start3A_1161 : memref<8x64xf32, #tpu.memory_space<vmem>>) target_semaphore(%arg9 : memref<!tpu.dma_semaphore, #tpu.memory_space<semaphore_mem>>)
      %slice3A_1164 = vector.extract_strided_slice %get3A_733 {offsets = [10], sizes = [1], strides = [1]} : vector<16xi32> to vector<1xi32>
      %squeeze3A_1165 = vector.extract %slice3A_1164[0] : i32 from vector<1xi32>
      %jit3A_1166 = arith.constant 8 : i32
      %div3A_1167 = arith.divsi %squeeze3A_1165, %jit3A_1166 : i32
      %sign3A_1168 = arith.constant 0 : i32
      %sign3A_1169 = arith.cmpi sgt, %squeeze3A_1165, %sign3A_1168 : i32
      %sign3A_1170 = arith.extui %sign3A_1169 : i1 to i32
      %sign3A_1171 = arith.constant 0 : i32
      %sign3A_1172 = arith.cmpi slt, %squeeze3A_1165, %sign3A_1171 : i32
      %sign3A_1173 = arith.extui %sign3A_1172 : i1 to i32
      %sign3A_1174 = arith.subi %sign3A_1170, %sign3A_1173 : i32
      %sign3A_1175 = arith.constant 0 : i32
      %sign3A_1176 = arith.cmpi sgt, %jit3A_1166, %sign3A_1175 : i32
      %sign3A_1177 = arith.extui %sign3A_1176 : i1 to i32
      %sign3A_1178 = arith.constant 0 : i32
      %sign3A_1179 = arith.cmpi slt, %jit3A_1166, %sign3A_1178 : i32
      %sign3A_1180 = arith.extui %sign3A_1179 : i1 to i32
      %sign3A_1181 = arith.subi %sign3A_1177, %sign3A_1180 : i32
      %ne3A_1182 = arith.cmpi ne, %sign3A_1174, %sign3A_1181 : i32
      %rem3A_1183 = arith.remsi %squeeze3A_1165, %jit3A_1166 : i32
      %ne3A_1184 = arith.constant 0 : i32
      %ne3A_1185 = arith.cmpi ne, %rem3A_1183, %ne3A_1184 : i32
      %and3A_1186 = arith.andi %ne3A_1182, %ne3A_1185 : i1
      %sub3A_1187 = arith.constant 1 : i32
      %sub3A_1188 = arith.subi %div3A_1167, %sub3A_1187 : i32
      %select_n3A_1189 = arith.select %and3A_1186, %sub3A_1188, %div3A_1167 : i32
      %mul3A_1190 = arith.constant 8 : i32
      %mul3A_1191 = arith.muli %select_n3A_1189, %mul3A_1190 : i32
      %multiple_of3A_1192 = tpu.assume_multiple %mul3A_1191, 8 : i32
      %dma_start3A_1193 = arith.constant 1 : i32
      %dma_start3A_1194 = arith.constant 10 : i32
      %dma_start3A_1195 = arith.constant 0 : i32
      %dma_start3A_1196 = arith.constant 0 : i32
      %dma_start3A_1197 = tpu.memref_slice %arg6[%dma_start3A_1193, %dma_start3A_1194, %dma_start3A_1195, %dma_start3A_1196] : memref<2x16x8x64xf32, #tpu.memory_space<vmem>> -> memref<1x1x8x64xf32, #tpu.memory_space<vmem>>
      %dma_start3A_1198 = tpu.memref_squeeze %dma_start3A_1197 : memref<1x1x8x64xf32, #tpu.memory_space<vmem>> -> memref<8x64xf32, #tpu.memory_space<vmem>>
      %dma_start3A_1199 = arith.constant 0 : i32
      %dma_start3A_1200 = tpu.memref_slice %arg3[%multiple_of3A_1192, %dma_start3A_1199] : memref<1000000x64xf32, #tpu.memory_space<hbm>> -> memref<8x64xf32, #tpu.memory_space<hbm>>
      %dma_start3A_1201 = arith.constant 0 : i32
      %dma_start3A_1202 = arith.constant 0 : i32
      %dma_start3A_1203 = tpu.memref_slice %arg6[%dma_start3A_1193, %dma_start3A_1194, %dma_start3A_1201, %dma_start3A_1202] : memref<2x16x8x64xf32, #tpu.memory_space<vmem>> -> memref<1x1x8x64xf32, #tpu.memory_space<vmem>>
      %dma_start3A_1204 = tpu.memref_squeeze %dma_start3A_1203 : memref<1x1x8x64xf32, #tpu.memory_space<vmem>> -> memref<8x64xf32, #tpu.memory_space<vmem>>
      %dma_start3A_1205 = arith.constant 0 : i32
      %dma_start3A_1206 = tpu.memref_slice %arg3[%multiple_of3A_1192, %dma_start3A_1205] : memref<1000000x64xf32, #tpu.memory_space<hbm>> -> memref<8x64xf32, #tpu.memory_space<hbm>>
      tpu.enqueue_dma source(%dma_start3A_1206 : memref<8x64xf32, #tpu.memory_space<hbm>>) target(%dma_start3A_1204 : memref<8x64xf32, #tpu.memory_space<vmem>>) target_semaphore(%arg9 : memref<!tpu.dma_semaphore, #tpu.memory_space<semaphore_mem>>)
      %slice3A_1207 = vector.extract_strided_slice %get3A_733 {offsets = [11], sizes = [1], strides = [1]} : vector<16xi32> to vector<1xi32>
      %squeeze3A_1208 = vector.extract %slice3A_1207[0] : i32 from vector<1xi32>
      %jit3A_1209 = arith.constant 8 : i32
      %div3A_1210 = arith.divsi %squeeze3A_1208, %jit3A_1209 : i32
      %sign3A_1211 = arith.constant 0 : i32
      %sign3A_1212 = arith.cmpi sgt, %squeeze3A_1208, %sign3A_1211 : i32
      %sign3A_1213 = arith.extui %sign3A_1212 : i1 to i32
      %sign3A_1214 = arith.constant 0 : i32
      %sign3A_1215 = arith.cmpi slt, %squeeze3A_1208, %sign3A_1214 : i32
      %sign3A_1216 = arith.extui %sign3A_1215 : i1 to i32
      %sign3A_1217 = arith.subi %sign3A_1213, %sign3A_1216 : i32
      %sign3A_1218 = arith.constant 0 : i32
      %sign3A_1219 = arith.cmpi sgt, %jit3A_1209, %sign3A_1218 : i32
      %sign3A_1220 = arith.extui %sign3A_1219 : i1 to i32
      %sign3A_1221 = arith.constant 0 : i32
      %sign3A_1222 = arith.cmpi slt, %jit3A_1209, %sign3A_1221 : i32
      %sign3A_1223 = arith.extui %sign3A_1222 : i1 to i32
      %sign3A_1224 = arith.subi %sign3A_1220, %sign3A_1223 : i32
      %ne3A_1225 = arith.cmpi ne, %sign3A_1217, %sign3A_1224 : i32
      %rem3A_1226 = arith.remsi %squeeze3A_1208, %jit3A_1209 : i32
      %ne3A_1227 = arith.constant 0 : i32
      %ne3A_1228 = arith.cmpi ne, %rem3A_1226, %ne3A_1227 : i32
      %and3A_1229 = arith.andi %ne3A_1225, %ne3A_1228 : i1
      %sub3A_1230 = arith.constant 1 : i32
      %sub3A_1231 = arith.subi %div3A_1210, %sub3A_1230 : i32
      %select_n3A_1232 = arith.select %and3A_1229, %sub3A_1231, %div3A_1210 : i32
      %mul3A_1233 = arith.constant 8 : i32
      %mul3A_1234 = arith.muli %select_n3A_1232, %mul3A_1233 : i32
      %multiple_of3A_1235 = tpu.assume_multiple %mul3A_1234, 8 : i32
      %dma_start3A_1236 = arith.constant 1 : i32
      %dma_start3A_1237 = arith.constant 11 : i32
      %dma_start3A_1238 = arith.constant 0 : i32
      %dma_start3A_1239 = arith.constant 0 : i32
      %dma_start3A_1240 = tpu.memref_slice %arg6[%dma_start3A_1236, %dma_start3A_1237, %dma_start3A_1238, %dma_start3A_1239] : memref<2x16x8x64xf32, #tpu.memory_space<vmem>> -> memref<1x1x8x64xf32, #tpu.memory_space<vmem>>
      %dma_start3A_1241 = tpu.memref_squeeze %dma_start3A_1240 : memref<1x1x8x64xf32, #tpu.memory_space<vmem>> -> memref<8x64xf32, #tpu.memory_space<vmem>>
      %dma_start3A_1242 = arith.constant 0 : i32
      %dma_start3A_1243 = tpu.memref_slice %arg3[%multiple_of3A_1235, %dma_start3A_1242] : memref<1000000x64xf32, #tpu.memory_space<hbm>> -> memref<8x64xf32, #tpu.memory_space<hbm>>
      %dma_start3A_1244 = arith.constant 0 : i32
      %dma_start3A_1245 = arith.constant 0 : i32
      %dma_start3A_1246 = tpu.memref_slice %arg6[%dma_start3A_1236, %dma_start3A_1237, %dma_start3A_1244, %dma_start3A_1245] : memref<2x16x8x64xf32, #tpu.memory_space<vmem>> -> memref<1x1x8x64xf32, #tpu.memory_space<vmem>>
      %dma_start3A_1247 = tpu.memref_squeeze %dma_start3A_1246 : memref<1x1x8x64xf32, #tpu.memory_space<vmem>> -> memref<8x64xf32, #tpu.memory_space<vmem>>
      %dma_start3A_1248 = arith.constant 0 : i32
      %dma_start3A_1249 = tpu.memref_slice %arg3[%multiple_of3A_1235, %dma_start3A_1248] : memref<1000000x64xf32, #tpu.memory_space<hbm>> -> memref<8x64xf32, #tpu.memory_space<hbm>>
      tpu.enqueue_dma source(%dma_start3A_1249 : memref<8x64xf32, #tpu.memory_space<hbm>>) target(%dma_start3A_1247 : memref<8x64xf32, #tpu.memory_space<vmem>>) target_semaphore(%arg9 : memref<!tpu.dma_semaphore, #tpu.memory_space<semaphore_mem>>)
      %slice3A_1250 = vector.extract_strided_slice %get3A_733 {offsets = [12], sizes = [1], strides = [1]} : vector<16xi32> to vector<1xi32>
      %squeeze3A_1251 = vector.extract %slice3A_1250[0] : i32 from vector<1xi32>
      %jit3A_1252 = arith.constant 8 : i32
      %div3A_1253 = arith.divsi %squeeze3A_1251, %jit3A_1252 : i32
      %sign3A_1254 = arith.constant 0 : i32
      %sign3A_1255 = arith.cmpi sgt, %squeeze3A_1251, %sign3A_1254 : i32
      %sign3A_1256 = arith.extui %sign3A_1255 : i1 to i32
      %sign3A_1257 = arith.constant 0 : i32
      %sign3A_1258 = arith.cmpi slt, %squeeze3A_1251, %sign3A_1257 : i32
      %sign3A_1259 = arith.extui %sign3A_1258 : i1 to i32
      %sign3A_1260 = arith.subi %sign3A_1256, %sign3A_1259 : i32
      %sign3A_1261 = arith.constant 0 : i32
      %sign3A_1262 = arith.cmpi sgt, %jit3A_1252, %sign3A_1261 : i32
      %sign3A_1263 = arith.extui %sign3A_1262 : i1 to i32
      %sign3A_1264 = arith.constant 0 : i32
      %sign3A_1265 = arith.cmpi slt, %jit3A_1252, %sign3A_1264 : i32
      %sign3A_1266 = arith.extui %sign3A_1265 : i1 to i32
      %sign3A_1267 = arith.subi %sign3A_1263, %sign3A_1266 : i32
      %ne3A_1268 = arith.cmpi ne, %sign3A_1260, %sign3A_1267 : i32
      %rem3A_1269 = arith.remsi %squeeze3A_1251, %jit3A_1252 : i32
      %ne3A_1270 = arith.constant 0 : i32
      %ne3A_1271 = arith.cmpi ne, %rem3A_1269, %ne3A_1270 : i32
      %and3A_1272 = arith.andi %ne3A_1268, %ne3A_1271 : i1
      %sub3A_1273 = arith.constant 1 : i32
      %sub3A_1274 = arith.subi %div3A_1253, %sub3A_1273 : i32
      %select_n3A_1275 = arith.select %and3A_1272, %sub3A_1274, %div3A_1253 : i32
      %mul3A_1276 = arith.constant 8 : i32
      %mul3A_1277 = arith.muli %select_n3A_1275, %mul3A_1276 : i32
      %multiple_of3A_1278 = tpu.assume_multiple %mul3A_1277, 8 : i32
      %dma_start3A_1279 = arith.constant 1 : i32
      %dma_start3A_1280 = arith.constant 12 : i32
      %dma_start3A_1281 = arith.constant 0 : i32
      %dma_start3A_1282 = arith.constant 0 : i32
      %dma_start3A_1283 = tpu.memref_slice %arg6[%dma_start3A_1279, %dma_start3A_1280, %dma_start3A_1281, %dma_start3A_1282] : memref<2x16x8x64xf32, #tpu.memory_space<vmem>> -> memref<1x1x8x64xf32, #tpu.memory_space<vmem>>
      %dma_start3A_1284 = tpu.memref_squeeze %dma_start3A_1283 : memref<1x1x8x64xf32, #tpu.memory_space<vmem>> -> memref<8x64xf32, #tpu.memory_space<vmem>>
      %dma_start3A_1285 = arith.constant 0 : i32
      %dma_start3A_1286 = tpu.memref_slice %arg3[%multiple_of3A_1278, %dma_start3A_1285] : memref<1000000x64xf32, #tpu.memory_space<hbm>> -> memref<8x64xf32, #tpu.memory_space<hbm>>
      %dma_start3A_1287 = arith.constant 0 : i32
      %dma_start3A_1288 = arith.constant 0 : i32
      %dma_start3A_1289 = tpu.memref_slice %arg6[%dma_start3A_1279, %dma_start3A_1280, %dma_start3A_1287, %dma_start3A_1288] : memref<2x16x8x64xf32, #tpu.memory_space<vmem>> -> memref<1x1x8x64xf32, #tpu.memory_space<vmem>>
      %dma_start3A_1290 = tpu.memref_squeeze %dma_start3A_1289 : memref<1x1x8x64xf32, #tpu.memory_space<vmem>> -> memref<8x64xf32, #tpu.memory_space<vmem>>
      %dma_start3A_1291 = arith.constant 0 : i32
      %dma_start3A_1292 = tpu.memref_slice %arg3[%multiple_of3A_1278, %dma_start3A_1291] : memref<1000000x64xf32, #tpu.memory_space<hbm>> -> memref<8x64xf32, #tpu.memory_space<hbm>>
      tpu.enqueue_dma source(%dma_start3A_1292 : memref<8x64xf32, #tpu.memory_space<hbm>>) target(%dma_start3A_1290 : memref<8x64xf32, #tpu.memory_space<vmem>>) target_semaphore(%arg9 : memref<!tpu.dma_semaphore, #tpu.memory_space<semaphore_mem>>)
      %slice3A_1293 = vector.extract_strided_slice %get3A_733 {offsets = [13], sizes = [1], strides = [1]} : vector<16xi32> to vector<1xi32>
      %squeeze3A_1294 = vector.extract %slice3A_1293[0] : i32 from vector<1xi32>
      %jit3A_1295 = arith.constant 8 : i32
      %div3A_1296 = arith.divsi %squeeze3A_1294, %jit3A_1295 : i32
      %sign3A_1297 = arith.constant 0 : i32
      %sign3A_1298 = arith.cmpi sgt, %squeeze3A_1294, %sign3A_1297 : i32
      %sign3A_1299 = arith.extui %sign3A_1298 : i1 to i32
      %sign3A_1300 = arith.constant 0 : i32
      %sign3A_1301 = arith.cmpi slt, %squeeze3A_1294, %sign3A_1300 : i32
      %sign3A_1302 = arith.extui %sign3A_1301 : i1 to i32
      %sign3A_1303 = arith.subi %sign3A_1299, %sign3A_1302 : i32
      %sign3A_1304 = arith.constant 0 : i32
      %sign3A_1305 = arith.cmpi sgt, %jit3A_1295, %sign3A_1304 : i32
      %sign3A_1306 = arith.extui %sign3A_1305 : i1 to i32
      %sign3A_1307 = arith.constant 0 : i32
      %sign3A_1308 = arith.cmpi slt, %jit3A_1295, %sign3A_1307 : i32
      %sign3A_1309 = arith.extui %sign3A_1308 : i1 to i32
      %sign3A_1310 = arith.subi %sign3A_1306, %sign3A_1309 : i32
      %ne3A_1311 = arith.cmpi ne, %sign3A_1303, %sign3A_1310 : i32
      %rem3A_1312 = arith.remsi %squeeze3A_1294, %jit3A_1295 : i32
      %ne3A_1313 = arith.constant 0 : i32
      %ne3A_1314 = arith.cmpi ne, %rem3A_1312, %ne3A_1313 : i32
      %and3A_1315 = arith.andi %ne3A_1311, %ne3A_1314 : i1
      %sub3A_1316 = arith.constant 1 : i32
      %sub3A_1317 = arith.subi %div3A_1296, %sub3A_1316 : i32
      %select_n3A_1318 = arith.select %and3A_1315, %sub3A_1317, %div3A_1296 : i32
      %mul3A_1319 = arith.constant 8 : i32
      %mul3A_1320 = arith.muli %select_n3A_1318, %mul3A_1319 : i32
      %multiple_of3A_1321 = tpu.assume_multiple %mul3A_1320, 8 : i32
      %dma_start3A_1322 = arith.constant 1 : i32
      %dma_start3A_1323 = arith.constant 13 : i32
      %dma_start3A_1324 = arith.constant 0 : i32
      %dma_start3A_1325 = arith.constant 0 : i32
      %dma_start3A_1326 = tpu.memref_slice %arg6[%dma_start3A_1322, %dma_start3A_1323, %dma_start3A_1324, %dma_start3A_1325] : memref<2x16x8x64xf32, #tpu.memory_space<vmem>> -> memref<1x1x8x64xf32, #tpu.memory_space<vmem>>
      %dma_start3A_1327 = tpu.memref_squeeze %dma_start3A_1326 : memref<1x1x8x64xf32, #tpu.memory_space<vmem>> -> memref<8x64xf32, #tpu.memory_space<vmem>>
      %dma_start3A_1328 = arith.constant 0 : i32
      %dma_start3A_1329 = tpu.memref_slice %arg3[%multiple_of3A_1321, %dma_start3A_1328] : memref<1000000x64xf32, #tpu.memory_space<hbm>> -> memref<8x64xf32, #tpu.memory_space<hbm>>
      %dma_start3A_1330 = arith.constant 0 : i32
      %dma_start3A_1331 = arith.constant 0 : i32
      %dma_start3A_1332 = tpu.memref_slice %arg6[%dma_start3A_1322, %dma_start3A_1323, %dma_start3A_1330, %dma_start3A_1331] : memref<2x16x8x64xf32, #tpu.memory_space<vmem>> -> memref<1x1x8x64xf32, #tpu.memory_space<vmem>>
      %dma_start3A_1333 = tpu.memref_squeeze %dma_start3A_1332 : memref<1x1x8x64xf32, #tpu.memory_space<vmem>> -> memref<8x64xf32, #tpu.memory_space<vmem>>
      %dma_start3A_1334 = arith.constant 0 : i32
      %dma_start3A_1335 = tpu.memref_slice %arg3[%multiple_of3A_1321, %dma_start3A_1334] : memref<1000000x64xf32, #tpu.memory_space<hbm>> -> memref<8x64xf32, #tpu.memory_space<hbm>>
      tpu.enqueue_dma source(%dma_start3A_1335 : memref<8x64xf32, #tpu.memory_space<hbm>>) target(%dma_start3A_1333 : memref<8x64xf32, #tpu.memory_space<vmem>>) target_semaphore(%arg9 : memref<!tpu.dma_semaphore, #tpu.memory_space<semaphore_mem>>)
      %slice3A_1336 = vector.extract_strided_slice %get3A_733 {offsets = [14], sizes = [1], strides = [1]} : vector<16xi32> to vector<1xi32>
      %squeeze3A_1337 = vector.extract %slice3A_1336[0] : i32 from vector<1xi32>
      %jit3A_1338 = arith.constant 8 : i32
      %div3A_1339 = arith.divsi %squeeze3A_1337, %jit3A_1338 : i32
      %sign3A_1340 = arith.constant 0 : i32
      %sign3A_1341 = arith.cmpi sgt, %squeeze3A_1337, %sign3A_1340 : i32
      %sign3A_1342 = arith.extui %sign3A_1341 : i1 to i32
      %sign3A_1343 = arith.constant 0 : i32
      %sign3A_1344 = arith.cmpi slt, %squeeze3A_1337, %sign3A_1343 : i32
      %sign3A_1345 = arith.extui %sign3A_1344 : i1 to i32
      %sign3A_1346 = arith.subi %sign3A_1342, %sign3A_1345 : i32
      %sign3A_1347 = arith.constant 0 : i32
      %sign3A_1348 = arith.cmpi sgt, %jit3A_1338, %sign3A_1347 : i32
      %sign3A_1349 = arith.extui %sign3A_1348 : i1 to i32
      %sign3A_1350 = arith.constant 0 : i32
      %sign3A_1351 = arith.cmpi slt, %jit3A_1338, %sign3A_1350 : i32
      %sign3A_1352 = arith.extui %sign3A_1351 : i1 to i32
      %sign3A_1353 = arith.subi %sign3A_1349, %sign3A_1352 : i32
      %ne3A_1354 = arith.cmpi ne, %sign3A_1346, %sign3A_1353 : i32
      %rem3A_1355 = arith.remsi %squeeze3A_1337, %jit3A_1338 : i32
      %ne3A_1356 = arith.constant 0 : i32
      %ne3A_1357 = arith.cmpi ne, %rem3A_1355, %ne3A_1356 : i32
      %and3A_1358 = arith.andi %ne3A_1354, %ne3A_1357 : i1
      %sub3A_1359 = arith.constant 1 : i32
      %sub3A_1360 = arith.subi %div3A_1339, %sub3A_1359 : i32
      %select_n3A_1361 = arith.select %and3A_1358, %sub3A_1360, %div3A_1339 : i32
      %mul3A_1362 = arith.constant 8 : i32
      %mul3A_1363 = arith.muli %select_n3A_1361, %mul3A_1362 : i32
      %multiple_of3A_1364 = tpu.assume_multiple %mul3A_1363, 8 : i32
      %dma_start3A_1365 = arith.constant 1 : i32
      %dma_start3A_1366 = arith.constant 14 : i32
      %dma_start3A_1367 = arith.constant 0 : i32
      %dma_start3A_1368 = arith.constant 0 : i32
      %dma_start3A_1369 = tpu.memref_slice %arg6[%dma_start3A_1365, %dma_start3A_1366, %dma_start3A_1367, %dma_start3A_1368] : memref<2x16x8x64xf32, #tpu.memory_space<vmem>> -> memref<1x1x8x64xf32, #tpu.memory_space<vmem>>
      %dma_start3A_1370 = tpu.memref_squeeze %dma_start3A_1369 : memref<1x1x8x64xf32, #tpu.memory_space<vmem>> -> memref<8x64xf32, #tpu.memory_space<vmem>>
      %dma_start3A_1371 = arith.constant 0 : i32
      %dma_start3A_1372 = tpu.memref_slice %arg3[%multiple_of3A_1364, %dma_start3A_1371] : memref<1000000x64xf32, #tpu.memory_space<hbm>> -> memref<8x64xf32, #tpu.memory_space<hbm>>
      %dma_start3A_1373 = arith.constant 0 : i32
      %dma_start3A_1374 = arith.constant 0 : i32
      %dma_start3A_1375 = tpu.memref_slice %arg6[%dma_start3A_1365, %dma_start3A_1366, %dma_start3A_1373, %dma_start3A_1374] : memref<2x16x8x64xf32, #tpu.memory_space<vmem>> -> memref<1x1x8x64xf32, #tpu.memory_space<vmem>>
      %dma_start3A_1376 = tpu.memref_squeeze %dma_start3A_1375 : memref<1x1x8x64xf32, #tpu.memory_space<vmem>> -> memref<8x64xf32, #tpu.memory_space<vmem>>
      %dma_start3A_1377 = arith.constant 0 : i32
      %dma_start3A_1378 = tpu.memref_slice %arg3[%multiple_of3A_1364, %dma_start3A_1377] : memref<1000000x64xf32, #tpu.memory_space<hbm>> -> memref<8x64xf32, #tpu.memory_space<hbm>>
      tpu.enqueue_dma source(%dma_start3A_1378 : memref<8x64xf32, #tpu.memory_space<hbm>>) target(%dma_start3A_1376 : memref<8x64xf32, #tpu.memory_space<vmem>>) target_semaphore(%arg9 : memref<!tpu.dma_semaphore, #tpu.memory_space<semaphore_mem>>)
      %slice3A_1379 = vector.extract_strided_slice %get3A_733 {offsets = [15], sizes = [1], strides = [1]} : vector<16xi32> to vector<1xi32>
      %squeeze3A_1380 = vector.extract %slice3A_1379[0] : i32 from vector<1xi32>
      %jit3A_1381 = arith.constant 8 : i32
      %div3A_1382 = arith.divsi %squeeze3A_1380, %jit3A_1381 : i32
      %sign3A_1383 = arith.constant 0 : i32
      %sign3A_1384 = arith.cmpi sgt, %squeeze3A_1380, %sign3A_1383 : i32
      %sign3A_1385 = arith.extui %sign3A_1384 : i1 to i32
      %sign3A_1386 = arith.constant 0 : i32
      %sign3A_1387 = arith.cmpi slt, %squeeze3A_1380, %sign3A_1386 : i32
      %sign3A_1388 = arith.extui %sign3A_1387 : i1 to i32
      %sign3A_1389 = arith.subi %sign3A_1385, %sign3A_1388 : i32
      %sign3A_1390 = arith.constant 0 : i32
      %sign3A_1391 = arith.cmpi sgt, %jit3A_1381, %sign3A_1390 : i32
      %sign3A_1392 = arith.extui %sign3A_1391 : i1 to i32
      %sign3A_1393 = arith.constant 0 : i32
      %sign3A_1394 = arith.cmpi slt, %jit3A_1381, %sign3A_1393 : i32
      %sign3A_1395 = arith.extui %sign3A_1394 : i1 to i32
      %sign3A_1396 = arith.subi %sign3A_1392, %sign3A_1395 : i32
      %ne3A_1397 = arith.cmpi ne, %sign3A_1389, %sign3A_1396 : i32
      %rem3A_1398 = arith.remsi %squeeze3A_1380, %jit3A_1381 : i32
      %ne3A_1399 = arith.constant 0 : i32
      %ne3A_1400 = arith.cmpi ne, %rem3A_1398, %ne3A_1399 : i32
      %and3A_1401 = arith.andi %ne3A_1397, %ne3A_1400 : i1
      %sub3A_1402 = arith.constant 1 : i32
      %sub3A_1403 = arith.subi %div3A_1382, %sub3A_1402 : i32
      %select_n3A_1404 = arith.select %and3A_1401, %sub3A_1403, %div3A_1382 : i32
      %mul3A_1405 = arith.constant 8 : i32
      %mul3A_1406 = arith.muli %select_n3A_1404, %mul3A_1405 : i32
      %multiple_of3A_1407 = tpu.assume_multiple %mul3A_1406, 8 : i32
      %dma_start3A_1408 = arith.constant 1 : i32
      %dma_start3A_1409 = arith.constant 15 : i32
      %dma_start3A_1410 = arith.constant 0 : i32
      %dma_start3A_1411 = arith.constant 0 : i32
      %dma_start3A_1412 = tpu.memref_slice %arg6[%dma_start3A_1408, %dma_start3A_1409, %dma_start3A_1410, %dma_start3A_1411] : memref<2x16x8x64xf32, #tpu.memory_space<vmem>> -> memref<1x1x8x64xf32, #tpu.memory_space<vmem>>
      %dma_start3A_1413 = tpu.memref_squeeze %dma_start3A_1412 : memref<1x1x8x64xf32, #tpu.memory_space<vmem>> -> memref<8x64xf32, #tpu.memory_space<vmem>>
      %dma_start3A_1414 = arith.constant 0 : i32
      %dma_start3A_1415 = tpu.memref_slice %arg3[%multiple_of3A_1407, %dma_start3A_1414] : memref<1000000x64xf32, #tpu.memory_space<hbm>> -> memref<8x64xf32, #tpu.memory_space<hbm>>
      %dma_start3A_1416 = arith.constant 0 : i32
      %dma_start3A_1417 = arith.constant 0 : i32
      %dma_start3A_1418 = tpu.memref_slice %arg6[%dma_start3A_1408, %dma_start3A_1409, %dma_start3A_1416, %dma_start3A_1417] : memref<2x16x8x64xf32, #tpu.memory_space<vmem>> -> memref<1x1x8x64xf32, #tpu.memory_space<vmem>>
      %dma_start3A_1419 = tpu.memref_squeeze %dma_start3A_1418 : memref<1x1x8x64xf32, #tpu.memory_space<vmem>> -> memref<8x64xf32, #tpu.memory_space<vmem>>
      %dma_start3A_1420 = arith.constant 0 : i32
      %dma_start3A_1421 = tpu.memref_slice %arg3[%multiple_of3A_1407, %dma_start3A_1420] : memref<1000000x64xf32, #tpu.memory_space<hbm>> -> memref<8x64xf32, #tpu.memory_space<hbm>>
      tpu.enqueue_dma source(%dma_start3A_1421 : memref<8x64xf32, #tpu.memory_space<hbm>>) target(%dma_start3A_1419 : memref<8x64xf32, #tpu.memory_space<vmem>>) target_semaphore(%arg9 : memref<!tpu.dma_semaphore, #tpu.memory_space<semaphore_mem>>)
      %dma_wait3A = arith.constant 0 : i32
      %dma_wait3A_1422 = arith.constant 0 : i32
      %dma_wait3A_1423 = arith.constant 0 : i32
      %dma_wait3A_1424 = arith.constant 0 : i32
      %dma_wait3A_1425 = tpu.memref_slice %arg6[%dma_wait3A, %dma_wait3A_1422, %dma_wait3A_1423, %dma_wait3A_1424] : memref<2x16x8x64xf32, #tpu.memory_space<vmem>> -> memref<1x1x8x64xf32, #tpu.memory_space<vmem>>
      %dma_wait3A_1426 = tpu.memref_squeeze %dma_wait3A_1425 : memref<1x1x8x64xf32, #tpu.memory_space<vmem>> -> memref<8x64xf32, #tpu.memory_space<vmem>>
      %dma_wait3A_1427 = arith.constant 0 : i32
      %dma_wait3A_1428 = arith.constant 0 : i32
      %dma_wait3A_1429 = tpu.memref_slice %arg3[%dma_wait3A_1427, %dma_wait3A_1428] : memref<1000000x64xf32, #tpu.memory_space<hbm>> -> memref<8x64xf32, #tpu.memory_space<hbm>>
      %dma_wait3A_1430 = arith.constant 0 : i32
      %dma_wait3A_1431 = arith.constant 0 : i32
      %dma_wait3A_1432 = tpu.memref_slice %arg6[%dma_wait3A, %dma_wait3A_1422, %dma_wait3A_1430, %dma_wait3A_1431] : memref<2x16x8x64xf32, #tpu.memory_space<vmem>> -> memref<1x1x8x64xf32, #tpu.memory_space<vmem>>
      %dma_wait3A_1433 = tpu.memref_squeeze %dma_wait3A_1432 : memref<1x1x8x64xf32, #tpu.memory_space<vmem>> -> memref<8x64xf32, #tpu.memory_space<vmem>>
      %dma_wait3A_1434 = arith.constant 0 : i32
      %dma_wait3A_1435 = arith.constant 0 : i32
      %dma_wait3A_1436 = tpu.memref_slice %arg3[%dma_wait3A_1434, %dma_wait3A_1435] : memref<1000000x64xf32, #tpu.memory_space<hbm>> -> memref<8x64xf32, #tpu.memory_space<hbm>>
      tpu.wait_dma2 semaphore(%arg8 : memref<!tpu.dma_semaphore, #tpu.memory_space<semaphore_mem>>) src(%dma_wait3A_1436 : memref<8x64xf32, #tpu.memory_space<hbm>>) dst(%dma_wait3A_1433 : memref<8x64xf32, #tpu.memory_space<vmem>>)
      %dma_wait3A_1437 = arith.constant 0 : i32
      %dma_wait3A_1438 = arith.constant 1 : i32
      %dma_wait3A_1439 = arith.constant 0 : i32
      %dma_wait3A_1440 = arith.constant 0 : i32
      %dma_wait3A_1441 = tpu.memref_slice %arg6[%dma_wait3A_1437, %dma_wait3A_1438, %dma_wait3A_1439, %dma_wait3A_1440] : memref<2x16x8x64xf32, #tpu.memory_space<vmem>> -> memref<1x1x8x64xf32, #tpu.memory_space<vmem>>
      %dma_wait3A_1442 = tpu.memref_squeeze %dma_wait3A_1441 : memref<1x1x8x64xf32, #tpu.memory_space<vmem>> -> memref<8x64xf32, #tpu.memory_space<vmem>>
      %dma_wait3A_1443 = arith.constant 0 : i32
      %dma_wait3A_1444 = arith.constant 0 : i32
      %dma_wait3A_1445 = tpu.memref_slice %arg3[%dma_wait3A_1443, %dma_wait3A_1444] : memref<1000000x64xf32, #tpu.memory_space<hbm>> -> memref<8x64xf32, #tpu.memory_space<hbm>>
      %dma_wait3A_1446 = arith.constant 0 : i32
      %dma_wait3A_1447 = arith.constant 0 : i32
      %dma_wait3A_1448 = tpu.memref_slice %arg6[%dma_wait3A_1437, %dma_wait3A_1438, %dma_wait3A_1446, %dma_wait3A_1447] : memref<2x16x8x64xf32, #tpu.memory_space<vmem>> -> memref<1x1x8x64xf32, #tpu.memory_space<vmem>>
      %dma_wait3A_1449 = tpu.memref_squeeze %dma_wait3A_1448 : memref<1x1x8x64xf32, #tpu.memory_space<vmem>> -> memref<8x64xf32, #tpu.memory_space<vmem>>
      %dma_wait3A_1450 = arith.constant 0 : i32
      %dma_wait3A_1451 = arith.constant 0 : i32
      %dma_wait3A_1452 = tpu.memref_slice %arg3[%dma_wait3A_1450, %dma_wait3A_1451] : memref<1000000x64xf32, #tpu.memory_space<hbm>> -> memref<8x64xf32, #tpu.memory_space<hbm>>
      tpu.wait_dma2 semaphore(%arg8 : memref<!tpu.dma_semaphore, #tpu.memory_space<semaphore_mem>>) src(%dma_wait3A_1452 : memref<8x64xf32, #tpu.memory_space<hbm>>) dst(%dma_wait3A_1449 : memref<8x64xf32, #tpu.memory_space<vmem>>)
      %dma_wait3A_1453 = arith.constant 0 : i32
      %dma_wait3A_1454 = arith.constant 2 : i32
      %dma_wait3A_1455 = arith.constant 0 : i32
      %dma_wait3A_1456 = arith.constant 0 : i32
      %dma_wait3A_1457 = tpu.memref_slice %arg6[%dma_wait3A_1453, %dma_wait3A_1454, %dma_wait3A_1455, %dma_wait3A_1456] : memref<2x16x8x64xf32, #tpu.memory_space<vmem>> -> memref<1x1x8x64xf32, #tpu.memory_space<vmem>>
      %dma_wait3A_1458 = tpu.memref_squeeze %dma_wait3A_1457 : memref<1x1x8x64xf32, #tpu.memory_space<vmem>> -> memref<8x64xf32, #tpu.memory_space<vmem>>
      %dma_wait3A_1459 = arith.constant 0 : i32
      %dma_wait3A_1460 = arith.constant 0 : i32
      %dma_wait3A_1461 = tpu.memref_slice %arg3[%dma_wait3A_1459, %dma_wait3A_1460] : memref<1000000x64xf32, #tpu.memory_space<hbm>> -> memref<8x64xf32, #tpu.memory_space<hbm>>
      %dma_wait3A_1462 = arith.constant 0 : i32
      %dma_wait3A_1463 = arith.constant 0 : i32
      %dma_wait3A_1464 = tpu.memref_slice %arg6[%dma_wait3A_1453, %dma_wait3A_1454, %dma_wait3A_1462, %dma_wait3A_1463] : memref<2x16x8x64xf32, #tpu.memory_space<vmem>> -> memref<1x1x8x64xf32, #tpu.memory_space<vmem>>
      %dma_wait3A_1465 = tpu.memref_squeeze %dma_wait3A_1464 : memref<1x1x8x64xf32, #tpu.memory_space<vmem>> -> memref<8x64xf32, #tpu.memory_space<vmem>>
      %dma_wait3A_1466 = arith.constant 0 : i32
      %dma_wait3A_1467 = arith.constant 0 : i32
      %dma_wait3A_1468 = tpu.memref_slice %arg3[%dma_wait3A_1466, %dma_wait3A_1467] : memref<1000000x64xf32, #tpu.memory_space<hbm>> -> memref<8x64xf32, #tpu.memory_space<hbm>>
      tpu.wait_dma2 semaphore(%arg8 : memref<!tpu.dma_semaphore, #tpu.memory_space<semaphore_mem>>) src(%dma_wait3A_1468 : memref<8x64xf32, #tpu.memory_space<hbm>>) dst(%dma_wait3A_1465 : memref<8x64xf32, #tpu.memory_space<vmem>>)
      %dma_wait3A_1469 = arith.constant 0 : i32
      %dma_wait3A_1470 = arith.constant 3 : i32
      %dma_wait3A_1471 = arith.constant 0 : i32
      %dma_wait3A_1472 = arith.constant 0 : i32
      %dma_wait3A_1473 = tpu.memref_slice %arg6[%dma_wait3A_1469, %dma_wait3A_1470, %dma_wait3A_1471, %dma_wait3A_1472] : memref<2x16x8x64xf32, #tpu.memory_space<vmem>> -> memref<1x1x8x64xf32, #tpu.memory_space<vmem>>
      %dma_wait3A_1474 = tpu.memref_squeeze %dma_wait3A_1473 : memref<1x1x8x64xf32, #tpu.memory_space<vmem>> -> memref<8x64xf32, #tpu.memory_space<vmem>>
      %dma_wait3A_1475 = arith.constant 0 : i32
      %dma_wait3A_1476 = arith.constant 0 : i32
      %dma_wait3A_1477 = tpu.memref_slice %arg3[%dma_wait3A_1475, %dma_wait3A_1476] : memref<1000000x64xf32, #tpu.memory_space<hbm>> -> memref<8x64xf32, #tpu.memory_space<hbm>>
      %dma_wait3A_1478 = arith.constant 0 : i32
      %dma_wait3A_1479 = arith.constant 0 : i32
      %dma_wait3A_1480 = tpu.memref_slice %arg6[%dma_wait3A_1469, %dma_wait3A_1470, %dma_wait3A_1478, %dma_wait3A_1479] : memref<2x16x8x64xf32, #tpu.memory_space<vmem>> -> memref<1x1x8x64xf32, #tpu.memory_space<vmem>>
      %dma_wait3A_1481 = tpu.memref_squeeze %dma_wait3A_1480 : memref<1x1x8x64xf32, #tpu.memory_space<vmem>> -> memref<8x64xf32, #tpu.memory_space<vmem>>
      %dma_wait3A_1482 = arith.constant 0 : i32
      %dma_wait3A_1483 = arith.constant 0 : i32
      %dma_wait3A_1484 = tpu.memref_slice %arg3[%dma_wait3A_1482, %dma_wait3A_1483] : memref<1000000x64xf32, #tpu.memory_space<hbm>> -> memref<8x64xf32, #tpu.memory_space<hbm>>
      tpu.wait_dma2 semaphore(%arg8 : memref<!tpu.dma_semaphore, #tpu.memory_space<semaphore_mem>>) src(%dma_wait3A_1484 : memref<8x64xf32, #tpu.memory_space<hbm>>) dst(%dma_wait3A_1481 : memref<8x64xf32, #tpu.memory_space<vmem>>)
      %dma_wait3A_1485 = arith.constant 0 : i32
      %dma_wait3A_1486 = arith.constant 4 : i32
      %dma_wait3A_1487 = arith.constant 0 : i32
      %dma_wait3A_1488 = arith.constant 0 : i32
      %dma_wait3A_1489 = tpu.memref_slice %arg6[%dma_wait3A_1485, %dma_wait3A_1486, %dma_wait3A_1487, %dma_wait3A_1488] : memref<2x16x8x64xf32, #tpu.memory_space<vmem>> -> memref<1x1x8x64xf32, #tpu.memory_space<vmem>>
      %dma_wait3A_1490 = tpu.memref_squeeze %dma_wait3A_1489 : memref<1x1x8x64xf32, #tpu.memory_space<vmem>> -> memref<8x64xf32, #tpu.memory_space<vmem>>
      %dma_wait3A_1491 = arith.constant 0 : i32
      %dma_wait3A_1492 = arith.constant 0 : i32
      %dma_wait3A_1493 = tpu.memref_slice %arg3[%dma_wait3A_1491, %dma_wait3A_1492] : memref<1000000x64xf32, #tpu.memory_space<hbm>> -> memref<8x64xf32, #tpu.memory_space<hbm>>
      %dma_wait3A_1494 = arith.constant 0 : i32
      %dma_wait3A_1495 = arith.constant 0 : i32
      %dma_wait3A_1496 = tpu.memref_slice %arg6[%dma_wait3A_1485, %dma_wait3A_1486, %dma_wait3A_1494, %dma_wait3A_1495] : memref<2x16x8x64xf32, #tpu.memory_space<vmem>> -> memref<1x1x8x64xf32, #tpu.memory_space<vmem>>
      %dma_wait3A_1497 = tpu.memref_squeeze %dma_wait3A_1496 : memref<1x1x8x64xf32, #tpu.memory_space<vmem>> -> memref<8x64xf32, #tpu.memory_space<vmem>>
      %dma_wait3A_1498 = arith.constant 0 : i32
      %dma_wait3A_1499 = arith.constant 0 : i32
      %dma_wait3A_1500 = tpu.memref_slice %arg3[%dma_wait3A_1498, %dma_wait3A_1499] : memref<1000000x64xf32, #tpu.memory_space<hbm>> -> memref<8x64xf32, #tpu.memory_space<hbm>>
      tpu.wait_dma2 semaphore(%arg8 : memref<!tpu.dma_semaphore, #tpu.memory_space<semaphore_mem>>) src(%dma_wait3A_1500 : memref<8x64xf32, #tpu.memory_space<hbm>>) dst(%dma_wait3A_1497 : memref<8x64xf32, #tpu.memory_space<vmem>>)
      %dma_wait3A_1501 = arith.constant 0 : i32
      %dma_wait3A_1502 = arith.constant 5 : i32
      %dma_wait3A_1503 = arith.constant 0 : i32
      %dma_wait3A_1504 = arith.constant 0 : i32
      %dma_wait3A_1505 = tpu.memref_slice %arg6[%dma_wait3A_1501, %dma_wait3A_1502, %dma_wait3A_1503, %dma_wait3A_1504] : memref<2x16x8x64xf32, #tpu.memory_space<vmem>> -> memref<1x1x8x64xf32, #tpu.memory_space<vmem>>
      %dma_wait3A_1506 = tpu.memref_squeeze %dma_wait3A_1505 : memref<1x1x8x64xf32, #tpu.memory_space<vmem>> -> memref<8x64xf32, #tpu.memory_space<vmem>>
      %dma_wait3A_1507 = arith.constant 0 : i32
      %dma_wait3A_1508 = arith.constant 0 : i32
      %dma_wait3A_1509 = tpu.memref_slice %arg3[%dma_wait3A_1507, %dma_wait3A_1508] : memref<1000000x64xf32, #tpu.memory_space<hbm>> -> memref<8x64xf32, #tpu.memory_space<hbm>>
      %dma_wait3A_1510 = arith.constant 0 : i32
      %dma_wait3A_1511 = arith.constant 0 : i32
      %dma_wait3A_1512 = tpu.memref_slice %arg6[%dma_wait3A_1501, %dma_wait3A_1502, %dma_wait3A_1510, %dma_wait3A_1511] : memref<2x16x8x64xf32, #tpu.memory_space<vmem>> -> memref<1x1x8x64xf32, #tpu.memory_space<vmem>>
      %dma_wait3A_1513 = tpu.memref_squeeze %dma_wait3A_1512 : memref<1x1x8x64xf32, #tpu.memory_space<vmem>> -> memref<8x64xf32, #tpu.memory_space<vmem>>
      %dma_wait3A_1514 = arith.constant 0 : i32
      %dma_wait3A_1515 = arith.constant 0 : i32
      %dma_wait3A_1516 = tpu.memref_slice %arg3[%dma_wait3A_1514, %dma_wait3A_1515] : memref<1000000x64xf32, #tpu.memory_space<hbm>> -> memref<8x64xf32, #tpu.memory_space<hbm>>
      tpu.wait_dma2 semaphore(%arg8 : memref<!tpu.dma_semaphore, #tpu.memory_space<semaphore_mem>>) src(%dma_wait3A_1516 : memref<8x64xf32, #tpu.memory_space<hbm>>) dst(%dma_wait3A_1513 : memref<8x64xf32, #tpu.memory_space<vmem>>)
      %dma_wait3A_1517 = arith.constant 0 : i32
      %dma_wait3A_1518 = arith.constant 6 : i32
      %dma_wait3A_1519 = arith.constant 0 : i32
      %dma_wait3A_1520 = arith.constant 0 : i32
      %dma_wait3A_1521 = tpu.memref_slice %arg6[%dma_wait3A_1517, %dma_wait3A_1518, %dma_wait3A_1519, %dma_wait3A_1520] : memref<2x16x8x64xf32, #tpu.memory_space<vmem>> -> memref<1x1x8x64xf32, #tpu.memory_space<vmem>>
      %dma_wait3A_1522 = tpu.memref_squeeze %dma_wait3A_1521 : memref<1x1x8x64xf32, #tpu.memory_space<vmem>> -> memref<8x64xf32, #tpu.memory_space<vmem>>
      %dma_wait3A_1523 = arith.constant 0 : i32
      %dma_wait3A_1524 = arith.constant 0 : i32
      %dma_wait3A_1525 = tpu.memref_slice %arg3[%dma_wait3A_1523, %dma_wait3A_1524] : memref<1000000x64xf32, #tpu.memory_space<hbm>> -> memref<8x64xf32, #tpu.memory_space<hbm>>
      %dma_wait3A_1526 = arith.constant 0 : i32
      %dma_wait3A_1527 = arith.constant 0 : i32
      %dma_wait3A_1528 = tpu.memref_slice %arg6[%dma_wait3A_1517, %dma_wait3A_1518, %dma_wait3A_1526, %dma_wait3A_1527] : memref<2x16x8x64xf32, #tpu.memory_space<vmem>> -> memref<1x1x8x64xf32, #tpu.memory_space<vmem>>
      %dma_wait3A_1529 = tpu.memref_squeeze %dma_wait3A_1528 : memref<1x1x8x64xf32, #tpu.memory_space<vmem>> -> memref<8x64xf32, #tpu.memory_space<vmem>>
      %dma_wait3A_1530 = arith.constant 0 : i32
      %dma_wait3A_1531 = arith.constant 0 : i32
      %dma_wait3A_1532 = tpu.memref_slice %arg3[%dma_wait3A_1530, %dma_wait3A_1531] : memref<1000000x64xf32, #tpu.memory_space<hbm>> -> memref<8x64xf32, #tpu.memory_space<hbm>>
      tpu.wait_dma2 semaphore(%arg8 : memref<!tpu.dma_semaphore, #tpu.memory_space<semaphore_mem>>) src(%dma_wait3A_1532 : memref<8x64xf32, #tpu.memory_space<hbm>>) dst(%dma_wait3A_1529 : memref<8x64xf32, #tpu.memory_space<vmem>>)
      %dma_wait3A_1533 = arith.constant 0 : i32
      %dma_wait3A_1534 = arith.constant 7 : i32
      %dma_wait3A_1535 = arith.constant 0 : i32
      %dma_wait3A_1536 = arith.constant 0 : i32
      %dma_wait3A_1537 = tpu.memref_slice %arg6[%dma_wait3A_1533, %dma_wait3A_1534, %dma_wait3A_1535, %dma_wait3A_1536] : memref<2x16x8x64xf32, #tpu.memory_space<vmem>> -> memref<1x1x8x64xf32, #tpu.memory_space<vmem>>
      %dma_wait3A_1538 = tpu.memref_squeeze %dma_wait3A_1537 : memref<1x1x8x64xf32, #tpu.memory_space<vmem>> -> memref<8x64xf32, #tpu.memory_space<vmem>>
      %dma_wait3A_1539 = arith.constant 0 : i32
      %dma_wait3A_1540 = arith.constant 0 : i32
      %dma_wait3A_1541 = tpu.memref_slice %arg3[%dma_wait3A_1539, %dma_wait3A_1540] : memref<1000000x64xf32, #tpu.memory_space<hbm>> -> memref<8x64xf32, #tpu.memory_space<hbm>>
      %dma_wait3A_1542 = arith.constant 0 : i32
      %dma_wait3A_1543 = arith.constant 0 : i32
      %dma_wait3A_1544 = tpu.memref_slice %arg6[%dma_wait3A_1533, %dma_wait3A_1534, %dma_wait3A_1542, %dma_wait3A_1543] : memref<2x16x8x64xf32, #tpu.memory_space<vmem>> -> memref<1x1x8x64xf32, #tpu.memory_space<vmem>>
      %dma_wait3A_1545 = tpu.memref_squeeze %dma_wait3A_1544 : memref<1x1x8x64xf32, #tpu.memory_space<vmem>> -> memref<8x64xf32, #tpu.memory_space<vmem>>
      %dma_wait3A_1546 = arith.constant 0 : i32
      %dma_wait3A_1547 = arith.constant 0 : i32
      %dma_wait3A_1548 = tpu.memref_slice %arg3[%dma_wait3A_1546, %dma_wait3A_1547] : memref<1000000x64xf32, #tpu.memory_space<hbm>> -> memref<8x64xf32, #tpu.memory_space<hbm>>
      tpu.wait_dma2 semaphore(%arg8 : memref<!tpu.dma_semaphore, #tpu.memory_space<semaphore_mem>>) src(%dma_wait3A_1548 : memref<8x64xf32, #tpu.memory_space<hbm>>) dst(%dma_wait3A_1545 : memref<8x64xf32, #tpu.memory_space<vmem>>)
      %dma_wait3A_1549 = arith.constant 0 : i32
      %dma_wait3A_1550 = arith.constant 8 : i32
      %dma_wait3A_1551 = arith.constant 0 : i32
      %dma_wait3A_1552 = arith.constant 0 : i32
      %dma_wait3A_1553 = tpu.memref_slice %arg6[%dma_wait3A_1549, %dma_wait3A_1550, %dma_wait3A_1551, %dma_wait3A_1552] : memref<2x16x8x64xf32, #tpu.memory_space<vmem>> -> memref<1x1x8x64xf32, #tpu.memory_space<vmem>>
      %dma_wait3A_1554 = tpu.memref_squeeze %dma_wait3A_1553 : memref<1x1x8x64xf32, #tpu.memory_space<vmem>> -> memref<8x64xf32, #tpu.memory_space<vmem>>
      %dma_wait3A_1555 = arith.constant 0 : i32
      %dma_wait3A_1556 = arith.constant 0 : i32
      %dma_wait3A_1557 = tpu.memref_slice %arg3[%dma_wait3A_1555, %dma_wait3A_1556] : memref<1000000x64xf32, #tpu.memory_space<hbm>> -> memref<8x64xf32, #tpu.memory_space<hbm>>
      %dma_wait3A_1558 = arith.constant 0 : i32
      %dma_wait3A_1559 = arith.constant 0 : i32
      %dma_wait3A_1560 = tpu.memref_slice %arg6[%dma_wait3A_1549, %dma_wait3A_1550, %dma_wait3A_1558, %dma_wait3A_1559] : memref<2x16x8x64xf32, #tpu.memory_space<vmem>> -> memref<1x1x8x64xf32, #tpu.memory_space<vmem>>
      %dma_wait3A_1561 = tpu.memref_squeeze %dma_wait3A_1560 : memref<1x1x8x64xf32, #tpu.memory_space<vmem>> -> memref<8x64xf32, #tpu.memory_space<vmem>>
      %dma_wait3A_1562 = arith.constant 0 : i32
      %dma_wait3A_1563 = arith.constant 0 : i32
      %dma_wait3A_1564 = tpu.memref_slice %arg3[%dma_wait3A_1562, %dma_wait3A_1563] : memref<1000000x64xf32, #tpu.memory_space<hbm>> -> memref<8x64xf32, #tpu.memory_space<hbm>>
      tpu.wait_dma2 semaphore(%arg8 : memref<!tpu.dma_semaphore, #tpu.memory_space<semaphore_mem>>) src(%dma_wait3A_1564 : memref<8x64xf32, #tpu.memory_space<hbm>>) dst(%dma_wait3A_1561 : memref<8x64xf32, #tpu.memory_space<vmem>>)
      %dma_wait3A_1565 = arith.constant 0 : i32
      %dma_wait3A_1566 = arith.constant 9 : i32
      %dma_wait3A_1567 = arith.constant 0 : i32
      %dma_wait3A_1568 = arith.constant 0 : i32
      %dma_wait3A_1569 = tpu.memref_slice %arg6[%dma_wait3A_1565, %dma_wait3A_1566, %dma_wait3A_1567, %dma_wait3A_1568] : memref<2x16x8x64xf32, #tpu.memory_space<vmem>> -> memref<1x1x8x64xf32, #tpu.memory_space<vmem>>
      %dma_wait3A_1570 = tpu.memref_squeeze %dma_wait3A_1569 : memref<1x1x8x64xf32, #tpu.memory_space<vmem>> -> memref<8x64xf32, #tpu.memory_space<vmem>>
      %dma_wait3A_1571 = arith.constant 0 : i32
      %dma_wait3A_1572 = arith.constant 0 : i32
      %dma_wait3A_1573 = tpu.memref_slice %arg3[%dma_wait3A_1571, %dma_wait3A_1572] : memref<1000000x64xf32, #tpu.memory_space<hbm>> -> memref<8x64xf32, #tpu.memory_space<hbm>>
      %dma_wait3A_1574 = arith.constant 0 : i32
      %dma_wait3A_1575 = arith.constant 0 : i32
      %dma_wait3A_1576 = tpu.memref_slice %arg6[%dma_wait3A_1565, %dma_wait3A_1566, %dma_wait3A_1574, %dma_wait3A_1575] : memref<2x16x8x64xf32, #tpu.memory_space<vmem>> -> memref<1x1x8x64xf32, #tpu.memory_space<vmem>>
      %dma_wait3A_1577 = tpu.memref_squeeze %dma_wait3A_1576 : memref<1x1x8x64xf32, #tpu.memory_space<vmem>> -> memref<8x64xf32, #tpu.memory_space<vmem>>
      %dma_wait3A_1578 = arith.constant 0 : i32
      %dma_wait3A_1579 = arith.constant 0 : i32
      %dma_wait3A_1580 = tpu.memref_slice %arg3[%dma_wait3A_1578, %dma_wait3A_1579] : memref<1000000x64xf32, #tpu.memory_space<hbm>> -> memref<8x64xf32, #tpu.memory_space<hbm>>
      tpu.wait_dma2 semaphore(%arg8 : memref<!tpu.dma_semaphore, #tpu.memory_space<semaphore_mem>>) src(%dma_wait3A_1580 : memref<8x64xf32, #tpu.memory_space<hbm>>) dst(%dma_wait3A_1577 : memref<8x64xf32, #tpu.memory_space<vmem>>)
      %dma_wait3A_1581 = arith.constant 0 : i32
      %dma_wait3A_1582 = arith.constant 10 : i32
      %dma_wait3A_1583 = arith.constant 0 : i32
      %dma_wait3A_1584 = arith.constant 0 : i32
      %dma_wait3A_1585 = tpu.memref_slice %arg6[%dma_wait3A_1581, %dma_wait3A_1582, %dma_wait3A_1583, %dma_wait3A_1584] : memref<2x16x8x64xf32, #tpu.memory_space<vmem>> -> memref<1x1x8x64xf32, #tpu.memory_space<vmem>>
      %dma_wait3A_1586 = tpu.memref_squeeze %dma_wait3A_1585 : memref<1x1x8x64xf32, #tpu.memory_space<vmem>> -> memref<8x64xf32, #tpu.memory_space<vmem>>
      %dma_wait3A_1587 = arith.constant 0 : i32
      %dma_wait3A_1588 = arith.constant 0 : i32
      %dma_wait3A_1589 = tpu.memref_slice %arg3[%dma_wait3A_1587, %dma_wait3A_1588] : memref<1000000x64xf32, #tpu.memory_space<hbm>> -> memref<8x64xf32, #tpu.memory_space<hbm>>
      %dma_wait3A_1590 = arith.constant 0 : i32
      %dma_wait3A_1591 = arith.constant 0 : i32
      %dma_wait3A_1592 = tpu.memref_slice %arg6[%dma_wait3A_1581, %dma_wait3A_1582, %dma_wait3A_1590, %dma_wait3A_1591] : memref<2x16x8x64xf32, #tpu.memory_space<vmem>> -> memref<1x1x8x64xf32, #tpu.memory_space<vmem>>
      %dma_wait3A_1593 = tpu.memref_squeeze %dma_wait3A_1592 : memref<1x1x8x64xf32, #tpu.memory_space<vmem>> -> memref<8x64xf32, #tpu.memory_space<vmem>>
      %dma_wait3A_1594 = arith.constant 0 : i32
      %dma_wait3A_1595 = arith.constant 0 : i32
      %dma_wait3A_1596 = tpu.memref_slice %arg3[%dma_wait3A_1594, %dma_wait3A_1595] : memref<1000000x64xf32, #tpu.memory_space<hbm>> -> memref<8x64xf32, #tpu.memory_space<hbm>>
      tpu.wait_dma2 semaphore(%arg8 : memref<!tpu.dma_semaphore, #tpu.memory_space<semaphore_mem>>) src(%dma_wait3A_1596 : memref<8x64xf32, #tpu.memory_space<hbm>>) dst(%dma_wait3A_1593 : memref<8x64xf32, #tpu.memory_space<vmem>>)
      %dma_wait3A_1597 = arith.constant 0 : i32
      %dma_wait3A_1598 = arith.constant 11 : i32
      %dma_wait3A_1599 = arith.constant 0 : i32
      %dma_wait3A_1600 = arith.constant 0 : i32
      %dma_wait3A_1601 = tpu.memref_slice %arg6[%dma_wait3A_1597, %dma_wait3A_1598, %dma_wait3A_1599, %dma_wait3A_1600] : memref<2x16x8x64xf32, #tpu.memory_space<vmem>> -> memref<1x1x8x64xf32, #tpu.memory_space<vmem>>
      %dma_wait3A_1602 = tpu.memref_squeeze %dma_wait3A_1601 : memref<1x1x8x64xf32, #tpu.memory_space<vmem>> -> memref<8x64xf32, #tpu.memory_space<vmem>>
      %dma_wait3A_1603 = arith.constant 0 : i32
      %dma_wait3A_1604 = arith.constant 0 : i32
      %dma_wait3A_1605 = tpu.memref_slice %arg3[%dma_wait3A_1603, %dma_wait3A_1604] : memref<1000000x64xf32, #tpu.memory_space<hbm>> -> memref<8x64xf32, #tpu.memory_space<hbm>>
      %dma_wait3A_1606 = arith.constant 0 : i32
      %dma_wait3A_1607 = arith.constant 0 : i32
      %dma_wait3A_1608 = tpu.memref_slice %arg6[%dma_wait3A_1597, %dma_wait3A_1598, %dma_wait3A_1606, %dma_wait3A_1607] : memref<2x16x8x64xf32, #tpu.memory_space<vmem>> -> memref<1x1x8x64xf32, #tpu.memory_space<vmem>>
      %dma_wait3A_1609 = tpu.memref_squeeze %dma_wait3A_1608 : memref<1x1x8x64xf32, #tpu.memory_space<vmem>> -> memref<8x64xf32, #tpu.memory_space<vmem>>
      %dma_wait3A_1610 = arith.constant 0 : i32
      %dma_wait3A_1611 = arith.constant 0 : i32
      %dma_wait3A_1612 = tpu.memref_slice %arg3[%dma_wait3A_1610, %dma_wait3A_1611] : memref<1000000x64xf32, #tpu.memory_space<hbm>> -> memref<8x64xf32, #tpu.memory_space<hbm>>
      tpu.wait_dma2 semaphore(%arg8 : memref<!tpu.dma_semaphore, #tpu.memory_space<semaphore_mem>>) src(%dma_wait3A_1612 : memref<8x64xf32, #tpu.memory_space<hbm>>) dst(%dma_wait3A_1609 : memref<8x64xf32, #tpu.memory_space<vmem>>)
      %dma_wait3A_1613 = arith.constant 0 : i32
      %dma_wait3A_1614 = arith.constant 12 : i32
      %dma_wait3A_1615 = arith.constant 0 : i32
      %dma_wait3A_1616 = arith.constant 0 : i32
      %dma_wait3A_1617 = tpu.memref_slice %arg6[%dma_wait3A_1613, %dma_wait3A_1614, %dma_wait3A_1615, %dma_wait3A_1616] : memref<2x16x8x64xf32, #tpu.memory_space<vmem>> -> memref<1x1x8x64xf32, #tpu.memory_space<vmem>>
      %dma_wait3A_1618 = tpu.memref_squeeze %dma_wait3A_1617 : memref<1x1x8x64xf32, #tpu.memory_space<vmem>> -> memref<8x64xf32, #tpu.memory_space<vmem>>
      %dma_wait3A_1619 = arith.constant 0 : i32
      %dma_wait3A_1620 = arith.constant 0 : i32
      %dma_wait3A_1621 = tpu.memref_slice %arg3[%dma_wait3A_1619, %dma_wait3A_1620] : memref<1000000x64xf32, #tpu.memory_space<hbm>> -> memref<8x64xf32, #tpu.memory_space<hbm>>
      %dma_wait3A_1622 = arith.constant 0 : i32
      %dma_wait3A_1623 = arith.constant 0 : i32
      %dma_wait3A_1624 = tpu.memref_slice %arg6[%dma_wait3A_1613, %dma_wait3A_1614, %dma_wait3A_1622, %dma_wait3A_1623] : memref<2x16x8x64xf32, #tpu.memory_space<vmem>> -> memref<1x1x8x64xf32, #tpu.memory_space<vmem>>
      %dma_wait3A_1625 = tpu.memref_squeeze %dma_wait3A_1624 : memref<1x1x8x64xf32, #tpu.memory_space<vmem>> -> memref<8x64xf32, #tpu.memory_space<vmem>>
      %dma_wait3A_1626 = arith.constant 0 : i32
      %dma_wait3A_1627 = arith.constant 0 : i32
      %dma_wait3A_1628 = tpu.memref_slice %arg3[%dma_wait3A_1626, %dma_wait3A_1627] : memref<1000000x64xf32, #tpu.memory_space<hbm>> -> memref<8x64xf32, #tpu.memory_space<hbm>>
      tpu.wait_dma2 semaphore(%arg8 : memref<!tpu.dma_semaphore, #tpu.memory_space<semaphore_mem>>) src(%dma_wait3A_1628 : memref<8x64xf32, #tpu.memory_space<hbm>>) dst(%dma_wait3A_1625 : memref<8x64xf32, #tpu.memory_space<vmem>>)
      %dma_wait3A_1629 = arith.constant 0 : i32
      %dma_wait3A_1630 = arith.constant 13 : i32
      %dma_wait3A_1631 = arith.constant 0 : i32
      %dma_wait3A_1632 = arith.constant 0 : i32
      %dma_wait3A_1633 = tpu.memref_slice %arg6[%dma_wait3A_1629, %dma_wait3A_1630, %dma_wait3A_1631, %dma_wait3A_1632] : memref<2x16x8x64xf32, #tpu.memory_space<vmem>> -> memref<1x1x8x64xf32, #tpu.memory_space<vmem>>
      %dma_wait3A_1634 = tpu.memref_squeeze %dma_wait3A_1633 : memref<1x1x8x64xf32, #tpu.memory_space<vmem>> -> memref<8x64xf32, #tpu.memory_space<vmem>>
      %dma_wait3A_1635 = arith.constant 0 : i32
      %dma_wait3A_1636 = arith.constant 0 : i32
      %dma_wait3A_1637 = tpu.memref_slice %arg3[%dma_wait3A_1635, %dma_wait3A_1636] : memref<1000000x64xf32, #tpu.memory_space<hbm>> -> memref<8x64xf32, #tpu.memory_space<hbm>>
      %dma_wait3A_1638 = arith.constant 0 : i32
      %dma_wait3A_1639 = arith.constant 0 : i32
      %dma_wait3A_1640 = tpu.memref_slice %arg6[%dma_wait3A_1629, %dma_wait3A_1630, %dma_wait3A_1638, %dma_wait3A_1639] : memref<2x16x8x64xf32, #tpu.memory_space<vmem>> -> memref<1x1x8x64xf32, #tpu.memory_space<vmem>>
      %dma_wait3A_1641 = tpu.memref_squeeze %dma_wait3A_1640 : memref<1x1x8x64xf32, #tpu.memory_space<vmem>> -> memref<8x64xf32, #tpu.memory_space<vmem>>
      %dma_wait3A_1642 = arith.constant 0 : i32
      %dma_wait3A_1643 = arith.constant 0 : i32
      %dma_wait3A_1644 = tpu.memref_slice %arg3[%dma_wait3A_1642, %dma_wait3A_1643] : memref<1000000x64xf32, #tpu.memory_space<hbm>> -> memref<8x64xf32, #tpu.memory_space<hbm>>
      tpu.wait_dma2 semaphore(%arg8 : memref<!tpu.dma_semaphore, #tpu.memory_space<semaphore_mem>>) src(%dma_wait3A_1644 : memref<8x64xf32, #tpu.memory_space<hbm>>) dst(%dma_wait3A_1641 : memref<8x64xf32, #tpu.memory_space<vmem>>)
      %dma_wait3A_1645 = arith.constant 0 : i32
      %dma_wait3A_1646 = arith.constant 14 : i32
      %dma_wait3A_1647 = arith.constant 0 : i32
      %dma_wait3A_1648 = arith.constant 0 : i32
      %dma_wait3A_1649 = tpu.memref_slice %arg6[%dma_wait3A_1645, %dma_wait3A_1646, %dma_wait3A_1647, %dma_wait3A_1648] : memref<2x16x8x64xf32, #tpu.memory_space<vmem>> -> memref<1x1x8x64xf32, #tpu.memory_space<vmem>>
      %dma_wait3A_1650 = tpu.memref_squeeze %dma_wait3A_1649 : memref<1x1x8x64xf32, #tpu.memory_space<vmem>> -> memref<8x64xf32, #tpu.memory_space<vmem>>
      %dma_wait3A_1651 = arith.constant 0 : i32
      %dma_wait3A_1652 = arith.constant 0 : i32
      %dma_wait3A_1653 = tpu.memref_slice %arg3[%dma_wait3A_1651, %dma_wait3A_1652] : memref<1000000x64xf32, #tpu.memory_space<hbm>> -> memref<8x64xf32, #tpu.memory_space<hbm>>
      %dma_wait3A_1654 = arith.constant 0 : i32
      %dma_wait3A_1655 = arith.constant 0 : i32
      %dma_wait3A_1656 = tpu.memref_slice %arg6[%dma_wait3A_1645, %dma_wait3A_1646, %dma_wait3A_1654, %dma_wait3A_1655] : memref<2x16x8x64xf32, #tpu.memory_space<vmem>> -> memref<1x1x8x64xf32, #tpu.memory_space<vmem>>
      %dma_wait3A_1657 = tpu.memref_squeeze %dma_wait3A_1656 : memref<1x1x8x64xf32, #tpu.memory_space<vmem>> -> memref<8x64xf32, #tpu.memory_space<vmem>>
      %dma_wait3A_1658 = arith.constant 0 : i32
      %dma_wait3A_1659 = arith.constant 0 : i32
      %dma_wait3A_1660 = tpu.memref_slice %arg3[%dma_wait3A_1658, %dma_wait3A_1659] : memref<1000000x64xf32, #tpu.memory_space<hbm>> -> memref<8x64xf32, #tpu.memory_space<hbm>>
      tpu.wait_dma2 semaphore(%arg8 : memref<!tpu.dma_semaphore, #tpu.memory_space<semaphore_mem>>) src(%dma_wait3A_1660 : memref<8x64xf32, #tpu.memory_space<hbm>>) dst(%dma_wait3A_1657 : memref<8x64xf32, #tpu.memory_space<vmem>>)
      %dma_wait3A_1661 = arith.constant 0 : i32
      %dma_wait3A_1662 = arith.constant 15 : i32
      %dma_wait3A_1663 = arith.constant 0 : i32
      %dma_wait3A_1664 = arith.constant 0 : i32
      %dma_wait3A_1665 = tpu.memref_slice %arg6[%dma_wait3A_1661, %dma_wait3A_1662, %dma_wait3A_1663, %dma_wait3A_1664] : memref<2x16x8x64xf32, #tpu.memory_space<vmem>> -> memref<1x1x8x64xf32, #tpu.memory_space<vmem>>
      %dma_wait3A_1666 = tpu.memref_squeeze %dma_wait3A_1665 : memref<1x1x8x64xf32, #tpu.memory_space<vmem>> -> memref<8x64xf32, #tpu.memory_space<vmem>>
      %dma_wait3A_1667 = arith.constant 0 : i32
      %dma_wait3A_1668 = arith.constant 0 : i32
      %dma_wait3A_1669 = tpu.memref_slice %arg3[%dma_wait3A_1667, %dma_wait3A_1668] : memref<1000000x64xf32, #tpu.memory_space<hbm>> -> memref<8x64xf32, #tpu.memory_space<hbm>>
      %dma_wait3A_1670 = arith.constant 0 : i32
      %dma_wait3A_1671 = arith.constant 0 : i32
      %dma_wait3A_1672 = tpu.memref_slice %arg6[%dma_wait3A_1661, %dma_wait3A_1662, %dma_wait3A_1670, %dma_wait3A_1671] : memref<2x16x8x64xf32, #tpu.memory_space<vmem>> -> memref<1x1x8x64xf32, #tpu.memory_space<vmem>>
      %dma_wait3A_1673 = tpu.memref_squeeze %dma_wait3A_1672 : memref<1x1x8x64xf32, #tpu.memory_space<vmem>> -> memref<8x64xf32, #tpu.memory_space<vmem>>
      %dma_wait3A_1674 = arith.constant 0 : i32
      %dma_wait3A_1675 = arith.constant 0 : i32
      %dma_wait3A_1676 = tpu.memref_slice %arg3[%dma_wait3A_1674, %dma_wait3A_1675] : memref<1000000x64xf32, #tpu.memory_space<hbm>> -> memref<8x64xf32, #tpu.memory_space<hbm>>
      tpu.wait_dma2 semaphore(%arg8 : memref<!tpu.dma_semaphore, #tpu.memory_space<semaphore_mem>>) src(%dma_wait3A_1676 : memref<8x64xf32, #tpu.memory_space<hbm>>) dst(%dma_wait3A_1673 : memref<8x64xf32, #tpu.memory_space<vmem>>)
      %jit3A_1677 = arith.constant 8 : i32
      %div3A_1678 = arith.divsi %mul3A_688, %jit3A_1677 : i32
      %sign3A_1679 = arith.constant 0 : i32
      %sign3A_1680 = arith.cmpi sgt, %mul3A_688, %sign3A_1679 : i32
      %sign3A_1681 = arith.extui %sign3A_1680 : i1 to i32
      %sign3A_1682 = arith.constant 0 : i32
      %sign3A_1683 = arith.cmpi slt, %mul3A_688, %sign3A_1682 : i32
      %sign3A_1684 = arith.extui %sign3A_1683 : i1 to i32
      %sign3A_1685 = arith.subi %sign3A_1681, %sign3A_1684 : i32
      %sign3A_1686 = arith.constant 0 : i32
      %sign3A_1687 = arith.cmpi sgt, %jit3A_1677, %sign3A_1686 : i32
      %sign3A_1688 = arith.extui %sign3A_1687 : i1 to i32
      %sign3A_1689 = arith.constant 0 : i32
      %sign3A_1690 = arith.cmpi slt, %jit3A_1677, %sign3A_1689 : i32
      %sign3A_1691 = arith.extui %sign3A_1690 : i1 to i32
      %sign3A_1692 = arith.subi %sign3A_1688, %sign3A_1691 : i32
      %ne3A_1693 = arith.cmpi ne, %sign3A_1685, %sign3A_1692 : i32
      %rem3A_1694 = arith.remsi %mul3A_688, %jit3A_1677 : i32
      %ne3A_1695 = arith.constant 0 : i32
      %ne3A_1696 = arith.cmpi ne, %rem3A_1694, %ne3A_1695 : i32
      %and3A_1697 = arith.andi %ne3A_1693, %ne3A_1696 : i1
      %sub3A_1698 = arith.constant 1 : i32
      %sub3A_1699 = arith.subi %div3A_1678, %sub3A_1698 : i32
      %select_n3A_1700 = arith.select %and3A_1697, %sub3A_1699, %div3A_1678 : i32
      %jit3A_1701 = arith.constant 8 : i32
      %eq3A_1702 = arith.constant 0 : i32
      %eq3A_1703 = arith.cmpi eq, %jit3A_1701, %eq3A_1702 : i32
      %jit3A_1704 = arith.constant 1 : i32
      %select_n3A_1705 = arith.select %eq3A_1703, %jit3A_1704, %jit3A_1701 : i32
      %rem3A_1706 = arith.remsi %mul3A_688, %select_n3A_1705 : i32
      %ne3A_1707 = arith.constant 0 : i32
      %ne3A_1708 = arith.cmpi ne, %rem3A_1706, %ne3A_1707 : i32
      %lt3A_1709 = arith.constant 0 : i32
      %lt3A_1710 = arith.cmpi slt, %rem3A_1706, %lt3A_1709 : i32
      %lt3A_1711 = arith.constant 0 : i32
      %lt3A_1712 = arith.cmpi slt, %select_n3A_1705, %lt3A_1711 : i32
      %ne3A_1713 = arith.xori %lt3A_1710, %lt3A_1712 : i1
      %and3A_1714 = arith.andi %ne3A_1713, %ne3A_1708 : i1
      %add3A_1715 = arith.addi %rem3A_1706, %select_n3A_1705 : i32
      %select_n3A_1716 = arith.select %and3A_1714, %add3A_1715, %rem3A_1706 : i32
      %mul3A_1717 = arith.constant 16 : i32
      %mul3A_1718 = arith.muli %select_n3A_1716, %mul3A_1717 : i32
      %get3A_1719 = arith.index_cast %select_n3A_1700 : i32 to index
      %get3A_1720 = arith.index_cast %mul3A_1718 : i32 to index
      %get3A_1721 = tpu.vector_load %arg5[%get3A_1719, %get3A_1720] {strides = array<i32>} : memref<4x128xi32, #tpu.memory_space<vmem>>, vector<16xi32>,
      %and3A_1722 = arith.constant 7 : i32
      %and3A_1723 = vector.broadcast %and3A_1722 : i32 to vector<16xi32>
      %and3A_1724 = arith.andi %get3A_1721, %and3A_1723 : vector<16xi32>
      %mul3A_1725 = arith.constant 16 : i32
      %mul3A_1726 = arith.muli %mul3A_688, %mul3A_1725 : i32
      %add3A_1727 = vector.broadcast %mul3A_1726 : i32 to vector<16xi32>
      %add3A_1728 = arith.addi %add3A_1727, %iota3A : vector<16xi32>
      %broadcast_in_dim3A = arith.constant 0 : i32
      %broadcast_in_dim3A_1729 = vector.broadcast %broadcast_in_dim3A : i32 to vector<16xi32>
      %gather3A = arith.constant 0 : i32
      %gather3A_1730 = arith.constant 0 : i32
      %gather3A_1731 = arith.constant 0 : i32
      %gather3A_1732 = arith.constant 0 : i32
      %gather3A_1733 = tpu.memref_slice %arg6[%gather3A, %gather3A_1730, %gather3A_1731, %gather3A_1732] : memref<2x16x8x64xf32, #tpu.memory_space<vmem>> -> memref<1x16x8x64xf32, #tpu.memory_space<vmem>>
      %gather3A_1734 = tpu.memref_squeeze %gather3A_1733 : memref<1x16x8x64xf32, #tpu.memory_space<vmem>> -> memref<16x8x64xf32, #tpu.memory_space<vmem>>
      %gather3A_1735 = tpu.vector_load_idx %gather3A_1734[%iota3A, %and3A_1724, %broadcast_in_dim3A_1729] : memref<16x8x64xf32, #tpu.memory_space<vmem>>[vector<16xi32>, vector<16xi32>, vector<16xi32>], vector<16xf32>,
      %broadcast_in_dim3A_1736 = arith.constant 0 : i32
      %broadcast_in_dim3A_1737 = vector.broadcast %broadcast_in_dim3A_1736 : i32 to vector<16xi32>
      tpu.vector_store_idx %arg7[%add3A_1728, %broadcast_in_dim3A_1737], %gather3A_1735 : memref<512x64xf32, #tpu.memory_space<vmem>>[vector<16xi32>, vector<16xi32>], vector<16xf32>,
      %broadcast_in_dim3A_1738 = arith.constant 1 : i32
      %broadcast_in_dim3A_1739 = vector.broadcast %broadcast_in_dim3A_1738 : i32 to vector<16xi32>
      %gather3A_1740 = arith.constant 0 : i32
      %gather3A_1741 = arith.constant 0 : i32
      %gather3A_1742 = arith.constant 0 : i32
      %gather3A_1743 = arith.constant 0 : i32
      %gather3A_1744 = tpu.memref_slice %arg6[%gather3A_1740, %gather3A_1741, %gather3A_1742, %gather3A_1743] : memref<2x16x8x64xf32, #tpu.memory_space<vmem>> -> memref<1x16x8x64xf32, #tpu.memory_space<vmem>>
      %gather3A_1745 = tpu.memref_squeeze %gather3A_1744 : memref<1x16x8x64xf32, #tpu.memory_space<vmem>> -> memref<16x8x64xf32, #tpu.memory_space<vmem>>
      %gather3A_1746 = tpu.vector_load_idx %gather3A_1745[%iota3A, %and3A_1724, %broadcast_in_dim3A_1739] : memref<16x8x64xf32, #tpu.memory_space<vmem>>[vector<16xi32>, vector<16xi32>, vector<16xi32>], vector<16xf32>,
      %broadcast_in_dim3A_1747 = arith.constant 1 : i32
      %broadcast_in_dim3A_1748 = vector.broadcast %broadcast_in_dim3A_1747 : i32 to vector<16xi32>
      tpu.vector_store_idx %arg7[%add3A_1728, %broadcast_in_dim3A_1748], %gather3A_1746 : memref<512x64xf32, #tpu.memory_space<vmem>>[vector<16xi32>, vector<16xi32>], vector<16xf32>,
      %broadcast_in_dim3A_1749 = arith.constant 2 : i32
      %broadcast_in_dim3A_1750 = vector.broadcast %broadcast_in_dim3A_1749 : i32 to vector<16xi32>
      %gather3A_1751 = arith.constant 0 : i32
      %gather3A_1752 = arith.constant 0 : i32
      %gather3A_1753 = arith.constant 0 : i32
      %gather3A_1754 = arith.constant 0 : i32
      %gather3A_1755 = tpu.memref_slice %arg6[%gather3A_1751, %gather3A_1752, %gather3A_1753, %gather3A_1754] : memref<2x16x8x64xf32, #tpu.memory_space<vmem>> -> memref<1x16x8x64xf32, #tpu.memory_space<vmem>>
      %gather3A_1756 = tpu.memref_squeeze %gather3A_1755 : memref<1x16x8x64xf32, #tpu.memory_space<vmem>> -> memref<16x8x64xf32, #tpu.memory_space<vmem>>
      %gather3A_1757 = tpu.vector_load_idx %gather3A_1756[%iota3A, %and3A_1724, %broadcast_in_dim3A_1750] : memref<16x8x64xf32, #tpu.memory_space<vmem>>[vector<16xi32>, vector<16xi32>, vector<16xi32>], vector<16xf32>,
      %broadcast_in_dim3A_1758 = arith.constant 2 : i32
      %broadcast_in_dim3A_1759 = vector.broadcast %broadcast_in_dim3A_1758 : i32 to vector<16xi32>
      tpu.vector_store_idx %arg7[%add3A_1728, %broadcast_in_dim3A_1759], %gather3A_1757 : memref<512x64xf32, #tpu.memory_space<vmem>>[vector<16xi32>, vector<16xi32>], vector<16xf32>,
      %broadcast_in_dim3A_1760 = arith.constant 3 : i32
      %broadcast_in_dim3A_1761 = vector.broadcast %broadcast_in_dim3A_1760 : i32 to vector<16xi32>
      %gather3A_1762 = arith.constant 0 : i32
      %gather3A_1763 = arith.constant 0 : i32
      %gather3A_1764 = arith.constant 0 : i32
      %gather3A_1765 = arith.constant 0 : i32
      %gather3A_1766 = tpu.memref_slice %arg6[%gather3A_1762, %gather3A_1763, %gather3A_1764, %gather3A_1765] : memref<2x16x8x64xf32, #tpu.memory_space<vmem>> -> memref<1x16x8x64xf32, #tpu.memory_space<vmem>>
      %gather3A_1767 = tpu.memref_squeeze %gather3A_1766 : memref<1x16x8x64xf32, #tpu.memory_space<vmem>> -> memref<16x8x64xf32, #tpu.memory_space<vmem>>
      %gather3A_1768 = tpu.vector_load_idx %gather3A_1767[%iota3A, %and3A_1724, %broadcast_in_dim3A_1761] : memref<16x8x64xf32, #tpu.memory_space<vmem>>[vector<16xi32>, vector<16xi32>, vector<16xi32>], vector<16xf32>,
      %broadcast_in_dim3A_1769 = arith.constant 3 : i32
      %broadcast_in_dim3A_1770 = vector.broadcast %broadcast_in_dim3A_1769 : i32 to vector<16xi32>
      tpu.vector_store_idx %arg7[%add3A_1728, %broadcast_in_dim3A_1770], %gather3A_1768 : memref<512x64xf32, #tpu.memory_space<vmem>>[vector<16xi32>, vector<16xi32>], vector<16xf32>,
      %broadcast_in_dim3A_1771 = arith.constant 4 : i32
      %broadcast_in_dim3A_1772 = vector.broadcast %broadcast_in_dim3A_1771 : i32 to vector<16xi32>
      %gather3A_1773 = arith.constant 0 : i32
      %gather3A_1774 = arith.constant 0 : i32
      %gather3A_1775 = arith.constant 0 : i32
      %gather3A_1776 = arith.constant 0 : i32
      %gather3A_1777 = tpu.memref_slice %arg6[%gather3A_1773, %gather3A_1774, %gather3A_1775, %gather3A_1776] : memref<2x16x8x64xf32, #tpu.memory_space<vmem>> -> memref<1x16x8x64xf32, #tpu.memory_space<vmem>>
      %gather3A_1778 = tpu.memref_squeeze %gather3A_1777 : memref<1x16x8x64xf32, #tpu.memory_space<vmem>> -> memref<16x8x64xf32, #tpu.memory_space<vmem>>
      %gather3A_1779 = tpu.vector_load_idx %gather3A_1778[%iota3A, %and3A_1724, %broadcast_in_dim3A_1772] : memref<16x8x64xf32, #tpu.memory_space<vmem>>[vector<16xi32>, vector<16xi32>, vector<16xi32>], vector<16xf32>,
      %broadcast_in_dim3A_1780 = arith.constant 4 : i32
      %broadcast_in_dim3A_1781 = vector.broadcast %broadcast_in_dim3A_1780 : i32 to vector<16xi32>
      tpu.vector_store_idx %arg7[%add3A_1728, %broadcast_in_dim3A_1781], %gather3A_1779 : memref<512x64xf32, #tpu.memory_space<vmem>>[vector<16xi32>, vector<16xi32>], vector<16xf32>,
      %broadcast_in_dim3A_1782 = arith.constant 5 : i32
      %broadcast_in_dim3A_1783 = vector.broadcast %broadcast_in_dim3A_1782 : i32 to vector<16xi32>
      %gather3A_1784 = arith.constant 0 : i32
      %gather3A_1785 = arith.constant 0 : i32
      %gather3A_1786 = arith.constant 0 : i32
      %gather3A_1787 = arith.constant 0 : i32
      %gather3A_1788 = tpu.memref_slice %arg6[%gather3A_1784, %gather3A_1785, %gather3A_1786, %gather3A_1787] : memref<2x16x8x64xf32, #tpu.memory_space<vmem>> -> memref<1x16x8x64xf32, #tpu.memory_space<vmem>>
      %gather3A_1789 = tpu.memref_squeeze %gather3A_1788 : memref<1x16x8x64xf32, #tpu.memory_space<vmem>> -> memref<16x8x64xf32, #tpu.memory_space<vmem>>
      %gather3A_1790 = tpu.vector_load_idx %gather3A_1789[%iota3A, %and3A_1724, %broadcast_in_dim3A_1783] : memref<16x8x64xf32, #tpu.memory_space<vmem>>[vector<16xi32>, vector<16xi32>, vector<16xi32>], vector<16xf32>,
      %broadcast_in_dim3A_1791 = arith.constant 5 : i32
      %broadcast_in_dim3A_1792 = vector.broadcast %broadcast_in_dim3A_1791 : i32 to vector<16xi32>
      tpu.vector_store_idx %arg7[%add3A_1728, %broadcast_in_dim3A_1792], %gather3A_1790 : memref<512x64xf32, #tpu.memory_space<vmem>>[vector<16xi32>, vector<16xi32>], vector<16xf32>,
      %broadcast_in_dim3A_1793 = arith.constant 6 : i32
      %broadcast_in_dim3A_1794 = vector.broadcast %broadcast_in_dim3A_1793 : i32 to vector<16xi32>
      %gather3A_1795 = arith.constant 0 : i32
      %gather3A_1796 = arith.constant 0 : i32
      %gather3A_1797 = arith.constant 0 : i32
      %gather3A_1798 = arith.constant 0 : i32
      %gather3A_1799 = tpu.memref_slice %arg6[%gather3A_1795, %gather3A_1796, %gather3A_1797, %gather3A_1798] : memref<2x16x8x64xf32, #tpu.memory_space<vmem>> -> memref<1x16x8x64xf32, #tpu.memory_space<vmem>>
      %gather3A_1800 = tpu.memref_squeeze %gather3A_1799 : memref<1x16x8x64xf32, #tpu.memory_space<vmem>> -> memref<16x8x64xf32, #tpu.memory_space<vmem>>
      %gather3A_1801 = tpu.vector_load_idx %gather3A_1800[%iota3A, %and3A_1724, %broadcast_in_dim3A_1794] : memref<16x8x64xf32, #tpu.memory_space<vmem>>[vector<16xi32>, vector<16xi32>, vector<16xi32>], vector<16xf32>,
      %broadcast_in_dim3A_1802 = arith.constant 6 : i32
      %broadcast_in_dim3A_1803 = vector.broadcast %broadcast_in_dim3A_1802 : i32 to vector<16xi32>
      tpu.vector_store_idx %arg7[%add3A_1728, %broadcast_in_dim3A_1803], %gather3A_1801 : memref<512x64xf32, #tpu.memory_space<vmem>>[vector<16xi32>, vector<16xi32>], vector<16xf32>,
      %broadcast_in_dim3A_1804 = arith.constant 7 : i32
      %broadcast_in_dim3A_1805 = vector.broadcast %broadcast_in_dim3A_1804 : i32 to vector<16xi32>
      %gather3A_1806 = arith.constant 0 : i32
      %gather3A_1807 = arith.constant 0 : i32
      %gather3A_1808 = arith.constant 0 : i32
      %gather3A_1809 = arith.constant 0 : i32
      %gather3A_1810 = tpu.memref_slice %arg6[%gather3A_1806, %gather3A_1807, %gather3A_1808, %gather3A_1809] : memref<2x16x8x64xf32, #tpu.memory_space<vmem>> -> memref<1x16x8x64xf32, #tpu.memory_space<vmem>>
      %gather3A_1811 = tpu.memref_squeeze %gather3A_1810 : memref<1x16x8x64xf32, #tpu.memory_space<vmem>> -> memref<16x8x64xf32, #tpu.memory_space<vmem>>
      %gather3A_1812 = tpu.vector_load_idx %gather3A_1811[%iota3A, %and3A_1724, %broadcast_in_dim3A_1805] : memref<16x8x64xf32, #tpu.memory_space<vmem>>[vector<16xi32>, vector<16xi32>, vector<16xi32>], vector<16xf32>,
      %broadcast_in_dim3A_1813 = arith.constant 7 : i32
      %broadcast_in_dim3A_1814 = vector.broadcast %broadcast_in_dim3A_1813 : i32 to vector<16xi32>
      tpu.vector_store_idx %arg7[%add3A_1728, %broadcast_in_dim3A_1814], %gather3A_1812 : memref<512x64xf32, #tpu.memory_space<vmem>>[vector<16xi32>, vector<16xi32>], vector<16xf32>,
      %broadcast_in_dim3A_1815 = arith.constant 8 : i32
      %broadcast_in_dim3A_1816 = vector.broadcast %broadcast_in_dim3A_1815 : i32 to vector<16xi32>
      %gather3A_1817 = arith.constant 0 : i32
      %gather3A_1818 = arith.constant 0 : i32
      %gather3A_1819 = arith.constant 0 : i32
      %gather3A_1820 = arith.constant 0 : i32
      %gather3A_1821 = tpu.memref_slice %arg6[%gather3A_1817, %gather3A_1818, %gather3A_1819, %gather3A_1820] : memref<2x16x8x64xf32, #tpu.memory_space<vmem>> -> memref<1x16x8x64xf32, #tpu.memory_space<vmem>>
      %gather3A_1822 = tpu.memref_squeeze %gather3A_1821 : memref<1x16x8x64xf32, #tpu.memory_space<vmem>> -> memref<16x8x64xf32, #tpu.memory_space<vmem>>
      %gather3A_1823 = tpu.vector_load_idx %gather3A_1822[%iota3A, %and3A_1724, %broadcast_in_dim3A_1816] : memref<16x8x64xf32, #tpu.memory_space<vmem>>[vector<16xi32>, vector<16xi32>, vector<16xi32>], vector<16xf32>,
      %broadcast_in_dim3A_1824 = arith.constant 8 : i32
      %broadcast_in_dim3A_1825 = vector.broadcast %broadcast_in_dim3A_1824 : i32 to vector<16xi32>
      tpu.vector_store_idx %arg7[%add3A_1728, %broadcast_in_dim3A_1825], %gather3A_1823 : memref<512x64xf32, #tpu.memory_space<vmem>>[vector<16xi32>, vector<16xi32>], vector<16xf32>,
      %broadcast_in_dim3A_1826 = arith.constant 9 : i32
      %broadcast_in_dim3A_1827 = vector.broadcast %broadcast_in_dim3A_1826 : i32 to vector<16xi32>
      %gather3A_1828 = arith.constant 0 : i32
      %gather3A_1829 = arith.constant 0 : i32
      %gather3A_1830 = arith.constant 0 : i32
      %gather3A_1831 = arith.constant 0 : i32
      %gather3A_1832 = tpu.memref_slice %arg6[%gather3A_1828, %gather3A_1829, %gather3A_1830, %gather3A_1831] : memref<2x16x8x64xf32, #tpu.memory_space<vmem>> -> memref<1x16x8x64xf32, #tpu.memory_space<vmem>>
      %gather3A_1833 = tpu.memref_squeeze %gather3A_1832 : memref<1x16x8x64xf32, #tpu.memory_space<vmem>> -> memref<16x8x64xf32, #tpu.memory_space<vmem>>
      %gather3A_1834 = tpu.vector_load_idx %gather3A_1833[%iota3A, %and3A_1724, %broadcast_in_dim3A_1827] : memref<16x8x64xf32, #tpu.memory_space<vmem>>[vector<16xi32>, vector<16xi32>, vector<16xi32>], vector<16xf32>,
      %broadcast_in_dim3A_1835 = arith.constant 9 : i32
      %broadcast_in_dim3A_1836 = vector.broadcast %broadcast_in_dim3A_1835 : i32 to vector<16xi32>
      tpu.vector_store_idx %arg7[%add3A_1728, %broadcast_in_dim3A_1836], %gather3A_1834 : memref<512x64xf32, #tpu.memory_space<vmem>>[vector<16xi32>, vector<16xi32>], vector<16xf32>,
      %broadcast_in_dim3A_1837 = arith.constant 10 : i32
      %broadcast_in_dim3A_1838 = vector.broadcast %broadcast_in_dim3A_1837 : i32 to vector<16xi32>
      %gather3A_1839 = arith.constant 0 : i32
      %gather3A_1840 = arith.constant 0 : i32
      %gather3A_1841 = arith.constant 0 : i32
      %gather3A_1842 = arith.constant 0 : i32
      %gather3A_1843 = tpu.memref_slice %arg6[%gather3A_1839, %gather3A_1840, %gather3A_1841, %gather3A_1842] : memref<2x16x8x64xf32, #tpu.memory_space<vmem>> -> memref<1x16x8x64xf32, #tpu.memory_space<vmem>>
      %gather3A_1844 = tpu.memref_squeeze %gather3A_1843 : memref<1x16x8x64xf32, #tpu.memory_space<vmem>> -> memref<16x8x64xf32, #tpu.memory_space<vmem>>
      %gather3A_1845 = tpu.vector_load_idx %gather3A_1844[%iota3A, %and3A_1724, %broadcast_in_dim3A_1838] : memref<16x8x64xf32, #tpu.memory_space<vmem>>[vector<16xi32>, vector<16xi32>, vector<16xi32>], vector<16xf32>,
      %broadcast_in_dim3A_1846 = arith.constant 10 : i32
      %broadcast_in_dim3A_1847 = vector.broadcast %broadcast_in_dim3A_1846 : i32 to vector<16xi32>
      tpu.vector_store_idx %arg7[%add3A_1728, %broadcast_in_dim3A_1847], %gather3A_1845 : memref<512x64xf32, #tpu.memory_space<vmem>>[vector<16xi32>, vector<16xi32>], vector<16xf32>,
      %broadcast_in_dim3A_1848 = arith.constant 11 : i32
      %broadcast_in_dim3A_1849 = vector.broadcast %broadcast_in_dim3A_1848 : i32 to vector<16xi32>
      %gather3A_1850 = arith.constant 0 : i32
      %gather3A_1851 = arith.constant 0 : i32
      %gather3A_1852 = arith.constant 0 : i32
      %gather3A_1853 = arith.constant 0 : i32
      %gather3A_1854 = tpu.memref_slice %arg6[%gather3A_1850, %gather3A_1851, %gather3A_1852, %gather3A_1853] : memref<2x16x8x64xf32, #tpu.memory_space<vmem>> -> memref<1x16x8x64xf32, #tpu.memory_space<vmem>>
      %gather3A_1855 = tpu.memref_squeeze %gather3A_1854 : memref<1x16x8x64xf32, #tpu.memory_space<vmem>> -> memref<16x8x64xf32, #tpu.memory_space<vmem>>
      %gather3A_1856 = tpu.vector_load_idx %gather3A_1855[%iota3A, %and3A_1724, %broadcast_in_dim3A_1849] : memref<16x8x64xf32, #tpu.memory_space<vmem>>[vector<16xi32>, vector<16xi32>, vector<16xi32>], vector<16xf32>,
      %broadcast_in_dim3A_1857 = arith.constant 11 : i32
      %broadcast_in_dim3A_1858 = vector.broadcast %broadcast_in_dim3A_1857 : i32 to vector<16xi32>
      tpu.vector_store_idx %arg7[%add3A_1728, %broadcast_in_dim3A_1858], %gather3A_1856 : memref<512x64xf32, #tpu.memory_space<vmem>>[vector<16xi32>, vector<16xi32>], vector<16xf32>,
      %broadcast_in_dim3A_1859 = arith.constant 12 : i32
      %broadcast_in_dim3A_1860 = vector.broadcast %broadcast_in_dim3A_1859 : i32 to vector<16xi32>
      %gather3A_1861 = arith.constant 0 : i32
      %gather3A_1862 = arith.constant 0 : i32
      %gather3A_1863 = arith.constant 0 : i32
      %gather3A_1864 = arith.constant 0 : i32
      %gather3A_1865 = tpu.memref_slice %arg6[%gather3A_1861, %gather3A_1862, %gather3A_1863, %gather3A_1864] : memref<2x16x8x64xf32, #tpu.memory_space<vmem>> -> memref<1x16x8x64xf32, #tpu.memory_space<vmem>>
      %gather3A_1866 = tpu.memref_squeeze %gather3A_1865 : memref<1x16x8x64xf32, #tpu.memory_space<vmem>> -> memref<16x8x64xf32, #tpu.memory_space<vmem>>
      %gather3A_1867 = tpu.vector_load_idx %gather3A_1866[%iota3A, %and3A_1724, %broadcast_in_dim3A_1860] : memref<16x8x64xf32, #tpu.memory_space<vmem>>[vector<16xi32>, vector<16xi32>, vector<16xi32>], vector<16xf32>,
      %broadcast_in_dim3A_1868 = arith.constant 12 : i32
      %broadcast_in_dim3A_1869 = vector.broadcast %broadcast_in_dim3A_1868 : i32 to vector<16xi32>
      tpu.vector_store_idx %arg7[%add3A_1728, %broadcast_in_dim3A_1869], %gather3A_1867 : memref<512x64xf32, #tpu.memory_space<vmem>>[vector<16xi32>, vector<16xi32>], vector<16xf32>,
      %broadcast_in_dim3A_1870 = arith.constant 13 : i32
      %broadcast_in_dim3A_1871 = vector.broadcast %broadcast_in_dim3A_1870 : i32 to vector<16xi32>
      %gather3A_1872 = arith.constant 0 : i32
      %gather3A_1873 = arith.constant 0 : i32
      %gather3A_1874 = arith.constant 0 : i32
      %gather3A_1875 = arith.constant 0 : i32
      %gather3A_1876 = tpu.memref_slice %arg6[%gather3A_1872, %gather3A_1873, %gather3A_1874, %gather3A_1875] : memref<2x16x8x64xf32, #tpu.memory_space<vmem>> -> memref<1x16x8x64xf32, #tpu.memory_space<vmem>>
      %gather3A_1877 = tpu.memref_squeeze %gather3A_1876 : memref<1x16x8x64xf32, #tpu.memory_space<vmem>> -> memref<16x8x64xf32, #tpu.memory_space<vmem>>
      %gather3A_1878 = tpu.vector_load_idx %gather3A_1877[%iota3A, %and3A_1724, %broadcast_in_dim3A_1871] : memref<16x8x64xf32, #tpu.memory_space<vmem>>[vector<16xi32>, vector<16xi32>, vector<16xi32>], vector<16xf32>,
      %broadcast_in_dim3A_1879 = arith.constant 13 : i32
      %broadcast_in_dim3A_1880 = vector.broadcast %broadcast_in_dim3A_1879 : i32 to vector<16xi32>
      tpu.vector_store_idx %arg7[%add3A_1728, %broadcast_in_dim3A_1880], %gather3A_1878 : memref<512x64xf32, #tpu.memory_space<vmem>>[vector<16xi32>, vector<16xi32>], vector<16xf32>,
      %broadcast_in_dim3A_1881 = arith.constant 14 : i32
      %broadcast_in_dim3A_1882 = vector.broadcast %broadcast_in_dim3A_1881 : i32 to vector<16xi32>
      %gather3A_1883 = arith.constant 0 : i32
      %gather3A_1884 = arith.constant 0 : i32
      %gather3A_1885 = arith.constant 0 : i32
      %gather3A_1886 = arith.constant 0 : i32
      %gather3A_1887 = tpu.memref_slice %arg6[%gather3A_1883, %gather3A_1884, %gather3A_1885, %gather3A_1886] : memref<2x16x8x64xf32, #tpu.memory_space<vmem>> -> memref<1x16x8x64xf32, #tpu.memory_space<vmem>>
      %gather3A_1888 = tpu.memref_squeeze %gather3A_1887 : memref<1x16x8x64xf32, #tpu.memory_space<vmem>> -> memref<16x8x64xf32, #tpu.memory_space<vmem>>
      %gather3A_1889 = tpu.vector_load_idx %gather3A_1888[%iota3A, %and3A_1724, %broadcast_in_dim3A_1882] : memref<16x8x64xf32, #tpu.memory_space<vmem>>[vector<16xi32>, vector<16xi32>, vector<16xi32>], vector<16xf32>,
      %broadcast_in_dim3A_1890 = arith.constant 14 : i32
      %broadcast_in_dim3A_1891 = vector.broadcast %broadcast_in_dim3A_1890 : i32 to vector<16xi32>
      tpu.vector_store_idx %arg7[%add3A_1728, %broadcast_in_dim3A_1891], %gather3A_1889 : memref<512x64xf32, #tpu.memory_space<vmem>>[vector<16xi32>, vector<16xi32>], vector<16xf32>,
      %broadcast_in_dim3A_1892 = arith.constant 15 : i32
      %broadcast_in_dim3A_1893 = vector.broadcast %broadcast_in_dim3A_1892 : i32 to vector<16xi32>
      %gather3A_1894 = arith.constant 0 : i32
      %gather3A_1895 = arith.constant 0 : i32
      %gather3A_1896 = arith.constant 0 : i32
      %gather3A_1897 = arith.constant 0 : i32
      %gather3A_1898 = tpu.memref_slice %arg6[%gather3A_1894, %gather3A_1895, %gather3A_1896, %gather3A_1897] : memref<2x16x8x64xf32, #tpu.memory_space<vmem>> -> memref<1x16x8x64xf32, #tpu.memory_space<vmem>>
      %gather3A_1899 = tpu.memref_squeeze %gather3A_1898 : memref<1x16x8x64xf32, #tpu.memory_space<vmem>> -> memref<16x8x64xf32, #tpu.memory_space<vmem>>
      %gather3A_1900 = tpu.vector_load_idx %gather3A_1899[%iota3A, %and3A_1724, %broadcast_in_dim3A_1893] : memref<16x8x64xf32, #tpu.memory_space<vmem>>[vector<16xi32>, vector<16xi32>, vector<16xi32>], vector<16xf32>,
      %broadcast_in_dim3A_1901 = arith.constant 15 : i32
      %broadcast_in_dim3A_1902 = vector.broadcast %broadcast_in_dim3A_1901 : i32 to vector<16xi32>
      tpu.vector_store_idx %arg7[%add3A_1728, %broadcast_in_dim3A_1902], %gather3A_1900 : memref<512x64xf32, #tpu.memory_space<vmem>>[vector<16xi32>, vector<16xi32>], vector<16xf32>,
      %broadcast_in_dim3A_1903 = arith.constant 16 : i32
      %broadcast_in_dim3A_1904 = vector.broadcast %broadcast_in_dim3A_1903 : i32 to vector<16xi32>
      %gather3A_1905 = arith.constant 0 : i32
      %gather3A_1906 = arith.constant 0 : i32
      %gather3A_1907 = arith.constant 0 : i32
      %gather3A_1908 = arith.constant 0 : i32
      %gather3A_1909 = tpu.memref_slice %arg6[%gather3A_1905, %gather3A_1906, %gather3A_1907, %gather3A_1908] : memref<2x16x8x64xf32, #tpu.memory_space<vmem>> -> memref<1x16x8x64xf32, #tpu.memory_space<vmem>>
      %gather3A_1910 = tpu.memref_squeeze %gather3A_1909 : memref<1x16x8x64xf32, #tpu.memory_space<vmem>> -> memref<16x8x64xf32, #tpu.memory_space<vmem>>
      %gather3A_1911 = tpu.vector_load_idx %gather3A_1910[%iota3A, %and3A_1724, %broadcast_in_dim3A_1904] : memref<16x8x64xf32, #tpu.memory_space<vmem>>[vector<16xi32>, vector<16xi32>, vector<16xi32>], vector<16xf32>,
      %broadcast_in_dim3A_1912 = arith.constant 16 : i32
      %broadcast_in_dim3A_1913 = vector.broadcast %broadcast_in_dim3A_1912 : i32 to vector<16xi32>
      tpu.vector_store_idx %arg7[%add3A_1728, %broadcast_in_dim3A_1913], %gather3A_1911 : memref<512x64xf32, #tpu.memory_space<vmem>>[vector<16xi32>, vector<16xi32>], vector<16xf32>,
      %broadcast_in_dim3A_1914 = arith.constant 17 : i32
      %broadcast_in_dim3A_1915 = vector.broadcast %broadcast_in_dim3A_1914 : i32 to vector<16xi32>
      %gather3A_1916 = arith.constant 0 : i32
      %gather3A_1917 = arith.constant 0 : i32
      %gather3A_1918 = arith.constant 0 : i32
      %gather3A_1919 = arith.constant 0 : i32
      %gather3A_1920 = tpu.memref_slice %arg6[%gather3A_1916, %gather3A_1917, %gather3A_1918, %gather3A_1919] : memref<2x16x8x64xf32, #tpu.memory_space<vmem>> -> memref<1x16x8x64xf32, #tpu.memory_space<vmem>>
      %gather3A_1921 = tpu.memref_squeeze %gather3A_1920 : memref<1x16x8x64xf32, #tpu.memory_space<vmem>> -> memref<16x8x64xf32, #tpu.memory_space<vmem>>
      %gather3A_1922 = tpu.vector_load_idx %gather3A_1921[%iota3A, %and3A_1724, %broadcast_in_dim3A_1915] : memref<16x8x64xf32, #tpu.memory_space<vmem>>[vector<16xi32>, vector<16xi32>, vector<16xi32>], vector<16xf32>,
      %broadcast_in_dim3A_1923 = arith.constant 17 : i32
      %broadcast_in_dim3A_1924 = vector.broadcast %broadcast_in_dim3A_1923 : i32 to vector<16xi32>
      tpu.vector_store_idx %arg7[%add3A_1728, %broadcast_in_dim3A_1924], %gather3A_1922 : memref<512x64xf32, #tpu.memory_space<vmem>>[vector<16xi32>, vector<16xi32>], vector<16xf32>,
      %broadcast_in_dim3A_1925 = arith.constant 18 : i32
      %broadcast_in_dim3A_1926 = vector.broadcast %broadcast_in_dim3A_1925 : i32 to vector<16xi32>
      %gather3A_1927 = arith.constant 0 : i32
      %gather3A_1928 = arith.constant 0 : i32
      %gather3A_1929 = arith.constant 0 : i32
      %gather3A_1930 = arith.constant 0 : i32
      %gather3A_1931 = tpu.memref_slice %arg6[%gather3A_1927, %gather3A_1928, %gather3A_1929, %gather3A_1930] : memref<2x16x8x64xf32, #tpu.memory_space<vmem>> -> memref<1x16x8x64xf32, #tpu.memory_space<vmem>>
      %gather3A_1932 = tpu.memref_squeeze %gather3A_1931 : memref<1x16x8x64xf32, #tpu.memory_space<vmem>> -> memref<16x8x64xf32, #tpu.memory_space<vmem>>
      %gather3A_1933 = tpu.vector_load_idx %gather3A_1932[%iota3A, %and3A_1724, %broadcast_in_dim3A_1926] : memref<16x8x64xf32, #tpu.memory_space<vmem>>[vector<16xi32>, vector<16xi32>, vector<16xi32>], vector<16xf32>,
      %broadcast_in_dim3A_1934 = arith.constant 18 : i32
      %broadcast_in_dim3A_1935 = vector.broadcast %broadcast_in_dim3A_1934 : i32 to vector<16xi32>
      tpu.vector_store_idx %arg7[%add3A_1728, %broadcast_in_dim3A_1935], %gather3A_1933 : memref<512x64xf32, #tpu.memory_space<vmem>>[vector<16xi32>, vector<16xi32>], vector<16xf32>,
      %broadcast_in_dim3A_1936 = arith.constant 19 : i32
      %broadcast_in_dim3A_1937 = vector.broadcast %broadcast_in_dim3A_1936 : i32 to vector<16xi32>
      %gather3A_1938 = arith.constant 0 : i32
      %gather3A_1939 = arith.constant 0 : i32
      %gather3A_1940 = arith.constant 0 : i32
      %gather3A_1941 = arith.constant 0 : i32
      %gather3A_1942 = tpu.memref_slice %arg6[%gather3A_1938, %gather3A_1939, %gather3A_1940, %gather3A_1941] : memref<2x16x8x64xf32, #tpu.memory_space<vmem>> -> memref<1x16x8x64xf32, #tpu.memory_space<vmem>>
      %gather3A_1943 = tpu.memref_squeeze %gather3A_1942 : memref<1x16x8x64xf32, #tpu.memory_space<vmem>> -> memref<16x8x64xf32, #tpu.memory_space<vmem>>
      %gather3A_1944 = tpu.vector_load_idx %gather3A_1943[%iota3A, %and3A_1724, %broadcast_in_dim3A_1937] : memref<16x8x64xf32, #tpu.memory_space<vmem>>[vector<16xi32>, vector<16xi32>, vector<16xi32>], vector<16xf32>,
      %broadcast_in_dim3A_1945 = arith.constant 19 : i32
      %broadcast_in_dim3A_1946 = vector.broadcast %broadcast_in_dim3A_1945 : i32 to vector<16xi32>
      tpu.vector_store_idx %arg7[%add3A_1728, %broadcast_in_dim3A_1946], %gather3A_1944 : memref<512x64xf32, #tpu.memory_space<vmem>>[vector<16xi32>, vector<16xi32>], vector<16xf32>,
      %broadcast_in_dim3A_1947 = arith.constant 20 : i32
      %broadcast_in_dim3A_1948 = vector.broadcast %broadcast_in_dim3A_1947 : i32 to vector<16xi32>
      %gather3A_1949 = arith.constant 0 : i32
      %gather3A_1950 = arith.constant 0 : i32
      %gather3A_1951 = arith.constant 0 : i32
      %gather3A_1952 = arith.constant 0 : i32
      %gather3A_1953 = tpu.memref_slice %arg6[%gather3A_1949, %gather3A_1950, %gather3A_1951, %gather3A_1952] : memref<2x16x8x64xf32, #tpu.memory_space<vmem>> -> memref<1x16x8x64xf32, #tpu.memory_space<vmem>>
      %gather3A_1954 = tpu.memref_squeeze %gather3A_1953 : memref<1x16x8x64xf32, #tpu.memory_space<vmem>> -> memref<16x8x64xf32, #tpu.memory_space<vmem>>
      %gather3A_1955 = tpu.vector_load_idx %gather3A_1954[%iota3A, %and3A_1724, %broadcast_in_dim3A_1948] : memref<16x8x64xf32, #tpu.memory_space<vmem>>[vector<16xi32>, vector<16xi32>, vector<16xi32>], vector<16xf32>,
      %broadcast_in_dim3A_1956 = arith.constant 20 : i32
      %broadcast_in_dim3A_1957 = vector.broadcast %broadcast_in_dim3A_1956 : i32 to vector<16xi32>
      tpu.vector_store_idx %arg7[%add3A_1728, %broadcast_in_dim3A_1957], %gather3A_1955 : memref<512x64xf32, #tpu.memory_space<vmem>>[vector<16xi32>, vector<16xi32>], vector<16xf32>,
      %broadcast_in_dim3A_1958 = arith.constant 21 : i32
      %broadcast_in_dim3A_1959 = vector.broadcast %broadcast_in_dim3A_1958 : i32 to vector<16xi32>
      %gather3A_1960 = arith.constant 0 : i32
      %gather3A_1961 = arith.constant 0 : i32
      %gather3A_1962 = arith.constant 0 : i32
      %gather3A_1963 = arith.constant 0 : i32
      %gather3A_1964 = tpu.memref_slice %arg6[%gather3A_1960, %gather3A_1961, %gather3A_1962, %gather3A_1963] : memref<2x16x8x64xf32, #tpu.memory_space<vmem>> -> memref<1x16x8x64xf32, #tpu.memory_space<vmem>>
      %gather3A_1965 = tpu.memref_squeeze %gather3A_1964 : memref<1x16x8x64xf32, #tpu.memory_space<vmem>> -> memref<16x8x64xf32, #tpu.memory_space<vmem>>
      %gather3A_1966 = tpu.vector_load_idx %gather3A_1965[%iota3A, %and3A_1724, %broadcast_in_dim3A_1959] : memref<16x8x64xf32, #tpu.memory_space<vmem>>[vector<16xi32>, vector<16xi32>, vector<16xi32>], vector<16xf32>,
      %broadcast_in_dim3A_1967 = arith.constant 21 : i32
      %broadcast_in_dim3A_1968 = vector.broadcast %broadcast_in_dim3A_1967 : i32 to vector<16xi32>
      tpu.vector_store_idx %arg7[%add3A_1728, %broadcast_in_dim3A_1968], %gather3A_1966 : memref<512x64xf32, #tpu.memory_space<vmem>>[vector<16xi32>, vector<16xi32>], vector<16xf32>,
      %broadcast_in_dim3A_1969 = arith.constant 22 : i32
      %broadcast_in_dim3A_1970 = vector.broadcast %broadcast_in_dim3A_1969 : i32 to vector<16xi32>
      %gather3A_1971 = arith.constant 0 : i32
      %gather3A_1972 = arith.constant 0 : i32
      %gather3A_1973 = arith.constant 0 : i32
      %gather3A_1974 = arith.constant 0 : i32
      %gather3A_1975 = tpu.memref_slice %arg6[%gather3A_1971, %gather3A_1972, %gather3A_1973, %gather3A_1974] : memref<2x16x8x64xf32, #tpu.memory_space<vmem>> -> memref<1x16x8x64xf32, #tpu.memory_space<vmem>>
      %gather3A_1976 = tpu.memref_squeeze %gather3A_1975 : memref<1x16x8x64xf32, #tpu.memory_space<vmem>> -> memref<16x8x64xf32, #tpu.memory_space<vmem>>
      %gather3A_1977 = tpu.vector_load_idx %gather3A_1976[%iota3A, %and3A_1724, %broadcast_in_dim3A_1970] : memref<16x8x64xf32, #tpu.memory_space<vmem>>[vector<16xi32>, vector<16xi32>, vector<16xi32>], vector<16xf32>,
      %broadcast_in_dim3A_1978 = arith.constant 22 : i32
      %broadcast_in_dim3A_1979 = vector.broadcast %broadcast_in_dim3A_1978 : i32 to vector<16xi32>
      tpu.vector_store_idx %arg7[%add3A_1728, %broadcast_in_dim3A_1979], %gather3A_1977 : memref<512x64xf32, #tpu.memory_space<vmem>>[vector<16xi32>, vector<16xi32>], vector<16xf32>,
      %broadcast_in_dim3A_1980 = arith.constant 23 : i32
      %broadcast_in_dim3A_1981 = vector.broadcast %broadcast_in_dim3A_1980 : i32 to vector<16xi32>
      %gather3A_1982 = arith.constant 0 : i32
      %gather3A_1983 = arith.constant 0 : i32
      %gather3A_1984 = arith.constant 0 : i32
      %gather3A_1985 = arith.constant 0 : i32
      %gather3A_1986 = tpu.memref_slice %arg6[%gather3A_1982, %gather3A_1983, %gather3A_1984, %gather3A_1985] : memref<2x16x8x64xf32, #tpu.memory_space<vmem>> -> memref<1x16x8x64xf32, #tpu.memory_space<vmem>>
      %gather3A_1987 = tpu.memref_squeeze %gather3A_1986 : memref<1x16x8x64xf32, #tpu.memory_space<vmem>> -> memref<16x8x64xf32, #tpu.memory_space<vmem>>
      %gather3A_1988 = tpu.vector_load_idx %gather3A_1987[%iota3A, %and3A_1724, %broadcast_in_dim3A_1981] : memref<16x8x64xf32, #tpu.memory_space<vmem>>[vector<16xi32>, vector<16xi32>, vector<16xi32>], vector<16xf32>,
      %broadcast_in_dim3A_1989 = arith.constant 23 : i32
      %broadcast_in_dim3A_1990 = vector.broadcast %broadcast_in_dim3A_1989 : i32 to vector<16xi32>
      tpu.vector_store_idx %arg7[%add3A_1728, %broadcast_in_dim3A_1990], %gather3A_1988 : memref<512x64xf32, #tpu.memory_space<vmem>>[vector<16xi32>, vector<16xi32>], vector<16xf32>,
      %broadcast_in_dim3A_1991 = arith.constant 24 : i32
      %broadcast_in_dim3A_1992 = vector.broadcast %broadcast_in_dim3A_1991 : i32 to vector<16xi32>
      %gather3A_1993 = arith.constant 0 : i32
      %gather3A_1994 = arith.constant 0 : i32
      %gather3A_1995 = arith.constant 0 : i32
      %gather3A_1996 = arith.constant 0 : i32
      %gather3A_1997 = tpu.memref_slice %arg6[%gather3A_1993, %gather3A_1994, %gather3A_1995, %gather3A_1996] : memref<2x16x8x64xf32, #tpu.memory_space<vmem>> -> memref<1x16x8x64xf32, #tpu.memory_space<vmem>>
      %gather3A_1998 = tpu.memref_squeeze %gather3A_1997 : memref<1x16x8x64xf32, #tpu.memory_space<vmem>> -> memref<16x8x64xf32, #tpu.memory_space<vmem>>
      %gather3A_1999 = tpu.vector_load_idx %gather3A_1998[%iota3A, %and3A_1724, %broadcast_in_dim3A_1992] : memref<16x8x64xf32, #tpu.memory_space<vmem>>[vector<16xi32>, vector<16xi32>, vector<16xi32>], vector<16xf32>,
      %broadcast_in_dim3A_2000 = arith.constant 24 : i32
      %broadcast_in_dim3A_2001 = vector.broadcast %broadcast_in_dim3A_2000 : i32 to vector<16xi32>
      tpu.vector_store_idx %arg7[%add3A_1728, %broadcast_in_dim3A_2001], %gather3A_1999 : memref<512x64xf32, #tpu.memory_space<vmem>>[vector<16xi32>, vector<16xi32>], vector<16xf32>,
      %broadcast_in_dim3A_2002 = arith.constant 25 : i32
      %broadcast_in_dim3A_2003 = vector.broadcast %broadcast_in_dim3A_2002 : i32 to vector<16xi32>
      %gather3A_2004 = arith.constant 0 : i32
      %gather3A_2005 = arith.constant 0 : i32
      %gather3A_2006 = arith.constant 0 : i32
      %gather3A_2007 = arith.constant 0 : i32
      %gather3A_2008 = tpu.memref_slice %arg6[%gather3A_2004, %gather3A_2005, %gather3A_2006, %gather3A_2007] : memref<2x16x8x64xf32, #tpu.memory_space<vmem>> -> memref<1x16x8x64xf32, #tpu.memory_space<vmem>>
      %gather3A_2009 = tpu.memref_squeeze %gather3A_2008 : memref<1x16x8x64xf32, #tpu.memory_space<vmem>> -> memref<16x8x64xf32, #tpu.memory_space<vmem>>
      %gather3A_2010 = tpu.vector_load_idx %gather3A_2009[%iota3A, %and3A_1724, %broadcast_in_dim3A_2003] : memref<16x8x64xf32, #tpu.memory_space<vmem>>[vector<16xi32>, vector<16xi32>, vector<16xi32>], vector<16xf32>,
      %broadcast_in_dim3A_2011 = arith.constant 25 : i32
      %broadcast_in_dim3A_2012 = vector.broadcast %broadcast_in_dim3A_2011 : i32 to vector<16xi32>
      tpu.vector_store_idx %arg7[%add3A_1728, %broadcast_in_dim3A_2012], %gather3A_2010 : memref<512x64xf32, #tpu.memory_space<vmem>>[vector<16xi32>, vector<16xi32>], vector<16xf32>,
      %broadcast_in_dim3A_2013 = arith.constant 26 : i32
      %broadcast_in_dim3A_2014 = vector.broadcast %broadcast_in_dim3A_2013 : i32 to vector<16xi32>
      %gather3A_2015 = arith.constant 0 : i32
      %gather3A_2016 = arith.constant 0 : i32
      %gather3A_2017 = arith.constant 0 : i32
      %gather3A_2018 = arith.constant 0 : i32
      %gather3A_2019 = tpu.memref_slice %arg6[%gather3A_2015, %gather3A_2016, %gather3A_2017, %gather3A_2018] : memref<2x16x8x64xf32, #tpu.memory_space<vmem>> -> memref<1x16x8x64xf32, #tpu.memory_space<vmem>>
      %gather3A_2020 = tpu.memref_squeeze %gather3A_2019 : memref<1x16x8x64xf32, #tpu.memory_space<vmem>> -> memref<16x8x64xf32, #tpu.memory_space<vmem>>
      %gather3A_2021 = tpu.vector_load_idx %gather3A_2020[%iota3A, %and3A_1724, %broadcast_in_dim3A_2014] : memref<16x8x64xf32, #tpu.memory_space<vmem>>[vector<16xi32>, vector<16xi32>, vector<16xi32>], vector<16xf32>,
      %broadcast_in_dim3A_2022 = arith.constant 26 : i32
      %broadcast_in_dim3A_2023 = vector.broadcast %broadcast_in_dim3A_2022 : i32 to vector<16xi32>
      tpu.vector_store_idx %arg7[%add3A_1728, %broadcast_in_dim3A_2023], %gather3A_2021 : memref<512x64xf32, #tpu.memory_space<vmem>>[vector<16xi32>, vector<16xi32>], vector<16xf32>,
      %broadcast_in_dim3A_2024 = arith.constant 27 : i32
      %broadcast_in_dim3A_2025 = vector.broadcast %broadcast_in_dim3A_2024 : i32 to vector<16xi32>
      %gather3A_2026 = arith.constant 0 : i32
      %gather3A_2027 = arith.constant 0 : i32
      %gather3A_2028 = arith.constant 0 : i32
      %gather3A_2029 = arith.constant 0 : i32
      %gather3A_2030 = tpu.memref_slice %arg6[%gather3A_2026, %gather3A_2027, %gather3A_2028, %gather3A_2029] : memref<2x16x8x64xf32, #tpu.memory_space<vmem>> -> memref<1x16x8x64xf32, #tpu.memory_space<vmem>>
      %gather3A_2031 = tpu.memref_squeeze %gather3A_2030 : memref<1x16x8x64xf32, #tpu.memory_space<vmem>> -> memref<16x8x64xf32, #tpu.memory_space<vmem>>
      %gather3A_2032 = tpu.vector_load_idx %gather3A_2031[%iota3A, %and3A_1724, %broadcast_in_dim3A_2025] : memref<16x8x64xf32, #tpu.memory_space<vmem>>[vector<16xi32>, vector<16xi32>, vector<16xi32>], vector<16xf32>,
      %broadcast_in_dim3A_2033 = arith.constant 27 : i32
      %broadcast_in_dim3A_2034 = vector.broadcast %broadcast_in_dim3A_2033 : i32 to vector<16xi32>
      tpu.vector_store_idx %arg7[%add3A_1728, %broadcast_in_dim3A_2034], %gather3A_2032 : memref<512x64xf32, #tpu.memory_space<vmem>>[vector<16xi32>, vector<16xi32>], vector<16xf32>,
      %broadcast_in_dim3A_2035 = arith.constant 28 : i32
      %broadcast_in_dim3A_2036 = vector.broadcast %broadcast_in_dim3A_2035 : i32 to vector<16xi32>
      %gather3A_2037 = arith.constant 0 : i32
      %gather3A_2038 = arith.constant 0 : i32
      %gather3A_2039 = arith.constant 0 : i32
      %gather3A_2040 = arith.constant 0 : i32
      %gather3A_2041 = tpu.memref_slice %arg6[%gather3A_2037, %gather3A_2038, %gather3A_2039, %gather3A_2040] : memref<2x16x8x64xf32, #tpu.memory_space<vmem>> -> memref<1x16x8x64xf32, #tpu.memory_space<vmem>>
      %gather3A_2042 = tpu.memref_squeeze %gather3A_2041 : memref<1x16x8x64xf32, #tpu.memory_space<vmem>> -> memref<16x8x64xf32, #tpu.memory_space<vmem>>
      %gather3A_2043 = tpu.vector_load_idx %gather3A_2042[%iota3A, %and3A_1724, %broadcast_in_dim3A_2036] : memref<16x8x64xf32, #tpu.memory_space<vmem>>[vector<16xi32>, vector<16xi32>, vector<16xi32>], vector<16xf32>,
      %broadcast_in_dim3A_2044 = arith.constant 28 : i32
      %broadcast_in_dim3A_2045 = vector.broadcast %broadcast_in_dim3A_2044 : i32 to vector<16xi32>
      tpu.vector_store_idx %arg7[%add3A_1728, %broadcast_in_dim3A_2045], %gather3A_2043 : memref<512x64xf32, #tpu.memory_space<vmem>>[vector<16xi32>, vector<16xi32>], vector<16xf32>,
      %broadcast_in_dim3A_2046 = arith.constant 29 : i32
      %broadcast_in_dim3A_2047 = vector.broadcast %broadcast_in_dim3A_2046 : i32 to vector<16xi32>
      %gather3A_2048 = arith.constant 0 : i32
      %gather3A_2049 = arith.constant 0 : i32
      %gather3A_2050 = arith.constant 0 : i32
      %gather3A_2051 = arith.constant 0 : i32
      %gather3A_2052 = tpu.memref_slice %arg6[%gather3A_2048, %gather3A_2049, %gather3A_2050, %gather3A_2051] : memref<2x16x8x64xf32, #tpu.memory_space<vmem>> -> memref<1x16x8x64xf32, #tpu.memory_space<vmem>>
      %gather3A_2053 = tpu.memref_squeeze %gather3A_2052 : memref<1x16x8x64xf32, #tpu.memory_space<vmem>> -> memref<16x8x64xf32, #tpu.memory_space<vmem>>
      %gather3A_2054 = tpu.vector_load_idx %gather3A_2053[%iota3A, %and3A_1724, %broadcast_in_dim3A_2047] : memref<16x8x64xf32, #tpu.memory_space<vmem>>[vector<16xi32>, vector<16xi32>, vector<16xi32>], vector<16xf32>,
      %broadcast_in_dim3A_2055 = arith.constant 29 : i32
      %broadcast_in_dim3A_2056 = vector.broadcast %broadcast_in_dim3A_2055 : i32 to vector<16xi32>
      tpu.vector_store_idx %arg7[%add3A_1728, %broadcast_in_dim3A_2056], %gather3A_2054 : memref<512x64xf32, #tpu.memory_space<vmem>>[vector<16xi32>, vector<16xi32>], vector<16xf32>,
      %broadcast_in_dim3A_2057 = arith.constant 30 : i32
      %broadcast_in_dim3A_2058 = vector.broadcast %broadcast_in_dim3A_2057 : i32 to vector<16xi32>
      %gather3A_2059 = arith.constant 0 : i32
      %gather3A_2060 = arith.constant 0 : i32
      %gather3A_2061 = arith.constant 0 : i32
      %gather3A_2062 = arith.constant 0 : i32
      %gather3A_2063 = tpu.memref_slice %arg6[%gather3A_2059, %gather3A_2060, %gather3A_2061, %gather3A_2062] : memref<2x16x8x64xf32, #tpu.memory_space<vmem>> -> memref<1x16x8x64xf32, #tpu.memory_space<vmem>>
      %gather3A_2064 = tpu.memref_squeeze %gather3A_2063 : memref<1x16x8x64xf32, #tpu.memory_space<vmem>> -> memref<16x8x64xf32, #tpu.memory_space<vmem>>
      %gather3A_2065 = tpu.vector_load_idx %gather3A_2064[%iota3A, %and3A_1724, %broadcast_in_dim3A_2058] : memref<16x8x64xf32, #tpu.memory_space<vmem>>[vector<16xi32>, vector<16xi32>, vector<16xi32>], vector<16xf32>,
      %broadcast_in_dim3A_2066 = arith.constant 30 : i32
      %broadcast_in_dim3A_2067 = vector.broadcast %broadcast_in_dim3A_2066 : i32 to vector<16xi32>
      tpu.vector_store_idx %arg7[%add3A_1728, %broadcast_in_dim3A_2067], %gather3A_2065 : memref<512x64xf32, #tpu.memory_space<vmem>>[vector<16xi32>, vector<16xi32>], vector<16xf32>,
      %broadcast_in_dim3A_2068 = arith.constant 31 : i32
      %broadcast_in_dim3A_2069 = vector.broadcast %broadcast_in_dim3A_2068 : i32 to vector<16xi32>
      %gather3A_2070 = arith.constant 0 : i32
      %gather3A_2071 = arith.constant 0 : i32
      %gather3A_2072 = arith.constant 0 : i32
      %gather3A_2073 = arith.constant 0 : i32
      %gather3A_2074 = tpu.memref_slice %arg6[%gather3A_2070, %gather3A_2071, %gather3A_2072, %gather3A_2073] : memref<2x16x8x64xf32, #tpu.memory_space<vmem>> -> memref<1x16x8x64xf32, #tpu.memory_space<vmem>>
      %gather3A_2075 = tpu.memref_squeeze %gather3A_2074 : memref<1x16x8x64xf32, #tpu.memory_space<vmem>> -> memref<16x8x64xf32, #tpu.memory_space<vmem>>
      %gather3A_2076 = tpu.vector_load_idx %gather3A_2075[%iota3A, %and3A_1724, %broadcast_in_dim3A_2069] : memref<16x8x64xf32, #tpu.memory_space<vmem>>[vector<16xi32>, vector<16xi32>, vector<16xi32>], vector<16xf32>,
      %broadcast_in_dim3A_2077 = arith.constant 31 : i32
      %broadcast_in_dim3A_2078 = vector.broadcast %broadcast_in_dim3A_2077 : i32 to vector<16xi32>
      tpu.vector_store_idx %arg7[%add3A_1728, %broadcast_in_dim3A_2078], %gather3A_2076 : memref<512x64xf32, #tpu.memory_space<vmem>>[vector<16xi32>, vector<16xi32>], vector<16xf32>,
      %broadcast_in_dim3A_2079 = arith.constant 32 : i32
      %broadcast_in_dim3A_2080 = vector.broadcast %broadcast_in_dim3A_2079 : i32 to vector<16xi32>
      %gather3A_2081 = arith.constant 0 : i32
      %gather3A_2082 = arith.constant 0 : i32
      %gather3A_2083 = arith.constant 0 : i32
      %gather3A_2084 = arith.constant 0 : i32
      %gather3A_2085 = tpu.memref_slice %arg6[%gather3A_2081, %gather3A_2082, %gather3A_2083, %gather3A_2084] : memref<2x16x8x64xf32, #tpu.memory_space<vmem>> -> memref<1x16x8x64xf32, #tpu.memory_space<vmem>>
      %gather3A_2086 = tpu.memref_squeeze %gather3A_2085 : memref<1x16x8x64xf32, #tpu.memory_space<vmem>> -> memref<16x8x64xf32, #tpu.memory_space<vmem>>
      %gather3A_2087 = tpu.vector_load_idx %gather3A_2086[%iota3A, %and3A_1724, %broadcast_in_dim3A_2080] : memref<16x8x64xf32, #tpu.memory_space<vmem>>[vector<16xi32>, vector<16xi32>, vector<16xi32>], vector<16xf32>,
      %broadcast_in_dim3A_2088 = arith.constant 32 : i32
      %broadcast_in_dim3A_2089 = vector.broadcast %broadcast_in_dim3A_2088 : i32 to vector<16xi32>
      tpu.vector_store_idx %arg7[%add3A_1728, %broadcast_in_dim3A_2089], %gather3A_2087 : memref<512x64xf32, #tpu.memory_space<vmem>>[vector<16xi32>, vector<16xi32>], vector<16xf32>,
      %broadcast_in_dim3A_2090 = arith.constant 33 : i32
      %broadcast_in_dim3A_2091 = vector.broadcast %broadcast_in_dim3A_2090 : i32 to vector<16xi32>
      %gather3A_2092 = arith.constant 0 : i32
      %gather3A_2093 = arith.constant 0 : i32
      %gather3A_2094 = arith.constant 0 : i32
      %gather3A_2095 = arith.constant 0 : i32
      %gather3A_2096 = tpu.memref_slice %arg6[%gather3A_2092, %gather3A_2093, %gather3A_2094, %gather3A_2095] : memref<2x16x8x64xf32, #tpu.memory_space<vmem>> -> memref<1x16x8x64xf32, #tpu.memory_space<vmem>>
      %gather3A_2097 = tpu.memref_squeeze %gather3A_2096 : memref<1x16x8x64xf32, #tpu.memory_space<vmem>> -> memref<16x8x64xf32, #tpu.memory_space<vmem>>
      %gather3A_2098 = tpu.vector_load_idx %gather3A_2097[%iota3A, %and3A_1724, %broadcast_in_dim3A_2091] : memref<16x8x64xf32, #tpu.memory_space<vmem>>[vector<16xi32>, vector<16xi32>, vector<16xi32>], vector<16xf32>,
      %broadcast_in_dim3A_2099 = arith.constant 33 : i32
      %broadcast_in_dim3A_2100 = vector.broadcast %broadcast_in_dim3A_2099 : i32 to vector<16xi32>
      tpu.vector_store_idx %arg7[%add3A_1728, %broadcast_in_dim3A_2100], %gather3A_2098 : memref<512x64xf32, #tpu.memory_space<vmem>>[vector<16xi32>, vector<16xi32>], vector<16xf32>,
      %broadcast_in_dim3A_2101 = arith.constant 34 : i32
      %broadcast_in_dim3A_2102 = vector.broadcast %broadcast_in_dim3A_2101 : i32 to vector<16xi32>
      %gather3A_2103 = arith.constant 0 : i32
      %gather3A_2104 = arith.constant 0 : i32
      %gather3A_2105 = arith.constant 0 : i32
      %gather3A_2106 = arith.constant 0 : i32
      %gather3A_2107 = tpu.memref_slice %arg6[%gather3A_2103, %gather3A_2104, %gather3A_2105, %gather3A_2106] : memref<2x16x8x64xf32, #tpu.memory_space<vmem>> -> memref<1x16x8x64xf32, #tpu.memory_space<vmem>>
      %gather3A_2108 = tpu.memref_squeeze %gather3A_2107 : memref<1x16x8x64xf32, #tpu.memory_space<vmem>> -> memref<16x8x64xf32, #tpu.memory_space<vmem>>
      %gather3A_2109 = tpu.vector_load_idx %gather3A_2108[%iota3A, %and3A_1724, %broadcast_in_dim3A_2102] : memref<16x8x64xf32, #tpu.memory_space<vmem>>[vector<16xi32>, vector<16xi32>, vector<16xi32>], vector<16xf32>,
      %broadcast_in_dim3A_2110 = arith.constant 34 : i32
      %broadcast_in_dim3A_2111 = vector.broadcast %broadcast_in_dim3A_2110 : i32 to vector<16xi32>
      tpu.vector_store_idx %arg7[%add3A_1728, %broadcast_in_dim3A_2111], %gather3A_2109 : memref<512x64xf32, #tpu.memory_space<vmem>>[vector<16xi32>, vector<16xi32>], vector<16xf32>,
      %broadcast_in_dim3A_2112 = arith.constant 35 : i32
      %broadcast_in_dim3A_2113 = vector.broadcast %broadcast_in_dim3A_2112 : i32 to vector<16xi32>
      %gather3A_2114 = arith.constant 0 : i32
      %gather3A_2115 = arith.constant 0 : i32
      %gather3A_2116 = arith.constant 0 : i32
      %gather3A_2117 = arith.constant 0 : i32
      %gather3A_2118 = tpu.memref_slice %arg6[%gather3A_2114, %gather3A_2115, %gather3A_2116, %gather3A_2117] : memref<2x16x8x64xf32, #tpu.memory_space<vmem>> -> memref<1x16x8x64xf32, #tpu.memory_space<vmem>>
      %gather3A_2119 = tpu.memref_squeeze %gather3A_2118 : memref<1x16x8x64xf32, #tpu.memory_space<vmem>> -> memref<16x8x64xf32, #tpu.memory_space<vmem>>
      %gather3A_2120 = tpu.vector_load_idx %gather3A_2119[%iota3A, %and3A_1724, %broadcast_in_dim3A_2113] : memref<16x8x64xf32, #tpu.memory_space<vmem>>[vector<16xi32>, vector<16xi32>, vector<16xi32>], vector<16xf32>,
      %broadcast_in_dim3A_2121 = arith.constant 35 : i32
      %broadcast_in_dim3A_2122 = vector.broadcast %broadcast_in_dim3A_2121 : i32 to vector<16xi32>
      tpu.vector_store_idx %arg7[%add3A_1728, %broadcast_in_dim3A_2122], %gather3A_2120 : memref<512x64xf32, #tpu.memory_space<vmem>>[vector<16xi32>, vector<16xi32>], vector<16xf32>,
      %broadcast_in_dim3A_2123 = arith.constant 36 : i32
      %broadcast_in_dim3A_2124 = vector.broadcast %broadcast_in_dim3A_2123 : i32 to vector<16xi32>
      %gather3A_2125 = arith.constant 0 : i32
      %gather3A_2126 = arith.constant 0 : i32
      %gather3A_2127 = arith.constant 0 : i32
      %gather3A_2128 = arith.constant 0 : i32
      %gather3A_2129 = tpu.memref_slice %arg6[%gather3A_2125, %gather3A_2126, %gather3A_2127, %gather3A_2128] : memref<2x16x8x64xf32, #tpu.memory_space<vmem>> -> memref<1x16x8x64xf32, #tpu.memory_space<vmem>>
      %gather3A_2130 = tpu.memref_squeeze %gather3A_2129 : memref<1x16x8x64xf32, #tpu.memory_space<vmem>> -> memref<16x8x64xf32, #tpu.memory_space<vmem>>
      %gather3A_2131 = tpu.vector_load_idx %gather3A_2130[%iota3A, %and3A_1724, %broadcast_in_dim3A_2124] : memref<16x8x64xf32, #tpu.memory_space<vmem>>[vector<16xi32>, vector<16xi32>, vector<16xi32>], vector<16xf32>,
      %broadcast_in_dim3A_2132 = arith.constant 36 : i32
      %broadcast_in_dim3A_2133 = vector.broadcast %broadcast_in_dim3A_2132 : i32 to vector<16xi32>
      tpu.vector_store_idx %arg7[%add3A_1728, %broadcast_in_dim3A_2133], %gather3A_2131 : memref<512x64xf32, #tpu.memory_space<vmem>>[vector<16xi32>, vector<16xi32>], vector<16xf32>,
      %broadcast_in_dim3A_2134 = arith.constant 37 : i32
      %broadcast_in_dim3A_2135 = vector.broadcast %broadcast_in_dim3A_2134 : i32 to vector<16xi32>
      %gather3A_2136 = arith.constant 0 : i32
      %gather3A_2137 = arith.constant 0 : i32
      %gather3A_2138 = arith.constant 0 : i32
      %gather3A_2139 = arith.constant 0 : i32
      %gather3A_2140 = tpu.memref_slice %arg6[%gather3A_2136, %gather3A_2137, %gather3A_2138, %gather3A_2139] : memref<2x16x8x64xf32, #tpu.memory_space<vmem>> -> memref<1x16x8x64xf32, #tpu.memory_space<vmem>>
      %gather3A_2141 = tpu.memref_squeeze %gather3A_2140 : memref<1x16x8x64xf32, #tpu.memory_space<vmem>> -> memref<16x8x64xf32, #tpu.memory_space<vmem>>
      %gather3A_2142 = tpu.vector_load_idx %gather3A_2141[%iota3A, %and3A_1724, %broadcast_in_dim3A_2135] : memref<16x8x64xf32, #tpu.memory_space<vmem>>[vector<16xi32>, vector<16xi32>, vector<16xi32>], vector<16xf32>,
      %broadcast_in_dim3A_2143 = arith.constant 37 : i32
      %broadcast_in_dim3A_2144 = vector.broadcast %broadcast_in_dim3A_2143 : i32 to vector<16xi32>
      tpu.vector_store_idx %arg7[%add3A_1728, %broadcast_in_dim3A_2144], %gather3A_2142 : memref<512x64xf32, #tpu.memory_space<vmem>>[vector<16xi32>, vector<16xi32>], vector<16xf32>,
      %broadcast_in_dim3A_2145 = arith.constant 38 : i32
      %broadcast_in_dim3A_2146 = vector.broadcast %broadcast_in_dim3A_2145 : i32 to vector<16xi32>
      %gather3A_2147 = arith.constant 0 : i32
      %gather3A_2148 = arith.constant 0 : i32
      %gather3A_2149 = arith.constant 0 : i32
      %gather3A_2150 = arith.constant 0 : i32
      %gather3A_2151 = tpu.memref_slice %arg6[%gather3A_2147, %gather3A_2148, %gather3A_2149, %gather3A_2150] : memref<2x16x8x64xf32, #tpu.memory_space<vmem>> -> memref<1x16x8x64xf32, #tpu.memory_space<vmem>>
      %gather3A_2152 = tpu.memref_squeeze %gather3A_2151 : memref<1x16x8x64xf32, #tpu.memory_space<vmem>> -> memref<16x8x64xf32, #tpu.memory_space<vmem>>
      %gather3A_2153 = tpu.vector_load_idx %gather3A_2152[%iota3A, %and3A_1724, %broadcast_in_dim3A_2146] : memref<16x8x64xf32, #tpu.memory_space<vmem>>[vector<16xi32>, vector<16xi32>, vector<16xi32>], vector<16xf32>,
      %broadcast_in_dim3A_2154 = arith.constant 38 : i32
      %broadcast_in_dim3A_2155 = vector.broadcast %broadcast_in_dim3A_2154 : i32 to vector<16xi32>
      tpu.vector_store_idx %arg7[%add3A_1728, %broadcast_in_dim3A_2155], %gather3A_2153 : memref<512x64xf32, #tpu.memory_space<vmem>>[vector<16xi32>, vector<16xi32>], vector<16xf32>,
      %broadcast_in_dim3A_2156 = arith.constant 39 : i32
      %broadcast_in_dim3A_2157 = vector.broadcast %broadcast_in_dim3A_2156 : i32 to vector<16xi32>
      %gather3A_2158 = arith.constant 0 : i32
      %gather3A_2159 = arith.constant 0 : i32
      %gather3A_2160 = arith.constant 0 : i32
      %gather3A_2161 = arith.constant 0 : i32
      %gather3A_2162 = tpu.memref_slice %arg6[%gather3A_2158, %gather3A_2159, %gather3A_2160, %gather3A_2161] : memref<2x16x8x64xf32, #tpu.memory_space<vmem>> -> memref<1x16x8x64xf32, #tpu.memory_space<vmem>>
      %gather3A_2163 = tpu.memref_squeeze %gather3A_2162 : memref<1x16x8x64xf32, #tpu.memory_space<vmem>> -> memref<16x8x64xf32, #tpu.memory_space<vmem>>
      %gather3A_2164 = tpu.vector_load_idx %gather3A_2163[%iota3A, %and3A_1724, %broadcast_in_dim3A_2157] : memref<16x8x64xf32, #tpu.memory_space<vmem>>[vector<16xi32>, vector<16xi32>, vector<16xi32>], vector<16xf32>,
      %broadcast_in_dim3A_2165 = arith.constant 39 : i32
      %broadcast_in_dim3A_2166 = vector.broadcast %broadcast_in_dim3A_2165 : i32 to vector<16xi32>
      tpu.vector_store_idx %arg7[%add3A_1728, %broadcast_in_dim3A_2166], %gather3A_2164 : memref<512x64xf32, #tpu.memory_space<vmem>>[vector<16xi32>, vector<16xi32>], vector<16xf32>,
      %broadcast_in_dim3A_2167 = arith.constant 40 : i32
      %broadcast_in_dim3A_2168 = vector.broadcast %broadcast_in_dim3A_2167 : i32 to vector<16xi32>
      %gather3A_2169 = arith.constant 0 : i32
      %gather3A_2170 = arith.constant 0 : i32
      %gather3A_2171 = arith.constant 0 : i32
      %gather3A_2172 = arith.constant 0 : i32
      %gather3A_2173 = tpu.memref_slice %arg6[%gather3A_2169, %gather3A_2170, %gather3A_2171, %gather3A_2172] : memref<2x16x8x64xf32, #tpu.memory_space<vmem>> -> memref<1x16x8x64xf32, #tpu.memory_space<vmem>>
      %gather3A_2174 = tpu.memref_squeeze %gather3A_2173 : memref<1x16x8x64xf32, #tpu.memory_space<vmem>> -> memref<16x8x64xf32, #tpu.memory_space<vmem>>
      %gather3A_2175 = tpu.vector_load_idx %gather3A_2174[%iota3A, %and3A_1724, %broadcast_in_dim3A_2168] : memref<16x8x64xf32, #tpu.memory_space<vmem>>[vector<16xi32>, vector<16xi32>, vector<16xi32>], vector<16xf32>,
      %broadcast_in_dim3A_2176 = arith.constant 40 : i32
      %broadcast_in_dim3A_2177 = vector.broadcast %broadcast_in_dim3A_2176 : i32 to vector<16xi32>
      tpu.vector_store_idx %arg7[%add3A_1728, %broadcast_in_dim3A_2177], %gather3A_2175 : memref<512x64xf32, #tpu.memory_space<vmem>>[vector<16xi32>, vector<16xi32>], vector<16xf32>,
      %broadcast_in_dim3A_2178 = arith.constant 41 : i32
      %broadcast_in_dim3A_2179 = vector.broadcast %broadcast_in_dim3A_2178 : i32 to vector<16xi32>
      %gather3A_2180 = arith.constant 0 : i32
      %gather3A_2181 = arith.constant 0 : i32
      %gather3A_2182 = arith.constant 0 : i32
      %gather3A_2183 = arith.constant 0 : i32
      %gather3A_2184 = tpu.memref_slice %arg6[%gather3A_2180, %gather3A_2181, %gather3A_2182, %gather3A_2183] : memref<2x16x8x64xf32, #tpu.memory_space<vmem>> -> memref<1x16x8x64xf32, #tpu.memory_space<vmem>>
      %gather3A_2185 = tpu.memref_squeeze %gather3A_2184 : memref<1x16x8x64xf32, #tpu.memory_space<vmem>> -> memref<16x8x64xf32, #tpu.memory_space<vmem>>
      %gather3A_2186 = tpu.vector_load_idx %gather3A_2185[%iota3A, %and3A_1724, %broadcast_in_dim3A_2179] : memref<16x8x64xf32, #tpu.memory_space<vmem>>[vector<16xi32>, vector<16xi32>, vector<16xi32>], vector<16xf32>,
      %broadcast_in_dim3A_2187 = arith.constant 41 : i32
      %broadcast_in_dim3A_2188 = vector.broadcast %broadcast_in_dim3A_2187 : i32 to vector<16xi32>
      tpu.vector_store_idx %arg7[%add3A_1728, %broadcast_in_dim3A_2188], %gather3A_2186 : memref<512x64xf32, #tpu.memory_space<vmem>>[vector<16xi32>, vector<16xi32>], vector<16xf32>,
      %broadcast_in_dim3A_2189 = arith.constant 42 : i32
      %broadcast_in_dim3A_2190 = vector.broadcast %broadcast_in_dim3A_2189 : i32 to vector<16xi32>
      %gather3A_2191 = arith.constant 0 : i32
      %gather3A_2192 = arith.constant 0 : i32
      %gather3A_2193 = arith.constant 0 : i32
      %gather3A_2194 = arith.constant 0 : i32
      %gather3A_2195 = tpu.memref_slice %arg6[%gather3A_2191, %gather3A_2192, %gather3A_2193, %gather3A_2194] : memref<2x16x8x64xf32, #tpu.memory_space<vmem>> -> memref<1x16x8x64xf32, #tpu.memory_space<vmem>>
      %gather3A_2196 = tpu.memref_squeeze %gather3A_2195 : memref<1x16x8x64xf32, #tpu.memory_space<vmem>> -> memref<16x8x64xf32, #tpu.memory_space<vmem>>
      %gather3A_2197 = tpu.vector_load_idx %gather3A_2196[%iota3A, %and3A_1724, %broadcast_in_dim3A_2190] : memref<16x8x64xf32, #tpu.memory_space<vmem>>[vector<16xi32>, vector<16xi32>, vector<16xi32>], vector<16xf32>,
      %broadcast_in_dim3A_2198 = arith.constant 42 : i32
      %broadcast_in_dim3A_2199 = vector.broadcast %broadcast_in_dim3A_2198 : i32 to vector<16xi32>
      tpu.vector_store_idx %arg7[%add3A_1728, %broadcast_in_dim3A_2199], %gather3A_2197 : memref<512x64xf32, #tpu.memory_space<vmem>>[vector<16xi32>, vector<16xi32>], vector<16xf32>,
      %broadcast_in_dim3A_2200 = arith.constant 43 : i32
      %broadcast_in_dim3A_2201 = vector.broadcast %broadcast_in_dim3A_2200 : i32 to vector<16xi32>
      %gather3A_2202 = arith.constant 0 : i32
      %gather3A_2203 = arith.constant 0 : i32
      %gather3A_2204 = arith.constant 0 : i32
      %gather3A_2205 = arith.constant 0 : i32
      %gather3A_2206 = tpu.memref_slice %arg6[%gather3A_2202, %gather3A_2203, %gather3A_2204, %gather3A_2205] : memref<2x16x8x64xf32, #tpu.memory_space<vmem>> -> memref<1x16x8x64xf32, #tpu.memory_space<vmem>>
      %gather3A_2207 = tpu.memref_squeeze %gather3A_2206 : memref<1x16x8x64xf32, #tpu.memory_space<vmem>> -> memref<16x8x64xf32, #tpu.memory_space<vmem>>
      %gather3A_2208 = tpu.vector_load_idx %gather3A_2207[%iota3A, %and3A_1724, %broadcast_in_dim3A_2201] : memref<16x8x64xf32, #tpu.memory_space<vmem>>[vector<16xi32>, vector<16xi32>, vector<16xi32>], vector<16xf32>,
      %broadcast_in_dim3A_2209 = arith.constant 43 : i32
      %broadcast_in_dim3A_2210 = vector.broadcast %broadcast_in_dim3A_2209 : i32 to vector<16xi32>
      tpu.vector_store_idx %arg7[%add3A_1728, %broadcast_in_dim3A_2210], %gather3A_2208 : memref<512x64xf32, #tpu.memory_space<vmem>>[vector<16xi32>, vector<16xi32>], vector<16xf32>,
      %broadcast_in_dim3A_2211 = arith.constant 44 : i32
      %broadcast_in_dim3A_2212 = vector.broadcast %broadcast_in_dim3A_2211 : i32 to vector<16xi32>
      %gather3A_2213 = arith.constant 0 : i32
      %gather3A_2214 = arith.constant 0 : i32
      %gather3A_2215 = arith.constant 0 : i32
      %gather3A_2216 = arith.constant 0 : i32
      %gather3A_2217 = tpu.memref_slice %arg6[%gather3A_2213, %gather3A_2214, %gather3A_2215, %gather3A_2216] : memref<2x16x8x64xf32, #tpu.memory_space<vmem>> -> memref<1x16x8x64xf32, #tpu.memory_space<vmem>>
      %gather3A_2218 = tpu.memref_squeeze %gather3A_2217 : memref<1x16x8x64xf32, #tpu.memory_space<vmem>> -> memref<16x8x64xf32, #tpu.memory_space<vmem>>
      %gather3A_2219 = tpu.vector_load_idx %gather3A_2218[%iota3A, %and3A_1724, %broadcast_in_dim3A_2212] : memref<16x8x64xf32, #tpu.memory_space<vmem>>[vector<16xi32>, vector<16xi32>, vector<16xi32>], vector<16xf32>,
      %broadcast_in_dim3A_2220 = arith.constant 44 : i32
      %broadcast_in_dim3A_2221 = vector.broadcast %broadcast_in_dim3A_2220 : i32 to vector<16xi32>
      tpu.vector_store_idx %arg7[%add3A_1728, %broadcast_in_dim3A_2221], %gather3A_2219 : memref<512x64xf32, #tpu.memory_space<vmem>>[vector<16xi32>, vector<16xi32>], vector<16xf32>,
      %broadcast_in_dim3A_2222 = arith.constant 45 : i32
      %broadcast_in_dim3A_2223 = vector.broadcast %broadcast_in_dim3A_2222 : i32 to vector<16xi32>
      %gather3A_2224 = arith.constant 0 : i32
      %gather3A_2225 = arith.constant 0 : i32
      %gather3A_2226 = arith.constant 0 : i32
      %gather3A_2227 = arith.constant 0 : i32
      %gather3A_2228 = tpu.memref_slice %arg6[%gather3A_2224, %gather3A_2225, %gather3A_2226, %gather3A_2227] : memref<2x16x8x64xf32, #tpu.memory_space<vmem>> -> memref<1x16x8x64xf32, #tpu.memory_space<vmem>>
      %gather3A_2229 = tpu.memref_squeeze %gather3A_2228 : memref<1x16x8x64xf32, #tpu.memory_space<vmem>> -> memref<16x8x64xf32, #tpu.memory_space<vmem>>
      %gather3A_2230 = tpu.vector_load_idx %gather3A_2229[%iota3A, %and3A_1724, %broadcast_in_dim3A_2223] : memref<16x8x64xf32, #tpu.memory_space<vmem>>[vector<16xi32>, vector<16xi32>, vector<16xi32>], vector<16xf32>,
      %broadcast_in_dim3A_2231 = arith.constant 45 : i32
      %broadcast_in_dim3A_2232 = vector.broadcast %broadcast_in_dim3A_2231 : i32 to vector<16xi32>
      tpu.vector_store_idx %arg7[%add3A_1728, %broadcast_in_dim3A_2232], %gather3A_2230 : memref<512x64xf32, #tpu.memory_space<vmem>>[vector<16xi32>, vector<16xi32>], vector<16xf32>,
      %broadcast_in_dim3A_2233 = arith.constant 46 : i32
      %broadcast_in_dim3A_2234 = vector.broadcast %broadcast_in_dim3A_2233 : i32 to vector<16xi32>
      %gather3A_2235 = arith.constant 0 : i32
      %gather3A_2236 = arith.constant 0 : i32
      %gather3A_2237 = arith.constant 0 : i32
      %gather3A_2238 = arith.constant 0 : i32
      %gather3A_2239 = tpu.memref_slice %arg6[%gather3A_2235, %gather3A_2236, %gather3A_2237, %gather3A_2238] : memref<2x16x8x64xf32, #tpu.memory_space<vmem>> -> memref<1x16x8x64xf32, #tpu.memory_space<vmem>>
      %gather3A_2240 = tpu.memref_squeeze %gather3A_2239 : memref<1x16x8x64xf32, #tpu.memory_space<vmem>> -> memref<16x8x64xf32, #tpu.memory_space<vmem>>
      %gather3A_2241 = tpu.vector_load_idx %gather3A_2240[%iota3A, %and3A_1724, %broadcast_in_dim3A_2234] : memref<16x8x64xf32, #tpu.memory_space<vmem>>[vector<16xi32>, vector<16xi32>, vector<16xi32>], vector<16xf32>,
      %broadcast_in_dim3A_2242 = arith.constant 46 : i32
      %broadcast_in_dim3A_2243 = vector.broadcast %broadcast_in_dim3A_2242 : i32 to vector<16xi32>
      tpu.vector_store_idx %arg7[%add3A_1728, %broadcast_in_dim3A_2243], %gather3A_2241 : memref<512x64xf32, #tpu.memory_space<vmem>>[vector<16xi32>, vector<16xi32>], vector<16xf32>,
      %broadcast_in_dim3A_2244 = arith.constant 47 : i32
      %broadcast_in_dim3A_2245 = vector.broadcast %broadcast_in_dim3A_2244 : i32 to vector<16xi32>
      %gather3A_2246 = arith.constant 0 : i32
      %gather3A_2247 = arith.constant 0 : i32
      %gather3A_2248 = arith.constant 0 : i32
      %gather3A_2249 = arith.constant 0 : i32
      %gather3A_2250 = tpu.memref_slice %arg6[%gather3A_2246, %gather3A_2247, %gather3A_2248, %gather3A_2249] : memref<2x16x8x64xf32, #tpu.memory_space<vmem>> -> memref<1x16x8x64xf32, #tpu.memory_space<vmem>>
      %gather3A_2251 = tpu.memref_squeeze %gather3A_2250 : memref<1x16x8x64xf32, #tpu.memory_space<vmem>> -> memref<16x8x64xf32, #tpu.memory_space<vmem>>
      %gather3A_2252 = tpu.vector_load_idx %gather3A_2251[%iota3A, %and3A_1724, %broadcast_in_dim3A_2245] : memref<16x8x64xf32, #tpu.memory_space<vmem>>[vector<16xi32>, vector<16xi32>, vector<16xi32>], vector<16xf32>,
      %broadcast_in_dim3A_2253 = arith.constant 47 : i32
      %broadcast_in_dim3A_2254 = vector.broadcast %broadcast_in_dim3A_2253 : i32 to vector<16xi32>
      tpu.vector_store_idx %arg7[%add3A_1728, %broadcast_in_dim3A_2254], %gather3A_2252 : memref<512x64xf32, #tpu.memory_space<vmem>>[vector<16xi32>, vector<16xi32>], vector<16xf32>,
      %broadcast_in_dim3A_2255 = arith.constant 48 : i32
      %broadcast_in_dim3A_2256 = vector.broadcast %broadcast_in_dim3A_2255 : i32 to vector<16xi32>
      %gather3A_2257 = arith.constant 0 : i32
      %gather3A_2258 = arith.constant 0 : i32
      %gather3A_2259 = arith.constant 0 : i32
      %gather3A_2260 = arith.constant 0 : i32
      %gather3A_2261 = tpu.memref_slice %arg6[%gather3A_2257, %gather3A_2258, %gather3A_2259, %gather3A_2260] : memref<2x16x8x64xf32, #tpu.memory_space<vmem>> -> memref<1x16x8x64xf32, #tpu.memory_space<vmem>>
      %gather3A_2262 = tpu.memref_squeeze %gather3A_2261 : memref<1x16x8x64xf32, #tpu.memory_space<vmem>> -> memref<16x8x64xf32, #tpu.memory_space<vmem>>
      %gather3A_2263 = tpu.vector_load_idx %gather3A_2262[%iota3A, %and3A_1724, %broadcast_in_dim3A_2256] : memref<16x8x64xf32, #tpu.memory_space<vmem>>[vector<16xi32>, vector<16xi32>, vector<16xi32>], vector<16xf32>,
      %broadcast_in_dim3A_2264 = arith.constant 48 : i32
      %broadcast_in_dim3A_2265 = vector.broadcast %broadcast_in_dim3A_2264 : i32 to vector<16xi32>
      tpu.vector_store_idx %arg7[%add3A_1728, %broadcast_in_dim3A_2265], %gather3A_2263 : memref<512x64xf32, #tpu.memory_space<vmem>>[vector<16xi32>, vector<16xi32>], vector<16xf32>,
      %broadcast_in_dim3A_2266 = arith.constant 49 : i32
      %broadcast_in_dim3A_2267 = vector.broadcast %broadcast_in_dim3A_2266 : i32 to vector<16xi32>
      %gather3A_2268 = arith.constant 0 : i32
      %gather3A_2269 = arith.constant 0 : i32
      %gather3A_2270 = arith.constant 0 : i32
      %gather3A_2271 = arith.constant 0 : i32
      %gather3A_2272 = tpu.memref_slice %arg6[%gather3A_2268, %gather3A_2269, %gather3A_2270, %gather3A_2271] : memref<2x16x8x64xf32, #tpu.memory_space<vmem>> -> memref<1x16x8x64xf32, #tpu.memory_space<vmem>>
      %gather3A_2273 = tpu.memref_squeeze %gather3A_2272 : memref<1x16x8x64xf32, #tpu.memory_space<vmem>> -> memref<16x8x64xf32, #tpu.memory_space<vmem>>
      %gather3A_2274 = tpu.vector_load_idx %gather3A_2273[%iota3A, %and3A_1724, %broadcast_in_dim3A_2267] : memref<16x8x64xf32, #tpu.memory_space<vmem>>[vector<16xi32>, vector<16xi32>, vector<16xi32>], vector<16xf32>,
      %broadcast_in_dim3A_2275 = arith.constant 49 : i32
      %broadcast_in_dim3A_2276 = vector.broadcast %broadcast_in_dim3A_2275 : i32 to vector<16xi32>
      tpu.vector_store_idx %arg7[%add3A_1728, %broadcast_in_dim3A_2276], %gather3A_2274 : memref<512x64xf32, #tpu.memory_space<vmem>>[vector<16xi32>, vector<16xi32>], vector<16xf32>,
      %broadcast_in_dim3A_2277 = arith.constant 50 : i32
      %broadcast_in_dim3A_2278 = vector.broadcast %broadcast_in_dim3A_2277 : i32 to vector<16xi32>
      %gather3A_2279 = arith.constant 0 : i32
      %gather3A_2280 = arith.constant 0 : i32
      %gather3A_2281 = arith.constant 0 : i32
      %gather3A_2282 = arith.constant 0 : i32
      %gather3A_2283 = tpu.memref_slice %arg6[%gather3A_2279, %gather3A_2280, %gather3A_2281, %gather3A_2282] : memref<2x16x8x64xf32, #tpu.memory_space<vmem>> -> memref<1x16x8x64xf32, #tpu.memory_space<vmem>>
      %gather3A_2284 = tpu.memref_squeeze %gather3A_2283 : memref<1x16x8x64xf32, #tpu.memory_space<vmem>> -> memref<16x8x64xf32, #tpu.memory_space<vmem>>
      %gather3A_2285 = tpu.vector_load_idx %gather3A_2284[%iota3A, %and3A_1724, %broadcast_in_dim3A_2278] : memref<16x8x64xf32, #tpu.memory_space<vmem>>[vector<16xi32>, vector<16xi32>, vector<16xi32>], vector<16xf32>,
      %broadcast_in_dim3A_2286 = arith.constant 50 : i32
      %broadcast_in_dim3A_2287 = vector.broadcast %broadcast_in_dim3A_2286 : i32 to vector<16xi32>
      tpu.vector_store_idx %arg7[%add3A_1728, %broadcast_in_dim3A_2287], %gather3A_2285 : memref<512x64xf32, #tpu.memory_space<vmem>>[vector<16xi32>, vector<16xi32>], vector<16xf32>,
      %broadcast_in_dim3A_2288 = arith.constant 51 : i32
      %broadcast_in_dim3A_2289 = vector.broadcast %broadcast_in_dim3A_2288 : i32 to vector<16xi32>
      %gather3A_2290 = arith.constant 0 : i32
      %gather3A_2291 = arith.constant 0 : i32
      %gather3A_2292 = arith.constant 0 : i32
      %gather3A_2293 = arith.constant 0 : i32
      %gather3A_2294 = tpu.memref_slice %arg6[%gather3A_2290, %gather3A_2291, %gather3A_2292, %gather3A_2293] : memref<2x16x8x64xf32, #tpu.memory_space<vmem>> -> memref<1x16x8x64xf32, #tpu.memory_space<vmem>>
      %gather3A_2295 = tpu.memref_squeeze %gather3A_2294 : memref<1x16x8x64xf32, #tpu.memory_space<vmem>> -> memref<16x8x64xf32, #tpu.memory_space<vmem>>
      %gather3A_2296 = tpu.vector_load_idx %gather3A_2295[%iota3A, %and3A_1724, %broadcast_in_dim3A_2289] : memref<16x8x64xf32, #tpu.memory_space<vmem>>[vector<16xi32>, vector<16xi32>, vector<16xi32>], vector<16xf32>,
      %broadcast_in_dim3A_2297 = arith.constant 51 : i32
      %broadcast_in_dim3A_2298 = vector.broadcast %broadcast_in_dim3A_2297 : i32 to vector<16xi32>
      tpu.vector_store_idx %arg7[%add3A_1728, %broadcast_in_dim3A_2298], %gather3A_2296 : memref<512x64xf32, #tpu.memory_space<vmem>>[vector<16xi32>, vector<16xi32>], vector<16xf32>,
      %broadcast_in_dim3A_2299 = arith.constant 52 : i32
      %broadcast_in_dim3A_2300 = vector.broadcast %broadcast_in_dim3A_2299 : i32 to vector<16xi32>
      %gather3A_2301 = arith.constant 0 : i32
      %gather3A_2302 = arith.constant 0 : i32
      %gather3A_2303 = arith.constant 0 : i32
      %gather3A_2304 = arith.constant 0 : i32
      %gather3A_2305 = tpu.memref_slice %arg6[%gather3A_2301, %gather3A_2302, %gather3A_2303, %gather3A_2304] : memref<2x16x8x64xf32, #tpu.memory_space<vmem>> -> memref<1x16x8x64xf32, #tpu.memory_space<vmem>>
      %gather3A_2306 = tpu.memref_squeeze %gather3A_2305 : memref<1x16x8x64xf32, #tpu.memory_space<vmem>> -> memref<16x8x64xf32, #tpu.memory_space<vmem>>
      %gather3A_2307 = tpu.vector_load_idx %gather3A_2306[%iota3A, %and3A_1724, %broadcast_in_dim3A_2300] : memref<16x8x64xf32, #tpu.memory_space<vmem>>[vector<16xi32>, vector<16xi32>, vector<16xi32>], vector<16xf32>,
      %broadcast_in_dim3A_2308 = arith.constant 52 : i32
      %broadcast_in_dim3A_2309 = vector.broadcast %broadcast_in_dim3A_2308 : i32 to vector<16xi32>
      tpu.vector_store_idx %arg7[%add3A_1728, %broadcast_in_dim3A_2309], %gather3A_2307 : memref<512x64xf32, #tpu.memory_space<vmem>>[vector<16xi32>, vector<16xi32>], vector<16xf32>,
      %broadcast_in_dim3A_2310 = arith.constant 53 : i32
      %broadcast_in_dim3A_2311 = vector.broadcast %broadcast_in_dim3A_2310 : i32 to vector<16xi32>
      %gather3A_2312 = arith.constant 0 : i32
      %gather3A_2313 = arith.constant 0 : i32
      %gather3A_2314 = arith.constant 0 : i32
      %gather3A_2315 = arith.constant 0 : i32
      %gather3A_2316 = tpu.memref_slice %arg6[%gather3A_2312, %gather3A_2313, %gather3A_2314, %gather3A_2315] : memref<2x16x8x64xf32, #tpu.memory_space<vmem>> -> memref<1x16x8x64xf32, #tpu.memory_space<vmem>>
      %gather3A_2317 = tpu.memref_squeeze %gather3A_2316 : memref<1x16x8x64xf32, #tpu.memory_space<vmem>> -> memref<16x8x64xf32, #tpu.memory_space<vmem>>
      %gather3A_2318 = tpu.vector_load_idx %gather3A_2317[%iota3A, %and3A_1724, %broadcast_in_dim3A_2311] : memref<16x8x64xf32, #tpu.memory_space<vmem>>[vector<16xi32>, vector<16xi32>, vector<16xi32>], vector<16xf32>,
      %broadcast_in_dim3A_2319 = arith.constant 53 : i32
      %broadcast_in_dim3A_2320 = vector.broadcast %broadcast_in_dim3A_2319 : i32 to vector<16xi32>
      tpu.vector_store_idx %arg7[%add3A_1728, %broadcast_in_dim3A_2320], %gather3A_2318 : memref<512x64xf32, #tpu.memory_space<vmem>>[vector<16xi32>, vector<16xi32>], vector<16xf32>,
      %broadcast_in_dim3A_2321 = arith.constant 54 : i32
      %broadcast_in_dim3A_2322 = vector.broadcast %broadcast_in_dim3A_2321 : i32 to vector<16xi32>
      %gather3A_2323 = arith.constant 0 : i32
      %gather3A_2324 = arith.constant 0 : i32
      %gather3A_2325 = arith.constant 0 : i32
      %gather3A_2326 = arith.constant 0 : i32
      %gather3A_2327 = tpu.memref_slice %arg6[%gather3A_2323, %gather3A_2324, %gather3A_2325, %gather3A_2326] : memref<2x16x8x64xf32, #tpu.memory_space<vmem>> -> memref<1x16x8x64xf32, #tpu.memory_space<vmem>>
      %gather3A_2328 = tpu.memref_squeeze %gather3A_2327 : memref<1x16x8x64xf32, #tpu.memory_space<vmem>> -> memref<16x8x64xf32, #tpu.memory_space<vmem>>
      %gather3A_2329 = tpu.vector_load_idx %gather3A_2328[%iota3A, %and3A_1724, %broadcast_in_dim3A_2322] : memref<16x8x64xf32, #tpu.memory_space<vmem>>[vector<16xi32>, vector<16xi32>, vector<16xi32>], vector<16xf32>,
      %broadcast_in_dim3A_2330 = arith.constant 54 : i32
      %broadcast_in_dim3A_2331 = vector.broadcast %broadcast_in_dim3A_2330 : i32 to vector<16xi32>
      tpu.vector_store_idx %arg7[%add3A_1728, %broadcast_in_dim3A_2331], %gather3A_2329 : memref<512x64xf32, #tpu.memory_space<vmem>>[vector<16xi32>, vector<16xi32>], vector<16xf32>,
      %broadcast_in_dim3A_2332 = arith.constant 55 : i32
      %broadcast_in_dim3A_2333 = vector.broadcast %broadcast_in_dim3A_2332 : i32 to vector<16xi32>
      %gather3A_2334 = arith.constant 0 : i32
      %gather3A_2335 = arith.constant 0 : i32
      %gather3A_2336 = arith.constant 0 : i32
      %gather3A_2337 = arith.constant 0 : i32
      %gather3A_2338 = tpu.memref_slice %arg6[%gather3A_2334, %gather3A_2335, %gather3A_2336, %gather3A_2337] : memref<2x16x8x64xf32, #tpu.memory_space<vmem>> -> memref<1x16x8x64xf32, #tpu.memory_space<vmem>>
      %gather3A_2339 = tpu.memref_squeeze %gather3A_2338 : memref<1x16x8x64xf32, #tpu.memory_space<vmem>> -> memref<16x8x64xf32, #tpu.memory_space<vmem>>
      %gather3A_2340 = tpu.vector_load_idx %gather3A_2339[%iota3A, %and3A_1724, %broadcast_in_dim3A_2333] : memref<16x8x64xf32, #tpu.memory_space<vmem>>[vector<16xi32>, vector<16xi32>, vector<16xi32>], vector<16xf32>,
      %broadcast_in_dim3A_2341 = arith.constant 55 : i32
      %broadcast_in_dim3A_2342 = vector.broadcast %broadcast_in_dim3A_2341 : i32 to vector<16xi32>
      tpu.vector_store_idx %arg7[%add3A_1728, %broadcast_in_dim3A_2342], %gather3A_2340 : memref<512x64xf32, #tpu.memory_space<vmem>>[vector<16xi32>, vector<16xi32>], vector<16xf32>,
      %broadcast_in_dim3A_2343 = arith.constant 56 : i32
      %broadcast_in_dim3A_2344 = vector.broadcast %broadcast_in_dim3A_2343 : i32 to vector<16xi32>
      %gather3A_2345 = arith.constant 0 : i32
      %gather3A_2346 = arith.constant 0 : i32
      %gather3A_2347 = arith.constant 0 : i32
      %gather3A_2348 = arith.constant 0 : i32
      %gather3A_2349 = tpu.memref_slice %arg6[%gather3A_2345, %gather3A_2346, %gather3A_2347, %gather3A_2348] : memref<2x16x8x64xf32, #tpu.memory_space<vmem>> -> memref<1x16x8x64xf32, #tpu.memory_space<vmem>>
      %gather3A_2350 = tpu.memref_squeeze %gather3A_2349 : memref<1x16x8x64xf32, #tpu.memory_space<vmem>> -> memref<16x8x64xf32, #tpu.memory_space<vmem>>
      %gather3A_2351 = tpu.vector_load_idx %gather3A_2350[%iota3A, %and3A_1724, %broadcast_in_dim3A_2344] : memref<16x8x64xf32, #tpu.memory_space<vmem>>[vector<16xi32>, vector<16xi32>, vector<16xi32>], vector<16xf32>,
      %broadcast_in_dim3A_2352 = arith.constant 56 : i32
      %broadcast_in_dim3A_2353 = vector.broadcast %broadcast_in_dim3A_2352 : i32 to vector<16xi32>
      tpu.vector_store_idx %arg7[%add3A_1728, %broadcast_in_dim3A_2353], %gather3A_2351 : memref<512x64xf32, #tpu.memory_space<vmem>>[vector<16xi32>, vector<16xi32>], vector<16xf32>,
      %broadcast_in_dim3A_2354 = arith.constant 57 : i32
      %broadcast_in_dim3A_2355 = vector.broadcast %broadcast_in_dim3A_2354 : i32 to vector<16xi32>
      %gather3A_2356 = arith.constant 0 : i32
      %gather3A_2357 = arith.constant 0 : i32
      %gather3A_2358 = arith.constant 0 : i32
      %gather3A_2359 = arith.constant 0 : i32
      %gather3A_2360 = tpu.memref_slice %arg6[%gather3A_2356, %gather3A_2357, %gather3A_2358, %gather3A_2359] : memref<2x16x8x64xf32, #tpu.memory_space<vmem>> -> memref<1x16x8x64xf32, #tpu.memory_space<vmem>>
      %gather3A_2361 = tpu.memref_squeeze %gather3A_2360 : memref<1x16x8x64xf32, #tpu.memory_space<vmem>> -> memref<16x8x64xf32, #tpu.memory_space<vmem>>
      %gather3A_2362 = tpu.vector_load_idx %gather3A_2361[%iota3A, %and3A_1724, %broadcast_in_dim3A_2355] : memref<16x8x64xf32, #tpu.memory_space<vmem>>[vector<16xi32>, vector<16xi32>, vector<16xi32>], vector<16xf32>,
      %broadcast_in_dim3A_2363 = arith.constant 57 : i32
      %broadcast_in_dim3A_2364 = vector.broadcast %broadcast_in_dim3A_2363 : i32 to vector<16xi32>
      tpu.vector_store_idx %arg7[%add3A_1728, %broadcast_in_dim3A_2364], %gather3A_2362 : memref<512x64xf32, #tpu.memory_space<vmem>>[vector<16xi32>, vector<16xi32>], vector<16xf32>,
      %broadcast_in_dim3A_2365 = arith.constant 58 : i32
      %broadcast_in_dim3A_2366 = vector.broadcast %broadcast_in_dim3A_2365 : i32 to vector<16xi32>
      %gather3A_2367 = arith.constant 0 : i32
      %gather3A_2368 = arith.constant 0 : i32
      %gather3A_2369 = arith.constant 0 : i32
      %gather3A_2370 = arith.constant 0 : i32
      %gather3A_2371 = tpu.memref_slice %arg6[%gather3A_2367, %gather3A_2368, %gather3A_2369, %gather3A_2370] : memref<2x16x8x64xf32, #tpu.memory_space<vmem>> -> memref<1x16x8x64xf32, #tpu.memory_space<vmem>>
      %gather3A_2372 = tpu.memref_squeeze %gather3A_2371 : memref<1x16x8x64xf32, #tpu.memory_space<vmem>> -> memref<16x8x64xf32, #tpu.memory_space<vmem>>
      %gather3A_2373 = tpu.vector_load_idx %gather3A_2372[%iota3A, %and3A_1724, %broadcast_in_dim3A_2366] : memref<16x8x64xf32, #tpu.memory_space<vmem>>[vector<16xi32>, vector<16xi32>, vector<16xi32>], vector<16xf32>,
      %broadcast_in_dim3A_2374 = arith.constant 58 : i32
      %broadcast_in_dim3A_2375 = vector.broadcast %broadcast_in_dim3A_2374 : i32 to vector<16xi32>
      tpu.vector_store_idx %arg7[%add3A_1728, %broadcast_in_dim3A_2375], %gather3A_2373 : memref<512x64xf32, #tpu.memory_space<vmem>>[vector<16xi32>, vector<16xi32>], vector<16xf32>,
      %broadcast_in_dim3A_2376 = arith.constant 59 : i32
      %broadcast_in_dim3A_2377 = vector.broadcast %broadcast_in_dim3A_2376 : i32 to vector<16xi32>
      %gather3A_2378 = arith.constant 0 : i32
      %gather3A_2379 = arith.constant 0 : i32
      %gather3A_2380 = arith.constant 0 : i32
      %gather3A_2381 = arith.constant 0 : i32
      %gather3A_2382 = tpu.memref_slice %arg6[%gather3A_2378, %gather3A_2379, %gather3A_2380, %gather3A_2381] : memref<2x16x8x64xf32, #tpu.memory_space<vmem>> -> memref<1x16x8x64xf32, #tpu.memory_space<vmem>>
      %gather3A_2383 = tpu.memref_squeeze %gather3A_2382 : memref<1x16x8x64xf32, #tpu.memory_space<vmem>> -> memref<16x8x64xf32, #tpu.memory_space<vmem>>
      %gather3A_2384 = tpu.vector_load_idx %gather3A_2383[%iota3A, %and3A_1724, %broadcast_in_dim3A_2377] : memref<16x8x64xf32, #tpu.memory_space<vmem>>[vector<16xi32>, vector<16xi32>, vector<16xi32>], vector<16xf32>,
      %broadcast_in_dim3A_2385 = arith.constant 59 : i32
      %broadcast_in_dim3A_2386 = vector.broadcast %broadcast_in_dim3A_2385 : i32 to vector<16xi32>
      tpu.vector_store_idx %arg7[%add3A_1728, %broadcast_in_dim3A_2386], %gather3A_2384 : memref<512x64xf32, #tpu.memory_space<vmem>>[vector<16xi32>, vector<16xi32>], vector<16xf32>,
      %broadcast_in_dim3A_2387 = arith.constant 60 : i32
      %broadcast_in_dim3A_2388 = vector.broadcast %broadcast_in_dim3A_2387 : i32 to vector<16xi32>
      %gather3A_2389 = arith.constant 0 : i32
      %gather3A_2390 = arith.constant 0 : i32
      %gather3A_2391 = arith.constant 0 : i32
      %gather3A_2392 = arith.constant 0 : i32
      %gather3A_2393 = tpu.memref_slice %arg6[%gather3A_2389, %gather3A_2390, %gather3A_2391, %gather3A_2392] : memref<2x16x8x64xf32, #tpu.memory_space<vmem>> -> memref<1x16x8x64xf32, #tpu.memory_space<vmem>>
      %gather3A_2394 = tpu.memref_squeeze %gather3A_2393 : memref<1x16x8x64xf32, #tpu.memory_space<vmem>> -> memref<16x8x64xf32, #tpu.memory_space<vmem>>
      %gather3A_2395 = tpu.vector_load_idx %gather3A_2394[%iota3A, %and3A_1724, %broadcast_in_dim3A_2388] : memref<16x8x64xf32, #tpu.memory_space<vmem>>[vector<16xi32>, vector<16xi32>, vector<16xi32>], vector<16xf32>,
      %broadcast_in_dim3A_2396 = arith.constant 60 : i32
      %broadcast_in_dim3A_2397 = vector.broadcast %broadcast_in_dim3A_2396 : i32 to vector<16xi32>
      tpu.vector_store_idx %arg7[%add3A_1728, %broadcast_in_dim3A_2397], %gather3A_2395 : memref<512x64xf32, #tpu.memory_space<vmem>>[vector<16xi32>, vector<16xi32>], vector<16xf32>,
      %broadcast_in_dim3A_2398 = arith.constant 61 : i32
      %broadcast_in_dim3A_2399 = vector.broadcast %broadcast_in_dim3A_2398 : i32 to vector<16xi32>
      %gather3A_2400 = arith.constant 0 : i32
      %gather3A_2401 = arith.constant 0 : i32
      %gather3A_2402 = arith.constant 0 : i32
      %gather3A_2403 = arith.constant 0 : i32
      %gather3A_2404 = tpu.memref_slice %arg6[%gather3A_2400, %gather3A_2401, %gather3A_2402, %gather3A_2403] : memref<2x16x8x64xf32, #tpu.memory_space<vmem>> -> memref<1x16x8x64xf32, #tpu.memory_space<vmem>>
      %gather3A_2405 = tpu.memref_squeeze %gather3A_2404 : memref<1x16x8x64xf32, #tpu.memory_space<vmem>> -> memref<16x8x64xf32, #tpu.memory_space<vmem>>
      %gather3A_2406 = tpu.vector_load_idx %gather3A_2405[%iota3A, %and3A_1724, %broadcast_in_dim3A_2399] : memref<16x8x64xf32, #tpu.memory_space<vmem>>[vector<16xi32>, vector<16xi32>, vector<16xi32>], vector<16xf32>,
      %broadcast_in_dim3A_2407 = arith.constant 61 : i32
      %broadcast_in_dim3A_2408 = vector.broadcast %broadcast_in_dim3A_2407 : i32 to vector<16xi32>
      tpu.vector_store_idx %arg7[%add3A_1728, %broadcast_in_dim3A_2408], %gather3A_2406 : memref<512x64xf32, #tpu.memory_space<vmem>>[vector<16xi32>, vector<16xi32>], vector<16xf32>,
      %broadcast_in_dim3A_2409 = arith.constant 62 : i32
      %broadcast_in_dim3A_2410 = vector.broadcast %broadcast_in_dim3A_2409 : i32 to vector<16xi32>
      %gather3A_2411 = arith.constant 0 : i32
      %gather3A_2412 = arith.constant 0 : i32
      %gather3A_2413 = arith.constant 0 : i32
      %gather3A_2414 = arith.constant 0 : i32
      %gather3A_2415 = tpu.memref_slice %arg6[%gather3A_2411, %gather3A_2412, %gather3A_2413, %gather3A_2414] : memref<2x16x8x64xf32, #tpu.memory_space<vmem>> -> memref<1x16x8x64xf32, #tpu.memory_space<vmem>>
      %gather3A_2416 = tpu.memref_squeeze %gather3A_2415 : memref<1x16x8x64xf32, #tpu.memory_space<vmem>> -> memref<16x8x64xf32, #tpu.memory_space<vmem>>
      %gather3A_2417 = tpu.vector_load_idx %gather3A_2416[%iota3A, %and3A_1724, %broadcast_in_dim3A_2410] : memref<16x8x64xf32, #tpu.memory_space<vmem>>[vector<16xi32>, vector<16xi32>, vector<16xi32>], vector<16xf32>,
      %broadcast_in_dim3A_2418 = arith.constant 62 : i32
      %broadcast_in_dim3A_2419 = vector.broadcast %broadcast_in_dim3A_2418 : i32 to vector<16xi32>
      tpu.vector_store_idx %arg7[%add3A_1728, %broadcast_in_dim3A_2419], %gather3A_2417 : memref<512x64xf32, #tpu.memory_space<vmem>>[vector<16xi32>, vector<16xi32>], vector<16xf32>,
      %broadcast_in_dim3A_2420 = arith.constant 63 : i32
      %broadcast_in_dim3A_2421 = vector.broadcast %broadcast_in_dim3A_2420 : i32 to vector<16xi32>
      %gather3A_2422 = arith.constant 0 : i32
      %gather3A_2423 = arith.constant 0 : i32
      %gather3A_2424 = arith.constant 0 : i32
      %gather3A_2425 = arith.constant 0 : i32
      %gather3A_2426 = tpu.memref_slice %arg6[%gather3A_2422, %gather3A_2423, %gather3A_2424, %gather3A_2425] : memref<2x16x8x64xf32, #tpu.memory_space<vmem>> -> memref<1x16x8x64xf32, #tpu.memory_space<vmem>>
      %gather3A_2427 = tpu.memref_squeeze %gather3A_2426 : memref<1x16x8x64xf32, #tpu.memory_space<vmem>> -> memref<16x8x64xf32, #tpu.memory_space<vmem>>
      %gather3A_2428 = tpu.vector_load_idx %gather3A_2427[%iota3A, %and3A_1724, %broadcast_in_dim3A_2421] : memref<16x8x64xf32, #tpu.memory_space<vmem>>[vector<16xi32>, vector<16xi32>, vector<16xi32>], vector<16xf32>,
      %broadcast_in_dim3A_2429 = arith.constant 63 : i32
      %broadcast_in_dim3A_2430 = vector.broadcast %broadcast_in_dim3A_2429 : i32 to vector<16xi32>
      tpu.vector_store_idx %arg7[%add3A_1728, %broadcast_in_dim3A_2430], %gather3A_2428 : memref<512x64xf32, #tpu.memory_space<vmem>>[vector<16xi32>, vector<16xi32>], vector<16xf32>,
      %lt3A_2431 = arith.constant 15 : i32
      %lt3A_2432 = arith.cmpi slt, %scan3A_686, %lt3A_2431 : i32
      %convert_element_type3A = arith.extui %lt3A_2432 : i1 to i32
      %cond3A = arith.constant 0 : i32
      %cond3A_2433 = arith.cmpi ne, %convert_element_type3A, %cond3A : i32
      scf.if %cond3A_2433 {
        %add3A_3448 = arith.constant 2 : i32
        %add3A_3449 = arith.addi %mul3A_688, %add3A_3448 : i32
        %jit3A_3450 = arith.constant 8 : i32
        %div3A_3451 = arith.divsi %add3A_3449, %jit3A_3450 : i32
        %sign3A_3452 = arith.constant 0 : i32
        %sign3A_3453 = arith.cmpi sgt, %add3A_3449, %sign3A_3452 : i32
        %sign3A_3454 = arith.extui %sign3A_3453 : i1 to i32
        %sign3A_3455 = arith.constant 0 : i32
        %sign3A_3456 = arith.cmpi slt, %add3A_3449, %sign3A_3455 : i32
        %sign3A_3457 = arith.extui %sign3A_3456 : i1 to i32
        %sign3A_3458 = arith.subi %sign3A_3454, %sign3A_3457 : i32
        %sign3A_3459 = arith.constant 0 : i32
        %sign3A_3460 = arith.cmpi sgt, %jit3A_3450, %sign3A_3459 : i32
        %sign3A_3461 = arith.extui %sign3A_3460 : i1 to i32
        %sign3A_3462 = arith.constant 0 : i32
        %sign3A_3463 = arith.cmpi slt, %jit3A_3450, %sign3A_3462 : i32
        %sign3A_3464 = arith.extui %sign3A_3463 : i1 to i32
        %sign3A_3465 = arith.subi %sign3A_3461, %sign3A_3464 : i32
        %ne3A_3466 = arith.cmpi ne, %sign3A_3458, %sign3A_3465 : i32
        %rem3A_3467 = arith.remsi %add3A_3449, %jit3A_3450 : i32
        %ne3A_3468 = arith.constant 0 : i32
        %ne3A_3469 = arith.cmpi ne, %rem3A_3467, %ne3A_3468 : i32
        %and3A_3470 = arith.andi %ne3A_3466, %ne3A_3469 : i1
        %sub3A_3471 = arith.constant 1 : i32
        %sub3A_3472 = arith.subi %div3A_3451, %sub3A_3471 : i32
        %select_n3A_3473 = arith.select %and3A_3470, %sub3A_3472, %div3A_3451 : i32
        %jit3A_3474 = arith.constant 8 : i32
        %eq3A_3475 = arith.constant 0 : i32
        %eq3A_3476 = arith.cmpi eq, %jit3A_3474, %eq3A_3475 : i32
        %jit3A_3477 = arith.constant 1 : i32
        %select_n3A_3478 = arith.select %eq3A_3476, %jit3A_3477, %jit3A_3474 : i32
        %rem3A_3479 = arith.remsi %add3A_3449, %select_n3A_3478 : i32
        %ne3A_3480 = arith.constant 0 : i32
        %ne3A_3481 = arith.cmpi ne, %rem3A_3479, %ne3A_3480 : i32
        %lt3A_3482 = arith.constant 0 : i32
        %lt3A_3483 = arith.cmpi slt, %rem3A_3479, %lt3A_3482 : i32
        %lt3A_3484 = arith.constant 0 : i32
        %lt3A_3485 = arith.cmpi slt, %select_n3A_3478, %lt3A_3484 : i32
        %ne3A_3486 = arith.xori %lt3A_3483, %lt3A_3485 : i1
        %and3A_3487 = arith.andi %ne3A_3486, %ne3A_3481 : i1
        %add3A_3488 = arith.addi %rem3A_3479, %select_n3A_3478 : i32
        %select_n3A_3489 = arith.select %and3A_3487, %add3A_3488, %rem3A_3479 : i32
        %mul3A_3490 = arith.constant 16 : i32
        %mul3A_3491 = arith.muli %select_n3A_3489, %mul3A_3490 : i32
        %get3A_3492 = arith.index_cast %select_n3A_3473 : i32 to index
        %get3A_3493 = arith.index_cast %mul3A_3491 : i32 to index
        %get3A_3494 = tpu.vector_load %arg5[%get3A_3492, %get3A_3493] {strides = array<i32>} : memref<4x128xi32, #tpu.memory_space<vmem>>, vector<16xi32>,
        %slice3A_3495 = vector.extract_strided_slice %get3A_3494 {offsets = [0], sizes = [1], strides = [1]} : vector<16xi32> to vector<1xi32>
        %squeeze3A_3496 = vector.extract %slice3A_3495[0] : i32 from vector<1xi32>
        %jit3A_3497 = arith.constant 8 : i32
        %div3A_3498 = arith.divsi %squeeze3A_3496, %jit3A_3497 : i32
        %sign3A_3499 = arith.constant 0 : i32
        %sign3A_3500 = arith.cmpi sgt, %squeeze3A_3496, %sign3A_3499 : i32
        %sign3A_3501 = arith.extui %sign3A_3500 : i1 to i32
        %sign3A_3502 = arith.constant 0 : i32
        %sign3A_3503 = arith.cmpi slt, %squeeze3A_3496, %sign3A_3502 : i32
        %sign3A_3504 = arith.extui %sign3A_3503 : i1 to i32
        %sign3A_3505 = arith.subi %sign3A_3501, %sign3A_3504 : i32
        %sign3A_3506 = arith.constant 0 : i32
        %sign3A_3507 = arith.cmpi sgt, %jit3A_3497, %sign3A_3506 : i32
        %sign3A_3508 = arith.extui %sign3A_3507 : i1 to i32
        %sign3A_3509 = arith.constant 0 : i32
        %sign3A_3510 = arith.cmpi slt, %jit3A_3497, %sign3A_3509 : i32
        %sign3A_3511 = arith.extui %sign3A_3510 : i1 to i32
        %sign3A_3512 = arith.subi %sign3A_3508, %sign3A_3511 : i32
        %ne3A_3513 = arith.cmpi ne, %sign3A_3505, %sign3A_3512 : i32
        %rem3A_3514 = arith.remsi %squeeze3A_3496, %jit3A_3497 : i32
        %ne3A_3515 = arith.constant 0 : i32
        %ne3A_3516 = arith.cmpi ne, %rem3A_3514, %ne3A_3515 : i32
        %and3A_3517 = arith.andi %ne3A_3513, %ne3A_3516 : i1
        %sub3A_3518 = arith.constant 1 : i32
        %sub3A_3519 = arith.subi %div3A_3498, %sub3A_3518 : i32
        %select_n3A_3520 = arith.select %and3A_3517, %sub3A_3519, %div3A_3498 : i32
        %mul3A_3521 = arith.constant 8 : i32
        %mul3A_3522 = arith.muli %select_n3A_3520, %mul3A_3521 : i32
        %multiple_of3A_3523 = tpu.assume_multiple %mul3A_3522, 8 : i32
        %dma_start3A_3524 = arith.constant 0 : i32
        %dma_start3A_3525 = arith.constant 0 : i32
        %dma_start3A_3526 = arith.constant 0 : i32
        %dma_start3A_3527 = arith.constant 0 : i32
        %dma_start3A_3528 = tpu.memref_slice %arg6[%dma_start3A_3524, %dma_start3A_3525, %dma_start3A_3526, %dma_start3A_3527] : memref<2x16x8x64xf32, #tpu.memory_space<vmem>> -> memref<1x1x8x64xf32, #tpu.memory_space<vmem>>
        %dma_start3A_3529 = tpu.memref_squeeze %dma_start3A_3528 : memref<1x1x8x64xf32, #tpu.memory_space<vmem>> -> memref<8x64xf32, #tpu.memory_space<vmem>>
        %dma_start3A_3530 = arith.constant 0 : i32
        %dma_start3A_3531 = tpu.memref_slice %arg3[%multiple_of3A_3523, %dma_start3A_3530] : memref<1000000x64xf32, #tpu.memory_space<hbm>> -> memref<8x64xf32, #tpu.memory_space<hbm>>
        %dma_start3A_3532 = arith.constant 0 : i32
        %dma_start3A_3533 = arith.constant 0 : i32
        %dma_start3A_3534 = tpu.memref_slice %arg6[%dma_start3A_3524, %dma_start3A_3525, %dma_start3A_3532, %dma_start3A_3533] : memref<2x16x8x64xf32, #tpu.memory_space<vmem>> -> memref<1x1x8x64xf32, #tpu.memory_space<vmem>>
        %dma_start3A_3535 = tpu.memref_squeeze %dma_start3A_3534 : memref<1x1x8x64xf32, #tpu.memory_space<vmem>> -> memref<8x64xf32, #tpu.memory_space<vmem>>
        %dma_start3A_3536 = arith.constant 0 : i32
        %dma_start3A_3537 = tpu.memref_slice %arg3[%multiple_of3A_3523, %dma_start3A_3536] : memref<1000000x64xf32, #tpu.memory_space<hbm>> -> memref<8x64xf32, #tpu.memory_space<hbm>>
        tpu.enqueue_dma source(%dma_start3A_3537 : memref<8x64xf32, #tpu.memory_space<hbm>>) target(%dma_start3A_3535 : memref<8x64xf32, #tpu.memory_space<vmem>>) target_semaphore(%arg8 : memref<!tpu.dma_semaphore, #tpu.memory_space<semaphore_mem>>)
        %slice3A_3538 = vector.extract_strided_slice %get3A_3494 {offsets = [1], sizes = [1], strides = [1]} : vector<16xi32> to vector<1xi32>
        %squeeze3A_3539 = vector.extract %slice3A_3538[0] : i32 from vector<1xi32>
        %jit3A_3540 = arith.constant 8 : i32
        %div3A_3541 = arith.divsi %squeeze3A_3539, %jit3A_3540 : i32
        %sign3A_3542 = arith.constant 0 : i32
        %sign3A_3543 = arith.cmpi sgt, %squeeze3A_3539, %sign3A_3542 : i32
        %sign3A_3544 = arith.extui %sign3A_3543 : i1 to i32
        %sign3A_3545 = arith.constant 0 : i32
        %sign3A_3546 = arith.cmpi slt, %squeeze3A_3539, %sign3A_3545 : i32
        %sign3A_3547 = arith.extui %sign3A_3546 : i1 to i32
        %sign3A_3548 = arith.subi %sign3A_3544, %sign3A_3547 : i32
        %sign3A_3549 = arith.constant 0 : i32
        %sign3A_3550 = arith.cmpi sgt, %jit3A_3540, %sign3A_3549 : i32
        %sign3A_3551 = arith.extui %sign3A_3550 : i1 to i32
        %sign3A_3552 = arith.constant 0 : i32
        %sign3A_3553 = arith.cmpi slt, %jit3A_3540, %sign3A_3552 : i32
        %sign3A_3554 = arith.extui %sign3A_3553 : i1 to i32
        %sign3A_3555 = arith.subi %sign3A_3551, %sign3A_3554 : i32
        %ne3A_3556 = arith.cmpi ne, %sign3A_3548, %sign3A_3555 : i32
        %rem3A_3557 = arith.remsi %squeeze3A_3539, %jit3A_3540 : i32
        %ne3A_3558 = arith.constant 0 : i32
        %ne3A_3559 = arith.cmpi ne, %rem3A_3557, %ne3A_3558 : i32
        %and3A_3560 = arith.andi %ne3A_3556, %ne3A_3559 : i1
        %sub3A_3561 = arith.constant 1 : i32
        %sub3A_3562 = arith.subi %div3A_3541, %sub3A_3561 : i32
        %select_n3A_3563 = arith.select %and3A_3560, %sub3A_3562, %div3A_3541 : i32
        %mul3A_3564 = arith.constant 8 : i32
        %mul3A_3565 = arith.muli %select_n3A_3563, %mul3A_3564 : i32
        %multiple_of3A_3566 = tpu.assume_multiple %mul3A_3565, 8 : i32
        %dma_start3A_3567 = arith.constant 0 : i32
        %dma_start3A_3568 = arith.constant 1 : i32
        %dma_start3A_3569 = arith.constant 0 : i32
        %dma_start3A_3570 = arith.constant 0 : i32
        %dma_start3A_3571 = tpu.memref_slice %arg6[%dma_start3A_3567, %dma_start3A_3568, %dma_start3A_3569, %dma_start3A_3570] : memref<2x16x8x64xf32, #tpu.memory_space<vmem>> -> memref<1x1x8x64xf32, #tpu.memory_space<vmem>>
        %dma_start3A_3572 = tpu.memref_squeeze %dma_start3A_3571 : memref<1x1x8x64xf32, #tpu.memory_space<vmem>> -> memref<8x64xf32, #tpu.memory_space<vmem>>
        %dma_start3A_3573 = arith.constant 0 : i32
        %dma_start3A_3574 = tpu.memref_slice %arg3[%multiple_of3A_3566, %dma_start3A_3573] : memref<1000000x64xf32, #tpu.memory_space<hbm>> -> memref<8x64xf32, #tpu.memory_space<hbm>>
        %dma_start3A_3575 = arith.constant 0 : i32
        %dma_start3A_3576 = arith.constant 0 : i32
        %dma_start3A_3577 = tpu.memref_slice %arg6[%dma_start3A_3567, %dma_start3A_3568, %dma_start3A_3575, %dma_start3A_3576] : memref<2x16x8x64xf32, #tpu.memory_space<vmem>> -> memref<1x1x8x64xf32, #tpu.memory_space<vmem>>
        %dma_start3A_3578 = tpu.memref_squeeze %dma_start3A_3577 : memref<1x1x8x64xf32, #tpu.memory_space<vmem>> -> memref<8x64xf32, #tpu.memory_space<vmem>>
        %dma_start3A_3579 = arith.constant 0 : i32
        %dma_start3A_3580 = tpu.memref_slice %arg3[%multiple_of3A_3566, %dma_start3A_3579] : memref<1000000x64xf32, #tpu.memory_space<hbm>> -> memref<8x64xf32, #tpu.memory_space<hbm>>
        tpu.enqueue_dma source(%dma_start3A_3580 : memref<8x64xf32, #tpu.memory_space<hbm>>) target(%dma_start3A_3578 : memref<8x64xf32, #tpu.memory_space<vmem>>) target_semaphore(%arg8 : memref<!tpu.dma_semaphore, #tpu.memory_space<semaphore_mem>>)
        %slice3A_3581 = vector.extract_strided_slice %get3A_3494 {offsets = [2], sizes = [1], strides = [1]} : vector<16xi32> to vector<1xi32>
        %squeeze3A_3582 = vector.extract %slice3A_3581[0] : i32 from vector<1xi32>
        %jit3A_3583 = arith.constant 8 : i32
        %div3A_3584 = arith.divsi %squeeze3A_3582, %jit3A_3583 : i32
        %sign3A_3585 = arith.constant 0 : i32
        %sign3A_3586 = arith.cmpi sgt, %squeeze3A_3582, %sign3A_3585 : i32
        %sign3A_3587 = arith.extui %sign3A_3586 : i1 to i32
        %sign3A_3588 = arith.constant 0 : i32
        %sign3A_3589 = arith.cmpi slt, %squeeze3A_3582, %sign3A_3588 : i32
        %sign3A_3590 = arith.extui %sign3A_3589 : i1 to i32
        %sign3A_3591 = arith.subi %sign3A_3587, %sign3A_3590 : i32
        %sign3A_3592 = arith.constant 0 : i32
        %sign3A_3593 = arith.cmpi sgt, %jit3A_3583, %sign3A_3592 : i32
        %sign3A_3594 = arith.extui %sign3A_3593 : i1 to i32
        %sign3A_3595 = arith.constant 0 : i32
        %sign3A_3596 = arith.cmpi slt, %jit3A_3583, %sign3A_3595 : i32
        %sign3A_3597 = arith.extui %sign3A_3596 : i1 to i32
        %sign3A_3598 = arith.subi %sign3A_3594, %sign3A_3597 : i32
        %ne3A_3599 = arith.cmpi ne, %sign3A_3591, %sign3A_3598 : i32
        %rem3A_3600 = arith.remsi %squeeze3A_3582, %jit3A_3583 : i32
        %ne3A_3601 = arith.constant 0 : i32
        %ne3A_3602 = arith.cmpi ne, %rem3A_3600, %ne3A_3601 : i32
        %and3A_3603 = arith.andi %ne3A_3599, %ne3A_3602 : i1
        %sub3A_3604 = arith.constant 1 : i32
        %sub3A_3605 = arith.subi %div3A_3584, %sub3A_3604 : i32
        %select_n3A_3606 = arith.select %and3A_3603, %sub3A_3605, %div3A_3584 : i32
        %mul3A_3607 = arith.constant 8 : i32
        %mul3A_3608 = arith.muli %select_n3A_3606, %mul3A_3607 : i32
        %multiple_of3A_3609 = tpu.assume_multiple %mul3A_3608, 8 : i32
        %dma_start3A_3610 = arith.constant 0 : i32
        %dma_start3A_3611 = arith.constant 2 : i32
        %dma_start3A_3612 = arith.constant 0 : i32
        %dma_start3A_3613 = arith.constant 0 : i32
        %dma_start3A_3614 = tpu.memref_slice %arg6[%dma_start3A_3610, %dma_start3A_3611, %dma_start3A_3612, %dma_start3A_3613] : memref<2x16x8x64xf32, #tpu.memory_space<vmem>> -> memref<1x1x8x64xf32, #tpu.memory_space<vmem>>
        %dma_start3A_3615 = tpu.memref_squeeze %dma_start3A_3614 : memref<1x1x8x64xf32, #tpu.memory_space<vmem>> -> memref<8x64xf32, #tpu.memory_space<vmem>>
        %dma_start3A_3616 = arith.constant 0 : i32
        %dma_start3A_3617 = tpu.memref_slice %arg3[%multiple_of3A_3609, %dma_start3A_3616] : memref<1000000x64xf32, #tpu.memory_space<hbm>> -> memref<8x64xf32, #tpu.memory_space<hbm>>
        %dma_start3A_3618 = arith.constant 0 : i32
        %dma_start3A_3619 = arith.constant 0 : i32
        %dma_start3A_3620 = tpu.memref_slice %arg6[%dma_start3A_3610, %dma_start3A_3611, %dma_start3A_3618, %dma_start3A_3619] : memref<2x16x8x64xf32, #tpu.memory_space<vmem>> -> memref<1x1x8x64xf32, #tpu.memory_space<vmem>>
        %dma_start3A_3621 = tpu.memref_squeeze %dma_start3A_3620 : memref<1x1x8x64xf32, #tpu.memory_space<vmem>> -> memref<8x64xf32, #tpu.memory_space<vmem>>
        %dma_start3A_3622 = arith.constant 0 : i32
        %dma_start3A_3623 = tpu.memref_slice %arg3[%multiple_of3A_3609, %dma_start3A_3622] : memref<1000000x64xf32, #tpu.memory_space<hbm>> -> memref<8x64xf32, #tpu.memory_space<hbm>>
        tpu.enqueue_dma source(%dma_start3A_3623 : memref<8x64xf32, #tpu.memory_space<hbm>>) target(%dma_start3A_3621 : memref<8x64xf32, #tpu.memory_space<vmem>>) target_semaphore(%arg8 : memref<!tpu.dma_semaphore, #tpu.memory_space<semaphore_mem>>)
        %slice3A_3624 = vector.extract_strided_slice %get3A_3494 {offsets = [3], sizes = [1], strides = [1]} : vector<16xi32> to vector<1xi32>
        %squeeze3A_3625 = vector.extract %slice3A_3624[0] : i32 from vector<1xi32>
        %jit3A_3626 = arith.constant 8 : i32
        %div3A_3627 = arith.divsi %squeeze3A_3625, %jit3A_3626 : i32
        %sign3A_3628 = arith.constant 0 : i32
        %sign3A_3629 = arith.cmpi sgt, %squeeze3A_3625, %sign3A_3628 : i32
        %sign3A_3630 = arith.extui %sign3A_3629 : i1 to i32
        %sign3A_3631 = arith.constant 0 : i32
        %sign3A_3632 = arith.cmpi slt, %squeeze3A_3625, %sign3A_3631 : i32
        %sign3A_3633 = arith.extui %sign3A_3632 : i1 to i32
        %sign3A_3634 = arith.subi %sign3A_3630, %sign3A_3633 : i32
        %sign3A_3635 = arith.constant 0 : i32
        %sign3A_3636 = arith.cmpi sgt, %jit3A_3626, %sign3A_3635 : i32
        %sign3A_3637 = arith.extui %sign3A_3636 : i1 to i32
        %sign3A_3638 = arith.constant 0 : i32
        %sign3A_3639 = arith.cmpi slt, %jit3A_3626, %sign3A_3638 : i32
        %sign3A_3640 = arith.extui %sign3A_3639 : i1 to i32
        %sign3A_3641 = arith.subi %sign3A_3637, %sign3A_3640 : i32
        %ne3A_3642 = arith.cmpi ne, %sign3A_3634, %sign3A_3641 : i32
        %rem3A_3643 = arith.remsi %squeeze3A_3625, %jit3A_3626 : i32
        %ne3A_3644 = arith.constant 0 : i32
        %ne3A_3645 = arith.cmpi ne, %rem3A_3643, %ne3A_3644 : i32
        %and3A_3646 = arith.andi %ne3A_3642, %ne3A_3645 : i1
        %sub3A_3647 = arith.constant 1 : i32
        %sub3A_3648 = arith.subi %div3A_3627, %sub3A_3647 : i32
        %select_n3A_3649 = arith.select %and3A_3646, %sub3A_3648, %div3A_3627 : i32
        %mul3A_3650 = arith.constant 8 : i32
        %mul3A_3651 = arith.muli %select_n3A_3649, %mul3A_3650 : i32
        %multiple_of3A_3652 = tpu.assume_multiple %mul3A_3651, 8 : i32
        %dma_start3A_3653 = arith.constant 0 : i32
        %dma_start3A_3654 = arith.constant 3 : i32
        %dma_start3A_3655 = arith.constant 0 : i32
        %dma_start3A_3656 = arith.constant 0 : i32
        %dma_start3A_3657 = tpu.memref_slice %arg6[%dma_start3A_3653, %dma_start3A_3654, %dma_start3A_3655, %dma_start3A_3656] : memref<2x16x8x64xf32, #tpu.memory_space<vmem>> -> memref<1x1x8x64xf32, #tpu.memory_space<vmem>>
        %dma_start3A_3658 = tpu.memref_squeeze %dma_start3A_3657 : memref<1x1x8x64xf32, #tpu.memory_space<vmem>> -> memref<8x64xf32, #tpu.memory_space<vmem>>
        %dma_start3A_3659 = arith.constant 0 : i32
        %dma_start3A_3660 = tpu.memref_slice %arg3[%multiple_of3A_3652, %dma_start3A_3659] : memref<1000000x64xf32, #tpu.memory_space<hbm>> -> memref<8x64xf32, #tpu.memory_space<hbm>>
        %dma_start3A_3661 = arith.constant 0 : i32
        %dma_start3A_3662 = arith.constant 0 : i32
        %dma_start3A_3663 = tpu.memref_slice %arg6[%dma_start3A_3653, %dma_start3A_3654, %dma_start3A_3661, %dma_start3A_3662] : memref<2x16x8x64xf32, #tpu.memory_space<vmem>> -> memref<1x1x8x64xf32, #tpu.memory_space<vmem>>
        %dma_start3A_3664 = tpu.memref_squeeze %dma_start3A_3663 : memref<1x1x8x64xf32, #tpu.memory_space<vmem>> -> memref<8x64xf32, #tpu.memory_space<vmem>>
        %dma_start3A_3665 = arith.constant 0 : i32
        %dma_start3A_3666 = tpu.memref_slice %arg3[%multiple_of3A_3652, %dma_start3A_3665] : memref<1000000x64xf32, #tpu.memory_space<hbm>> -> memref<8x64xf32, #tpu.memory_space<hbm>>
        tpu.enqueue_dma source(%dma_start3A_3666 : memref<8x64xf32, #tpu.memory_space<hbm>>) target(%dma_start3A_3664 : memref<8x64xf32, #tpu.memory_space<vmem>>) target_semaphore(%arg8 : memref<!tpu.dma_semaphore, #tpu.memory_space<semaphore_mem>>)
        %slice3A_3667 = vector.extract_strided_slice %get3A_3494 {offsets = [4], sizes = [1], strides = [1]} : vector<16xi32> to vector<1xi32>
        %squeeze3A_3668 = vector.extract %slice3A_3667[0] : i32 from vector<1xi32>
        %jit3A_3669 = arith.constant 8 : i32
        %div3A_3670 = arith.divsi %squeeze3A_3668, %jit3A_3669 : i32
        %sign3A_3671 = arith.constant 0 : i32
        %sign3A_3672 = arith.cmpi sgt, %squeeze3A_3668, %sign3A_3671 : i32
        %sign3A_3673 = arith.extui %sign3A_3672 : i1 to i32
        %sign3A_3674 = arith.constant 0 : i32
        %sign3A_3675 = arith.cmpi slt, %squeeze3A_3668, %sign3A_3674 : i32
        %sign3A_3676 = arith.extui %sign3A_3675 : i1 to i32
        %sign3A_3677 = arith.subi %sign3A_3673, %sign3A_3676 : i32
        %sign3A_3678 = arith.constant 0 : i32
        %sign3A_3679 = arith.cmpi sgt, %jit3A_3669, %sign3A_3678 : i32
        %sign3A_3680 = arith.extui %sign3A_3679 : i1 to i32
        %sign3A_3681 = arith.constant 0 : i32
        %sign3A_3682 = arith.cmpi slt, %jit3A_3669, %sign3A_3681 : i32
        %sign3A_3683 = arith.extui %sign3A_3682 : i1 to i32
        %sign3A_3684 = arith.subi %sign3A_3680, %sign3A_3683 : i32
        %ne3A_3685 = arith.cmpi ne, %sign3A_3677, %sign3A_3684 : i32
        %rem3A_3686 = arith.remsi %squeeze3A_3668, %jit3A_3669 : i32
        %ne3A_3687 = arith.constant 0 : i32
        %ne3A_3688 = arith.cmpi ne, %rem3A_3686, %ne3A_3687 : i32
        %and3A_3689 = arith.andi %ne3A_3685, %ne3A_3688 : i1
        %sub3A_3690 = arith.constant 1 : i32
        %sub3A_3691 = arith.subi %div3A_3670, %sub3A_3690 : i32
        %select_n3A_3692 = arith.select %and3A_3689, %sub3A_3691, %div3A_3670 : i32
        %mul3A_3693 = arith.constant 8 : i32
        %mul3A_3694 = arith.muli %select_n3A_3692, %mul3A_3693 : i32
        %multiple_of3A_3695 = tpu.assume_multiple %mul3A_3694, 8 : i32
        %dma_start3A_3696 = arith.constant 0 : i32
        %dma_start3A_3697 = arith.constant 4 : i32
        %dma_start3A_3698 = arith.constant 0 : i32
        %dma_start3A_3699 = arith.constant 0 : i32
        %dma_start3A_3700 = tpu.memref_slice %arg6[%dma_start3A_3696, %dma_start3A_3697, %dma_start3A_3698, %dma_start3A_3699] : memref<2x16x8x64xf32, #tpu.memory_space<vmem>> -> memref<1x1x8x64xf32, #tpu.memory_space<vmem>>
        %dma_start3A_3701 = tpu.memref_squeeze %dma_start3A_3700 : memref<1x1x8x64xf32, #tpu.memory_space<vmem>> -> memref<8x64xf32, #tpu.memory_space<vmem>>
        %dma_start3A_3702 = arith.constant 0 : i32
        %dma_start3A_3703 = tpu.memref_slice %arg3[%multiple_of3A_3695, %dma_start3A_3702] : memref<1000000x64xf32, #tpu.memory_space<hbm>> -> memref<8x64xf32, #tpu.memory_space<hbm>>
        %dma_start3A_3704 = arith.constant 0 : i32
        %dma_start3A_3705 = arith.constant 0 : i32
        %dma_start3A_3706 = tpu.memref_slice %arg6[%dma_start3A_3696, %dma_start3A_3697, %dma_start3A_3704, %dma_start3A_3705] : memref<2x16x8x64xf32, #tpu.memory_space<vmem>> -> memref<1x1x8x64xf32, #tpu.memory_space<vmem>>
        %dma_start3A_3707 = tpu.memref_squeeze %dma_start3A_3706 : memref<1x1x8x64xf32, #tpu.memory_space<vmem>> -> memref<8x64xf32, #tpu.memory_space<vmem>>
        %dma_start3A_3708 = arith.constant 0 : i32
        %dma_start3A_3709 = tpu.memref_slice %arg3[%multiple_of3A_3695, %dma_start3A_3708] : memref<1000000x64xf32, #tpu.memory_space<hbm>> -> memref<8x64xf32, #tpu.memory_space<hbm>>
        tpu.enqueue_dma source(%dma_start3A_3709 : memref<8x64xf32, #tpu.memory_space<hbm>>) target(%dma_start3A_3707 : memref<8x64xf32, #tpu.memory_space<vmem>>) target_semaphore(%arg8 : memref<!tpu.dma_semaphore, #tpu.memory_space<semaphore_mem>>)
        %slice3A_3710 = vector.extract_strided_slice %get3A_3494 {offsets = [5], sizes = [1], strides = [1]} : vector<16xi32> to vector<1xi32>
        %squeeze3A_3711 = vector.extract %slice3A_3710[0] : i32 from vector<1xi32>
        %jit3A_3712 = arith.constant 8 : i32
        %div3A_3713 = arith.divsi %squeeze3A_3711, %jit3A_3712 : i32
        %sign3A_3714 = arith.constant 0 : i32
        %sign3A_3715 = arith.cmpi sgt, %squeeze3A_3711, %sign3A_3714 : i32
        %sign3A_3716 = arith.extui %sign3A_3715 : i1 to i32
        %sign3A_3717 = arith.constant 0 : i32
        %sign3A_3718 = arith.cmpi slt, %squeeze3A_3711, %sign3A_3717 : i32
        %sign3A_3719 = arith.extui %sign3A_3718 : i1 to i32
        %sign3A_3720 = arith.subi %sign3A_3716, %sign3A_3719 : i32
        %sign3A_3721 = arith.constant 0 : i32
        %sign3A_3722 = arith.cmpi sgt, %jit3A_3712, %sign3A_3721 : i32
        %sign3A_3723 = arith.extui %sign3A_3722 : i1 to i32
        %sign3A_3724 = arith.constant 0 : i32
        %sign3A_3725 = arith.cmpi slt, %jit3A_3712, %sign3A_3724 : i32
        %sign3A_3726 = arith.extui %sign3A_3725 : i1 to i32
        %sign3A_3727 = arith.subi %sign3A_3723, %sign3A_3726 : i32
        %ne3A_3728 = arith.cmpi ne, %sign3A_3720, %sign3A_3727 : i32
        %rem3A_3729 = arith.remsi %squeeze3A_3711, %jit3A_3712 : i32
        %ne3A_3730 = arith.constant 0 : i32
        %ne3A_3731 = arith.cmpi ne, %rem3A_3729, %ne3A_3730 : i32
        %and3A_3732 = arith.andi %ne3A_3728, %ne3A_3731 : i1
        %sub3A_3733 = arith.constant 1 : i32
        %sub3A_3734 = arith.subi %div3A_3713, %sub3A_3733 : i32
        %select_n3A_3735 = arith.select %and3A_3732, %sub3A_3734, %div3A_3713 : i32
        %mul3A_3736 = arith.constant 8 : i32
        %mul3A_3737 = arith.muli %select_n3A_3735, %mul3A_3736 : i32
        %multiple_of3A_3738 = tpu.assume_multiple %mul3A_3737, 8 : i32
        %dma_start3A_3739 = arith.constant 0 : i32
        %dma_start3A_3740 = arith.constant 5 : i32
        %dma_start3A_3741 = arith.constant 0 : i32
        %dma_start3A_3742 = arith.constant 0 : i32
        %dma_start3A_3743 = tpu.memref_slice %arg6[%dma_start3A_3739, %dma_start3A_3740, %dma_start3A_3741, %dma_start3A_3742] : memref<2x16x8x64xf32, #tpu.memory_space<vmem>> -> memref<1x1x8x64xf32, #tpu.memory_space<vmem>>
        %dma_start3A_3744 = tpu.memref_squeeze %dma_start3A_3743 : memref<1x1x8x64xf32, #tpu.memory_space<vmem>> -> memref<8x64xf32, #tpu.memory_space<vmem>>
        %dma_start3A_3745 = arith.constant 0 : i32
        %dma_start3A_3746 = tpu.memref_slice %arg3[%multiple_of3A_3738, %dma_start3A_3745] : memref<1000000x64xf32, #tpu.memory_space<hbm>> -> memref<8x64xf32, #tpu.memory_space<hbm>>
        %dma_start3A_3747 = arith.constant 0 : i32
        %dma_start3A_3748 = arith.constant 0 : i32
        %dma_start3A_3749 = tpu.memref_slice %arg6[%dma_start3A_3739, %dma_start3A_3740, %dma_start3A_3747, %dma_start3A_3748] : memref<2x16x8x64xf32, #tpu.memory_space<vmem>> -> memref<1x1x8x64xf32, #tpu.memory_space<vmem>>
        %dma_start3A_3750 = tpu.memref_squeeze %dma_start3A_3749 : memref<1x1x8x64xf32, #tpu.memory_space<vmem>> -> memref<8x64xf32, #tpu.memory_space<vmem>>
        %dma_start3A_3751 = arith.constant 0 : i32
        %dma_start3A_3752 = tpu.memref_slice %arg3[%multiple_of3A_3738, %dma_start3A_3751] : memref<1000000x64xf32, #tpu.memory_space<hbm>> -> memref<8x64xf32, #tpu.memory_space<hbm>>
        tpu.enqueue_dma source(%dma_start3A_3752 : memref<8x64xf32, #tpu.memory_space<hbm>>) target(%dma_start3A_3750 : memref<8x64xf32, #tpu.memory_space<vmem>>) target_semaphore(%arg8 : memref<!tpu.dma_semaphore, #tpu.memory_space<semaphore_mem>>)
        %slice3A_3753 = vector.extract_strided_slice %get3A_3494 {offsets = [6], sizes = [1], strides = [1]} : vector<16xi32> to vector<1xi32>
        %squeeze3A_3754 = vector.extract %slice3A_3753[0] : i32 from vector<1xi32>
        %jit3A_3755 = arith.constant 8 : i32
        %div3A_3756 = arith.divsi %squeeze3A_3754, %jit3A_3755 : i32
        %sign3A_3757 = arith.constant 0 : i32
        %sign3A_3758 = arith.cmpi sgt, %squeeze3A_3754, %sign3A_3757 : i32
        %sign3A_3759 = arith.extui %sign3A_3758 : i1 to i32
        %sign3A_3760 = arith.constant 0 : i32
        %sign3A_3761 = arith.cmpi slt, %squeeze3A_3754, %sign3A_3760 : i32
        %sign3A_3762 = arith.extui %sign3A_3761 : i1 to i32
        %sign3A_3763 = arith.subi %sign3A_3759, %sign3A_3762 : i32
        %sign3A_3764 = arith.constant 0 : i32
        %sign3A_3765 = arith.cmpi sgt, %jit3A_3755, %sign3A_3764 : i32
        %sign3A_3766 = arith.extui %sign3A_3765 : i1 to i32
        %sign3A_3767 = arith.constant 0 : i32
        %sign3A_3768 = arith.cmpi slt, %jit3A_3755, %sign3A_3767 : i32
        %sign3A_3769 = arith.extui %sign3A_3768 : i1 to i32
        %sign3A_3770 = arith.subi %sign3A_3766, %sign3A_3769 : i32
        %ne3A_3771 = arith.cmpi ne, %sign3A_3763, %sign3A_3770 : i32
        %rem3A_3772 = arith.remsi %squeeze3A_3754, %jit3A_3755 : i32
        %ne3A_3773 = arith.constant 0 : i32
        %ne3A_3774 = arith.cmpi ne, %rem3A_3772, %ne3A_3773 : i32
        %and3A_3775 = arith.andi %ne3A_3771, %ne3A_3774 : i1
        %sub3A_3776 = arith.constant 1 : i32
        %sub3A_3777 = arith.subi %div3A_3756, %sub3A_3776 : i32
        %select_n3A_3778 = arith.select %and3A_3775, %sub3A_3777, %div3A_3756 : i32
        %mul3A_3779 = arith.constant 8 : i32
        %mul3A_3780 = arith.muli %select_n3A_3778, %mul3A_3779 : i32
        %multiple_of3A_3781 = tpu.assume_multiple %mul3A_3780, 8 : i32
        %dma_start3A_3782 = arith.constant 0 : i32
        %dma_start3A_3783 = arith.constant 6 : i32
        %dma_start3A_3784 = arith.constant 0 : i32
        %dma_start3A_3785 = arith.constant 0 : i32
        %dma_start3A_3786 = tpu.memref_slice %arg6[%dma_start3A_3782, %dma_start3A_3783, %dma_start3A_3784, %dma_start3A_3785] : memref<2x16x8x64xf32, #tpu.memory_space<vmem>> -> memref<1x1x8x64xf32, #tpu.memory_space<vmem>>
        %dma_start3A_3787 = tpu.memref_squeeze %dma_start3A_3786 : memref<1x1x8x64xf32, #tpu.memory_space<vmem>> -> memref<8x64xf32, #tpu.memory_space<vmem>>
        %dma_start3A_3788 = arith.constant 0 : i32
        %dma_start3A_3789 = tpu.memref_slice %arg3[%multiple_of3A_3781, %dma_start3A_3788] : memref<1000000x64xf32, #tpu.memory_space<hbm>> -> memref<8x64xf32, #tpu.memory_space<hbm>>
        %dma_start3A_3790 = arith.constant 0 : i32
        %dma_start3A_3791 = arith.constant 0 : i32
        %dma_start3A_3792 = tpu.memref_slice %arg6[%dma_start3A_3782, %dma_start3A_3783, %dma_start3A_3790, %dma_start3A_3791] : memref<2x16x8x64xf32, #tpu.memory_space<vmem>> -> memref<1x1x8x64xf32, #tpu.memory_space<vmem>>
        %dma_start3A_3793 = tpu.memref_squeeze %dma_start3A_3792 : memref<1x1x8x64xf32, #tpu.memory_space<vmem>> -> memref<8x64xf32, #tpu.memory_space<vmem>>
        %dma_start3A_3794 = arith.constant 0 : i32
        %dma_start3A_3795 = tpu.memref_slice %arg3[%multiple_of3A_3781, %dma_start3A_3794] : memref<1000000x64xf32, #tpu.memory_space<hbm>> -> memref<8x64xf32, #tpu.memory_space<hbm>>
        tpu.enqueue_dma source(%dma_start3A_3795 : memref<8x64xf32, #tpu.memory_space<hbm>>) target(%dma_start3A_3793 : memref<8x64xf32, #tpu.memory_space<vmem>>) target_semaphore(%arg8 : memref<!tpu.dma_semaphore, #tpu.memory_space<semaphore_mem>>)
        %slice3A_3796 = vector.extract_strided_slice %get3A_3494 {offsets = [7], sizes = [1], strides = [1]} : vector<16xi32> to vector<1xi32>
        %squeeze3A_3797 = vector.extract %slice3A_3796[0] : i32 from vector<1xi32>
        %jit3A_3798 = arith.constant 8 : i32
        %div3A_3799 = arith.divsi %squeeze3A_3797, %jit3A_3798 : i32
        %sign3A_3800 = arith.constant 0 : i32
        %sign3A_3801 = arith.cmpi sgt, %squeeze3A_3797, %sign3A_3800 : i32
        %sign3A_3802 = arith.extui %sign3A_3801 : i1 to i32
        %sign3A_3803 = arith.constant 0 : i32
        %sign3A_3804 = arith.cmpi slt, %squeeze3A_3797, %sign3A_3803 : i32
        %sign3A_3805 = arith.extui %sign3A_3804 : i1 to i32
        %sign3A_3806 = arith.subi %sign3A_3802, %sign3A_3805 : i32
        %sign3A_3807 = arith.constant 0 : i32
        %sign3A_3808 = arith.cmpi sgt, %jit3A_3798, %sign3A_3807 : i32
        %sign3A_3809 = arith.extui %sign3A_3808 : i1 to i32
        %sign3A_3810 = arith.constant 0 : i32
        %sign3A_3811 = arith.cmpi slt, %jit3A_3798, %sign3A_3810 : i32
        %sign3A_3812 = arith.extui %sign3A_3811 : i1 to i32
        %sign3A_3813 = arith.subi %sign3A_3809, %sign3A_3812 : i32
        %ne3A_3814 = arith.cmpi ne, %sign3A_3806, %sign3A_3813 : i32
        %rem3A_3815 = arith.remsi %squeeze3A_3797, %jit3A_3798 : i32
        %ne3A_3816 = arith.constant 0 : i32
        %ne3A_3817 = arith.cmpi ne, %rem3A_3815, %ne3A_3816 : i32
        %and3A_3818 = arith.andi %ne3A_3814, %ne3A_3817 : i1
        %sub3A_3819 = arith.constant 1 : i32
        %sub3A_3820 = arith.subi %div3A_3799, %sub3A_3819 : i32
        %select_n3A_3821 = arith.select %and3A_3818, %sub3A_3820, %div3A_3799 : i32
        %mul3A_3822 = arith.constant 8 : i32
        %mul3A_3823 = arith.muli %select_n3A_3821, %mul3A_3822 : i32
        %multiple_of3A_3824 = tpu.assume_multiple %mul3A_3823, 8 : i32
        %dma_start3A_3825 = arith.constant 0 : i32
        %dma_start3A_3826 = arith.constant 7 : i32
        %dma_start3A_3827 = arith.constant 0 : i32
        %dma_start3A_3828 = arith.constant 0 : i32
        %dma_start3A_3829 = tpu.memref_slice %arg6[%dma_start3A_3825, %dma_start3A_3826, %dma_start3A_3827, %dma_start3A_3828] : memref<2x16x8x64xf32, #tpu.memory_space<vmem>> -> memref<1x1x8x64xf32, #tpu.memory_space<vmem>>
        %dma_start3A_3830 = tpu.memref_squeeze %dma_start3A_3829 : memref<1x1x8x64xf32, #tpu.memory_space<vmem>> -> memref<8x64xf32, #tpu.memory_space<vmem>>
        %dma_start3A_3831 = arith.constant 0 : i32
        %dma_start3A_3832 = tpu.memref_slice %arg3[%multiple_of3A_3824, %dma_start3A_3831] : memref<1000000x64xf32, #tpu.memory_space<hbm>> -> memref<8x64xf32, #tpu.memory_space<hbm>>
        %dma_start3A_3833 = arith.constant 0 : i32
        %dma_start3A_3834 = arith.constant 0 : i32
        %dma_start3A_3835 = tpu.memref_slice %arg6[%dma_start3A_3825, %dma_start3A_3826, %dma_start3A_3833, %dma_start3A_3834] : memref<2x16x8x64xf32, #tpu.memory_space<vmem>> -> memref<1x1x8x64xf32, #tpu.memory_space<vmem>>
        %dma_start3A_3836 = tpu.memref_squeeze %dma_start3A_3835 : memref<1x1x8x64xf32, #tpu.memory_space<vmem>> -> memref<8x64xf32, #tpu.memory_space<vmem>>
        %dma_start3A_3837 = arith.constant 0 : i32
        %dma_start3A_3838 = tpu.memref_slice %arg3[%multiple_of3A_3824, %dma_start3A_3837] : memref<1000000x64xf32, #tpu.memory_space<hbm>> -> memref<8x64xf32, #tpu.memory_space<hbm>>
        tpu.enqueue_dma source(%dma_start3A_3838 : memref<8x64xf32, #tpu.memory_space<hbm>>) target(%dma_start3A_3836 : memref<8x64xf32, #tpu.memory_space<vmem>>) target_semaphore(%arg8 : memref<!tpu.dma_semaphore, #tpu.memory_space<semaphore_mem>>)
        %slice3A_3839 = vector.extract_strided_slice %get3A_3494 {offsets = [8], sizes = [1], strides = [1]} : vector<16xi32> to vector<1xi32>
        %squeeze3A_3840 = vector.extract %slice3A_3839[0] : i32 from vector<1xi32>
        %jit3A_3841 = arith.constant 8 : i32
        %div3A_3842 = arith.divsi %squeeze3A_3840, %jit3A_3841 : i32
        %sign3A_3843 = arith.constant 0 : i32
        %sign3A_3844 = arith.cmpi sgt, %squeeze3A_3840, %sign3A_3843 : i32
        %sign3A_3845 = arith.extui %sign3A_3844 : i1 to i32
        %sign3A_3846 = arith.constant 0 : i32
        %sign3A_3847 = arith.cmpi slt, %squeeze3A_3840, %sign3A_3846 : i32
        %sign3A_3848 = arith.extui %sign3A_3847 : i1 to i32
        %sign3A_3849 = arith.subi %sign3A_3845, %sign3A_3848 : i32
        %sign3A_3850 = arith.constant 0 : i32
        %sign3A_3851 = arith.cmpi sgt, %jit3A_3841, %sign3A_3850 : i32
        %sign3A_3852 = arith.extui %sign3A_3851 : i1 to i32
        %sign3A_3853 = arith.constant 0 : i32
        %sign3A_3854 = arith.cmpi slt, %jit3A_3841, %sign3A_3853 : i32
        %sign3A_3855 = arith.extui %sign3A_3854 : i1 to i32
        %sign3A_3856 = arith.subi %sign3A_3852, %sign3A_3855 : i32
        %ne3A_3857 = arith.cmpi ne, %sign3A_3849, %sign3A_3856 : i32
        %rem3A_3858 = arith.remsi %squeeze3A_3840, %jit3A_3841 : i32
        %ne3A_3859 = arith.constant 0 : i32
        %ne3A_3860 = arith.cmpi ne, %rem3A_3858, %ne3A_3859 : i32
        %and3A_3861 = arith.andi %ne3A_3857, %ne3A_3860 : i1
        %sub3A_3862 = arith.constant 1 : i32
        %sub3A_3863 = arith.subi %div3A_3842, %sub3A_3862 : i32
        %select_n3A_3864 = arith.select %and3A_3861, %sub3A_3863, %div3A_3842 : i32
        %mul3A_3865 = arith.constant 8 : i32
        %mul3A_3866 = arith.muli %select_n3A_3864, %mul3A_3865 : i32
        %multiple_of3A_3867 = tpu.assume_multiple %mul3A_3866, 8 : i32
        %dma_start3A_3868 = arith.constant 0 : i32
        %dma_start3A_3869 = arith.constant 8 : i32
        %dma_start3A_3870 = arith.constant 0 : i32
        %dma_start3A_3871 = arith.constant 0 : i32
        %dma_start3A_3872 = tpu.memref_slice %arg6[%dma_start3A_3868, %dma_start3A_3869, %dma_start3A_3870, %dma_start3A_3871] : memref<2x16x8x64xf32, #tpu.memory_space<vmem>> -> memref<1x1x8x64xf32, #tpu.memory_space<vmem>>
        %dma_start3A_3873 = tpu.memref_squeeze %dma_start3A_3872 : memref<1x1x8x64xf32, #tpu.memory_space<vmem>> -> memref<8x64xf32, #tpu.memory_space<vmem>>
        %dma_start3A_3874 = arith.constant 0 : i32
        %dma_start3A_3875 = tpu.memref_slice %arg3[%multiple_of3A_3867, %dma_start3A_3874] : memref<1000000x64xf32, #tpu.memory_space<hbm>> -> memref<8x64xf32, #tpu.memory_space<hbm>>
        %dma_start3A_3876 = arith.constant 0 : i32
        %dma_start3A_3877 = arith.constant 0 : i32
        %dma_start3A_3878 = tpu.memref_slice %arg6[%dma_start3A_3868, %dma_start3A_3869, %dma_start3A_3876, %dma_start3A_3877] : memref<2x16x8x64xf32, #tpu.memory_space<vmem>> -> memref<1x1x8x64xf32, #tpu.memory_space<vmem>>
        %dma_start3A_3879 = tpu.memref_squeeze %dma_start3A_3878 : memref<1x1x8x64xf32, #tpu.memory_space<vmem>> -> memref<8x64xf32, #tpu.memory_space<vmem>>
        %dma_start3A_3880 = arith.constant 0 : i32
        %dma_start3A_3881 = tpu.memref_slice %arg3[%multiple_of3A_3867, %dma_start3A_3880] : memref<1000000x64xf32, #tpu.memory_space<hbm>> -> memref<8x64xf32, #tpu.memory_space<hbm>>
        tpu.enqueue_dma source(%dma_start3A_3881 : memref<8x64xf32, #tpu.memory_space<hbm>>) target(%dma_start3A_3879 : memref<8x64xf32, #tpu.memory_space<vmem>>) target_semaphore(%arg8 : memref<!tpu.dma_semaphore, #tpu.memory_space<semaphore_mem>>)
        %slice3A_3882 = vector.extract_strided_slice %get3A_3494 {offsets = [9], sizes = [1], strides = [1]} : vector<16xi32> to vector<1xi32>
        %squeeze3A_3883 = vector.extract %slice3A_3882[0] : i32 from vector<1xi32>
        %jit3A_3884 = arith.constant 8 : i32
        %div3A_3885 = arith.divsi %squeeze3A_3883, %jit3A_3884 : i32
        %sign3A_3886 = arith.constant 0 : i32
        %sign3A_3887 = arith.cmpi sgt, %squeeze3A_3883, %sign3A_3886 : i32
        %sign3A_3888 = arith.extui %sign3A_3887 : i1 to i32
        %sign3A_3889 = arith.constant 0 : i32
        %sign3A_3890 = arith.cmpi slt, %squeeze3A_3883, %sign3A_3889 : i32
        %sign3A_3891 = arith.extui %sign3A_3890 : i1 to i32
        %sign3A_3892 = arith.subi %sign3A_3888, %sign3A_3891 : i32
        %sign3A_3893 = arith.constant 0 : i32
        %sign3A_3894 = arith.cmpi sgt, %jit3A_3884, %sign3A_3893 : i32
        %sign3A_3895 = arith.extui %sign3A_3894 : i1 to i32
        %sign3A_3896 = arith.constant 0 : i32
        %sign3A_3897 = arith.cmpi slt, %jit3A_3884, %sign3A_3896 : i32
        %sign3A_3898 = arith.extui %sign3A_3897 : i1 to i32
        %sign3A_3899 = arith.subi %sign3A_3895, %sign3A_3898 : i32
        %ne3A_3900 = arith.cmpi ne, %sign3A_3892, %sign3A_3899 : i32
        %rem3A_3901 = arith.remsi %squeeze3A_3883, %jit3A_3884 : i32
        %ne3A_3902 = arith.constant 0 : i32
        %ne3A_3903 = arith.cmpi ne, %rem3A_3901, %ne3A_3902 : i32
        %and3A_3904 = arith.andi %ne3A_3900, %ne3A_3903 : i1
        %sub3A_3905 = arith.constant 1 : i32
        %sub3A_3906 = arith.subi %div3A_3885, %sub3A_3905 : i32
        %select_n3A_3907 = arith.select %and3A_3904, %sub3A_3906, %div3A_3885 : i32
        %mul3A_3908 = arith.constant 8 : i32
        %mul3A_3909 = arith.muli %select_n3A_3907, %mul3A_3908 : i32
        %multiple_of3A_3910 = tpu.assume_multiple %mul3A_3909, 8 : i32
        %dma_start3A_3911 = arith.constant 0 : i32
        %dma_start3A_3912 = arith.constant 9 : i32
        %dma_start3A_3913 = arith.constant 0 : i32
        %dma_start3A_3914 = arith.constant 0 : i32
        %dma_start3A_3915 = tpu.memref_slice %arg6[%dma_start3A_3911, %dma_start3A_3912, %dma_start3A_3913, %dma_start3A_3914] : memref<2x16x8x64xf32, #tpu.memory_space<vmem>> -> memref<1x1x8x64xf32, #tpu.memory_space<vmem>>
        %dma_start3A_3916 = tpu.memref_squeeze %dma_start3A_3915 : memref<1x1x8x64xf32, #tpu.memory_space<vmem>> -> memref<8x64xf32, #tpu.memory_space<vmem>>
        %dma_start3A_3917 = arith.constant 0 : i32
        %dma_start3A_3918 = tpu.memref_slice %arg3[%multiple_of3A_3910, %dma_start3A_3917] : memref<1000000x64xf32, #tpu.memory_space<hbm>> -> memref<8x64xf32, #tpu.memory_space<hbm>>
        %dma_start3A_3919 = arith.constant 0 : i32
        %dma_start3A_3920 = arith.constant 0 : i32
        %dma_start3A_3921 = tpu.memref_slice %arg6[%dma_start3A_3911, %dma_start3A_3912, %dma_start3A_3919, %dma_start3A_3920] : memref<2x16x8x64xf32, #tpu.memory_space<vmem>> -> memref<1x1x8x64xf32, #tpu.memory_space<vmem>>
        %dma_start3A_3922 = tpu.memref_squeeze %dma_start3A_3921 : memref<1x1x8x64xf32, #tpu.memory_space<vmem>> -> memref<8x64xf32, #tpu.memory_space<vmem>>
        %dma_start3A_3923 = arith.constant 0 : i32
        %dma_start3A_3924 = tpu.memref_slice %arg3[%multiple_of3A_3910, %dma_start3A_3923] : memref<1000000x64xf32, #tpu.memory_space<hbm>> -> memref<8x64xf32, #tpu.memory_space<hbm>>
        tpu.enqueue_dma source(%dma_start3A_3924 : memref<8x64xf32, #tpu.memory_space<hbm>>) target(%dma_start3A_3922 : memref<8x64xf32, #tpu.memory_space<vmem>>) target_semaphore(%arg8 : memref<!tpu.dma_semaphore, #tpu.memory_space<semaphore_mem>>)
        %slice3A_3925 = vector.extract_strided_slice %get3A_3494 {offsets = [10], sizes = [1], strides = [1]} : vector<16xi32> to vector<1xi32>
        %squeeze3A_3926 = vector.extract %slice3A_3925[0] : i32 from vector<1xi32>
        %jit3A_3927 = arith.constant 8 : i32
        %div3A_3928 = arith.divsi %squeeze3A_3926, %jit3A_3927 : i32
        %sign3A_3929 = arith.constant 0 : i32
        %sign3A_3930 = arith.cmpi sgt, %squeeze3A_3926, %sign3A_3929 : i32
        %sign3A_3931 = arith.extui %sign3A_3930 : i1 to i32
        %sign3A_3932 = arith.constant 0 : i32
        %sign3A_3933 = arith.cmpi slt, %squeeze3A_3926, %sign3A_3932 : i32
        %sign3A_3934 = arith.extui %sign3A_3933 : i1 to i32
        %sign3A_3935 = arith.subi %sign3A_3931, %sign3A_3934 : i32
        %sign3A_3936 = arith.constant 0 : i32
        %sign3A_3937 = arith.cmpi sgt, %jit3A_3927, %sign3A_3936 : i32
        %sign3A_3938 = arith.extui %sign3A_3937 : i1 to i32
        %sign3A_3939 = arith.constant 0 : i32
        %sign3A_3940 = arith.cmpi slt, %jit3A_3927, %sign3A_3939 : i32
        %sign3A_3941 = arith.extui %sign3A_3940 : i1 to i32
        %sign3A_3942 = arith.subi %sign3A_3938, %sign3A_3941 : i32
        %ne3A_3943 = arith.cmpi ne, %sign3A_3935, %sign3A_3942 : i32
        %rem3A_3944 = arith.remsi %squeeze3A_3926, %jit3A_3927 : i32
        %ne3A_3945 = arith.constant 0 : i32
        %ne3A_3946 = arith.cmpi ne, %rem3A_3944, %ne3A_3945 : i32
        %and3A_3947 = arith.andi %ne3A_3943, %ne3A_3946 : i1
        %sub3A_3948 = arith.constant 1 : i32
        %sub3A_3949 = arith.subi %div3A_3928, %sub3A_3948 : i32
        %select_n3A_3950 = arith.select %and3A_3947, %sub3A_3949, %div3A_3928 : i32
        %mul3A_3951 = arith.constant 8 : i32
        %mul3A_3952 = arith.muli %select_n3A_3950, %mul3A_3951 : i32
        %multiple_of3A_3953 = tpu.assume_multiple %mul3A_3952, 8 : i32
        %dma_start3A_3954 = arith.constant 0 : i32
        %dma_start3A_3955 = arith.constant 10 : i32
        %dma_start3A_3956 = arith.constant 0 : i32
        %dma_start3A_3957 = arith.constant 0 : i32
        %dma_start3A_3958 = tpu.memref_slice %arg6[%dma_start3A_3954, %dma_start3A_3955, %dma_start3A_3956, %dma_start3A_3957] : memref<2x16x8x64xf32, #tpu.memory_space<vmem>> -> memref<1x1x8x64xf32, #tpu.memory_space<vmem>>
        %dma_start3A_3959 = tpu.memref_squeeze %dma_start3A_3958 : memref<1x1x8x64xf32, #tpu.memory_space<vmem>> -> memref<8x64xf32, #tpu.memory_space<vmem>>
        %dma_start3A_3960 = arith.constant 0 : i32
        %dma_start3A_3961 = tpu.memref_slice %arg3[%multiple_of3A_3953, %dma_start3A_3960] : memref<1000000x64xf32, #tpu.memory_space<hbm>> -> memref<8x64xf32, #tpu.memory_space<hbm>>
        %dma_start3A_3962 = arith.constant 0 : i32
        %dma_start3A_3963 = arith.constant 0 : i32
        %dma_start3A_3964 = tpu.memref_slice %arg6[%dma_start3A_3954, %dma_start3A_3955, %dma_start3A_3962, %dma_start3A_3963] : memref<2x16x8x64xf32, #tpu.memory_space<vmem>> -> memref<1x1x8x64xf32, #tpu.memory_space<vmem>>
        %dma_start3A_3965 = tpu.memref_squeeze %dma_start3A_3964 : memref<1x1x8x64xf32, #tpu.memory_space<vmem>> -> memref<8x64xf32, #tpu.memory_space<vmem>>
        %dma_start3A_3966 = arith.constant 0 : i32
        %dma_start3A_3967 = tpu.memref_slice %arg3[%multiple_of3A_3953, %dma_start3A_3966] : memref<1000000x64xf32, #tpu.memory_space<hbm>> -> memref<8x64xf32, #tpu.memory_space<hbm>>
        tpu.enqueue_dma source(%dma_start3A_3967 : memref<8x64xf32, #tpu.memory_space<hbm>>) target(%dma_start3A_3965 : memref<8x64xf32, #tpu.memory_space<vmem>>) target_semaphore(%arg8 : memref<!tpu.dma_semaphore, #tpu.memory_space<semaphore_mem>>)
        %slice3A_3968 = vector.extract_strided_slice %get3A_3494 {offsets = [11], sizes = [1], strides = [1]} : vector<16xi32> to vector<1xi32>
        %squeeze3A_3969 = vector.extract %slice3A_3968[0] : i32 from vector<1xi32>
        %jit3A_3970 = arith.constant 8 : i32
        %div3A_3971 = arith.divsi %squeeze3A_3969, %jit3A_3970 : i32
        %sign3A_3972 = arith.constant 0 : i32
        %sign3A_3973 = arith.cmpi sgt, %squeeze3A_3969, %sign3A_3972 : i32
        %sign3A_3974 = arith.extui %sign3A_3973 : i1 to i32
        %sign3A_3975 = arith.constant 0 : i32
        %sign3A_3976 = arith.cmpi slt, %squeeze3A_3969, %sign3A_3975 : i32
        %sign3A_3977 = arith.extui %sign3A_3976 : i1 to i32
        %sign3A_3978 = arith.subi %sign3A_3974, %sign3A_3977 : i32
        %sign3A_3979 = arith.constant 0 : i32
        %sign3A_3980 = arith.cmpi sgt, %jit3A_3970, %sign3A_3979 : i32
        %sign3A_3981 = arith.extui %sign3A_3980 : i1 to i32
        %sign3A_3982 = arith.constant 0 : i32
        %sign3A_3983 = arith.cmpi slt, %jit3A_3970, %sign3A_3982 : i32
        %sign3A_3984 = arith.extui %sign3A_3983 : i1 to i32
        %sign3A_3985 = arith.subi %sign3A_3981, %sign3A_3984 : i32
        %ne3A_3986 = arith.cmpi ne, %sign3A_3978, %sign3A_3985 : i32
        %rem3A_3987 = arith.remsi %squeeze3A_3969, %jit3A_3970 : i32
        %ne3A_3988 = arith.constant 0 : i32
        %ne3A_3989 = arith.cmpi ne, %rem3A_3987, %ne3A_3988 : i32
        %and3A_3990 = arith.andi %ne3A_3986, %ne3A_3989 : i1
        %sub3A_3991 = arith.constant 1 : i32
        %sub3A_3992 = arith.subi %div3A_3971, %sub3A_3991 : i32
        %select_n3A_3993 = arith.select %and3A_3990, %sub3A_3992, %div3A_3971 : i32
        %mul3A_3994 = arith.constant 8 : i32
        %mul3A_3995 = arith.muli %select_n3A_3993, %mul3A_3994 : i32
        %multiple_of3A_3996 = tpu.assume_multiple %mul3A_3995, 8 : i32
        %dma_start3A_3997 = arith.constant 0 : i32
        %dma_start3A_3998 = arith.constant 11 : i32
        %dma_start3A_3999 = arith.constant 0 : i32
        %dma_start3A_4000 = arith.constant 0 : i32
        %dma_start3A_4001 = tpu.memref_slice %arg6[%dma_start3A_3997, %dma_start3A_3998, %dma_start3A_3999, %dma_start3A_4000] : memref<2x16x8x64xf32, #tpu.memory_space<vmem>> -> memref<1x1x8x64xf32, #tpu.memory_space<vmem>>
        %dma_start3A_4002 = tpu.memref_squeeze %dma_start3A_4001 : memref<1x1x8x64xf32, #tpu.memory_space<vmem>> -> memref<8x64xf32, #tpu.memory_space<vmem>>
        %dma_start3A_4003 = arith.constant 0 : i32
        %dma_start3A_4004 = tpu.memref_slice %arg3[%multiple_of3A_3996, %dma_start3A_4003] : memref<1000000x64xf32, #tpu.memory_space<hbm>> -> memref<8x64xf32, #tpu.memory_space<hbm>>
        %dma_start3A_4005 = arith.constant 0 : i32
        %dma_start3A_4006 = arith.constant 0 : i32
        %dma_start3A_4007 = tpu.memref_slice %arg6[%dma_start3A_3997, %dma_start3A_3998, %dma_start3A_4005, %dma_start3A_4006] : memref<2x16x8x64xf32, #tpu.memory_space<vmem>> -> memref<1x1x8x64xf32, #tpu.memory_space<vmem>>
        %dma_start3A_4008 = tpu.memref_squeeze %dma_start3A_4007 : memref<1x1x8x64xf32, #tpu.memory_space<vmem>> -> memref<8x64xf32, #tpu.memory_space<vmem>>
        %dma_start3A_4009 = arith.constant 0 : i32
        %dma_start3A_4010 = tpu.memref_slice %arg3[%multiple_of3A_3996, %dma_start3A_4009] : memref<1000000x64xf32, #tpu.memory_space<hbm>> -> memref<8x64xf32, #tpu.memory_space<hbm>>
        tpu.enqueue_dma source(%dma_start3A_4010 : memref<8x64xf32, #tpu.memory_space<hbm>>) target(%dma_start3A_4008 : memref<8x64xf32, #tpu.memory_space<vmem>>) target_semaphore(%arg8 : memref<!tpu.dma_semaphore, #tpu.memory_space<semaphore_mem>>)
        %slice3A_4011 = vector.extract_strided_slice %get3A_3494 {offsets = [12], sizes = [1], strides = [1]} : vector<16xi32> to vector<1xi32>
        %squeeze3A_4012 = vector.extract %slice3A_4011[0] : i32 from vector<1xi32>
        %jit3A_4013 = arith.constant 8 : i32
        %div3A_4014 = arith.divsi %squeeze3A_4012, %jit3A_4013 : i32
        %sign3A_4015 = arith.constant 0 : i32
        %sign3A_4016 = arith.cmpi sgt, %squeeze3A_4012, %sign3A_4015 : i32
        %sign3A_4017 = arith.extui %sign3A_4016 : i1 to i32
        %sign3A_4018 = arith.constant 0 : i32
        %sign3A_4019 = arith.cmpi slt, %squeeze3A_4012, %sign3A_4018 : i32
        %sign3A_4020 = arith.extui %sign3A_4019 : i1 to i32
        %sign3A_4021 = arith.subi %sign3A_4017, %sign3A_4020 : i32
        %sign3A_4022 = arith.constant 0 : i32
        %sign3A_4023 = arith.cmpi sgt, %jit3A_4013, %sign3A_4022 : i32
        %sign3A_4024 = arith.extui %sign3A_4023 : i1 to i32
        %sign3A_4025 = arith.constant 0 : i32
        %sign3A_4026 = arith.cmpi slt, %jit3A_4013, %sign3A_4025 : i32
        %sign3A_4027 = arith.extui %sign3A_4026 : i1 to i32
        %sign3A_4028 = arith.subi %sign3A_4024, %sign3A_4027 : i32
        %ne3A_4029 = arith.cmpi ne, %sign3A_4021, %sign3A_4028 : i32
        %rem3A_4030 = arith.remsi %squeeze3A_4012, %jit3A_4013 : i32
        %ne3A_4031 = arith.constant 0 : i32
        %ne3A_4032 = arith.cmpi ne, %rem3A_4030, %ne3A_4031 : i32
        %and3A_4033 = arith.andi %ne3A_4029, %ne3A_4032 : i1
        %sub3A_4034 = arith.constant 1 : i32
        %sub3A_4035 = arith.subi %div3A_4014, %sub3A_4034 : i32
        %select_n3A_4036 = arith.select %and3A_4033, %sub3A_4035, %div3A_4014 : i32
        %mul3A_4037 = arith.constant 8 : i32
        %mul3A_4038 = arith.muli %select_n3A_4036, %mul3A_4037 : i32
        %multiple_of3A_4039 = tpu.assume_multiple %mul3A_4038, 8 : i32
        %dma_start3A_4040 = arith.constant 0 : i32
        %dma_start3A_4041 = arith.constant 12 : i32
        %dma_start3A_4042 = arith.constant 0 : i32
        %dma_start3A_4043 = arith.constant 0 : i32
        %dma_start3A_4044 = tpu.memref_slice %arg6[%dma_start3A_4040, %dma_start3A_4041, %dma_start3A_4042, %dma_start3A_4043] : memref<2x16x8x64xf32, #tpu.memory_space<vmem>> -> memref<1x1x8x64xf32, #tpu.memory_space<vmem>>
        %dma_start3A_4045 = tpu.memref_squeeze %dma_start3A_4044 : memref<1x1x8x64xf32, #tpu.memory_space<vmem>> -> memref<8x64xf32, #tpu.memory_space<vmem>>
        %dma_start3A_4046 = arith.constant 0 : i32
        %dma_start3A_4047 = tpu.memref_slice %arg3[%multiple_of3A_4039, %dma_start3A_4046] : memref<1000000x64xf32, #tpu.memory_space<hbm>> -> memref<8x64xf32, #tpu.memory_space<hbm>>
        %dma_start3A_4048 = arith.constant 0 : i32
        %dma_start3A_4049 = arith.constant 0 : i32
        %dma_start3A_4050 = tpu.memref_slice %arg6[%dma_start3A_4040, %dma_start3A_4041, %dma_start3A_4048, %dma_start3A_4049] : memref<2x16x8x64xf32, #tpu.memory_space<vmem>> -> memref<1x1x8x64xf32, #tpu.memory_space<vmem>>
        %dma_start3A_4051 = tpu.memref_squeeze %dma_start3A_4050 : memref<1x1x8x64xf32, #tpu.memory_space<vmem>> -> memref<8x64xf32, #tpu.memory_space<vmem>>
        %dma_start3A_4052 = arith.constant 0 : i32
        %dma_start3A_4053 = tpu.memref_slice %arg3[%multiple_of3A_4039, %dma_start3A_4052] : memref<1000000x64xf32, #tpu.memory_space<hbm>> -> memref<8x64xf32, #tpu.memory_space<hbm>>
        tpu.enqueue_dma source(%dma_start3A_4053 : memref<8x64xf32, #tpu.memory_space<hbm>>) target(%dma_start3A_4051 : memref<8x64xf32, #tpu.memory_space<vmem>>) target_semaphore(%arg8 : memref<!tpu.dma_semaphore, #tpu.memory_space<semaphore_mem>>)
        %slice3A_4054 = vector.extract_strided_slice %get3A_3494 {offsets = [13], sizes = [1], strides = [1]} : vector<16xi32> to vector<1xi32>
        %squeeze3A_4055 = vector.extract %slice3A_4054[0] : i32 from vector<1xi32>
        %jit3A_4056 = arith.constant 8 : i32
        %div3A_4057 = arith.divsi %squeeze3A_4055, %jit3A_4056 : i32
        %sign3A_4058 = arith.constant 0 : i32
        %sign3A_4059 = arith.cmpi sgt, %squeeze3A_4055, %sign3A_4058 : i32
        %sign3A_4060 = arith.extui %sign3A_4059 : i1 to i32
        %sign3A_4061 = arith.constant 0 : i32
        %sign3A_4062 = arith.cmpi slt, %squeeze3A_4055, %sign3A_4061 : i32
        %sign3A_4063 = arith.extui %sign3A_4062 : i1 to i32
        %sign3A_4064 = arith.subi %sign3A_4060, %sign3A_4063 : i32
        %sign3A_4065 = arith.constant 0 : i32
        %sign3A_4066 = arith.cmpi sgt, %jit3A_4056, %sign3A_4065 : i32
        %sign3A_4067 = arith.extui %sign3A_4066 : i1 to i32
        %sign3A_4068 = arith.constant 0 : i32
        %sign3A_4069 = arith.cmpi slt, %jit3A_4056, %sign3A_4068 : i32
        %sign3A_4070 = arith.extui %sign3A_4069 : i1 to i32
        %sign3A_4071 = arith.subi %sign3A_4067, %sign3A_4070 : i32
        %ne3A_4072 = arith.cmpi ne, %sign3A_4064, %sign3A_4071 : i32
        %rem3A_4073 = arith.remsi %squeeze3A_4055, %jit3A_4056 : i32
        %ne3A_4074 = arith.constant 0 : i32
        %ne3A_4075 = arith.cmpi ne, %rem3A_4073, %ne3A_4074 : i32
        %and3A_4076 = arith.andi %ne3A_4072, %ne3A_4075 : i1
        %sub3A_4077 = arith.constant 1 : i32
        %sub3A_4078 = arith.subi %div3A_4057, %sub3A_4077 : i32
        %select_n3A_4079 = arith.select %and3A_4076, %sub3A_4078, %div3A_4057 : i32
        %mul3A_4080 = arith.constant 8 : i32
        %mul3A_4081 = arith.muli %select_n3A_4079, %mul3A_4080 : i32
        %multiple_of3A_4082 = tpu.assume_multiple %mul3A_4081, 8 : i32
        %dma_start3A_4083 = arith.constant 0 : i32
        %dma_start3A_4084 = arith.constant 13 : i32
        %dma_start3A_4085 = arith.constant 0 : i32
        %dma_start3A_4086 = arith.constant 0 : i32
        %dma_start3A_4087 = tpu.memref_slice %arg6[%dma_start3A_4083, %dma_start3A_4084, %dma_start3A_4085, %dma_start3A_4086] : memref<2x16x8x64xf32, #tpu.memory_space<vmem>> -> memref<1x1x8x64xf32, #tpu.memory_space<vmem>>
        %dma_start3A_4088 = tpu.memref_squeeze %dma_start3A_4087 : memref<1x1x8x64xf32, #tpu.memory_space<vmem>> -> memref<8x64xf32, #tpu.memory_space<vmem>>
        %dma_start3A_4089 = arith.constant 0 : i32
        %dma_start3A_4090 = tpu.memref_slice %arg3[%multiple_of3A_4082, %dma_start3A_4089] : memref<1000000x64xf32, #tpu.memory_space<hbm>> -> memref<8x64xf32, #tpu.memory_space<hbm>>
        %dma_start3A_4091 = arith.constant 0 : i32
        %dma_start3A_4092 = arith.constant 0 : i32
        %dma_start3A_4093 = tpu.memref_slice %arg6[%dma_start3A_4083, %dma_start3A_4084, %dma_start3A_4091, %dma_start3A_4092] : memref<2x16x8x64xf32, #tpu.memory_space<vmem>> -> memref<1x1x8x64xf32, #tpu.memory_space<vmem>>
        %dma_start3A_4094 = tpu.memref_squeeze %dma_start3A_4093 : memref<1x1x8x64xf32, #tpu.memory_space<vmem>> -> memref<8x64xf32, #tpu.memory_space<vmem>>
        %dma_start3A_4095 = arith.constant 0 : i32
        %dma_start3A_4096 = tpu.memref_slice %arg3[%multiple_of3A_4082, %dma_start3A_4095] : memref<1000000x64xf32, #tpu.memory_space<hbm>> -> memref<8x64xf32, #tpu.memory_space<hbm>>
        tpu.enqueue_dma source(%dma_start3A_4096 : memref<8x64xf32, #tpu.memory_space<hbm>>) target(%dma_start3A_4094 : memref<8x64xf32, #tpu.memory_space<vmem>>) target_semaphore(%arg8 : memref<!tpu.dma_semaphore, #tpu.memory_space<semaphore_mem>>)
        %slice3A_4097 = vector.extract_strided_slice %get3A_3494 {offsets = [14], sizes = [1], strides = [1]} : vector<16xi32> to vector<1xi32>
        %squeeze3A_4098 = vector.extract %slice3A_4097[0] : i32 from vector<1xi32>
        %jit3A_4099 = arith.constant 8 : i32
        %div3A_4100 = arith.divsi %squeeze3A_4098, %jit3A_4099 : i32
        %sign3A_4101 = arith.constant 0 : i32
        %sign3A_4102 = arith.cmpi sgt, %squeeze3A_4098, %sign3A_4101 : i32
        %sign3A_4103 = arith.extui %sign3A_4102 : i1 to i32
        %sign3A_4104 = arith.constant 0 : i32
        %sign3A_4105 = arith.cmpi slt, %squeeze3A_4098, %sign3A_4104 : i32
        %sign3A_4106 = arith.extui %sign3A_4105 : i1 to i32
        %sign3A_4107 = arith.subi %sign3A_4103, %sign3A_4106 : i32
        %sign3A_4108 = arith.constant 0 : i32
        %sign3A_4109 = arith.cmpi sgt, %jit3A_4099, %sign3A_4108 : i32
        %sign3A_4110 = arith.extui %sign3A_4109 : i1 to i32
        %sign3A_4111 = arith.constant 0 : i32
        %sign3A_4112 = arith.cmpi slt, %jit3A_4099, %sign3A_4111 : i32
        %sign3A_4113 = arith.extui %sign3A_4112 : i1 to i32
        %sign3A_4114 = arith.subi %sign3A_4110, %sign3A_4113 : i32
        %ne3A_4115 = arith.cmpi ne, %sign3A_4107, %sign3A_4114 : i32
        %rem3A_4116 = arith.remsi %squeeze3A_4098, %jit3A_4099 : i32
        %ne3A_4117 = arith.constant 0 : i32
        %ne3A_4118 = arith.cmpi ne, %rem3A_4116, %ne3A_4117 : i32
        %and3A_4119 = arith.andi %ne3A_4115, %ne3A_4118 : i1
        %sub3A_4120 = arith.constant 1 : i32
        %sub3A_4121 = arith.subi %div3A_4100, %sub3A_4120 : i32
        %select_n3A_4122 = arith.select %and3A_4119, %sub3A_4121, %div3A_4100 : i32
        %mul3A_4123 = arith.constant 8 : i32
        %mul3A_4124 = arith.muli %select_n3A_4122, %mul3A_4123 : i32
        %multiple_of3A_4125 = tpu.assume_multiple %mul3A_4124, 8 : i32
        %dma_start3A_4126 = arith.constant 0 : i32
        %dma_start3A_4127 = arith.constant 14 : i32
        %dma_start3A_4128 = arith.constant 0 : i32
        %dma_start3A_4129 = arith.constant 0 : i32
        %dma_start3A_4130 = tpu.memref_slice %arg6[%dma_start3A_4126, %dma_start3A_4127, %dma_start3A_4128, %dma_start3A_4129] : memref<2x16x8x64xf32, #tpu.memory_space<vmem>> -> memref<1x1x8x64xf32, #tpu.memory_space<vmem>>
        %dma_start3A_4131 = tpu.memref_squeeze %dma_start3A_4130 : memref<1x1x8x64xf32, #tpu.memory_space<vmem>> -> memref<8x64xf32, #tpu.memory_space<vmem>>
        %dma_start3A_4132 = arith.constant 0 : i32
        %dma_start3A_4133 = tpu.memref_slice %arg3[%multiple_of3A_4125, %dma_start3A_4132] : memref<1000000x64xf32, #tpu.memory_space<hbm>> -> memref<8x64xf32, #tpu.memory_space<hbm>>
        %dma_start3A_4134 = arith.constant 0 : i32
        %dma_start3A_4135 = arith.constant 0 : i32
        %dma_start3A_4136 = tpu.memref_slice %arg6[%dma_start3A_4126, %dma_start3A_4127, %dma_start3A_4134, %dma_start3A_4135] : memref<2x16x8x64xf32, #tpu.memory_space<vmem>> -> memref<1x1x8x64xf32, #tpu.memory_space<vmem>>
        %dma_start3A_4137 = tpu.memref_squeeze %dma_start3A_4136 : memref<1x1x8x64xf32, #tpu.memory_space<vmem>> -> memref<8x64xf32, #tpu.memory_space<vmem>>
        %dma_start3A_4138 = arith.constant 0 : i32
        %dma_start3A_4139 = tpu.memref_slice %arg3[%multiple_of3A_4125, %dma_start3A_4138] : memref<1000000x64xf32, #tpu.memory_space<hbm>> -> memref<8x64xf32, #tpu.memory_space<hbm>>
        tpu.enqueue_dma source(%dma_start3A_4139 : memref<8x64xf32, #tpu.memory_space<hbm>>) target(%dma_start3A_4137 : memref<8x64xf32, #tpu.memory_space<vmem>>) target_semaphore(%arg8 : memref<!tpu.dma_semaphore, #tpu.memory_space<semaphore_mem>>)
        %slice3A_4140 = vector.extract_strided_slice %get3A_3494 {offsets = [15], sizes = [1], strides = [1]} : vector<16xi32> to vector<1xi32>
        %squeeze3A_4141 = vector.extract %slice3A_4140[0] : i32 from vector<1xi32>
        %jit3A_4142 = arith.constant 8 : i32
        %div3A_4143 = arith.divsi %squeeze3A_4141, %jit3A_4142 : i32
        %sign3A_4144 = arith.constant 0 : i32
        %sign3A_4145 = arith.cmpi sgt, %squeeze3A_4141, %sign3A_4144 : i32
        %sign3A_4146 = arith.extui %sign3A_4145 : i1 to i32
        %sign3A_4147 = arith.constant 0 : i32
        %sign3A_4148 = arith.cmpi slt, %squeeze3A_4141, %sign3A_4147 : i32
        %sign3A_4149 = arith.extui %sign3A_4148 : i1 to i32
        %sign3A_4150 = arith.subi %sign3A_4146, %sign3A_4149 : i32
        %sign3A_4151 = arith.constant 0 : i32
        %sign3A_4152 = arith.cmpi sgt, %jit3A_4142, %sign3A_4151 : i32
        %sign3A_4153 = arith.extui %sign3A_4152 : i1 to i32
        %sign3A_4154 = arith.constant 0 : i32
        %sign3A_4155 = arith.cmpi slt, %jit3A_4142, %sign3A_4154 : i32
        %sign3A_4156 = arith.extui %sign3A_4155 : i1 to i32
        %sign3A_4157 = arith.subi %sign3A_4153, %sign3A_4156 : i32
        %ne3A_4158 = arith.cmpi ne, %sign3A_4150, %sign3A_4157 : i32
        %rem3A_4159 = arith.remsi %squeeze3A_4141, %jit3A_4142 : i32
        %ne3A_4160 = arith.constant 0 : i32
        %ne3A_4161 = arith.cmpi ne, %rem3A_4159, %ne3A_4160 : i32
        %and3A_4162 = arith.andi %ne3A_4158, %ne3A_4161 : i1
        %sub3A_4163 = arith.constant 1 : i32
        %sub3A_4164 = arith.subi %div3A_4143, %sub3A_4163 : i32
        %select_n3A_4165 = arith.select %and3A_4162, %sub3A_4164, %div3A_4143 : i32
        %mul3A_4166 = arith.constant 8 : i32
        %mul3A_4167 = arith.muli %select_n3A_4165, %mul3A_4166 : i32
        %multiple_of3A_4168 = tpu.assume_multiple %mul3A_4167, 8 : i32
        %dma_start3A_4169 = arith.constant 0 : i32
        %dma_start3A_4170 = arith.constant 15 : i32
        %dma_start3A_4171 = arith.constant 0 : i32
        %dma_start3A_4172 = arith.constant 0 : i32
        %dma_start3A_4173 = tpu.memref_slice %arg6[%dma_start3A_4169, %dma_start3A_4170, %dma_start3A_4171, %dma_start3A_4172] : memref<2x16x8x64xf32, #tpu.memory_space<vmem>> -> memref<1x1x8x64xf32, #tpu.memory_space<vmem>>
        %dma_start3A_4174 = tpu.memref_squeeze %dma_start3A_4173 : memref<1x1x8x64xf32, #tpu.memory_space<vmem>> -> memref<8x64xf32, #tpu.memory_space<vmem>>
        %dma_start3A_4175 = arith.constant 0 : i32
        %dma_start3A_4176 = tpu.memref_slice %arg3[%multiple_of3A_4168, %dma_start3A_4175] : memref<1000000x64xf32, #tpu.memory_space<hbm>> -> memref<8x64xf32, #tpu.memory_space<hbm>>
        %dma_start3A_4177 = arith.constant 0 : i32
        %dma_start3A_4178 = arith.constant 0 : i32
        %dma_start3A_4179 = tpu.memref_slice %arg6[%dma_start3A_4169, %dma_start3A_4170, %dma_start3A_4177, %dma_start3A_4178] : memref<2x16x8x64xf32, #tpu.memory_space<vmem>> -> memref<1x1x8x64xf32, #tpu.memory_space<vmem>>
        %dma_start3A_4180 = tpu.memref_squeeze %dma_start3A_4179 : memref<1x1x8x64xf32, #tpu.memory_space<vmem>> -> memref<8x64xf32, #tpu.memory_space<vmem>>
        %dma_start3A_4181 = arith.constant 0 : i32
        %dma_start3A_4182 = tpu.memref_slice %arg3[%multiple_of3A_4168, %dma_start3A_4181] : memref<1000000x64xf32, #tpu.memory_space<hbm>> -> memref<8x64xf32, #tpu.memory_space<hbm>>
        tpu.enqueue_dma source(%dma_start3A_4182 : memref<8x64xf32, #tpu.memory_space<hbm>>) target(%dma_start3A_4180 : memref<8x64xf32, #tpu.memory_space<vmem>>) target_semaphore(%arg8 : memref<!tpu.dma_semaphore, #tpu.memory_space<semaphore_mem>>)
      } else {
      }
      %dma_wait3A_2434 = arith.constant 1 : i32
      %dma_wait3A_2435 = arith.constant 0 : i32
      %dma_wait3A_2436 = arith.constant 0 : i32
      %dma_wait3A_2437 = arith.constant 0 : i32
      %dma_wait3A_2438 = tpu.memref_slice %arg6[%dma_wait3A_2434, %dma_wait3A_2435, %dma_wait3A_2436, %dma_wait3A_2437] : memref<2x16x8x64xf32, #tpu.memory_space<vmem>> -> memref<1x1x8x64xf32, #tpu.memory_space<vmem>>
      %dma_wait3A_2439 = tpu.memref_squeeze %dma_wait3A_2438 : memref<1x1x8x64xf32, #tpu.memory_space<vmem>> -> memref<8x64xf32, #tpu.memory_space<vmem>>
      %dma_wait3A_2440 = arith.constant 0 : i32
      %dma_wait3A_2441 = arith.constant 0 : i32
      %dma_wait3A_2442 = tpu.memref_slice %arg3[%dma_wait3A_2440, %dma_wait3A_2441] : memref<1000000x64xf32, #tpu.memory_space<hbm>> -> memref<8x64xf32, #tpu.memory_space<hbm>>
      %dma_wait3A_2443 = arith.constant 0 : i32
      %dma_wait3A_2444 = arith.constant 0 : i32
      %dma_wait3A_2445 = tpu.memref_slice %arg6[%dma_wait3A_2434, %dma_wait3A_2435, %dma_wait3A_2443, %dma_wait3A_2444] : memref<2x16x8x64xf32, #tpu.memory_space<vmem>> -> memref<1x1x8x64xf32, #tpu.memory_space<vmem>>
      %dma_wait3A_2446 = tpu.memref_squeeze %dma_wait3A_2445 : memref<1x1x8x64xf32, #tpu.memory_space<vmem>> -> memref<8x64xf32, #tpu.memory_space<vmem>>
      %dma_wait3A_2447 = arith.constant 0 : i32
      %dma_wait3A_2448 = arith.constant 0 : i32
      %dma_wait3A_2449 = tpu.memref_slice %arg3[%dma_wait3A_2447, %dma_wait3A_2448] : memref<1000000x64xf32, #tpu.memory_space<hbm>> -> memref<8x64xf32, #tpu.memory_space<hbm>>
      tpu.wait_dma2 semaphore(%arg9 : memref<!tpu.dma_semaphore, #tpu.memory_space<semaphore_mem>>) src(%dma_wait3A_2449 : memref<8x64xf32, #tpu.memory_space<hbm>>) dst(%dma_wait3A_2446 : memref<8x64xf32, #tpu.memory_space<vmem>>)
      %dma_wait3A_2450 = arith.constant 1 : i32
      %dma_wait3A_2451 = arith.constant 1 : i32
      %dma_wait3A_2452 = arith.constant 0 : i32
      %dma_wait3A_2453 = arith.constant 0 : i32
      %dma_wait3A_2454 = tpu.memref_slice %arg6[%dma_wait3A_2450, %dma_wait3A_2451, %dma_wait3A_2452, %dma_wait3A_2453] : memref<2x16x8x64xf32, #tpu.memory_space<vmem>> -> memref<1x1x8x64xf32, #tpu.memory_space<vmem>>
      %dma_wait3A_2455 = tpu.memref_squeeze %dma_wait3A_2454 : memref<1x1x8x64xf32, #tpu.memory_space<vmem>> -> memref<8x64xf32, #tpu.memory_space<vmem>>
      %dma_wait3A_2456 = arith.constant 0 : i32
      %dma_wait3A_2457 = arith.constant 0 : i32
      %dma_wait3A_2458 = tpu.memref_slice %arg3[%dma_wait3A_2456, %dma_wait3A_2457] : memref<1000000x64xf32, #tpu.memory_space<hbm>> -> memref<8x64xf32, #tpu.memory_space<hbm>>
      %dma_wait3A_2459 = arith.constant 0 : i32
      %dma_wait3A_2460 = arith.constant 0 : i32
      %dma_wait3A_2461 = tpu.memref_slice %arg6[%dma_wait3A_2450, %dma_wait3A_2451, %dma_wait3A_2459, %dma_wait3A_2460] : memref<2x16x8x64xf32, #tpu.memory_space<vmem>> -> memref<1x1x8x64xf32, #tpu.memory_space<vmem>>
      %dma_wait3A_2462 = tpu.memref_squeeze %dma_wait3A_2461 : memref<1x1x8x64xf32, #tpu.memory_space<vmem>> -> memref<8x64xf32, #tpu.memory_space<vmem>>
      %dma_wait3A_2463 = arith.constant 0 : i32
      %dma_wait3A_2464 = arith.constant 0 : i32
      %dma_wait3A_2465 = tpu.memref_slice %arg3[%dma_wait3A_2463, %dma_wait3A_2464] : memref<1000000x64xf32, #tpu.memory_space<hbm>> -> memref<8x64xf32, #tpu.memory_space<hbm>>
      tpu.wait_dma2 semaphore(%arg9 : memref<!tpu.dma_semaphore, #tpu.memory_space<semaphore_mem>>) src(%dma_wait3A_2465 : memref<8x64xf32, #tpu.memory_space<hbm>>) dst(%dma_wait3A_2462 : memref<8x64xf32, #tpu.memory_space<vmem>>)
      %dma_wait3A_2466 = arith.constant 1 : i32
      %dma_wait3A_2467 = arith.constant 2 : i32
      %dma_wait3A_2468 = arith.constant 0 : i32
      %dma_wait3A_2469 = arith.constant 0 : i32
      %dma_wait3A_2470 = tpu.memref_slice %arg6[%dma_wait3A_2466, %dma_wait3A_2467, %dma_wait3A_2468, %dma_wait3A_2469] : memref<2x16x8x64xf32, #tpu.memory_space<vmem>> -> memref<1x1x8x64xf32, #tpu.memory_space<vmem>>
      %dma_wait3A_2471 = tpu.memref_squeeze %dma_wait3A_2470 : memref<1x1x8x64xf32, #tpu.memory_space<vmem>> -> memref<8x64xf32, #tpu.memory_space<vmem>>
      %dma_wait3A_2472 = arith.constant 0 : i32
      %dma_wait3A_2473 = arith.constant 0 : i32
      %dma_wait3A_2474 = tpu.memref_slice %arg3[%dma_wait3A_2472, %dma_wait3A_2473] : memref<1000000x64xf32, #tpu.memory_space<hbm>> -> memref<8x64xf32, #tpu.memory_space<hbm>>
      %dma_wait3A_2475 = arith.constant 0 : i32
      %dma_wait3A_2476 = arith.constant 0 : i32
      %dma_wait3A_2477 = tpu.memref_slice %arg6[%dma_wait3A_2466, %dma_wait3A_2467, %dma_wait3A_2475, %dma_wait3A_2476] : memref<2x16x8x64xf32, #tpu.memory_space<vmem>> -> memref<1x1x8x64xf32, #tpu.memory_space<vmem>>
      %dma_wait3A_2478 = tpu.memref_squeeze %dma_wait3A_2477 : memref<1x1x8x64xf32, #tpu.memory_space<vmem>> -> memref<8x64xf32, #tpu.memory_space<vmem>>
      %dma_wait3A_2479 = arith.constant 0 : i32
      %dma_wait3A_2480 = arith.constant 0 : i32
      %dma_wait3A_2481 = tpu.memref_slice %arg3[%dma_wait3A_2479, %dma_wait3A_2480] : memref<1000000x64xf32, #tpu.memory_space<hbm>> -> memref<8x64xf32, #tpu.memory_space<hbm>>
      tpu.wait_dma2 semaphore(%arg9 : memref<!tpu.dma_semaphore, #tpu.memory_space<semaphore_mem>>) src(%dma_wait3A_2481 : memref<8x64xf32, #tpu.memory_space<hbm>>) dst(%dma_wait3A_2478 : memref<8x64xf32, #tpu.memory_space<vmem>>)
      %dma_wait3A_2482 = arith.constant 1 : i32
      %dma_wait3A_2483 = arith.constant 3 : i32
      %dma_wait3A_2484 = arith.constant 0 : i32
      %dma_wait3A_2485 = arith.constant 0 : i32
      %dma_wait3A_2486 = tpu.memref_slice %arg6[%dma_wait3A_2482, %dma_wait3A_2483, %dma_wait3A_2484, %dma_wait3A_2485] : memref<2x16x8x64xf32, #tpu.memory_space<vmem>> -> memref<1x1x8x64xf32, #tpu.memory_space<vmem>>
      %dma_wait3A_2487 = tpu.memref_squeeze %dma_wait3A_2486 : memref<1x1x8x64xf32, #tpu.memory_space<vmem>> -> memref<8x64xf32, #tpu.memory_space<vmem>>
      %dma_wait3A_2488 = arith.constant 0 : i32
      %dma_wait3A_2489 = arith.constant 0 : i32
      %dma_wait3A_2490 = tpu.memref_slice %arg3[%dma_wait3A_2488, %dma_wait3A_2489] : memref<1000000x64xf32, #tpu.memory_space<hbm>> -> memref<8x64xf32, #tpu.memory_space<hbm>>
      %dma_wait3A_2491 = arith.constant 0 : i32
      %dma_wait3A_2492 = arith.constant 0 : i32
      %dma_wait3A_2493 = tpu.memref_slice %arg6[%dma_wait3A_2482, %dma_wait3A_2483, %dma_wait3A_2491, %dma_wait3A_2492] : memref<2x16x8x64xf32, #tpu.memory_space<vmem>> -> memref<1x1x8x64xf32, #tpu.memory_space<vmem>>
      %dma_wait3A_2494 = tpu.memref_squeeze %dma_wait3A_2493 : memref<1x1x8x64xf32, #tpu.memory_space<vmem>> -> memref<8x64xf32, #tpu.memory_space<vmem>>
      %dma_wait3A_2495 = arith.constant 0 : i32
      %dma_wait3A_2496 = arith.constant 0 : i32
      %dma_wait3A_2497 = tpu.memref_slice %arg3[%dma_wait3A_2495, %dma_wait3A_2496] : memref<1000000x64xf32, #tpu.memory_space<hbm>> -> memref<8x64xf32, #tpu.memory_space<hbm>>
      tpu.wait_dma2 semaphore(%arg9 : memref<!tpu.dma_semaphore, #tpu.memory_space<semaphore_mem>>) src(%dma_wait3A_2497 : memref<8x64xf32, #tpu.memory_space<hbm>>) dst(%dma_wait3A_2494 : memref<8x64xf32, #tpu.memory_space<vmem>>)
      %dma_wait3A_2498 = arith.constant 1 : i32
      %dma_wait3A_2499 = arith.constant 4 : i32
      %dma_wait3A_2500 = arith.constant 0 : i32
      %dma_wait3A_2501 = arith.constant 0 : i32
      %dma_wait3A_2502 = tpu.memref_slice %arg6[%dma_wait3A_2498, %dma_wait3A_2499, %dma_wait3A_2500, %dma_wait3A_2501] : memref<2x16x8x64xf32, #tpu.memory_space<vmem>> -> memref<1x1x8x64xf32, #tpu.memory_space<vmem>>
      %dma_wait3A_2503 = tpu.memref_squeeze %dma_wait3A_2502 : memref<1x1x8x64xf32, #tpu.memory_space<vmem>> -> memref<8x64xf32, #tpu.memory_space<vmem>>
      %dma_wait3A_2504 = arith.constant 0 : i32
      %dma_wait3A_2505 = arith.constant 0 : i32
      %dma_wait3A_2506 = tpu.memref_slice %arg3[%dma_wait3A_2504, %dma_wait3A_2505] : memref<1000000x64xf32, #tpu.memory_space<hbm>> -> memref<8x64xf32, #tpu.memory_space<hbm>>
      %dma_wait3A_2507 = arith.constant 0 : i32
      %dma_wait3A_2508 = arith.constant 0 : i32
      %dma_wait3A_2509 = tpu.memref_slice %arg6[%dma_wait3A_2498, %dma_wait3A_2499, %dma_wait3A_2507, %dma_wait3A_2508] : memref<2x16x8x64xf32, #tpu.memory_space<vmem>> -> memref<1x1x8x64xf32, #tpu.memory_space<vmem>>
      %dma_wait3A_2510 = tpu.memref_squeeze %dma_wait3A_2509 : memref<1x1x8x64xf32, #tpu.memory_space<vmem>> -> memref<8x64xf32, #tpu.memory_space<vmem>>
      %dma_wait3A_2511 = arith.constant 0 : i32
      %dma_wait3A_2512 = arith.constant 0 : i32
      %dma_wait3A_2513 = tpu.memref_slice %arg3[%dma_wait3A_2511, %dma_wait3A_2512] : memref<1000000x64xf32, #tpu.memory_space<hbm>> -> memref<8x64xf32, #tpu.memory_space<hbm>>
      tpu.wait_dma2 semaphore(%arg9 : memref<!tpu.dma_semaphore, #tpu.memory_space<semaphore_mem>>) src(%dma_wait3A_2513 : memref<8x64xf32, #tpu.memory_space<hbm>>) dst(%dma_wait3A_2510 : memref<8x64xf32, #tpu.memory_space<vmem>>)
      %dma_wait3A_2514 = arith.constant 1 : i32
      %dma_wait3A_2515 = arith.constant 5 : i32
      %dma_wait3A_2516 = arith.constant 0 : i32
      %dma_wait3A_2517 = arith.constant 0 : i32
      %dma_wait3A_2518 = tpu.memref_slice %arg6[%dma_wait3A_2514, %dma_wait3A_2515, %dma_wait3A_2516, %dma_wait3A_2517] : memref<2x16x8x64xf32, #tpu.memory_space<vmem>> -> memref<1x1x8x64xf32, #tpu.memory_space<vmem>>
      %dma_wait3A_2519 = tpu.memref_squeeze %dma_wait3A_2518 : memref<1x1x8x64xf32, #tpu.memory_space<vmem>> -> memref<8x64xf32, #tpu.memory_space<vmem>>
      %dma_wait3A_2520 = arith.constant 0 : i32
      %dma_wait3A_2521 = arith.constant 0 : i32
      %dma_wait3A_2522 = tpu.memref_slice %arg3[%dma_wait3A_2520, %dma_wait3A_2521] : memref<1000000x64xf32, #tpu.memory_space<hbm>> -> memref<8x64xf32, #tpu.memory_space<hbm>>
      %dma_wait3A_2523 = arith.constant 0 : i32
      %dma_wait3A_2524 = arith.constant 0 : i32
      %dma_wait3A_2525 = tpu.memref_slice %arg6[%dma_wait3A_2514, %dma_wait3A_2515, %dma_wait3A_2523, %dma_wait3A_2524] : memref<2x16x8x64xf32, #tpu.memory_space<vmem>> -> memref<1x1x8x64xf32, #tpu.memory_space<vmem>>
      %dma_wait3A_2526 = tpu.memref_squeeze %dma_wait3A_2525 : memref<1x1x8x64xf32, #tpu.memory_space<vmem>> -> memref<8x64xf32, #tpu.memory_space<vmem>>
      %dma_wait3A_2527 = arith.constant 0 : i32
      %dma_wait3A_2528 = arith.constant 0 : i32
      %dma_wait3A_2529 = tpu.memref_slice %arg3[%dma_wait3A_2527, %dma_wait3A_2528] : memref<1000000x64xf32, #tpu.memory_space<hbm>> -> memref<8x64xf32, #tpu.memory_space<hbm>>
      tpu.wait_dma2 semaphore(%arg9 : memref<!tpu.dma_semaphore, #tpu.memory_space<semaphore_mem>>) src(%dma_wait3A_2529 : memref<8x64xf32, #tpu.memory_space<hbm>>) dst(%dma_wait3A_2526 : memref<8x64xf32, #tpu.memory_space<vmem>>)
      %dma_wait3A_2530 = arith.constant 1 : i32
      %dma_wait3A_2531 = arith.constant 6 : i32
      %dma_wait3A_2532 = arith.constant 0 : i32
      %dma_wait3A_2533 = arith.constant 0 : i32
      %dma_wait3A_2534 = tpu.memref_slice %arg6[%dma_wait3A_2530, %dma_wait3A_2531, %dma_wait3A_2532, %dma_wait3A_2533] : memref<2x16x8x64xf32, #tpu.memory_space<vmem>> -> memref<1x1x8x64xf32, #tpu.memory_space<vmem>>
      %dma_wait3A_2535 = tpu.memref_squeeze %dma_wait3A_2534 : memref<1x1x8x64xf32, #tpu.memory_space<vmem>> -> memref<8x64xf32, #tpu.memory_space<vmem>>
      %dma_wait3A_2536 = arith.constant 0 : i32
      %dma_wait3A_2537 = arith.constant 0 : i32
      %dma_wait3A_2538 = tpu.memref_slice %arg3[%dma_wait3A_2536, %dma_wait3A_2537] : memref<1000000x64xf32, #tpu.memory_space<hbm>> -> memref<8x64xf32, #tpu.memory_space<hbm>>
      %dma_wait3A_2539 = arith.constant 0 : i32
      %dma_wait3A_2540 = arith.constant 0 : i32
      %dma_wait3A_2541 = tpu.memref_slice %arg6[%dma_wait3A_2530, %dma_wait3A_2531, %dma_wait3A_2539, %dma_wait3A_2540] : memref<2x16x8x64xf32, #tpu.memory_space<vmem>> -> memref<1x1x8x64xf32, #tpu.memory_space<vmem>>
      %dma_wait3A_2542 = tpu.memref_squeeze %dma_wait3A_2541 : memref<1x1x8x64xf32, #tpu.memory_space<vmem>> -> memref<8x64xf32, #tpu.memory_space<vmem>>
      %dma_wait3A_2543 = arith.constant 0 : i32
      %dma_wait3A_2544 = arith.constant 0 : i32
      %dma_wait3A_2545 = tpu.memref_slice %arg3[%dma_wait3A_2543, %dma_wait3A_2544] : memref<1000000x64xf32, #tpu.memory_space<hbm>> -> memref<8x64xf32, #tpu.memory_space<hbm>>
      tpu.wait_dma2 semaphore(%arg9 : memref<!tpu.dma_semaphore, #tpu.memory_space<semaphore_mem>>) src(%dma_wait3A_2545 : memref<8x64xf32, #tpu.memory_space<hbm>>) dst(%dma_wait3A_2542 : memref<8x64xf32, #tpu.memory_space<vmem>>)
      %dma_wait3A_2546 = arith.constant 1 : i32
      %dma_wait3A_2547 = arith.constant 7 : i32
      %dma_wait3A_2548 = arith.constant 0 : i32
      %dma_wait3A_2549 = arith.constant 0 : i32
      %dma_wait3A_2550 = tpu.memref_slice %arg6[%dma_wait3A_2546, %dma_wait3A_2547, %dma_wait3A_2548, %dma_wait3A_2549] : memref<2x16x8x64xf32, #tpu.memory_space<vmem>> -> memref<1x1x8x64xf32, #tpu.memory_space<vmem>>
      %dma_wait3A_2551 = tpu.memref_squeeze %dma_wait3A_2550 : memref<1x1x8x64xf32, #tpu.memory_space<vmem>> -> memref<8x64xf32, #tpu.memory_space<vmem>>
      %dma_wait3A_2552 = arith.constant 0 : i32
      %dma_wait3A_2553 = arith.constant 0 : i32
      %dma_wait3A_2554 = tpu.memref_slice %arg3[%dma_wait3A_2552, %dma_wait3A_2553] : memref<1000000x64xf32, #tpu.memory_space<hbm>> -> memref<8x64xf32, #tpu.memory_space<hbm>>
      %dma_wait3A_2555 = arith.constant 0 : i32
      %dma_wait3A_2556 = arith.constant 0 : i32
      %dma_wait3A_2557 = tpu.memref_slice %arg6[%dma_wait3A_2546, %dma_wait3A_2547, %dma_wait3A_2555, %dma_wait3A_2556] : memref<2x16x8x64xf32, #tpu.memory_space<vmem>> -> memref<1x1x8x64xf32, #tpu.memory_space<vmem>>
      %dma_wait3A_2558 = tpu.memref_squeeze %dma_wait3A_2557 : memref<1x1x8x64xf32, #tpu.memory_space<vmem>> -> memref<8x64xf32, #tpu.memory_space<vmem>>
      %dma_wait3A_2559 = arith.constant 0 : i32
      %dma_wait3A_2560 = arith.constant 0 : i32
      %dma_wait3A_2561 = tpu.memref_slice %arg3[%dma_wait3A_2559, %dma_wait3A_2560] : memref<1000000x64xf32, #tpu.memory_space<hbm>> -> memref<8x64xf32, #tpu.memory_space<hbm>>
      tpu.wait_dma2 semaphore(%arg9 : memref<!tpu.dma_semaphore, #tpu.memory_space<semaphore_mem>>) src(%dma_wait3A_2561 : memref<8x64xf32, #tpu.memory_space<hbm>>) dst(%dma_wait3A_2558 : memref<8x64xf32, #tpu.memory_space<vmem>>)
      %dma_wait3A_2562 = arith.constant 1 : i32
      %dma_wait3A_2563 = arith.constant 8 : i32
      %dma_wait3A_2564 = arith.constant 0 : i32
      %dma_wait3A_2565 = arith.constant 0 : i32
      %dma_wait3A_2566 = tpu.memref_slice %arg6[%dma_wait3A_2562, %dma_wait3A_2563, %dma_wait3A_2564, %dma_wait3A_2565] : memref<2x16x8x64xf32, #tpu.memory_space<vmem>> -> memref<1x1x8x64xf32, #tpu.memory_space<vmem>>
      %dma_wait3A_2567 = tpu.memref_squeeze %dma_wait3A_2566 : memref<1x1x8x64xf32, #tpu.memory_space<vmem>> -> memref<8x64xf32, #tpu.memory_space<vmem>>
      %dma_wait3A_2568 = arith.constant 0 : i32
      %dma_wait3A_2569 = arith.constant 0 : i32
      %dma_wait3A_2570 = tpu.memref_slice %arg3[%dma_wait3A_2568, %dma_wait3A_2569] : memref<1000000x64xf32, #tpu.memory_space<hbm>> -> memref<8x64xf32, #tpu.memory_space<hbm>>
      %dma_wait3A_2571 = arith.constant 0 : i32
      %dma_wait3A_2572 = arith.constant 0 : i32
      %dma_wait3A_2573 = tpu.memref_slice %arg6[%dma_wait3A_2562, %dma_wait3A_2563, %dma_wait3A_2571, %dma_wait3A_2572] : memref<2x16x8x64xf32, #tpu.memory_space<vmem>> -> memref<1x1x8x64xf32, #tpu.memory_space<vmem>>
      %dma_wait3A_2574 = tpu.memref_squeeze %dma_wait3A_2573 : memref<1x1x8x64xf32, #tpu.memory_space<vmem>> -> memref<8x64xf32, #tpu.memory_space<vmem>>
      %dma_wait3A_2575 = arith.constant 0 : i32
      %dma_wait3A_2576 = arith.constant 0 : i32
      %dma_wait3A_2577 = tpu.memref_slice %arg3[%dma_wait3A_2575, %dma_wait3A_2576] : memref<1000000x64xf32, #tpu.memory_space<hbm>> -> memref<8x64xf32, #tpu.memory_space<hbm>>
      tpu.wait_dma2 semaphore(%arg9 : memref<!tpu.dma_semaphore, #tpu.memory_space<semaphore_mem>>) src(%dma_wait3A_2577 : memref<8x64xf32, #tpu.memory_space<hbm>>) dst(%dma_wait3A_2574 : memref<8x64xf32, #tpu.memory_space<vmem>>)
      %dma_wait3A_2578 = arith.constant 1 : i32
      %dma_wait3A_2579 = arith.constant 9 : i32
      %dma_wait3A_2580 = arith.constant 0 : i32
      %dma_wait3A_2581 = arith.constant 0 : i32
      %dma_wait3A_2582 = tpu.memref_slice %arg6[%dma_wait3A_2578, %dma_wait3A_2579, %dma_wait3A_2580, %dma_wait3A_2581] : memref<2x16x8x64xf32, #tpu.memory_space<vmem>> -> memref<1x1x8x64xf32, #tpu.memory_space<vmem>>
      %dma_wait3A_2583 = tpu.memref_squeeze %dma_wait3A_2582 : memref<1x1x8x64xf32, #tpu.memory_space<vmem>> -> memref<8x64xf32, #tpu.memory_space<vmem>>
      %dma_wait3A_2584 = arith.constant 0 : i32
      %dma_wait3A_2585 = arith.constant 0 : i32
      %dma_wait3A_2586 = tpu.memref_slice %arg3[%dma_wait3A_2584, %dma_wait3A_2585] : memref<1000000x64xf32, #tpu.memory_space<hbm>> -> memref<8x64xf32, #tpu.memory_space<hbm>>
      %dma_wait3A_2587 = arith.constant 0 : i32
      %dma_wait3A_2588 = arith.constant 0 : i32
      %dma_wait3A_2589 = tpu.memref_slice %arg6[%dma_wait3A_2578, %dma_wait3A_2579, %dma_wait3A_2587, %dma_wait3A_2588] : memref<2x16x8x64xf32, #tpu.memory_space<vmem>> -> memref<1x1x8x64xf32, #tpu.memory_space<vmem>>
      %dma_wait3A_2590 = tpu.memref_squeeze %dma_wait3A_2589 : memref<1x1x8x64xf32, #tpu.memory_space<vmem>> -> memref<8x64xf32, #tpu.memory_space<vmem>>
      %dma_wait3A_2591 = arith.constant 0 : i32
      %dma_wait3A_2592 = arith.constant 0 : i32
      %dma_wait3A_2593 = tpu.memref_slice %arg3[%dma_wait3A_2591, %dma_wait3A_2592] : memref<1000000x64xf32, #tpu.memory_space<hbm>> -> memref<8x64xf32, #tpu.memory_space<hbm>>
      tpu.wait_dma2 semaphore(%arg9 : memref<!tpu.dma_semaphore, #tpu.memory_space<semaphore_mem>>) src(%dma_wait3A_2593 : memref<8x64xf32, #tpu.memory_space<hbm>>) dst(%dma_wait3A_2590 : memref<8x64xf32, #tpu.memory_space<vmem>>)
      %dma_wait3A_2594 = arith.constant 1 : i32
      %dma_wait3A_2595 = arith.constant 10 : i32
      %dma_wait3A_2596 = arith.constant 0 : i32
      %dma_wait3A_2597 = arith.constant 0 : i32
      %dma_wait3A_2598 = tpu.memref_slice %arg6[%dma_wait3A_2594, %dma_wait3A_2595, %dma_wait3A_2596, %dma_wait3A_2597] : memref<2x16x8x64xf32, #tpu.memory_space<vmem>> -> memref<1x1x8x64xf32, #tpu.memory_space<vmem>>
      %dma_wait3A_2599 = tpu.memref_squeeze %dma_wait3A_2598 : memref<1x1x8x64xf32, #tpu.memory_space<vmem>> -> memref<8x64xf32, #tpu.memory_space<vmem>>
      %dma_wait3A_2600 = arith.constant 0 : i32
      %dma_wait3A_2601 = arith.constant 0 : i32
      %dma_wait3A_2602 = tpu.memref_slice %arg3[%dma_wait3A_2600, %dma_wait3A_2601] : memref<1000000x64xf32, #tpu.memory_space<hbm>> -> memref<8x64xf32, #tpu.memory_space<hbm>>
      %dma_wait3A_2603 = arith.constant 0 : i32
      %dma_wait3A_2604 = arith.constant 0 : i32
      %dma_wait3A_2605 = tpu.memref_slice %arg6[%dma_wait3A_2594, %dma_wait3A_2595, %dma_wait3A_2603, %dma_wait3A_2604] : memref<2x16x8x64xf32, #tpu.memory_space<vmem>> -> memref<1x1x8x64xf32, #tpu.memory_space<vmem>>
      %dma_wait3A_2606 = tpu.memref_squeeze %dma_wait3A_2605 : memref<1x1x8x64xf32, #tpu.memory_space<vmem>> -> memref<8x64xf32, #tpu.memory_space<vmem>>
      %dma_wait3A_2607 = arith.constant 0 : i32
      %dma_wait3A_2608 = arith.constant 0 : i32
      %dma_wait3A_2609 = tpu.memref_slice %arg3[%dma_wait3A_2607, %dma_wait3A_2608] : memref<1000000x64xf32, #tpu.memory_space<hbm>> -> memref<8x64xf32, #tpu.memory_space<hbm>>
      tpu.wait_dma2 semaphore(%arg9 : memref<!tpu.dma_semaphore, #tpu.memory_space<semaphore_mem>>) src(%dma_wait3A_2609 : memref<8x64xf32, #tpu.memory_space<hbm>>) dst(%dma_wait3A_2606 : memref<8x64xf32, #tpu.memory_space<vmem>>)
      %dma_wait3A_2610 = arith.constant 1 : i32
      %dma_wait3A_2611 = arith.constant 11 : i32
      %dma_wait3A_2612 = arith.constant 0 : i32
      %dma_wait3A_2613 = arith.constant 0 : i32
      %dma_wait3A_2614 = tpu.memref_slice %arg6[%dma_wait3A_2610, %dma_wait3A_2611, %dma_wait3A_2612, %dma_wait3A_2613] : memref<2x16x8x64xf32, #tpu.memory_space<vmem>> -> memref<1x1x8x64xf32, #tpu.memory_space<vmem>>
      %dma_wait3A_2615 = tpu.memref_squeeze %dma_wait3A_2614 : memref<1x1x8x64xf32, #tpu.memory_space<vmem>> -> memref<8x64xf32, #tpu.memory_space<vmem>>
      %dma_wait3A_2616 = arith.constant 0 : i32
      %dma_wait3A_2617 = arith.constant 0 : i32
      %dma_wait3A_2618 = tpu.memref_slice %arg3[%dma_wait3A_2616, %dma_wait3A_2617] : memref<1000000x64xf32, #tpu.memory_space<hbm>> -> memref<8x64xf32, #tpu.memory_space<hbm>>
      %dma_wait3A_2619 = arith.constant 0 : i32
      %dma_wait3A_2620 = arith.constant 0 : i32
      %dma_wait3A_2621 = tpu.memref_slice %arg6[%dma_wait3A_2610, %dma_wait3A_2611, %dma_wait3A_2619, %dma_wait3A_2620] : memref<2x16x8x64xf32, #tpu.memory_space<vmem>> -> memref<1x1x8x64xf32, #tpu.memory_space<vmem>>
      %dma_wait3A_2622 = tpu.memref_squeeze %dma_wait3A_2621 : memref<1x1x8x64xf32, #tpu.memory_space<vmem>> -> memref<8x64xf32, #tpu.memory_space<vmem>>
      %dma_wait3A_2623 = arith.constant 0 : i32
      %dma_wait3A_2624 = arith.constant 0 : i32
      %dma_wait3A_2625 = tpu.memref_slice %arg3[%dma_wait3A_2623, %dma_wait3A_2624] : memref<1000000x64xf32, #tpu.memory_space<hbm>> -> memref<8x64xf32, #tpu.memory_space<hbm>>
      tpu.wait_dma2 semaphore(%arg9 : memref<!tpu.dma_semaphore, #tpu.memory_space<semaphore_mem>>) src(%dma_wait3A_2625 : memref<8x64xf32, #tpu.memory_space<hbm>>) dst(%dma_wait3A_2622 : memref<8x64xf32, #tpu.memory_space<vmem>>)
      %dma_wait3A_2626 = arith.constant 1 : i32
      %dma_wait3A_2627 = arith.constant 12 : i32
      %dma_wait3A_2628 = arith.constant 0 : i32
      %dma_wait3A_2629 = arith.constant 0 : i32
      %dma_wait3A_2630 = tpu.memref_slice %arg6[%dma_wait3A_2626, %dma_wait3A_2627, %dma_wait3A_2628, %dma_wait3A_2629] : memref<2x16x8x64xf32, #tpu.memory_space<vmem>> -> memref<1x1x8x64xf32, #tpu.memory_space<vmem>>
      %dma_wait3A_2631 = tpu.memref_squeeze %dma_wait3A_2630 : memref<1x1x8x64xf32, #tpu.memory_space<vmem>> -> memref<8x64xf32, #tpu.memory_space<vmem>>
      %dma_wait3A_2632 = arith.constant 0 : i32
      %dma_wait3A_2633 = arith.constant 0 : i32
      %dma_wait3A_2634 = tpu.memref_slice %arg3[%dma_wait3A_2632, %dma_wait3A_2633] : memref<1000000x64xf32, #tpu.memory_space<hbm>> -> memref<8x64xf32, #tpu.memory_space<hbm>>
      %dma_wait3A_2635 = arith.constant 0 : i32
      %dma_wait3A_2636 = arith.constant 0 : i32
      %dma_wait3A_2637 = tpu.memref_slice %arg6[%dma_wait3A_2626, %dma_wait3A_2627, %dma_wait3A_2635, %dma_wait3A_2636] : memref<2x16x8x64xf32, #tpu.memory_space<vmem>> -> memref<1x1x8x64xf32, #tpu.memory_space<vmem>>
      %dma_wait3A_2638 = tpu.memref_squeeze %dma_wait3A_2637 : memref<1x1x8x64xf32, #tpu.memory_space<vmem>> -> memref<8x64xf32, #tpu.memory_space<vmem>>
      %dma_wait3A_2639 = arith.constant 0 : i32
      %dma_wait3A_2640 = arith.constant 0 : i32
      %dma_wait3A_2641 = tpu.memref_slice %arg3[%dma_wait3A_2639, %dma_wait3A_2640] : memref<1000000x64xf32, #tpu.memory_space<hbm>> -> memref<8x64xf32, #tpu.memory_space<hbm>>
      tpu.wait_dma2 semaphore(%arg9 : memref<!tpu.dma_semaphore, #tpu.memory_space<semaphore_mem>>) src(%dma_wait3A_2641 : memref<8x64xf32, #tpu.memory_space<hbm>>) dst(%dma_wait3A_2638 : memref<8x64xf32, #tpu.memory_space<vmem>>)
      %dma_wait3A_2642 = arith.constant 1 : i32
      %dma_wait3A_2643 = arith.constant 13 : i32
      %dma_wait3A_2644 = arith.constant 0 : i32
      %dma_wait3A_2645 = arith.constant 0 : i32
      %dma_wait3A_2646 = tpu.memref_slice %arg6[%dma_wait3A_2642, %dma_wait3A_2643, %dma_wait3A_2644, %dma_wait3A_2645] : memref<2x16x8x64xf32, #tpu.memory_space<vmem>> -> memref<1x1x8x64xf32, #tpu.memory_space<vmem>>
      %dma_wait3A_2647 = tpu.memref_squeeze %dma_wait3A_2646 : memref<1x1x8x64xf32, #tpu.memory_space<vmem>> -> memref<8x64xf32, #tpu.memory_space<vmem>>
      %dma_wait3A_2648 = arith.constant 0 : i32
      %dma_wait3A_2649 = arith.constant 0 : i32
      %dma_wait3A_2650 = tpu.memref_slice %arg3[%dma_wait3A_2648, %dma_wait3A_2649] : memref<1000000x64xf32, #tpu.memory_space<hbm>> -> memref<8x64xf32, #tpu.memory_space<hbm>>
      %dma_wait3A_2651 = arith.constant 0 : i32
      %dma_wait3A_2652 = arith.constant 0 : i32
      %dma_wait3A_2653 = tpu.memref_slice %arg6[%dma_wait3A_2642, %dma_wait3A_2643, %dma_wait3A_2651, %dma_wait3A_2652] : memref<2x16x8x64xf32, #tpu.memory_space<vmem>> -> memref<1x1x8x64xf32, #tpu.memory_space<vmem>>
      %dma_wait3A_2654 = tpu.memref_squeeze %dma_wait3A_2653 : memref<1x1x8x64xf32, #tpu.memory_space<vmem>> -> memref<8x64xf32, #tpu.memory_space<vmem>>
      %dma_wait3A_2655 = arith.constant 0 : i32
      %dma_wait3A_2656 = arith.constant 0 : i32
      %dma_wait3A_2657 = tpu.memref_slice %arg3[%dma_wait3A_2655, %dma_wait3A_2656] : memref<1000000x64xf32, #tpu.memory_space<hbm>> -> memref<8x64xf32, #tpu.memory_space<hbm>>
      tpu.wait_dma2 semaphore(%arg9 : memref<!tpu.dma_semaphore, #tpu.memory_space<semaphore_mem>>) src(%dma_wait3A_2657 : memref<8x64xf32, #tpu.memory_space<hbm>>) dst(%dma_wait3A_2654 : memref<8x64xf32, #tpu.memory_space<vmem>>)
      %dma_wait3A_2658 = arith.constant 1 : i32
      %dma_wait3A_2659 = arith.constant 14 : i32
      %dma_wait3A_2660 = arith.constant 0 : i32
      %dma_wait3A_2661 = arith.constant 0 : i32
      %dma_wait3A_2662 = tpu.memref_slice %arg6[%dma_wait3A_2658, %dma_wait3A_2659, %dma_wait3A_2660, %dma_wait3A_2661] : memref<2x16x8x64xf32, #tpu.memory_space<vmem>> -> memref<1x1x8x64xf32, #tpu.memory_space<vmem>>
      %dma_wait3A_2663 = tpu.memref_squeeze %dma_wait3A_2662 : memref<1x1x8x64xf32, #tpu.memory_space<vmem>> -> memref<8x64xf32, #tpu.memory_space<vmem>>
      %dma_wait3A_2664 = arith.constant 0 : i32
      %dma_wait3A_2665 = arith.constant 0 : i32
      %dma_wait3A_2666 = tpu.memref_slice %arg3[%dma_wait3A_2664, %dma_wait3A_2665] : memref<1000000x64xf32, #tpu.memory_space<hbm>> -> memref<8x64xf32, #tpu.memory_space<hbm>>
      %dma_wait3A_2667 = arith.constant 0 : i32
      %dma_wait3A_2668 = arith.constant 0 : i32
      %dma_wait3A_2669 = tpu.memref_slice %arg6[%dma_wait3A_2658, %dma_wait3A_2659, %dma_wait3A_2667, %dma_wait3A_2668] : memref<2x16x8x64xf32, #tpu.memory_space<vmem>> -> memref<1x1x8x64xf32, #tpu.memory_space<vmem>>
      %dma_wait3A_2670 = tpu.memref_squeeze %dma_wait3A_2669 : memref<1x1x8x64xf32, #tpu.memory_space<vmem>> -> memref<8x64xf32, #tpu.memory_space<vmem>>
      %dma_wait3A_2671 = arith.constant 0 : i32
      %dma_wait3A_2672 = arith.constant 0 : i32
      %dma_wait3A_2673 = tpu.memref_slice %arg3[%dma_wait3A_2671, %dma_wait3A_2672] : memref<1000000x64xf32, #tpu.memory_space<hbm>> -> memref<8x64xf32, #tpu.memory_space<hbm>>
      tpu.wait_dma2 semaphore(%arg9 : memref<!tpu.dma_semaphore, #tpu.memory_space<semaphore_mem>>) src(%dma_wait3A_2673 : memref<8x64xf32, #tpu.memory_space<hbm>>) dst(%dma_wait3A_2670 : memref<8x64xf32, #tpu.memory_space<vmem>>)
      %dma_wait3A_2674 = arith.constant 1 : i32
      %dma_wait3A_2675 = arith.constant 15 : i32
      %dma_wait3A_2676 = arith.constant 0 : i32
      %dma_wait3A_2677 = arith.constant 0 : i32
      %dma_wait3A_2678 = tpu.memref_slice %arg6[%dma_wait3A_2674, %dma_wait3A_2675, %dma_wait3A_2676, %dma_wait3A_2677] : memref<2x16x8x64xf32, #tpu.memory_space<vmem>> -> memref<1x1x8x64xf32, #tpu.memory_space<vmem>>
      %dma_wait3A_2679 = tpu.memref_squeeze %dma_wait3A_2678 : memref<1x1x8x64xf32, #tpu.memory_space<vmem>> -> memref<8x64xf32, #tpu.memory_space<vmem>>
      %dma_wait3A_2680 = arith.constant 0 : i32
      %dma_wait3A_2681 = arith.constant 0 : i32
      %dma_wait3A_2682 = tpu.memref_slice %arg3[%dma_wait3A_2680, %dma_wait3A_2681] : memref<1000000x64xf32, #tpu.memory_space<hbm>> -> memref<8x64xf32, #tpu.memory_space<hbm>>
      %dma_wait3A_2683 = arith.constant 0 : i32
      %dma_wait3A_2684 = arith.constant 0 : i32
      %dma_wait3A_2685 = tpu.memref_slice %arg6[%dma_wait3A_2674, %dma_wait3A_2675, %dma_wait3A_2683, %dma_wait3A_2684] : memref<2x16x8x64xf32, #tpu.memory_space<vmem>> -> memref<1x1x8x64xf32, #tpu.memory_space<vmem>>
      %dma_wait3A_2686 = tpu.memref_squeeze %dma_wait3A_2685 : memref<1x1x8x64xf32, #tpu.memory_space<vmem>> -> memref<8x64xf32, #tpu.memory_space<vmem>>
      %dma_wait3A_2687 = arith.constant 0 : i32
      %dma_wait3A_2688 = arith.constant 0 : i32
      %dma_wait3A_2689 = tpu.memref_slice %arg3[%dma_wait3A_2687, %dma_wait3A_2688] : memref<1000000x64xf32, #tpu.memory_space<hbm>> -> memref<8x64xf32, #tpu.memory_space<hbm>>
      tpu.wait_dma2 semaphore(%arg9 : memref<!tpu.dma_semaphore, #tpu.memory_space<semaphore_mem>>) src(%dma_wait3A_2689 : memref<8x64xf32, #tpu.memory_space<hbm>>) dst(%dma_wait3A_2686 : memref<8x64xf32, #tpu.memory_space<vmem>>)
      %add3A_2690 = arith.constant 1 : i32
      %add3A_2691 = arith.addi %mul3A_688, %add3A_2690 : i32
      %jit3A_2692 = arith.constant 8 : i32
      %div3A_2693 = arith.divsi %add3A_2691, %jit3A_2692 : i32
      %sign3A_2694 = arith.constant 0 : i32
      %sign3A_2695 = arith.cmpi sgt, %add3A_2691, %sign3A_2694 : i32
      %sign3A_2696 = arith.extui %sign3A_2695 : i1 to i32
      %sign3A_2697 = arith.constant 0 : i32
      %sign3A_2698 = arith.cmpi slt, %add3A_2691, %sign3A_2697 : i32
      %sign3A_2699 = arith.extui %sign3A_2698 : i1 to i32
      %sign3A_2700 = arith.subi %sign3A_2696, %sign3A_2699 : i32
      %sign3A_2701 = arith.constant 0 : i32
      %sign3A_2702 = arith.cmpi sgt, %jit3A_2692, %sign3A_2701 : i32
      %sign3A_2703 = arith.extui %sign3A_2702 : i1 to i32
      %sign3A_2704 = arith.constant 0 : i32
      %sign3A_2705 = arith.cmpi slt, %jit3A_2692, %sign3A_2704 : i32
      %sign3A_2706 = arith.extui %sign3A_2705 : i1 to i32
      %sign3A_2707 = arith.subi %sign3A_2703, %sign3A_2706 : i32
      %ne3A_2708 = arith.cmpi ne, %sign3A_2700, %sign3A_2707 : i32
      %rem3A_2709 = arith.remsi %add3A_2691, %jit3A_2692 : i32
      %ne3A_2710 = arith.constant 0 : i32
      %ne3A_2711 = arith.cmpi ne, %rem3A_2709, %ne3A_2710 : i32
      %and3A_2712 = arith.andi %ne3A_2708, %ne3A_2711 : i1
      %sub3A_2713 = arith.constant 1 : i32
      %sub3A_2714 = arith.subi %div3A_2693, %sub3A_2713 : i32
      %select_n3A_2715 = arith.select %and3A_2712, %sub3A_2714, %div3A_2693 : i32
      %jit3A_2716 = arith.constant 8 : i32
      %eq3A_2717 = arith.constant 0 : i32
      %eq3A_2718 = arith.cmpi eq, %jit3A_2716, %eq3A_2717 : i32
      %jit3A_2719 = arith.constant 1 : i32
      %select_n3A_2720 = arith.select %eq3A_2718, %jit3A_2719, %jit3A_2716 : i32
      %rem3A_2721 = arith.remsi %add3A_2691, %select_n3A_2720 : i32
      %ne3A_2722 = arith.constant 0 : i32
      %ne3A_2723 = arith.cmpi ne, %rem3A_2721, %ne3A_2722 : i32
      %lt3A_2724 = arith.constant 0 : i32
      %lt3A_2725 = arith.cmpi slt, %rem3A_2721, %lt3A_2724 : i32
      %lt3A_2726 = arith.constant 0 : i32
      %lt3A_2727 = arith.cmpi slt, %select_n3A_2720, %lt3A_2726 : i32
      %ne3A_2728 = arith.xori %lt3A_2725, %lt3A_2727 : i1
      %and3A_2729 = arith.andi %ne3A_2728, %ne3A_2723 : i1
      %add3A_2730 = arith.addi %rem3A_2721, %select_n3A_2720 : i32
      %select_n3A_2731 = arith.select %and3A_2729, %add3A_2730, %rem3A_2721 : i32
      %mul3A_2732 = arith.constant 16 : i32
      %mul3A_2733 = arith.muli %select_n3A_2731, %mul3A_2732 : i32
      %get3A_2734 = arith.index_cast %select_n3A_2715 : i32 to index
      %get3A_2735 = arith.index_cast %mul3A_2733 : i32 to index
      %get3A_2736 = tpu.vector_load %arg5[%get3A_2734, %get3A_2735] {strides = array<i32>} : memref<4x128xi32, #tpu.memory_space<vmem>>, vector<16xi32>,
      %and3A_2737 = arith.constant 7 : i32
      %and3A_2738 = vector.broadcast %and3A_2737 : i32 to vector<16xi32>
      %and3A_2739 = arith.andi %get3A_2736, %and3A_2738 : vector<16xi32>
      %mul3A_2740 = arith.constant 16 : i32
      %mul3A_2741 = arith.muli %add3A_2691, %mul3A_2740 : i32
      %add3A_2742 = vector.broadcast %mul3A_2741 : i32 to vector<16xi32>
      %add3A_2743 = arith.addi %add3A_2742, %iota3A : vector<16xi32>
      %broadcast_in_dim3A_2744 = arith.constant 0 : i32
      %broadcast_in_dim3A_2745 = vector.broadcast %broadcast_in_dim3A_2744 : i32 to vector<16xi32>
      %gather3A_2746 = arith.constant 1 : i32
      %gather3A_2747 = arith.constant 0 : i32
      %gather3A_2748 = arith.constant 0 : i32
      %gather3A_2749 = arith.constant 0 : i32
      %gather3A_2750 = tpu.memref_slice %arg6[%gather3A_2746, %gather3A_2747, %gather3A_2748, %gather3A_2749] : memref<2x16x8x64xf32, #tpu.memory_space<vmem>> -> memref<1x16x8x64xf32, #tpu.memory_space<vmem>>
      %gather3A_2751 = tpu.memref_squeeze %gather3A_2750 : memref<1x16x8x64xf32, #tpu.memory_space<vmem>> -> memref<16x8x64xf32, #tpu.memory_space<vmem>>
      %gather3A_2752 = tpu.vector_load_idx %gather3A_2751[%iota3A, %and3A_2739, %broadcast_in_dim3A_2745] : memref<16x8x64xf32, #tpu.memory_space<vmem>>[vector<16xi32>, vector<16xi32>, vector<16xi32>], vector<16xf32>,
      %broadcast_in_dim3A_2753 = arith.constant 0 : i32
      %broadcast_in_dim3A_2754 = vector.broadcast %broadcast_in_dim3A_2753 : i32 to vector<16xi32>
      tpu.vector_store_idx %arg7[%add3A_2743, %broadcast_in_dim3A_2754], %gather3A_2752 : memref<512x64xf32, #tpu.memory_space<vmem>>[vector<16xi32>, vector<16xi32>], vector<16xf32>,
      %broadcast_in_dim3A_2755 = arith.constant 1 : i32
      %broadcast_in_dim3A_2756 = vector.broadcast %broadcast_in_dim3A_2755 : i32 to vector<16xi32>
      %gather3A_2757 = arith.constant 1 : i32
      %gather3A_2758 = arith.constant 0 : i32
      %gather3A_2759 = arith.constant 0 : i32
      %gather3A_2760 = arith.constant 0 : i32
      %gather3A_2761 = tpu.memref_slice %arg6[%gather3A_2757, %gather3A_2758, %gather3A_2759, %gather3A_2760] : memref<2x16x8x64xf32, #tpu.memory_space<vmem>> -> memref<1x16x8x64xf32, #tpu.memory_space<vmem>>
      %gather3A_2762 = tpu.memref_squeeze %gather3A_2761 : memref<1x16x8x64xf32, #tpu.memory_space<vmem>> -> memref<16x8x64xf32, #tpu.memory_space<vmem>>
      %gather3A_2763 = tpu.vector_load_idx %gather3A_2762[%iota3A, %and3A_2739, %broadcast_in_dim3A_2756] : memref<16x8x64xf32, #tpu.memory_space<vmem>>[vector<16xi32>, vector<16xi32>, vector<16xi32>], vector<16xf32>,
      %broadcast_in_dim3A_2764 = arith.constant 1 : i32
      %broadcast_in_dim3A_2765 = vector.broadcast %broadcast_in_dim3A_2764 : i32 to vector<16xi32>
      tpu.vector_store_idx %arg7[%add3A_2743, %broadcast_in_dim3A_2765], %gather3A_2763 : memref<512x64xf32, #tpu.memory_space<vmem>>[vector<16xi32>, vector<16xi32>], vector<16xf32>,
      %broadcast_in_dim3A_2766 = arith.constant 2 : i32
      %broadcast_in_dim3A_2767 = vector.broadcast %broadcast_in_dim3A_2766 : i32 to vector<16xi32>
      %gather3A_2768 = arith.constant 1 : i32
      %gather3A_2769 = arith.constant 0 : i32
      %gather3A_2770 = arith.constant 0 : i32
      %gather3A_2771 = arith.constant 0 : i32
      %gather3A_2772 = tpu.memref_slice %arg6[%gather3A_2768, %gather3A_2769, %gather3A_2770, %gather3A_2771] : memref<2x16x8x64xf32, #tpu.memory_space<vmem>> -> memref<1x16x8x64xf32, #tpu.memory_space<vmem>>
      %gather3A_2773 = tpu.memref_squeeze %gather3A_2772 : memref<1x16x8x64xf32, #tpu.memory_space<vmem>> -> memref<16x8x64xf32, #tpu.memory_space<vmem>>
      %gather3A_2774 = tpu.vector_load_idx %gather3A_2773[%iota3A, %and3A_2739, %broadcast_in_dim3A_2767] : memref<16x8x64xf32, #tpu.memory_space<vmem>>[vector<16xi32>, vector<16xi32>, vector<16xi32>], vector<16xf32>,
      %broadcast_in_dim3A_2775 = arith.constant 2 : i32
      %broadcast_in_dim3A_2776 = vector.broadcast %broadcast_in_dim3A_2775 : i32 to vector<16xi32>
      tpu.vector_store_idx %arg7[%add3A_2743, %broadcast_in_dim3A_2776], %gather3A_2774 : memref<512x64xf32, #tpu.memory_space<vmem>>[vector<16xi32>, vector<16xi32>], vector<16xf32>,
      %broadcast_in_dim3A_2777 = arith.constant 3 : i32
      %broadcast_in_dim3A_2778 = vector.broadcast %broadcast_in_dim3A_2777 : i32 to vector<16xi32>
      %gather3A_2779 = arith.constant 1 : i32
      %gather3A_2780 = arith.constant 0 : i32
      %gather3A_2781 = arith.constant 0 : i32
      %gather3A_2782 = arith.constant 0 : i32
      %gather3A_2783 = tpu.memref_slice %arg6[%gather3A_2779, %gather3A_2780, %gather3A_2781, %gather3A_2782] : memref<2x16x8x64xf32, #tpu.memory_space<vmem>> -> memref<1x16x8x64xf32, #tpu.memory_space<vmem>>
      %gather3A_2784 = tpu.memref_squeeze %gather3A_2783 : memref<1x16x8x64xf32, #tpu.memory_space<vmem>> -> memref<16x8x64xf32, #tpu.memory_space<vmem>>
      %gather3A_2785 = tpu.vector_load_idx %gather3A_2784[%iota3A, %and3A_2739, %broadcast_in_dim3A_2778] : memref<16x8x64xf32, #tpu.memory_space<vmem>>[vector<16xi32>, vector<16xi32>, vector<16xi32>], vector<16xf32>,
      %broadcast_in_dim3A_2786 = arith.constant 3 : i32
      %broadcast_in_dim3A_2787 = vector.broadcast %broadcast_in_dim3A_2786 : i32 to vector<16xi32>
      tpu.vector_store_idx %arg7[%add3A_2743, %broadcast_in_dim3A_2787], %gather3A_2785 : memref<512x64xf32, #tpu.memory_space<vmem>>[vector<16xi32>, vector<16xi32>], vector<16xf32>,
      %broadcast_in_dim3A_2788 = arith.constant 4 : i32
      %broadcast_in_dim3A_2789 = vector.broadcast %broadcast_in_dim3A_2788 : i32 to vector<16xi32>
      %gather3A_2790 = arith.constant 1 : i32
      %gather3A_2791 = arith.constant 0 : i32
      %gather3A_2792 = arith.constant 0 : i32
      %gather3A_2793 = arith.constant 0 : i32
      %gather3A_2794 = tpu.memref_slice %arg6[%gather3A_2790, %gather3A_2791, %gather3A_2792, %gather3A_2793] : memref<2x16x8x64xf32, #tpu.memory_space<vmem>> -> memref<1x16x8x64xf32, #tpu.memory_space<vmem>>
      %gather3A_2795 = tpu.memref_squeeze %gather3A_2794 : memref<1x16x8x64xf32, #tpu.memory_space<vmem>> -> memref<16x8x64xf32, #tpu.memory_space<vmem>>
      %gather3A_2796 = tpu.vector_load_idx %gather3A_2795[%iota3A, %and3A_2739, %broadcast_in_dim3A_2789] : memref<16x8x64xf32, #tpu.memory_space<vmem>>[vector<16xi32>, vector<16xi32>, vector<16xi32>], vector<16xf32>,
      %broadcast_in_dim3A_2797 = arith.constant 4 : i32
      %broadcast_in_dim3A_2798 = vector.broadcast %broadcast_in_dim3A_2797 : i32 to vector<16xi32>
      tpu.vector_store_idx %arg7[%add3A_2743, %broadcast_in_dim3A_2798], %gather3A_2796 : memref<512x64xf32, #tpu.memory_space<vmem>>[vector<16xi32>, vector<16xi32>], vector<16xf32>,
      %broadcast_in_dim3A_2799 = arith.constant 5 : i32
      %broadcast_in_dim3A_2800 = vector.broadcast %broadcast_in_dim3A_2799 : i32 to vector<16xi32>
      %gather3A_2801 = arith.constant 1 : i32
      %gather3A_2802 = arith.constant 0 : i32
      %gather3A_2803 = arith.constant 0 : i32
      %gather3A_2804 = arith.constant 0 : i32
      %gather3A_2805 = tpu.memref_slice %arg6[%gather3A_2801, %gather3A_2802, %gather3A_2803, %gather3A_2804] : memref<2x16x8x64xf32, #tpu.memory_space<vmem>> -> memref<1x16x8x64xf32, #tpu.memory_space<vmem>>
      %gather3A_2806 = tpu.memref_squeeze %gather3A_2805 : memref<1x16x8x64xf32, #tpu.memory_space<vmem>> -> memref<16x8x64xf32, #tpu.memory_space<vmem>>
      %gather3A_2807 = tpu.vector_load_idx %gather3A_2806[%iota3A, %and3A_2739, %broadcast_in_dim3A_2800] : memref<16x8x64xf32, #tpu.memory_space<vmem>>[vector<16xi32>, vector<16xi32>, vector<16xi32>], vector<16xf32>,
      %broadcast_in_dim3A_2808 = arith.constant 5 : i32
      %broadcast_in_dim3A_2809 = vector.broadcast %broadcast_in_dim3A_2808 : i32 to vector<16xi32>
      tpu.vector_store_idx %arg7[%add3A_2743, %broadcast_in_dim3A_2809], %gather3A_2807 : memref<512x64xf32, #tpu.memory_space<vmem>>[vector<16xi32>, vector<16xi32>], vector<16xf32>,
      %broadcast_in_dim3A_2810 = arith.constant 6 : i32
      %broadcast_in_dim3A_2811 = vector.broadcast %broadcast_in_dim3A_2810 : i32 to vector<16xi32>
      %gather3A_2812 = arith.constant 1 : i32
      %gather3A_2813 = arith.constant 0 : i32
      %gather3A_2814 = arith.constant 0 : i32
      %gather3A_2815 = arith.constant 0 : i32
      %gather3A_2816 = tpu.memref_slice %arg6[%gather3A_2812, %gather3A_2813, %gather3A_2814, %gather3A_2815] : memref<2x16x8x64xf32, #tpu.memory_space<vmem>> -> memref<1x16x8x64xf32, #tpu.memory_space<vmem>>
      %gather3A_2817 = tpu.memref_squeeze %gather3A_2816 : memref<1x16x8x64xf32, #tpu.memory_space<vmem>> -> memref<16x8x64xf32, #tpu.memory_space<vmem>>
      %gather3A_2818 = tpu.vector_load_idx %gather3A_2817[%iota3A, %and3A_2739, %broadcast_in_dim3A_2811] : memref<16x8x64xf32, #tpu.memory_space<vmem>>[vector<16xi32>, vector<16xi32>, vector<16xi32>], vector<16xf32>,
      %broadcast_in_dim3A_2819 = arith.constant 6 : i32
      %broadcast_in_dim3A_2820 = vector.broadcast %broadcast_in_dim3A_2819 : i32 to vector<16xi32>
      tpu.vector_store_idx %arg7[%add3A_2743, %broadcast_in_dim3A_2820], %gather3A_2818 : memref<512x64xf32, #tpu.memory_space<vmem>>[vector<16xi32>, vector<16xi32>], vector<16xf32>,
      %broadcast_in_dim3A_2821 = arith.constant 7 : i32
      %broadcast_in_dim3A_2822 = vector.broadcast %broadcast_in_dim3A_2821 : i32 to vector<16xi32>
      %gather3A_2823 = arith.constant 1 : i32
      %gather3A_2824 = arith.constant 0 : i32
      %gather3A_2825 = arith.constant 0 : i32
      %gather3A_2826 = arith.constant 0 : i32
      %gather3A_2827 = tpu.memref_slice %arg6[%gather3A_2823, %gather3A_2824, %gather3A_2825, %gather3A_2826] : memref<2x16x8x64xf32, #tpu.memory_space<vmem>> -> memref<1x16x8x64xf32, #tpu.memory_space<vmem>>
      %gather3A_2828 = tpu.memref_squeeze %gather3A_2827 : memref<1x16x8x64xf32, #tpu.memory_space<vmem>> -> memref<16x8x64xf32, #tpu.memory_space<vmem>>
      %gather3A_2829 = tpu.vector_load_idx %gather3A_2828[%iota3A, %and3A_2739, %broadcast_in_dim3A_2822] : memref<16x8x64xf32, #tpu.memory_space<vmem>>[vector<16xi32>, vector<16xi32>, vector<16xi32>], vector<16xf32>,
      %broadcast_in_dim3A_2830 = arith.constant 7 : i32
      %broadcast_in_dim3A_2831 = vector.broadcast %broadcast_in_dim3A_2830 : i32 to vector<16xi32>
      tpu.vector_store_idx %arg7[%add3A_2743, %broadcast_in_dim3A_2831], %gather3A_2829 : memref<512x64xf32, #tpu.memory_space<vmem>>[vector<16xi32>, vector<16xi32>], vector<16xf32>,
      %broadcast_in_dim3A_2832 = arith.constant 8 : i32
      %broadcast_in_dim3A_2833 = vector.broadcast %broadcast_in_dim3A_2832 : i32 to vector<16xi32>
      %gather3A_2834 = arith.constant 1 : i32
      %gather3A_2835 = arith.constant 0 : i32
      %gather3A_2836 = arith.constant 0 : i32
      %gather3A_2837 = arith.constant 0 : i32
      %gather3A_2838 = tpu.memref_slice %arg6[%gather3A_2834, %gather3A_2835, %gather3A_2836, %gather3A_2837] : memref<2x16x8x64xf32, #tpu.memory_space<vmem>> -> memref<1x16x8x64xf32, #tpu.memory_space<vmem>>
      %gather3A_2839 = tpu.memref_squeeze %gather3A_2838 : memref<1x16x8x64xf32, #tpu.memory_space<vmem>> -> memref<16x8x64xf32, #tpu.memory_space<vmem>>
      %gather3A_2840 = tpu.vector_load_idx %gather3A_2839[%iota3A, %and3A_2739, %broadcast_in_dim3A_2833] : memref<16x8x64xf32, #tpu.memory_space<vmem>>[vector<16xi32>, vector<16xi32>, vector<16xi32>], vector<16xf32>,
      %broadcast_in_dim3A_2841 = arith.constant 8 : i32
      %broadcast_in_dim3A_2842 = vector.broadcast %broadcast_in_dim3A_2841 : i32 to vector<16xi32>
      tpu.vector_store_idx %arg7[%add3A_2743, %broadcast_in_dim3A_2842], %gather3A_2840 : memref<512x64xf32, #tpu.memory_space<vmem>>[vector<16xi32>, vector<16xi32>], vector<16xf32>,
      %broadcast_in_dim3A_2843 = arith.constant 9 : i32
      %broadcast_in_dim3A_2844 = vector.broadcast %broadcast_in_dim3A_2843 : i32 to vector<16xi32>
      %gather3A_2845 = arith.constant 1 : i32
      %gather3A_2846 = arith.constant 0 : i32
      %gather3A_2847 = arith.constant 0 : i32
      %gather3A_2848 = arith.constant 0 : i32
      %gather3A_2849 = tpu.memref_slice %arg6[%gather3A_2845, %gather3A_2846, %gather3A_2847, %gather3A_2848] : memref<2x16x8x64xf32, #tpu.memory_space<vmem>> -> memref<1x16x8x64xf32, #tpu.memory_space<vmem>>
      %gather3A_2850 = tpu.memref_squeeze %gather3A_2849 : memref<1x16x8x64xf32, #tpu.memory_space<vmem>> -> memref<16x8x64xf32, #tpu.memory_space<vmem>>
      %gather3A_2851 = tpu.vector_load_idx %gather3A_2850[%iota3A, %and3A_2739, %broadcast_in_dim3A_2844] : memref<16x8x64xf32, #tpu.memory_space<vmem>>[vector<16xi32>, vector<16xi32>, vector<16xi32>], vector<16xf32>,
      %broadcast_in_dim3A_2852 = arith.constant 9 : i32
      %broadcast_in_dim3A_2853 = vector.broadcast %broadcast_in_dim3A_2852 : i32 to vector<16xi32>
      tpu.vector_store_idx %arg7[%add3A_2743, %broadcast_in_dim3A_2853], %gather3A_2851 : memref<512x64xf32, #tpu.memory_space<vmem>>[vector<16xi32>, vector<16xi32>], vector<16xf32>,
      %broadcast_in_dim3A_2854 = arith.constant 10 : i32
      %broadcast_in_dim3A_2855 = vector.broadcast %broadcast_in_dim3A_2854 : i32 to vector<16xi32>
      %gather3A_2856 = arith.constant 1 : i32
      %gather3A_2857 = arith.constant 0 : i32
      %gather3A_2858 = arith.constant 0 : i32
      %gather3A_2859 = arith.constant 0 : i32
      %gather3A_2860 = tpu.memref_slice %arg6[%gather3A_2856, %gather3A_2857, %gather3A_2858, %gather3A_2859] : memref<2x16x8x64xf32, #tpu.memory_space<vmem>> -> memref<1x16x8x64xf32, #tpu.memory_space<vmem>>
      %gather3A_2861 = tpu.memref_squeeze %gather3A_2860 : memref<1x16x8x64xf32, #tpu.memory_space<vmem>> -> memref<16x8x64xf32, #tpu.memory_space<vmem>>
      %gather3A_2862 = tpu.vector_load_idx %gather3A_2861[%iota3A, %and3A_2739, %broadcast_in_dim3A_2855] : memref<16x8x64xf32, #tpu.memory_space<vmem>>[vector<16xi32>, vector<16xi32>, vector<16xi32>], vector<16xf32>,
      %broadcast_in_dim3A_2863 = arith.constant 10 : i32
      %broadcast_in_dim3A_2864 = vector.broadcast %broadcast_in_dim3A_2863 : i32 to vector<16xi32>
      tpu.vector_store_idx %arg7[%add3A_2743, %broadcast_in_dim3A_2864], %gather3A_2862 : memref<512x64xf32, #tpu.memory_space<vmem>>[vector<16xi32>, vector<16xi32>], vector<16xf32>,
      %broadcast_in_dim3A_2865 = arith.constant 11 : i32
      %broadcast_in_dim3A_2866 = vector.broadcast %broadcast_in_dim3A_2865 : i32 to vector<16xi32>
      %gather3A_2867 = arith.constant 1 : i32
      %gather3A_2868 = arith.constant 0 : i32
      %gather3A_2869 = arith.constant 0 : i32
      %gather3A_2870 = arith.constant 0 : i32
      %gather3A_2871 = tpu.memref_slice %arg6[%gather3A_2867, %gather3A_2868, %gather3A_2869, %gather3A_2870] : memref<2x16x8x64xf32, #tpu.memory_space<vmem>> -> memref<1x16x8x64xf32, #tpu.memory_space<vmem>>
      %gather3A_2872 = tpu.memref_squeeze %gather3A_2871 : memref<1x16x8x64xf32, #tpu.memory_space<vmem>> -> memref<16x8x64xf32, #tpu.memory_space<vmem>>
      %gather3A_2873 = tpu.vector_load_idx %gather3A_2872[%iota3A, %and3A_2739, %broadcast_in_dim3A_2866] : memref<16x8x64xf32, #tpu.memory_space<vmem>>[vector<16xi32>, vector<16xi32>, vector<16xi32>], vector<16xf32>,
      %broadcast_in_dim3A_2874 = arith.constant 11 : i32
      %broadcast_in_dim3A_2875 = vector.broadcast %broadcast_in_dim3A_2874 : i32 to vector<16xi32>
      tpu.vector_store_idx %arg7[%add3A_2743, %broadcast_in_dim3A_2875], %gather3A_2873 : memref<512x64xf32, #tpu.memory_space<vmem>>[vector<16xi32>, vector<16xi32>], vector<16xf32>,
      %broadcast_in_dim3A_2876 = arith.constant 12 : i32
      %broadcast_in_dim3A_2877 = vector.broadcast %broadcast_in_dim3A_2876 : i32 to vector<16xi32>
      %gather3A_2878 = arith.constant 1 : i32
      %gather3A_2879 = arith.constant 0 : i32
      %gather3A_2880 = arith.constant 0 : i32
      %gather3A_2881 = arith.constant 0 : i32
      %gather3A_2882 = tpu.memref_slice %arg6[%gather3A_2878, %gather3A_2879, %gather3A_2880, %gather3A_2881] : memref<2x16x8x64xf32, #tpu.memory_space<vmem>> -> memref<1x16x8x64xf32, #tpu.memory_space<vmem>>
      %gather3A_2883 = tpu.memref_squeeze %gather3A_2882 : memref<1x16x8x64xf32, #tpu.memory_space<vmem>> -> memref<16x8x64xf32, #tpu.memory_space<vmem>>
      %gather3A_2884 = tpu.vector_load_idx %gather3A_2883[%iota3A, %and3A_2739, %broadcast_in_dim3A_2877] : memref<16x8x64xf32, #tpu.memory_space<vmem>>[vector<16xi32>, vector<16xi32>, vector<16xi32>], vector<16xf32>,
      %broadcast_in_dim3A_2885 = arith.constant 12 : i32
      %broadcast_in_dim3A_2886 = vector.broadcast %broadcast_in_dim3A_2885 : i32 to vector<16xi32>
      tpu.vector_store_idx %arg7[%add3A_2743, %broadcast_in_dim3A_2886], %gather3A_2884 : memref<512x64xf32, #tpu.memory_space<vmem>>[vector<16xi32>, vector<16xi32>], vector<16xf32>,
      %broadcast_in_dim3A_2887 = arith.constant 13 : i32
      %broadcast_in_dim3A_2888 = vector.broadcast %broadcast_in_dim3A_2887 : i32 to vector<16xi32>
      %gather3A_2889 = arith.constant 1 : i32
      %gather3A_2890 = arith.constant 0 : i32
      %gather3A_2891 = arith.constant 0 : i32
      %gather3A_2892 = arith.constant 0 : i32
      %gather3A_2893 = tpu.memref_slice %arg6[%gather3A_2889, %gather3A_2890, %gather3A_2891, %gather3A_2892] : memref<2x16x8x64xf32, #tpu.memory_space<vmem>> -> memref<1x16x8x64xf32, #tpu.memory_space<vmem>>
      %gather3A_2894 = tpu.memref_squeeze %gather3A_2893 : memref<1x16x8x64xf32, #tpu.memory_space<vmem>> -> memref<16x8x64xf32, #tpu.memory_space<vmem>>
      %gather3A_2895 = tpu.vector_load_idx %gather3A_2894[%iota3A, %and3A_2739, %broadcast_in_dim3A_2888] : memref<16x8x64xf32, #tpu.memory_space<vmem>>[vector<16xi32>, vector<16xi32>, vector<16xi32>], vector<16xf32>,
      %broadcast_in_dim3A_2896 = arith.constant 13 : i32
      %broadcast_in_dim3A_2897 = vector.broadcast %broadcast_in_dim3A_2896 : i32 to vector<16xi32>
      tpu.vector_store_idx %arg7[%add3A_2743, %broadcast_in_dim3A_2897], %gather3A_2895 : memref<512x64xf32, #tpu.memory_space<vmem>>[vector<16xi32>, vector<16xi32>], vector<16xf32>,
      %broadcast_in_dim3A_2898 = arith.constant 14 : i32
      %broadcast_in_dim3A_2899 = vector.broadcast %broadcast_in_dim3A_2898 : i32 to vector<16xi32>
      %gather3A_2900 = arith.constant 1 : i32
      %gather3A_2901 = arith.constant 0 : i32
      %gather3A_2902 = arith.constant 0 : i32
      %gather3A_2903 = arith.constant 0 : i32
      %gather3A_2904 = tpu.memref_slice %arg6[%gather3A_2900, %gather3A_2901, %gather3A_2902, %gather3A_2903] : memref<2x16x8x64xf32, #tpu.memory_space<vmem>> -> memref<1x16x8x64xf32, #tpu.memory_space<vmem>>
      %gather3A_2905 = tpu.memref_squeeze %gather3A_2904 : memref<1x16x8x64xf32, #tpu.memory_space<vmem>> -> memref<16x8x64xf32, #tpu.memory_space<vmem>>
      %gather3A_2906 = tpu.vector_load_idx %gather3A_2905[%iota3A, %and3A_2739, %broadcast_in_dim3A_2899] : memref<16x8x64xf32, #tpu.memory_space<vmem>>[vector<16xi32>, vector<16xi32>, vector<16xi32>], vector<16xf32>,
      %broadcast_in_dim3A_2907 = arith.constant 14 : i32
      %broadcast_in_dim3A_2908 = vector.broadcast %broadcast_in_dim3A_2907 : i32 to vector<16xi32>
      tpu.vector_store_idx %arg7[%add3A_2743, %broadcast_in_dim3A_2908], %gather3A_2906 : memref<512x64xf32, #tpu.memory_space<vmem>>[vector<16xi32>, vector<16xi32>], vector<16xf32>,
      %broadcast_in_dim3A_2909 = arith.constant 15 : i32
      %broadcast_in_dim3A_2910 = vector.broadcast %broadcast_in_dim3A_2909 : i32 to vector<16xi32>
      %gather3A_2911 = arith.constant 1 : i32
      %gather3A_2912 = arith.constant 0 : i32
      %gather3A_2913 = arith.constant 0 : i32
      %gather3A_2914 = arith.constant 0 : i32
      %gather3A_2915 = tpu.memref_slice %arg6[%gather3A_2911, %gather3A_2912, %gather3A_2913, %gather3A_2914] : memref<2x16x8x64xf32, #tpu.memory_space<vmem>> -> memref<1x16x8x64xf32, #tpu.memory_space<vmem>>
      %gather3A_2916 = tpu.memref_squeeze %gather3A_2915 : memref<1x16x8x64xf32, #tpu.memory_space<vmem>> -> memref<16x8x64xf32, #tpu.memory_space<vmem>>
      %gather3A_2917 = tpu.vector_load_idx %gather3A_2916[%iota3A, %and3A_2739, %broadcast_in_dim3A_2910] : memref<16x8x64xf32, #tpu.memory_space<vmem>>[vector<16xi32>, vector<16xi32>, vector<16xi32>], vector<16xf32>,
      %broadcast_in_dim3A_2918 = arith.constant 15 : i32
      %broadcast_in_dim3A_2919 = vector.broadcast %broadcast_in_dim3A_2918 : i32 to vector<16xi32>
      tpu.vector_store_idx %arg7[%add3A_2743, %broadcast_in_dim3A_2919], %gather3A_2917 : memref<512x64xf32, #tpu.memory_space<vmem>>[vector<16xi32>, vector<16xi32>], vector<16xf32>,
      %broadcast_in_dim3A_2920 = arith.constant 16 : i32
      %broadcast_in_dim3A_2921 = vector.broadcast %broadcast_in_dim3A_2920 : i32 to vector<16xi32>
      %gather3A_2922 = arith.constant 1 : i32
      %gather3A_2923 = arith.constant 0 : i32
      %gather3A_2924 = arith.constant 0 : i32
      %gather3A_2925 = arith.constant 0 : i32
      %gather3A_2926 = tpu.memref_slice %arg6[%gather3A_2922, %gather3A_2923, %gather3A_2924, %gather3A_2925] : memref<2x16x8x64xf32, #tpu.memory_space<vmem>> -> memref<1x16x8x64xf32, #tpu.memory_space<vmem>>
      %gather3A_2927 = tpu.memref_squeeze %gather3A_2926 : memref<1x16x8x64xf32, #tpu.memory_space<vmem>> -> memref<16x8x64xf32, #tpu.memory_space<vmem>>
      %gather3A_2928 = tpu.vector_load_idx %gather3A_2927[%iota3A, %and3A_2739, %broadcast_in_dim3A_2921] : memref<16x8x64xf32, #tpu.memory_space<vmem>>[vector<16xi32>, vector<16xi32>, vector<16xi32>], vector<16xf32>,
      %broadcast_in_dim3A_2929 = arith.constant 16 : i32
      %broadcast_in_dim3A_2930 = vector.broadcast %broadcast_in_dim3A_2929 : i32 to vector<16xi32>
      tpu.vector_store_idx %arg7[%add3A_2743, %broadcast_in_dim3A_2930], %gather3A_2928 : memref<512x64xf32, #tpu.memory_space<vmem>>[vector<16xi32>, vector<16xi32>], vector<16xf32>,
      %broadcast_in_dim3A_2931 = arith.constant 17 : i32
      %broadcast_in_dim3A_2932 = vector.broadcast %broadcast_in_dim3A_2931 : i32 to vector<16xi32>
      %gather3A_2933 = arith.constant 1 : i32
      %gather3A_2934 = arith.constant 0 : i32
      %gather3A_2935 = arith.constant 0 : i32
      %gather3A_2936 = arith.constant 0 : i32
      %gather3A_2937 = tpu.memref_slice %arg6[%gather3A_2933, %gather3A_2934, %gather3A_2935, %gather3A_2936] : memref<2x16x8x64xf32, #tpu.memory_space<vmem>> -> memref<1x16x8x64xf32, #tpu.memory_space<vmem>>
      %gather3A_2938 = tpu.memref_squeeze %gather3A_2937 : memref<1x16x8x64xf32, #tpu.memory_space<vmem>> -> memref<16x8x64xf32, #tpu.memory_space<vmem>>
      %gather3A_2939 = tpu.vector_load_idx %gather3A_2938[%iota3A, %and3A_2739, %broadcast_in_dim3A_2932] : memref<16x8x64xf32, #tpu.memory_space<vmem>>[vector<16xi32>, vector<16xi32>, vector<16xi32>], vector<16xf32>,
      %broadcast_in_dim3A_2940 = arith.constant 17 : i32
      %broadcast_in_dim3A_2941 = vector.broadcast %broadcast_in_dim3A_2940 : i32 to vector<16xi32>
      tpu.vector_store_idx %arg7[%add3A_2743, %broadcast_in_dim3A_2941], %gather3A_2939 : memref<512x64xf32, #tpu.memory_space<vmem>>[vector<16xi32>, vector<16xi32>], vector<16xf32>,
      %broadcast_in_dim3A_2942 = arith.constant 18 : i32
      %broadcast_in_dim3A_2943 = vector.broadcast %broadcast_in_dim3A_2942 : i32 to vector<16xi32>
      %gather3A_2944 = arith.constant 1 : i32
      %gather3A_2945 = arith.constant 0 : i32
      %gather3A_2946 = arith.constant 0 : i32
      %gather3A_2947 = arith.constant 0 : i32
      %gather3A_2948 = tpu.memref_slice %arg6[%gather3A_2944, %gather3A_2945, %gather3A_2946, %gather3A_2947] : memref<2x16x8x64xf32, #tpu.memory_space<vmem>> -> memref<1x16x8x64xf32, #tpu.memory_space<vmem>>
      %gather3A_2949 = tpu.memref_squeeze %gather3A_2948 : memref<1x16x8x64xf32, #tpu.memory_space<vmem>> -> memref<16x8x64xf32, #tpu.memory_space<vmem>>
      %gather3A_2950 = tpu.vector_load_idx %gather3A_2949[%iota3A, %and3A_2739, %broadcast_in_dim3A_2943] : memref<16x8x64xf32, #tpu.memory_space<vmem>>[vector<16xi32>, vector<16xi32>, vector<16xi32>], vector<16xf32>,
      %broadcast_in_dim3A_2951 = arith.constant 18 : i32
      %broadcast_in_dim3A_2952 = vector.broadcast %broadcast_in_dim3A_2951 : i32 to vector<16xi32>
      tpu.vector_store_idx %arg7[%add3A_2743, %broadcast_in_dim3A_2952], %gather3A_2950 : memref<512x64xf32, #tpu.memory_space<vmem>>[vector<16xi32>, vector<16xi32>], vector<16xf32>,
      %broadcast_in_dim3A_2953 = arith.constant 19 : i32
      %broadcast_in_dim3A_2954 = vector.broadcast %broadcast_in_dim3A_2953 : i32 to vector<16xi32>
      %gather3A_2955 = arith.constant 1 : i32
      %gather3A_2956 = arith.constant 0 : i32
      %gather3A_2957 = arith.constant 0 : i32
      %gather3A_2958 = arith.constant 0 : i32
      %gather3A_2959 = tpu.memref_slice %arg6[%gather3A_2955, %gather3A_2956, %gather3A_2957, %gather3A_2958] : memref<2x16x8x64xf32, #tpu.memory_space<vmem>> -> memref<1x16x8x64xf32, #tpu.memory_space<vmem>>
      %gather3A_2960 = tpu.memref_squeeze %gather3A_2959 : memref<1x16x8x64xf32, #tpu.memory_space<vmem>> -> memref<16x8x64xf32, #tpu.memory_space<vmem>>
      %gather3A_2961 = tpu.vector_load_idx %gather3A_2960[%iota3A, %and3A_2739, %broadcast_in_dim3A_2954] : memref<16x8x64xf32, #tpu.memory_space<vmem>>[vector<16xi32>, vector<16xi32>, vector<16xi32>], vector<16xf32>,
      %broadcast_in_dim3A_2962 = arith.constant 19 : i32
      %broadcast_in_dim3A_2963 = vector.broadcast %broadcast_in_dim3A_2962 : i32 to vector<16xi32>
      tpu.vector_store_idx %arg7[%add3A_2743, %broadcast_in_dim3A_2963], %gather3A_2961 : memref<512x64xf32, #tpu.memory_space<vmem>>[vector<16xi32>, vector<16xi32>], vector<16xf32>,
      %broadcast_in_dim3A_2964 = arith.constant 20 : i32
      %broadcast_in_dim3A_2965 = vector.broadcast %broadcast_in_dim3A_2964 : i32 to vector<16xi32>
      %gather3A_2966 = arith.constant 1 : i32
      %gather3A_2967 = arith.constant 0 : i32
      %gather3A_2968 = arith.constant 0 : i32
      %gather3A_2969 = arith.constant 0 : i32
      %gather3A_2970 = tpu.memref_slice %arg6[%gather3A_2966, %gather3A_2967, %gather3A_2968, %gather3A_2969] : memref<2x16x8x64xf32, #tpu.memory_space<vmem>> -> memref<1x16x8x64xf32, #tpu.memory_space<vmem>>
      %gather3A_2971 = tpu.memref_squeeze %gather3A_2970 : memref<1x16x8x64xf32, #tpu.memory_space<vmem>> -> memref<16x8x64xf32, #tpu.memory_space<vmem>>
      %gather3A_2972 = tpu.vector_load_idx %gather3A_2971[%iota3A, %and3A_2739, %broadcast_in_dim3A_2965] : memref<16x8x64xf32, #tpu.memory_space<vmem>>[vector<16xi32>, vector<16xi32>, vector<16xi32>], vector<16xf32>,
      %broadcast_in_dim3A_2973 = arith.constant 20 : i32
      %broadcast_in_dim3A_2974 = vector.broadcast %broadcast_in_dim3A_2973 : i32 to vector<16xi32>
      tpu.vector_store_idx %arg7[%add3A_2743, %broadcast_in_dim3A_2974], %gather3A_2972 : memref<512x64xf32, #tpu.memory_space<vmem>>[vector<16xi32>, vector<16xi32>], vector<16xf32>,
      %broadcast_in_dim3A_2975 = arith.constant 21 : i32
      %broadcast_in_dim3A_2976 = vector.broadcast %broadcast_in_dim3A_2975 : i32 to vector<16xi32>
      %gather3A_2977 = arith.constant 1 : i32
      %gather3A_2978 = arith.constant 0 : i32
      %gather3A_2979 = arith.constant 0 : i32
      %gather3A_2980 = arith.constant 0 : i32
      %gather3A_2981 = tpu.memref_slice %arg6[%gather3A_2977, %gather3A_2978, %gather3A_2979, %gather3A_2980] : memref<2x16x8x64xf32, #tpu.memory_space<vmem>> -> memref<1x16x8x64xf32, #tpu.memory_space<vmem>>
      %gather3A_2982 = tpu.memref_squeeze %gather3A_2981 : memref<1x16x8x64xf32, #tpu.memory_space<vmem>> -> memref<16x8x64xf32, #tpu.memory_space<vmem>>
      %gather3A_2983 = tpu.vector_load_idx %gather3A_2982[%iota3A, %and3A_2739, %broadcast_in_dim3A_2976] : memref<16x8x64xf32, #tpu.memory_space<vmem>>[vector<16xi32>, vector<16xi32>, vector<16xi32>], vector<16xf32>,
      %broadcast_in_dim3A_2984 = arith.constant 21 : i32
      %broadcast_in_dim3A_2985 = vector.broadcast %broadcast_in_dim3A_2984 : i32 to vector<16xi32>
      tpu.vector_store_idx %arg7[%add3A_2743, %broadcast_in_dim3A_2985], %gather3A_2983 : memref<512x64xf32, #tpu.memory_space<vmem>>[vector<16xi32>, vector<16xi32>], vector<16xf32>,
      %broadcast_in_dim3A_2986 = arith.constant 22 : i32
      %broadcast_in_dim3A_2987 = vector.broadcast %broadcast_in_dim3A_2986 : i32 to vector<16xi32>
      %gather3A_2988 = arith.constant 1 : i32
      %gather3A_2989 = arith.constant 0 : i32
      %gather3A_2990 = arith.constant 0 : i32
      %gather3A_2991 = arith.constant 0 : i32
      %gather3A_2992 = tpu.memref_slice %arg6[%gather3A_2988, %gather3A_2989, %gather3A_2990, %gather3A_2991] : memref<2x16x8x64xf32, #tpu.memory_space<vmem>> -> memref<1x16x8x64xf32, #tpu.memory_space<vmem>>
      %gather3A_2993 = tpu.memref_squeeze %gather3A_2992 : memref<1x16x8x64xf32, #tpu.memory_space<vmem>> -> memref<16x8x64xf32, #tpu.memory_space<vmem>>
      %gather3A_2994 = tpu.vector_load_idx %gather3A_2993[%iota3A, %and3A_2739, %broadcast_in_dim3A_2987] : memref<16x8x64xf32, #tpu.memory_space<vmem>>[vector<16xi32>, vector<16xi32>, vector<16xi32>], vector<16xf32>,
      %broadcast_in_dim3A_2995 = arith.constant 22 : i32
      %broadcast_in_dim3A_2996 = vector.broadcast %broadcast_in_dim3A_2995 : i32 to vector<16xi32>
      tpu.vector_store_idx %arg7[%add3A_2743, %broadcast_in_dim3A_2996], %gather3A_2994 : memref<512x64xf32, #tpu.memory_space<vmem>>[vector<16xi32>, vector<16xi32>], vector<16xf32>,
      %broadcast_in_dim3A_2997 = arith.constant 23 : i32
      %broadcast_in_dim3A_2998 = vector.broadcast %broadcast_in_dim3A_2997 : i32 to vector<16xi32>
      %gather3A_2999 = arith.constant 1 : i32
      %gather3A_3000 = arith.constant 0 : i32
      %gather3A_3001 = arith.constant 0 : i32
      %gather3A_3002 = arith.constant 0 : i32
      %gather3A_3003 = tpu.memref_slice %arg6[%gather3A_2999, %gather3A_3000, %gather3A_3001, %gather3A_3002] : memref<2x16x8x64xf32, #tpu.memory_space<vmem>> -> memref<1x16x8x64xf32, #tpu.memory_space<vmem>>
      %gather3A_3004 = tpu.memref_squeeze %gather3A_3003 : memref<1x16x8x64xf32, #tpu.memory_space<vmem>> -> memref<16x8x64xf32, #tpu.memory_space<vmem>>
      %gather3A_3005 = tpu.vector_load_idx %gather3A_3004[%iota3A, %and3A_2739, %broadcast_in_dim3A_2998] : memref<16x8x64xf32, #tpu.memory_space<vmem>>[vector<16xi32>, vector<16xi32>, vector<16xi32>], vector<16xf32>,
      %broadcast_in_dim3A_3006 = arith.constant 23 : i32
      %broadcast_in_dim3A_3007 = vector.broadcast %broadcast_in_dim3A_3006 : i32 to vector<16xi32>
      tpu.vector_store_idx %arg7[%add3A_2743, %broadcast_in_dim3A_3007], %gather3A_3005 : memref<512x64xf32, #tpu.memory_space<vmem>>[vector<16xi32>, vector<16xi32>], vector<16xf32>,
      %broadcast_in_dim3A_3008 = arith.constant 24 : i32
      %broadcast_in_dim3A_3009 = vector.broadcast %broadcast_in_dim3A_3008 : i32 to vector<16xi32>
      %gather3A_3010 = arith.constant 1 : i32
      %gather3A_3011 = arith.constant 0 : i32
      %gather3A_3012 = arith.constant 0 : i32
      %gather3A_3013 = arith.constant 0 : i32
      %gather3A_3014 = tpu.memref_slice %arg6[%gather3A_3010, %gather3A_3011, %gather3A_3012, %gather3A_3013] : memref<2x16x8x64xf32, #tpu.memory_space<vmem>> -> memref<1x16x8x64xf32, #tpu.memory_space<vmem>>
      %gather3A_3015 = tpu.memref_squeeze %gather3A_3014 : memref<1x16x8x64xf32, #tpu.memory_space<vmem>> -> memref<16x8x64xf32, #tpu.memory_space<vmem>>
      %gather3A_3016 = tpu.vector_load_idx %gather3A_3015[%iota3A, %and3A_2739, %broadcast_in_dim3A_3009] : memref<16x8x64xf32, #tpu.memory_space<vmem>>[vector<16xi32>, vector<16xi32>, vector<16xi32>], vector<16xf32>,
      %broadcast_in_dim3A_3017 = arith.constant 24 : i32
      %broadcast_in_dim3A_3018 = vector.broadcast %broadcast_in_dim3A_3017 : i32 to vector<16xi32>
      tpu.vector_store_idx %arg7[%add3A_2743, %broadcast_in_dim3A_3018], %gather3A_3016 : memref<512x64xf32, #tpu.memory_space<vmem>>[vector<16xi32>, vector<16xi32>], vector<16xf32>,
      %broadcast_in_dim3A_3019 = arith.constant 25 : i32
      %broadcast_in_dim3A_3020 = vector.broadcast %broadcast_in_dim3A_3019 : i32 to vector<16xi32>
      %gather3A_3021 = arith.constant 1 : i32
      %gather3A_3022 = arith.constant 0 : i32
      %gather3A_3023 = arith.constant 0 : i32
      %gather3A_3024 = arith.constant 0 : i32
      %gather3A_3025 = tpu.memref_slice %arg6[%gather3A_3021, %gather3A_3022, %gather3A_3023, %gather3A_3024] : memref<2x16x8x64xf32, #tpu.memory_space<vmem>> -> memref<1x16x8x64xf32, #tpu.memory_space<vmem>>
      %gather3A_3026 = tpu.memref_squeeze %gather3A_3025 : memref<1x16x8x64xf32, #tpu.memory_space<vmem>> -> memref<16x8x64xf32, #tpu.memory_space<vmem>>
      %gather3A_3027 = tpu.vector_load_idx %gather3A_3026[%iota3A, %and3A_2739, %broadcast_in_dim3A_3020] : memref<16x8x64xf32, #tpu.memory_space<vmem>>[vector<16xi32>, vector<16xi32>, vector<16xi32>], vector<16xf32>,
      %broadcast_in_dim3A_3028 = arith.constant 25 : i32
      %broadcast_in_dim3A_3029 = vector.broadcast %broadcast_in_dim3A_3028 : i32 to vector<16xi32>
      tpu.vector_store_idx %arg7[%add3A_2743, %broadcast_in_dim3A_3029], %gather3A_3027 : memref<512x64xf32, #tpu.memory_space<vmem>>[vector<16xi32>, vector<16xi32>], vector<16xf32>,
      %broadcast_in_dim3A_3030 = arith.constant 26 : i32
      %broadcast_in_dim3A_3031 = vector.broadcast %broadcast_in_dim3A_3030 : i32 to vector<16xi32>
      %gather3A_3032 = arith.constant 1 : i32
      %gather3A_3033 = arith.constant 0 : i32
      %gather3A_3034 = arith.constant 0 : i32
      %gather3A_3035 = arith.constant 0 : i32
      %gather3A_3036 = tpu.memref_slice %arg6[%gather3A_3032, %gather3A_3033, %gather3A_3034, %gather3A_3035] : memref<2x16x8x64xf32, #tpu.memory_space<vmem>> -> memref<1x16x8x64xf32, #tpu.memory_space<vmem>>
      %gather3A_3037 = tpu.memref_squeeze %gather3A_3036 : memref<1x16x8x64xf32, #tpu.memory_space<vmem>> -> memref<16x8x64xf32, #tpu.memory_space<vmem>>
      %gather3A_3038 = tpu.vector_load_idx %gather3A_3037[%iota3A, %and3A_2739, %broadcast_in_dim3A_3031] : memref<16x8x64xf32, #tpu.memory_space<vmem>>[vector<16xi32>, vector<16xi32>, vector<16xi32>], vector<16xf32>,
      %broadcast_in_dim3A_3039 = arith.constant 26 : i32
      %broadcast_in_dim3A_3040 = vector.broadcast %broadcast_in_dim3A_3039 : i32 to vector<16xi32>
      tpu.vector_store_idx %arg7[%add3A_2743, %broadcast_in_dim3A_3040], %gather3A_3038 : memref<512x64xf32, #tpu.memory_space<vmem>>[vector<16xi32>, vector<16xi32>], vector<16xf32>,
      %broadcast_in_dim3A_3041 = arith.constant 27 : i32
      %broadcast_in_dim3A_3042 = vector.broadcast %broadcast_in_dim3A_3041 : i32 to vector<16xi32>
      %gather3A_3043 = arith.constant 1 : i32
      %gather3A_3044 = arith.constant 0 : i32
      %gather3A_3045 = arith.constant 0 : i32
      %gather3A_3046 = arith.constant 0 : i32
      %gather3A_3047 = tpu.memref_slice %arg6[%gather3A_3043, %gather3A_3044, %gather3A_3045, %gather3A_3046] : memref<2x16x8x64xf32, #tpu.memory_space<vmem>> -> memref<1x16x8x64xf32, #tpu.memory_space<vmem>>
      %gather3A_3048 = tpu.memref_squeeze %gather3A_3047 : memref<1x16x8x64xf32, #tpu.memory_space<vmem>> -> memref<16x8x64xf32, #tpu.memory_space<vmem>>
      %gather3A_3049 = tpu.vector_load_idx %gather3A_3048[%iota3A, %and3A_2739, %broadcast_in_dim3A_3042] : memref<16x8x64xf32, #tpu.memory_space<vmem>>[vector<16xi32>, vector<16xi32>, vector<16xi32>], vector<16xf32>,
      %broadcast_in_dim3A_3050 = arith.constant 27 : i32
      %broadcast_in_dim3A_3051 = vector.broadcast %broadcast_in_dim3A_3050 : i32 to vector<16xi32>
      tpu.vector_store_idx %arg7[%add3A_2743, %broadcast_in_dim3A_3051], %gather3A_3049 : memref<512x64xf32, #tpu.memory_space<vmem>>[vector<16xi32>, vector<16xi32>], vector<16xf32>,
      %broadcast_in_dim3A_3052 = arith.constant 28 : i32
      %broadcast_in_dim3A_3053 = vector.broadcast %broadcast_in_dim3A_3052 : i32 to vector<16xi32>
      %gather3A_3054 = arith.constant 1 : i32
      %gather3A_3055 = arith.constant 0 : i32
      %gather3A_3056 = arith.constant 0 : i32
      %gather3A_3057 = arith.constant 0 : i32
      %gather3A_3058 = tpu.memref_slice %arg6[%gather3A_3054, %gather3A_3055, %gather3A_3056, %gather3A_3057] : memref<2x16x8x64xf32, #tpu.memory_space<vmem>> -> memref<1x16x8x64xf32, #tpu.memory_space<vmem>>
      %gather3A_3059 = tpu.memref_squeeze %gather3A_3058 : memref<1x16x8x64xf32, #tpu.memory_space<vmem>> -> memref<16x8x64xf32, #tpu.memory_space<vmem>>
      %gather3A_3060 = tpu.vector_load_idx %gather3A_3059[%iota3A, %and3A_2739, %broadcast_in_dim3A_3053] : memref<16x8x64xf32, #tpu.memory_space<vmem>>[vector<16xi32>, vector<16xi32>, vector<16xi32>], vector<16xf32>,
      %broadcast_in_dim3A_3061 = arith.constant 28 : i32
      %broadcast_in_dim3A_3062 = vector.broadcast %broadcast_in_dim3A_3061 : i32 to vector<16xi32>
      tpu.vector_store_idx %arg7[%add3A_2743, %broadcast_in_dim3A_3062], %gather3A_3060 : memref<512x64xf32, #tpu.memory_space<vmem>>[vector<16xi32>, vector<16xi32>], vector<16xf32>,
      %broadcast_in_dim3A_3063 = arith.constant 29 : i32
      %broadcast_in_dim3A_3064 = vector.broadcast %broadcast_in_dim3A_3063 : i32 to vector<16xi32>
      %gather3A_3065 = arith.constant 1 : i32
      %gather3A_3066 = arith.constant 0 : i32
      %gather3A_3067 = arith.constant 0 : i32
      %gather3A_3068 = arith.constant 0 : i32
      %gather3A_3069 = tpu.memref_slice %arg6[%gather3A_3065, %gather3A_3066, %gather3A_3067, %gather3A_3068] : memref<2x16x8x64xf32, #tpu.memory_space<vmem>> -> memref<1x16x8x64xf32, #tpu.memory_space<vmem>>
      %gather3A_3070 = tpu.memref_squeeze %gather3A_3069 : memref<1x16x8x64xf32, #tpu.memory_space<vmem>> -> memref<16x8x64xf32, #tpu.memory_space<vmem>>
      %gather3A_3071 = tpu.vector_load_idx %gather3A_3070[%iota3A, %and3A_2739, %broadcast_in_dim3A_3064] : memref<16x8x64xf32, #tpu.memory_space<vmem>>[vector<16xi32>, vector<16xi32>, vector<16xi32>], vector<16xf32>,
      %broadcast_in_dim3A_3072 = arith.constant 29 : i32
      %broadcast_in_dim3A_3073 = vector.broadcast %broadcast_in_dim3A_3072 : i32 to vector<16xi32>
      tpu.vector_store_idx %arg7[%add3A_2743, %broadcast_in_dim3A_3073], %gather3A_3071 : memref<512x64xf32, #tpu.memory_space<vmem>>[vector<16xi32>, vector<16xi32>], vector<16xf32>,
      %broadcast_in_dim3A_3074 = arith.constant 30 : i32
      %broadcast_in_dim3A_3075 = vector.broadcast %broadcast_in_dim3A_3074 : i32 to vector<16xi32>
      %gather3A_3076 = arith.constant 1 : i32
      %gather3A_3077 = arith.constant 0 : i32
      %gather3A_3078 = arith.constant 0 : i32
      %gather3A_3079 = arith.constant 0 : i32
      %gather3A_3080 = tpu.memref_slice %arg6[%gather3A_3076, %gather3A_3077, %gather3A_3078, %gather3A_3079] : memref<2x16x8x64xf32, #tpu.memory_space<vmem>> -> memref<1x16x8x64xf32, #tpu.memory_space<vmem>>
      %gather3A_3081 = tpu.memref_squeeze %gather3A_3080 : memref<1x16x8x64xf32, #tpu.memory_space<vmem>> -> memref<16x8x64xf32, #tpu.memory_space<vmem>>
      %gather3A_3082 = tpu.vector_load_idx %gather3A_3081[%iota3A, %and3A_2739, %broadcast_in_dim3A_3075] : memref<16x8x64xf32, #tpu.memory_space<vmem>>[vector<16xi32>, vector<16xi32>, vector<16xi32>], vector<16xf32>,
      %broadcast_in_dim3A_3083 = arith.constant 30 : i32
      %broadcast_in_dim3A_3084 = vector.broadcast %broadcast_in_dim3A_3083 : i32 to vector<16xi32>
      tpu.vector_store_idx %arg7[%add3A_2743, %broadcast_in_dim3A_3084], %gather3A_3082 : memref<512x64xf32, #tpu.memory_space<vmem>>[vector<16xi32>, vector<16xi32>], vector<16xf32>,
      %broadcast_in_dim3A_3085 = arith.constant 31 : i32
      %broadcast_in_dim3A_3086 = vector.broadcast %broadcast_in_dim3A_3085 : i32 to vector<16xi32>
      %gather3A_3087 = arith.constant 1 : i32
      %gather3A_3088 = arith.constant 0 : i32
      %gather3A_3089 = arith.constant 0 : i32
      %gather3A_3090 = arith.constant 0 : i32
      %gather3A_3091 = tpu.memref_slice %arg6[%gather3A_3087, %gather3A_3088, %gather3A_3089, %gather3A_3090] : memref<2x16x8x64xf32, #tpu.memory_space<vmem>> -> memref<1x16x8x64xf32, #tpu.memory_space<vmem>>
      %gather3A_3092 = tpu.memref_squeeze %gather3A_3091 : memref<1x16x8x64xf32, #tpu.memory_space<vmem>> -> memref<16x8x64xf32, #tpu.memory_space<vmem>>
      %gather3A_3093 = tpu.vector_load_idx %gather3A_3092[%iota3A, %and3A_2739, %broadcast_in_dim3A_3086] : memref<16x8x64xf32, #tpu.memory_space<vmem>>[vector<16xi32>, vector<16xi32>, vector<16xi32>], vector<16xf32>,
      %broadcast_in_dim3A_3094 = arith.constant 31 : i32
      %broadcast_in_dim3A_3095 = vector.broadcast %broadcast_in_dim3A_3094 : i32 to vector<16xi32>
      tpu.vector_store_idx %arg7[%add3A_2743, %broadcast_in_dim3A_3095], %gather3A_3093 : memref<512x64xf32, #tpu.memory_space<vmem>>[vector<16xi32>, vector<16xi32>], vector<16xf32>,
      %broadcast_in_dim3A_3096 = arith.constant 32 : i32
      %broadcast_in_dim3A_3097 = vector.broadcast %broadcast_in_dim3A_3096 : i32 to vector<16xi32>
      %gather3A_3098 = arith.constant 1 : i32
      %gather3A_3099 = arith.constant 0 : i32
      %gather3A_3100 = arith.constant 0 : i32
      %gather3A_3101 = arith.constant 0 : i32
      %gather3A_3102 = tpu.memref_slice %arg6[%gather3A_3098, %gather3A_3099, %gather3A_3100, %gather3A_3101] : memref<2x16x8x64xf32, #tpu.memory_space<vmem>> -> memref<1x16x8x64xf32, #tpu.memory_space<vmem>>
      %gather3A_3103 = tpu.memref_squeeze %gather3A_3102 : memref<1x16x8x64xf32, #tpu.memory_space<vmem>> -> memref<16x8x64xf32, #tpu.memory_space<vmem>>
      %gather3A_3104 = tpu.vector_load_idx %gather3A_3103[%iota3A, %and3A_2739, %broadcast_in_dim3A_3097] : memref<16x8x64xf32, #tpu.memory_space<vmem>>[vector<16xi32>, vector<16xi32>, vector<16xi32>], vector<16xf32>,
      %broadcast_in_dim3A_3105 = arith.constant 32 : i32
      %broadcast_in_dim3A_3106 = vector.broadcast %broadcast_in_dim3A_3105 : i32 to vector<16xi32>
      tpu.vector_store_idx %arg7[%add3A_2743, %broadcast_in_dim3A_3106], %gather3A_3104 : memref<512x64xf32, #tpu.memory_space<vmem>>[vector<16xi32>, vector<16xi32>], vector<16xf32>,
      %broadcast_in_dim3A_3107 = arith.constant 33 : i32
      %broadcast_in_dim3A_3108 = vector.broadcast %broadcast_in_dim3A_3107 : i32 to vector<16xi32>
      %gather3A_3109 = arith.constant 1 : i32
      %gather3A_3110 = arith.constant 0 : i32
      %gather3A_3111 = arith.constant 0 : i32
      %gather3A_3112 = arith.constant 0 : i32
      %gather3A_3113 = tpu.memref_slice %arg6[%gather3A_3109, %gather3A_3110, %gather3A_3111, %gather3A_3112] : memref<2x16x8x64xf32, #tpu.memory_space<vmem>> -> memref<1x16x8x64xf32, #tpu.memory_space<vmem>>
      %gather3A_3114 = tpu.memref_squeeze %gather3A_3113 : memref<1x16x8x64xf32, #tpu.memory_space<vmem>> -> memref<16x8x64xf32, #tpu.memory_space<vmem>>
      %gather3A_3115 = tpu.vector_load_idx %gather3A_3114[%iota3A, %and3A_2739, %broadcast_in_dim3A_3108] : memref<16x8x64xf32, #tpu.memory_space<vmem>>[vector<16xi32>, vector<16xi32>, vector<16xi32>], vector<16xf32>,
      %broadcast_in_dim3A_3116 = arith.constant 33 : i32
      %broadcast_in_dim3A_3117 = vector.broadcast %broadcast_in_dim3A_3116 : i32 to vector<16xi32>
      tpu.vector_store_idx %arg7[%add3A_2743, %broadcast_in_dim3A_3117], %gather3A_3115 : memref<512x64xf32, #tpu.memory_space<vmem>>[vector<16xi32>, vector<16xi32>], vector<16xf32>,
      %broadcast_in_dim3A_3118 = arith.constant 34 : i32
      %broadcast_in_dim3A_3119 = vector.broadcast %broadcast_in_dim3A_3118 : i32 to vector<16xi32>
      %gather3A_3120 = arith.constant 1 : i32
      %gather3A_3121 = arith.constant 0 : i32
      %gather3A_3122 = arith.constant 0 : i32
      %gather3A_3123 = arith.constant 0 : i32
      %gather3A_3124 = tpu.memref_slice %arg6[%gather3A_3120, %gather3A_3121, %gather3A_3122, %gather3A_3123] : memref<2x16x8x64xf32, #tpu.memory_space<vmem>> -> memref<1x16x8x64xf32, #tpu.memory_space<vmem>>
      %gather3A_3125 = tpu.memref_squeeze %gather3A_3124 : memref<1x16x8x64xf32, #tpu.memory_space<vmem>> -> memref<16x8x64xf32, #tpu.memory_space<vmem>>
      %gather3A_3126 = tpu.vector_load_idx %gather3A_3125[%iota3A, %and3A_2739, %broadcast_in_dim3A_3119] : memref<16x8x64xf32, #tpu.memory_space<vmem>>[vector<16xi32>, vector<16xi32>, vector<16xi32>], vector<16xf32>,
      %broadcast_in_dim3A_3127 = arith.constant 34 : i32
      %broadcast_in_dim3A_3128 = vector.broadcast %broadcast_in_dim3A_3127 : i32 to vector<16xi32>
      tpu.vector_store_idx %arg7[%add3A_2743, %broadcast_in_dim3A_3128], %gather3A_3126 : memref<512x64xf32, #tpu.memory_space<vmem>>[vector<16xi32>, vector<16xi32>], vector<16xf32>,
      %broadcast_in_dim3A_3129 = arith.constant 35 : i32
      %broadcast_in_dim3A_3130 = vector.broadcast %broadcast_in_dim3A_3129 : i32 to vector<16xi32>
      %gather3A_3131 = arith.constant 1 : i32
      %gather3A_3132 = arith.constant 0 : i32
      %gather3A_3133 = arith.constant 0 : i32
      %gather3A_3134 = arith.constant 0 : i32
      %gather3A_3135 = tpu.memref_slice %arg6[%gather3A_3131, %gather3A_3132, %gather3A_3133, %gather3A_3134] : memref<2x16x8x64xf32, #tpu.memory_space<vmem>> -> memref<1x16x8x64xf32, #tpu.memory_space<vmem>>
      %gather3A_3136 = tpu.memref_squeeze %gather3A_3135 : memref<1x16x8x64xf32, #tpu.memory_space<vmem>> -> memref<16x8x64xf32, #tpu.memory_space<vmem>>
      %gather3A_3137 = tpu.vector_load_idx %gather3A_3136[%iota3A, %and3A_2739, %broadcast_in_dim3A_3130] : memref<16x8x64xf32, #tpu.memory_space<vmem>>[vector<16xi32>, vector<16xi32>, vector<16xi32>], vector<16xf32>,
      %broadcast_in_dim3A_3138 = arith.constant 35 : i32
      %broadcast_in_dim3A_3139 = vector.broadcast %broadcast_in_dim3A_3138 : i32 to vector<16xi32>
      tpu.vector_store_idx %arg7[%add3A_2743, %broadcast_in_dim3A_3139], %gather3A_3137 : memref<512x64xf32, #tpu.memory_space<vmem>>[vector<16xi32>, vector<16xi32>], vector<16xf32>,
      %broadcast_in_dim3A_3140 = arith.constant 36 : i32
      %broadcast_in_dim3A_3141 = vector.broadcast %broadcast_in_dim3A_3140 : i32 to vector<16xi32>
      %gather3A_3142 = arith.constant 1 : i32
      %gather3A_3143 = arith.constant 0 : i32
      %gather3A_3144 = arith.constant 0 : i32
      %gather3A_3145 = arith.constant 0 : i32
      %gather3A_3146 = tpu.memref_slice %arg6[%gather3A_3142, %gather3A_3143, %gather3A_3144, %gather3A_3145] : memref<2x16x8x64xf32, #tpu.memory_space<vmem>> -> memref<1x16x8x64xf32, #tpu.memory_space<vmem>>
      %gather3A_3147 = tpu.memref_squeeze %gather3A_3146 : memref<1x16x8x64xf32, #tpu.memory_space<vmem>> -> memref<16x8x64xf32, #tpu.memory_space<vmem>>
      %gather3A_3148 = tpu.vector_load_idx %gather3A_3147[%iota3A, %and3A_2739, %broadcast_in_dim3A_3141] : memref<16x8x64xf32, #tpu.memory_space<vmem>>[vector<16xi32>, vector<16xi32>, vector<16xi32>], vector<16xf32>,
      %broadcast_in_dim3A_3149 = arith.constant 36 : i32
      %broadcast_in_dim3A_3150 = vector.broadcast %broadcast_in_dim3A_3149 : i32 to vector<16xi32>
      tpu.vector_store_idx %arg7[%add3A_2743, %broadcast_in_dim3A_3150], %gather3A_3148 : memref<512x64xf32, #tpu.memory_space<vmem>>[vector<16xi32>, vector<16xi32>], vector<16xf32>,
      %broadcast_in_dim3A_3151 = arith.constant 37 : i32
      %broadcast_in_dim3A_3152 = vector.broadcast %broadcast_in_dim3A_3151 : i32 to vector<16xi32>
      %gather3A_3153 = arith.constant 1 : i32
      %gather3A_3154 = arith.constant 0 : i32
      %gather3A_3155 = arith.constant 0 : i32
      %gather3A_3156 = arith.constant 0 : i32
      %gather3A_3157 = tpu.memref_slice %arg6[%gather3A_3153, %gather3A_3154, %gather3A_3155, %gather3A_3156] : memref<2x16x8x64xf32, #tpu.memory_space<vmem>> -> memref<1x16x8x64xf32, #tpu.memory_space<vmem>>
      %gather3A_3158 = tpu.memref_squeeze %gather3A_3157 : memref<1x16x8x64xf32, #tpu.memory_space<vmem>> -> memref<16x8x64xf32, #tpu.memory_space<vmem>>
      %gather3A_3159 = tpu.vector_load_idx %gather3A_3158[%iota3A, %and3A_2739, %broadcast_in_dim3A_3152] : memref<16x8x64xf32, #tpu.memory_space<vmem>>[vector<16xi32>, vector<16xi32>, vector<16xi32>], vector<16xf32>,
      %broadcast_in_dim3A_3160 = arith.constant 37 : i32
      %broadcast_in_dim3A_3161 = vector.broadcast %broadcast_in_dim3A_3160 : i32 to vector<16xi32>
      tpu.vector_store_idx %arg7[%add3A_2743, %broadcast_in_dim3A_3161], %gather3A_3159 : memref<512x64xf32, #tpu.memory_space<vmem>>[vector<16xi32>, vector<16xi32>], vector<16xf32>,
      %broadcast_in_dim3A_3162 = arith.constant 38 : i32
      %broadcast_in_dim3A_3163 = vector.broadcast %broadcast_in_dim3A_3162 : i32 to vector<16xi32>
      %gather3A_3164 = arith.constant 1 : i32
      %gather3A_3165 = arith.constant 0 : i32
      %gather3A_3166 = arith.constant 0 : i32
      %gather3A_3167 = arith.constant 0 : i32
      %gather3A_3168 = tpu.memref_slice %arg6[%gather3A_3164, %gather3A_3165, %gather3A_3166, %gather3A_3167] : memref<2x16x8x64xf32, #tpu.memory_space<vmem>> -> memref<1x16x8x64xf32, #tpu.memory_space<vmem>>
      %gather3A_3169 = tpu.memref_squeeze %gather3A_3168 : memref<1x16x8x64xf32, #tpu.memory_space<vmem>> -> memref<16x8x64xf32, #tpu.memory_space<vmem>>
      %gather3A_3170 = tpu.vector_load_idx %gather3A_3169[%iota3A, %and3A_2739, %broadcast_in_dim3A_3163] : memref<16x8x64xf32, #tpu.memory_space<vmem>>[vector<16xi32>, vector<16xi32>, vector<16xi32>], vector<16xf32>,
      %broadcast_in_dim3A_3171 = arith.constant 38 : i32
      %broadcast_in_dim3A_3172 = vector.broadcast %broadcast_in_dim3A_3171 : i32 to vector<16xi32>
      tpu.vector_store_idx %arg7[%add3A_2743, %broadcast_in_dim3A_3172], %gather3A_3170 : memref<512x64xf32, #tpu.memory_space<vmem>>[vector<16xi32>, vector<16xi32>], vector<16xf32>,
      %broadcast_in_dim3A_3173 = arith.constant 39 : i32
      %broadcast_in_dim3A_3174 = vector.broadcast %broadcast_in_dim3A_3173 : i32 to vector<16xi32>
      %gather3A_3175 = arith.constant 1 : i32
      %gather3A_3176 = arith.constant 0 : i32
      %gather3A_3177 = arith.constant 0 : i32
      %gather3A_3178 = arith.constant 0 : i32
      %gather3A_3179 = tpu.memref_slice %arg6[%gather3A_3175, %gather3A_3176, %gather3A_3177, %gather3A_3178] : memref<2x16x8x64xf32, #tpu.memory_space<vmem>> -> memref<1x16x8x64xf32, #tpu.memory_space<vmem>>
      %gather3A_3180 = tpu.memref_squeeze %gather3A_3179 : memref<1x16x8x64xf32, #tpu.memory_space<vmem>> -> memref<16x8x64xf32, #tpu.memory_space<vmem>>
      %gather3A_3181 = tpu.vector_load_idx %gather3A_3180[%iota3A, %and3A_2739, %broadcast_in_dim3A_3174] : memref<16x8x64xf32, #tpu.memory_space<vmem>>[vector<16xi32>, vector<16xi32>, vector<16xi32>], vector<16xf32>,
      %broadcast_in_dim3A_3182 = arith.constant 39 : i32
      %broadcast_in_dim3A_3183 = vector.broadcast %broadcast_in_dim3A_3182 : i32 to vector<16xi32>
      tpu.vector_store_idx %arg7[%add3A_2743, %broadcast_in_dim3A_3183], %gather3A_3181 : memref<512x64xf32, #tpu.memory_space<vmem>>[vector<16xi32>, vector<16xi32>], vector<16xf32>,
      %broadcast_in_dim3A_3184 = arith.constant 40 : i32
      %broadcast_in_dim3A_3185 = vector.broadcast %broadcast_in_dim3A_3184 : i32 to vector<16xi32>
      %gather3A_3186 = arith.constant 1 : i32
      %gather3A_3187 = arith.constant 0 : i32
      %gather3A_3188 = arith.constant 0 : i32
      %gather3A_3189 = arith.constant 0 : i32
      %gather3A_3190 = tpu.memref_slice %arg6[%gather3A_3186, %gather3A_3187, %gather3A_3188, %gather3A_3189] : memref<2x16x8x64xf32, #tpu.memory_space<vmem>> -> memref<1x16x8x64xf32, #tpu.memory_space<vmem>>
      %gather3A_3191 = tpu.memref_squeeze %gather3A_3190 : memref<1x16x8x64xf32, #tpu.memory_space<vmem>> -> memref<16x8x64xf32, #tpu.memory_space<vmem>>
      %gather3A_3192 = tpu.vector_load_idx %gather3A_3191[%iota3A, %and3A_2739, %broadcast_in_dim3A_3185] : memref<16x8x64xf32, #tpu.memory_space<vmem>>[vector<16xi32>, vector<16xi32>, vector<16xi32>], vector<16xf32>,
      %broadcast_in_dim3A_3193 = arith.constant 40 : i32
      %broadcast_in_dim3A_3194 = vector.broadcast %broadcast_in_dim3A_3193 : i32 to vector<16xi32>
      tpu.vector_store_idx %arg7[%add3A_2743, %broadcast_in_dim3A_3194], %gather3A_3192 : memref<512x64xf32, #tpu.memory_space<vmem>>[vector<16xi32>, vector<16xi32>], vector<16xf32>,
      %broadcast_in_dim3A_3195 = arith.constant 41 : i32
      %broadcast_in_dim3A_3196 = vector.broadcast %broadcast_in_dim3A_3195 : i32 to vector<16xi32>
      %gather3A_3197 = arith.constant 1 : i32
      %gather3A_3198 = arith.constant 0 : i32
      %gather3A_3199 = arith.constant 0 : i32
      %gather3A_3200 = arith.constant 0 : i32
      %gather3A_3201 = tpu.memref_slice %arg6[%gather3A_3197, %gather3A_3198, %gather3A_3199, %gather3A_3200] : memref<2x16x8x64xf32, #tpu.memory_space<vmem>> -> memref<1x16x8x64xf32, #tpu.memory_space<vmem>>
      %gather3A_3202 = tpu.memref_squeeze %gather3A_3201 : memref<1x16x8x64xf32, #tpu.memory_space<vmem>> -> memref<16x8x64xf32, #tpu.memory_space<vmem>>
      %gather3A_3203 = tpu.vector_load_idx %gather3A_3202[%iota3A, %and3A_2739, %broadcast_in_dim3A_3196] : memref<16x8x64xf32, #tpu.memory_space<vmem>>[vector<16xi32>, vector<16xi32>, vector<16xi32>], vector<16xf32>,
      %broadcast_in_dim3A_3204 = arith.constant 41 : i32
      %broadcast_in_dim3A_3205 = vector.broadcast %broadcast_in_dim3A_3204 : i32 to vector<16xi32>
      tpu.vector_store_idx %arg7[%add3A_2743, %broadcast_in_dim3A_3205], %gather3A_3203 : memref<512x64xf32, #tpu.memory_space<vmem>>[vector<16xi32>, vector<16xi32>], vector<16xf32>,
      %broadcast_in_dim3A_3206 = arith.constant 42 : i32
      %broadcast_in_dim3A_3207 = vector.broadcast %broadcast_in_dim3A_3206 : i32 to vector<16xi32>
      %gather3A_3208 = arith.constant 1 : i32
      %gather3A_3209 = arith.constant 0 : i32
      %gather3A_3210 = arith.constant 0 : i32
      %gather3A_3211 = arith.constant 0 : i32
      %gather3A_3212 = tpu.memref_slice %arg6[%gather3A_3208, %gather3A_3209, %gather3A_3210, %gather3A_3211] : memref<2x16x8x64xf32, #tpu.memory_space<vmem>> -> memref<1x16x8x64xf32, #tpu.memory_space<vmem>>
      %gather3A_3213 = tpu.memref_squeeze %gather3A_3212 : memref<1x16x8x64xf32, #tpu.memory_space<vmem>> -> memref<16x8x64xf32, #tpu.memory_space<vmem>>
      %gather3A_3214 = tpu.vector_load_idx %gather3A_3213[%iota3A, %and3A_2739, %broadcast_in_dim3A_3207] : memref<16x8x64xf32, #tpu.memory_space<vmem>>[vector<16xi32>, vector<16xi32>, vector<16xi32>], vector<16xf32>,
      %broadcast_in_dim3A_3215 = arith.constant 42 : i32
      %broadcast_in_dim3A_3216 = vector.broadcast %broadcast_in_dim3A_3215 : i32 to vector<16xi32>
      tpu.vector_store_idx %arg7[%add3A_2743, %broadcast_in_dim3A_3216], %gather3A_3214 : memref<512x64xf32, #tpu.memory_space<vmem>>[vector<16xi32>, vector<16xi32>], vector<16xf32>,
      %broadcast_in_dim3A_3217 = arith.constant 43 : i32
      %broadcast_in_dim3A_3218 = vector.broadcast %broadcast_in_dim3A_3217 : i32 to vector<16xi32>
      %gather3A_3219 = arith.constant 1 : i32
      %gather3A_3220 = arith.constant 0 : i32
      %gather3A_3221 = arith.constant 0 : i32
      %gather3A_3222 = arith.constant 0 : i32
      %gather3A_3223 = tpu.memref_slice %arg6[%gather3A_3219, %gather3A_3220, %gather3A_3221, %gather3A_3222] : memref<2x16x8x64xf32, #tpu.memory_space<vmem>> -> memref<1x16x8x64xf32, #tpu.memory_space<vmem>>
      %gather3A_3224 = tpu.memref_squeeze %gather3A_3223 : memref<1x16x8x64xf32, #tpu.memory_space<vmem>> -> memref<16x8x64xf32, #tpu.memory_space<vmem>>
      %gather3A_3225 = tpu.vector_load_idx %gather3A_3224[%iota3A, %and3A_2739, %broadcast_in_dim3A_3218] : memref<16x8x64xf32, #tpu.memory_space<vmem>>[vector<16xi32>, vector<16xi32>, vector<16xi32>], vector<16xf32>,
      %broadcast_in_dim3A_3226 = arith.constant 43 : i32
      %broadcast_in_dim3A_3227 = vector.broadcast %broadcast_in_dim3A_3226 : i32 to vector<16xi32>
      tpu.vector_store_idx %arg7[%add3A_2743, %broadcast_in_dim3A_3227], %gather3A_3225 : memref<512x64xf32, #tpu.memory_space<vmem>>[vector<16xi32>, vector<16xi32>], vector<16xf32>,
      %broadcast_in_dim3A_3228 = arith.constant 44 : i32
      %broadcast_in_dim3A_3229 = vector.broadcast %broadcast_in_dim3A_3228 : i32 to vector<16xi32>
      %gather3A_3230 = arith.constant 1 : i32
      %gather3A_3231 = arith.constant 0 : i32
      %gather3A_3232 = arith.constant 0 : i32
      %gather3A_3233 = arith.constant 0 : i32
      %gather3A_3234 = tpu.memref_slice %arg6[%gather3A_3230, %gather3A_3231, %gather3A_3232, %gather3A_3233] : memref<2x16x8x64xf32, #tpu.memory_space<vmem>> -> memref<1x16x8x64xf32, #tpu.memory_space<vmem>>
      %gather3A_3235 = tpu.memref_squeeze %gather3A_3234 : memref<1x16x8x64xf32, #tpu.memory_space<vmem>> -> memref<16x8x64xf32, #tpu.memory_space<vmem>>
      %gather3A_3236 = tpu.vector_load_idx %gather3A_3235[%iota3A, %and3A_2739, %broadcast_in_dim3A_3229] : memref<16x8x64xf32, #tpu.memory_space<vmem>>[vector<16xi32>, vector<16xi32>, vector<16xi32>], vector<16xf32>,
      %broadcast_in_dim3A_3237 = arith.constant 44 : i32
      %broadcast_in_dim3A_3238 = vector.broadcast %broadcast_in_dim3A_3237 : i32 to vector<16xi32>
      tpu.vector_store_idx %arg7[%add3A_2743, %broadcast_in_dim3A_3238], %gather3A_3236 : memref<512x64xf32, #tpu.memory_space<vmem>>[vector<16xi32>, vector<16xi32>], vector<16xf32>,
      %broadcast_in_dim3A_3239 = arith.constant 45 : i32
      %broadcast_in_dim3A_3240 = vector.broadcast %broadcast_in_dim3A_3239 : i32 to vector<16xi32>
      %gather3A_3241 = arith.constant 1 : i32
      %gather3A_3242 = arith.constant 0 : i32
      %gather3A_3243 = arith.constant 0 : i32
      %gather3A_3244 = arith.constant 0 : i32
      %gather3A_3245 = tpu.memref_slice %arg6[%gather3A_3241, %gather3A_3242, %gather3A_3243, %gather3A_3244] : memref<2x16x8x64xf32, #tpu.memory_space<vmem>> -> memref<1x16x8x64xf32, #tpu.memory_space<vmem>>
      %gather3A_3246 = tpu.memref_squeeze %gather3A_3245 : memref<1x16x8x64xf32, #tpu.memory_space<vmem>> -> memref<16x8x64xf32, #tpu.memory_space<vmem>>
      %gather3A_3247 = tpu.vector_load_idx %gather3A_3246[%iota3A, %and3A_2739, %broadcast_in_dim3A_3240] : memref<16x8x64xf32, #tpu.memory_space<vmem>>[vector<16xi32>, vector<16xi32>, vector<16xi32>], vector<16xf32>,
      %broadcast_in_dim3A_3248 = arith.constant 45 : i32
      %broadcast_in_dim3A_3249 = vector.broadcast %broadcast_in_dim3A_3248 : i32 to vector<16xi32>
      tpu.vector_store_idx %arg7[%add3A_2743, %broadcast_in_dim3A_3249], %gather3A_3247 : memref<512x64xf32, #tpu.memory_space<vmem>>[vector<16xi32>, vector<16xi32>], vector<16xf32>,
      %broadcast_in_dim3A_3250 = arith.constant 46 : i32
      %broadcast_in_dim3A_3251 = vector.broadcast %broadcast_in_dim3A_3250 : i32 to vector<16xi32>
      %gather3A_3252 = arith.constant 1 : i32
      %gather3A_3253 = arith.constant 0 : i32
      %gather3A_3254 = arith.constant 0 : i32
      %gather3A_3255 = arith.constant 0 : i32
      %gather3A_3256 = tpu.memref_slice %arg6[%gather3A_3252, %gather3A_3253, %gather3A_3254, %gather3A_3255] : memref<2x16x8x64xf32, #tpu.memory_space<vmem>> -> memref<1x16x8x64xf32, #tpu.memory_space<vmem>>
      %gather3A_3257 = tpu.memref_squeeze %gather3A_3256 : memref<1x16x8x64xf32, #tpu.memory_space<vmem>> -> memref<16x8x64xf32, #tpu.memory_space<vmem>>
      %gather3A_3258 = tpu.vector_load_idx %gather3A_3257[%iota3A, %and3A_2739, %broadcast_in_dim3A_3251] : memref<16x8x64xf32, #tpu.memory_space<vmem>>[vector<16xi32>, vector<16xi32>, vector<16xi32>], vector<16xf32>,
      %broadcast_in_dim3A_3259 = arith.constant 46 : i32
      %broadcast_in_dim3A_3260 = vector.broadcast %broadcast_in_dim3A_3259 : i32 to vector<16xi32>
      tpu.vector_store_idx %arg7[%add3A_2743, %broadcast_in_dim3A_3260], %gather3A_3258 : memref<512x64xf32, #tpu.memory_space<vmem>>[vector<16xi32>, vector<16xi32>], vector<16xf32>,
      %broadcast_in_dim3A_3261 = arith.constant 47 : i32
      %broadcast_in_dim3A_3262 = vector.broadcast %broadcast_in_dim3A_3261 : i32 to vector<16xi32>
      %gather3A_3263 = arith.constant 1 : i32
      %gather3A_3264 = arith.constant 0 : i32
      %gather3A_3265 = arith.constant 0 : i32
      %gather3A_3266 = arith.constant 0 : i32
      %gather3A_3267 = tpu.memref_slice %arg6[%gather3A_3263, %gather3A_3264, %gather3A_3265, %gather3A_3266] : memref<2x16x8x64xf32, #tpu.memory_space<vmem>> -> memref<1x16x8x64xf32, #tpu.memory_space<vmem>>
      %gather3A_3268 = tpu.memref_squeeze %gather3A_3267 : memref<1x16x8x64xf32, #tpu.memory_space<vmem>> -> memref<16x8x64xf32, #tpu.memory_space<vmem>>
      %gather3A_3269 = tpu.vector_load_idx %gather3A_3268[%iota3A, %and3A_2739, %broadcast_in_dim3A_3262] : memref<16x8x64xf32, #tpu.memory_space<vmem>>[vector<16xi32>, vector<16xi32>, vector<16xi32>], vector<16xf32>,
      %broadcast_in_dim3A_3270 = arith.constant 47 : i32
      %broadcast_in_dim3A_3271 = vector.broadcast %broadcast_in_dim3A_3270 : i32 to vector<16xi32>
      tpu.vector_store_idx %arg7[%add3A_2743, %broadcast_in_dim3A_3271], %gather3A_3269 : memref<512x64xf32, #tpu.memory_space<vmem>>[vector<16xi32>, vector<16xi32>], vector<16xf32>,
      %broadcast_in_dim3A_3272 = arith.constant 48 : i32
      %broadcast_in_dim3A_3273 = vector.broadcast %broadcast_in_dim3A_3272 : i32 to vector<16xi32>
      %gather3A_3274 = arith.constant 1 : i32
      %gather3A_3275 = arith.constant 0 : i32
      %gather3A_3276 = arith.constant 0 : i32
      %gather3A_3277 = arith.constant 0 : i32
      %gather3A_3278 = tpu.memref_slice %arg6[%gather3A_3274, %gather3A_3275, %gather3A_3276, %gather3A_3277] : memref<2x16x8x64xf32, #tpu.memory_space<vmem>> -> memref<1x16x8x64xf32, #tpu.memory_space<vmem>>
      %gather3A_3279 = tpu.memref_squeeze %gather3A_3278 : memref<1x16x8x64xf32, #tpu.memory_space<vmem>> -> memref<16x8x64xf32, #tpu.memory_space<vmem>>
      %gather3A_3280 = tpu.vector_load_idx %gather3A_3279[%iota3A, %and3A_2739, %broadcast_in_dim3A_3273] : memref<16x8x64xf32, #tpu.memory_space<vmem>>[vector<16xi32>, vector<16xi32>, vector<16xi32>], vector<16xf32>,
      %broadcast_in_dim3A_3281 = arith.constant 48 : i32
      %broadcast_in_dim3A_3282 = vector.broadcast %broadcast_in_dim3A_3281 : i32 to vector<16xi32>
      tpu.vector_store_idx %arg7[%add3A_2743, %broadcast_in_dim3A_3282], %gather3A_3280 : memref<512x64xf32, #tpu.memory_space<vmem>>[vector<16xi32>, vector<16xi32>], vector<16xf32>,
      %broadcast_in_dim3A_3283 = arith.constant 49 : i32
      %broadcast_in_dim3A_3284 = vector.broadcast %broadcast_in_dim3A_3283 : i32 to vector<16xi32>
      %gather3A_3285 = arith.constant 1 : i32
      %gather3A_3286 = arith.constant 0 : i32
      %gather3A_3287 = arith.constant 0 : i32
      %gather3A_3288 = arith.constant 0 : i32
      %gather3A_3289 = tpu.memref_slice %arg6[%gather3A_3285, %gather3A_3286, %gather3A_3287, %gather3A_3288] : memref<2x16x8x64xf32, #tpu.memory_space<vmem>> -> memref<1x16x8x64xf32, #tpu.memory_space<vmem>>
      %gather3A_3290 = tpu.memref_squeeze %gather3A_3289 : memref<1x16x8x64xf32, #tpu.memory_space<vmem>> -> memref<16x8x64xf32, #tpu.memory_space<vmem>>
      %gather3A_3291 = tpu.vector_load_idx %gather3A_3290[%iota3A, %and3A_2739, %broadcast_in_dim3A_3284] : memref<16x8x64xf32, #tpu.memory_space<vmem>>[vector<16xi32>, vector<16xi32>, vector<16xi32>], vector<16xf32>,
      %broadcast_in_dim3A_3292 = arith.constant 49 : i32
      %broadcast_in_dim3A_3293 = vector.broadcast %broadcast_in_dim3A_3292 : i32 to vector<16xi32>
      tpu.vector_store_idx %arg7[%add3A_2743, %broadcast_in_dim3A_3293], %gather3A_3291 : memref<512x64xf32, #tpu.memory_space<vmem>>[vector<16xi32>, vector<16xi32>], vector<16xf32>,
      %broadcast_in_dim3A_3294 = arith.constant 50 : i32
      %broadcast_in_dim3A_3295 = vector.broadcast %broadcast_in_dim3A_3294 : i32 to vector<16xi32>
      %gather3A_3296 = arith.constant 1 : i32
      %gather3A_3297 = arith.constant 0 : i32
      %gather3A_3298 = arith.constant 0 : i32
      %gather3A_3299 = arith.constant 0 : i32
      %gather3A_3300 = tpu.memref_slice %arg6[%gather3A_3296, %gather3A_3297, %gather3A_3298, %gather3A_3299] : memref<2x16x8x64xf32, #tpu.memory_space<vmem>> -> memref<1x16x8x64xf32, #tpu.memory_space<vmem>>
      %gather3A_3301 = tpu.memref_squeeze %gather3A_3300 : memref<1x16x8x64xf32, #tpu.memory_space<vmem>> -> memref<16x8x64xf32, #tpu.memory_space<vmem>>
      %gather3A_3302 = tpu.vector_load_idx %gather3A_3301[%iota3A, %and3A_2739, %broadcast_in_dim3A_3295] : memref<16x8x64xf32, #tpu.memory_space<vmem>>[vector<16xi32>, vector<16xi32>, vector<16xi32>], vector<16xf32>,
      %broadcast_in_dim3A_3303 = arith.constant 50 : i32
      %broadcast_in_dim3A_3304 = vector.broadcast %broadcast_in_dim3A_3303 : i32 to vector<16xi32>
      tpu.vector_store_idx %arg7[%add3A_2743, %broadcast_in_dim3A_3304], %gather3A_3302 : memref<512x64xf32, #tpu.memory_space<vmem>>[vector<16xi32>, vector<16xi32>], vector<16xf32>,
      %broadcast_in_dim3A_3305 = arith.constant 51 : i32
      %broadcast_in_dim3A_3306 = vector.broadcast %broadcast_in_dim3A_3305 : i32 to vector<16xi32>
      %gather3A_3307 = arith.constant 1 : i32
      %gather3A_3308 = arith.constant 0 : i32
      %gather3A_3309 = arith.constant 0 : i32
      %gather3A_3310 = arith.constant 0 : i32
      %gather3A_3311 = tpu.memref_slice %arg6[%gather3A_3307, %gather3A_3308, %gather3A_3309, %gather3A_3310] : memref<2x16x8x64xf32, #tpu.memory_space<vmem>> -> memref<1x16x8x64xf32, #tpu.memory_space<vmem>>
      %gather3A_3312 = tpu.memref_squeeze %gather3A_3311 : memref<1x16x8x64xf32, #tpu.memory_space<vmem>> -> memref<16x8x64xf32, #tpu.memory_space<vmem>>
      %gather3A_3313 = tpu.vector_load_idx %gather3A_3312[%iota3A, %and3A_2739, %broadcast_in_dim3A_3306] : memref<16x8x64xf32, #tpu.memory_space<vmem>>[vector<16xi32>, vector<16xi32>, vector<16xi32>], vector<16xf32>,
      %broadcast_in_dim3A_3314 = arith.constant 51 : i32
      %broadcast_in_dim3A_3315 = vector.broadcast %broadcast_in_dim3A_3314 : i32 to vector<16xi32>
      tpu.vector_store_idx %arg7[%add3A_2743, %broadcast_in_dim3A_3315], %gather3A_3313 : memref<512x64xf32, #tpu.memory_space<vmem>>[vector<16xi32>, vector<16xi32>], vector<16xf32>,
      %broadcast_in_dim3A_3316 = arith.constant 52 : i32
      %broadcast_in_dim3A_3317 = vector.broadcast %broadcast_in_dim3A_3316 : i32 to vector<16xi32>
      %gather3A_3318 = arith.constant 1 : i32
      %gather3A_3319 = arith.constant 0 : i32
      %gather3A_3320 = arith.constant 0 : i32
      %gather3A_3321 = arith.constant 0 : i32
      %gather3A_3322 = tpu.memref_slice %arg6[%gather3A_3318, %gather3A_3319, %gather3A_3320, %gather3A_3321] : memref<2x16x8x64xf32, #tpu.memory_space<vmem>> -> memref<1x16x8x64xf32, #tpu.memory_space<vmem>>
      %gather3A_3323 = tpu.memref_squeeze %gather3A_3322 : memref<1x16x8x64xf32, #tpu.memory_space<vmem>> -> memref<16x8x64xf32, #tpu.memory_space<vmem>>
      %gather3A_3324 = tpu.vector_load_idx %gather3A_3323[%iota3A, %and3A_2739, %broadcast_in_dim3A_3317] : memref<16x8x64xf32, #tpu.memory_space<vmem>>[vector<16xi32>, vector<16xi32>, vector<16xi32>], vector<16xf32>,
      %broadcast_in_dim3A_3325 = arith.constant 52 : i32
      %broadcast_in_dim3A_3326 = vector.broadcast %broadcast_in_dim3A_3325 : i32 to vector<16xi32>
      tpu.vector_store_idx %arg7[%add3A_2743, %broadcast_in_dim3A_3326], %gather3A_3324 : memref<512x64xf32, #tpu.memory_space<vmem>>[vector<16xi32>, vector<16xi32>], vector<16xf32>,
      %broadcast_in_dim3A_3327 = arith.constant 53 : i32
      %broadcast_in_dim3A_3328 = vector.broadcast %broadcast_in_dim3A_3327 : i32 to vector<16xi32>
      %gather3A_3329 = arith.constant 1 : i32
      %gather3A_3330 = arith.constant 0 : i32
      %gather3A_3331 = arith.constant 0 : i32
      %gather3A_3332 = arith.constant 0 : i32
      %gather3A_3333 = tpu.memref_slice %arg6[%gather3A_3329, %gather3A_3330, %gather3A_3331, %gather3A_3332] : memref<2x16x8x64xf32, #tpu.memory_space<vmem>> -> memref<1x16x8x64xf32, #tpu.memory_space<vmem>>
      %gather3A_3334 = tpu.memref_squeeze %gather3A_3333 : memref<1x16x8x64xf32, #tpu.memory_space<vmem>> -> memref<16x8x64xf32, #tpu.memory_space<vmem>>
      %gather3A_3335 = tpu.vector_load_idx %gather3A_3334[%iota3A, %and3A_2739, %broadcast_in_dim3A_3328] : memref<16x8x64xf32, #tpu.memory_space<vmem>>[vector<16xi32>, vector<16xi32>, vector<16xi32>], vector<16xf32>,
      %broadcast_in_dim3A_3336 = arith.constant 53 : i32
      %broadcast_in_dim3A_3337 = vector.broadcast %broadcast_in_dim3A_3336 : i32 to vector<16xi32>
      tpu.vector_store_idx %arg7[%add3A_2743, %broadcast_in_dim3A_3337], %gather3A_3335 : memref<512x64xf32, #tpu.memory_space<vmem>>[vector<16xi32>, vector<16xi32>], vector<16xf32>,
      %broadcast_in_dim3A_3338 = arith.constant 54 : i32
      %broadcast_in_dim3A_3339 = vector.broadcast %broadcast_in_dim3A_3338 : i32 to vector<16xi32>
      %gather3A_3340 = arith.constant 1 : i32
      %gather3A_3341 = arith.constant 0 : i32
      %gather3A_3342 = arith.constant 0 : i32
      %gather3A_3343 = arith.constant 0 : i32
      %gather3A_3344 = tpu.memref_slice %arg6[%gather3A_3340, %gather3A_3341, %gather3A_3342, %gather3A_3343] : memref<2x16x8x64xf32, #tpu.memory_space<vmem>> -> memref<1x16x8x64xf32, #tpu.memory_space<vmem>>
      %gather3A_3345 = tpu.memref_squeeze %gather3A_3344 : memref<1x16x8x64xf32, #tpu.memory_space<vmem>> -> memref<16x8x64xf32, #tpu.memory_space<vmem>>
      %gather3A_3346 = tpu.vector_load_idx %gather3A_3345[%iota3A, %and3A_2739, %broadcast_in_dim3A_3339] : memref<16x8x64xf32, #tpu.memory_space<vmem>>[vector<16xi32>, vector<16xi32>, vector<16xi32>], vector<16xf32>,
      %broadcast_in_dim3A_3347 = arith.constant 54 : i32
      %broadcast_in_dim3A_3348 = vector.broadcast %broadcast_in_dim3A_3347 : i32 to vector<16xi32>
      tpu.vector_store_idx %arg7[%add3A_2743, %broadcast_in_dim3A_3348], %gather3A_3346 : memref<512x64xf32, #tpu.memory_space<vmem>>[vector<16xi32>, vector<16xi32>], vector<16xf32>,
      %broadcast_in_dim3A_3349 = arith.constant 55 : i32
      %broadcast_in_dim3A_3350 = vector.broadcast %broadcast_in_dim3A_3349 : i32 to vector<16xi32>
      %gather3A_3351 = arith.constant 1 : i32
      %gather3A_3352 = arith.constant 0 : i32
      %gather3A_3353 = arith.constant 0 : i32
      %gather3A_3354 = arith.constant 0 : i32
      %gather3A_3355 = tpu.memref_slice %arg6[%gather3A_3351, %gather3A_3352, %gather3A_3353, %gather3A_3354] : memref<2x16x8x64xf32, #tpu.memory_space<vmem>> -> memref<1x16x8x64xf32, #tpu.memory_space<vmem>>
      %gather3A_3356 = tpu.memref_squeeze %gather3A_3355 : memref<1x16x8x64xf32, #tpu.memory_space<vmem>> -> memref<16x8x64xf32, #tpu.memory_space<vmem>>
      %gather3A_3357 = tpu.vector_load_idx %gather3A_3356[%iota3A, %and3A_2739, %broadcast_in_dim3A_3350] : memref<16x8x64xf32, #tpu.memory_space<vmem>>[vector<16xi32>, vector<16xi32>, vector<16xi32>], vector<16xf32>,
      %broadcast_in_dim3A_3358 = arith.constant 55 : i32
      %broadcast_in_dim3A_3359 = vector.broadcast %broadcast_in_dim3A_3358 : i32 to vector<16xi32>
      tpu.vector_store_idx %arg7[%add3A_2743, %broadcast_in_dim3A_3359], %gather3A_3357 : memref<512x64xf32, #tpu.memory_space<vmem>>[vector<16xi32>, vector<16xi32>], vector<16xf32>,
      %broadcast_in_dim3A_3360 = arith.constant 56 : i32
      %broadcast_in_dim3A_3361 = vector.broadcast %broadcast_in_dim3A_3360 : i32 to vector<16xi32>
      %gather3A_3362 = arith.constant 1 : i32
      %gather3A_3363 = arith.constant 0 : i32
      %gather3A_3364 = arith.constant 0 : i32
      %gather3A_3365 = arith.constant 0 : i32
      %gather3A_3366 = tpu.memref_slice %arg6[%gather3A_3362, %gather3A_3363, %gather3A_3364, %gather3A_3365] : memref<2x16x8x64xf32, #tpu.memory_space<vmem>> -> memref<1x16x8x64xf32, #tpu.memory_space<vmem>>
      %gather3A_3367 = tpu.memref_squeeze %gather3A_3366 : memref<1x16x8x64xf32, #tpu.memory_space<vmem>> -> memref<16x8x64xf32, #tpu.memory_space<vmem>>
      %gather3A_3368 = tpu.vector_load_idx %gather3A_3367[%iota3A, %and3A_2739, %broadcast_in_dim3A_3361] : memref<16x8x64xf32, #tpu.memory_space<vmem>>[vector<16xi32>, vector<16xi32>, vector<16xi32>], vector<16xf32>,
      %broadcast_in_dim3A_3369 = arith.constant 56 : i32
      %broadcast_in_dim3A_3370 = vector.broadcast %broadcast_in_dim3A_3369 : i32 to vector<16xi32>
      tpu.vector_store_idx %arg7[%add3A_2743, %broadcast_in_dim3A_3370], %gather3A_3368 : memref<512x64xf32, #tpu.memory_space<vmem>>[vector<16xi32>, vector<16xi32>], vector<16xf32>,
      %broadcast_in_dim3A_3371 = arith.constant 57 : i32
      %broadcast_in_dim3A_3372 = vector.broadcast %broadcast_in_dim3A_3371 : i32 to vector<16xi32>
      %gather3A_3373 = arith.constant 1 : i32
      %gather3A_3374 = arith.constant 0 : i32
      %gather3A_3375 = arith.constant 0 : i32
      %gather3A_3376 = arith.constant 0 : i32
      %gather3A_3377 = tpu.memref_slice %arg6[%gather3A_3373, %gather3A_3374, %gather3A_3375, %gather3A_3376] : memref<2x16x8x64xf32, #tpu.memory_space<vmem>> -> memref<1x16x8x64xf32, #tpu.memory_space<vmem>>
      %gather3A_3378 = tpu.memref_squeeze %gather3A_3377 : memref<1x16x8x64xf32, #tpu.memory_space<vmem>> -> memref<16x8x64xf32, #tpu.memory_space<vmem>>
      %gather3A_3379 = tpu.vector_load_idx %gather3A_3378[%iota3A, %and3A_2739, %broadcast_in_dim3A_3372] : memref<16x8x64xf32, #tpu.memory_space<vmem>>[vector<16xi32>, vector<16xi32>, vector<16xi32>], vector<16xf32>,
      %broadcast_in_dim3A_3380 = arith.constant 57 : i32
      %broadcast_in_dim3A_3381 = vector.broadcast %broadcast_in_dim3A_3380 : i32 to vector<16xi32>
      tpu.vector_store_idx %arg7[%add3A_2743, %broadcast_in_dim3A_3381], %gather3A_3379 : memref<512x64xf32, #tpu.memory_space<vmem>>[vector<16xi32>, vector<16xi32>], vector<16xf32>,
      %broadcast_in_dim3A_3382 = arith.constant 58 : i32
      %broadcast_in_dim3A_3383 = vector.broadcast %broadcast_in_dim3A_3382 : i32 to vector<16xi32>
      %gather3A_3384 = arith.constant 1 : i32
      %gather3A_3385 = arith.constant 0 : i32
      %gather3A_3386 = arith.constant 0 : i32
      %gather3A_3387 = arith.constant 0 : i32
      %gather3A_3388 = tpu.memref_slice %arg6[%gather3A_3384, %gather3A_3385, %gather3A_3386, %gather3A_3387] : memref<2x16x8x64xf32, #tpu.memory_space<vmem>> -> memref<1x16x8x64xf32, #tpu.memory_space<vmem>>
      %gather3A_3389 = tpu.memref_squeeze %gather3A_3388 : memref<1x16x8x64xf32, #tpu.memory_space<vmem>> -> memref<16x8x64xf32, #tpu.memory_space<vmem>>
      %gather3A_3390 = tpu.vector_load_idx %gather3A_3389[%iota3A, %and3A_2739, %broadcast_in_dim3A_3383] : memref<16x8x64xf32, #tpu.memory_space<vmem>>[vector<16xi32>, vector<16xi32>, vector<16xi32>], vector<16xf32>,
      %broadcast_in_dim3A_3391 = arith.constant 58 : i32
      %broadcast_in_dim3A_3392 = vector.broadcast %broadcast_in_dim3A_3391 : i32 to vector<16xi32>
      tpu.vector_store_idx %arg7[%add3A_2743, %broadcast_in_dim3A_3392], %gather3A_3390 : memref<512x64xf32, #tpu.memory_space<vmem>>[vector<16xi32>, vector<16xi32>], vector<16xf32>,
      %broadcast_in_dim3A_3393 = arith.constant 59 : i32
      %broadcast_in_dim3A_3394 = vector.broadcast %broadcast_in_dim3A_3393 : i32 to vector<16xi32>
      %gather3A_3395 = arith.constant 1 : i32
      %gather3A_3396 = arith.constant 0 : i32
      %gather3A_3397 = arith.constant 0 : i32
      %gather3A_3398 = arith.constant 0 : i32
      %gather3A_3399 = tpu.memref_slice %arg6[%gather3A_3395, %gather3A_3396, %gather3A_3397, %gather3A_3398] : memref<2x16x8x64xf32, #tpu.memory_space<vmem>> -> memref<1x16x8x64xf32, #tpu.memory_space<vmem>>
      %gather3A_3400 = tpu.memref_squeeze %gather3A_3399 : memref<1x16x8x64xf32, #tpu.memory_space<vmem>> -> memref<16x8x64xf32, #tpu.memory_space<vmem>>
      %gather3A_3401 = tpu.vector_load_idx %gather3A_3400[%iota3A, %and3A_2739, %broadcast_in_dim3A_3394] : memref<16x8x64xf32, #tpu.memory_space<vmem>>[vector<16xi32>, vector<16xi32>, vector<16xi32>], vector<16xf32>,
      %broadcast_in_dim3A_3402 = arith.constant 59 : i32
      %broadcast_in_dim3A_3403 = vector.broadcast %broadcast_in_dim3A_3402 : i32 to vector<16xi32>
      tpu.vector_store_idx %arg7[%add3A_2743, %broadcast_in_dim3A_3403], %gather3A_3401 : memref<512x64xf32, #tpu.memory_space<vmem>>[vector<16xi32>, vector<16xi32>], vector<16xf32>,
      %broadcast_in_dim3A_3404 = arith.constant 60 : i32
      %broadcast_in_dim3A_3405 = vector.broadcast %broadcast_in_dim3A_3404 : i32 to vector<16xi32>
      %gather3A_3406 = arith.constant 1 : i32
      %gather3A_3407 = arith.constant 0 : i32
      %gather3A_3408 = arith.constant 0 : i32
      %gather3A_3409 = arith.constant 0 : i32
      %gather3A_3410 = tpu.memref_slice %arg6[%gather3A_3406, %gather3A_3407, %gather3A_3408, %gather3A_3409] : memref<2x16x8x64xf32, #tpu.memory_space<vmem>> -> memref<1x16x8x64xf32, #tpu.memory_space<vmem>>
      %gather3A_3411 = tpu.memref_squeeze %gather3A_3410 : memref<1x16x8x64xf32, #tpu.memory_space<vmem>> -> memref<16x8x64xf32, #tpu.memory_space<vmem>>
      %gather3A_3412 = tpu.vector_load_idx %gather3A_3411[%iota3A, %and3A_2739, %broadcast_in_dim3A_3405] : memref<16x8x64xf32, #tpu.memory_space<vmem>>[vector<16xi32>, vector<16xi32>, vector<16xi32>], vector<16xf32>,
      %broadcast_in_dim3A_3413 = arith.constant 60 : i32
      %broadcast_in_dim3A_3414 = vector.broadcast %broadcast_in_dim3A_3413 : i32 to vector<16xi32>
      tpu.vector_store_idx %arg7[%add3A_2743, %broadcast_in_dim3A_3414], %gather3A_3412 : memref<512x64xf32, #tpu.memory_space<vmem>>[vector<16xi32>, vector<16xi32>], vector<16xf32>,
      %broadcast_in_dim3A_3415 = arith.constant 61 : i32
      %broadcast_in_dim3A_3416 = vector.broadcast %broadcast_in_dim3A_3415 : i32 to vector<16xi32>
      %gather3A_3417 = arith.constant 1 : i32
      %gather3A_3418 = arith.constant 0 : i32
      %gather3A_3419 = arith.constant 0 : i32
      %gather3A_3420 = arith.constant 0 : i32
      %gather3A_3421 = tpu.memref_slice %arg6[%gather3A_3417, %gather3A_3418, %gather3A_3419, %gather3A_3420] : memref<2x16x8x64xf32, #tpu.memory_space<vmem>> -> memref<1x16x8x64xf32, #tpu.memory_space<vmem>>
      %gather3A_3422 = tpu.memref_squeeze %gather3A_3421 : memref<1x16x8x64xf32, #tpu.memory_space<vmem>> -> memref<16x8x64xf32, #tpu.memory_space<vmem>>
      %gather3A_3423 = tpu.vector_load_idx %gather3A_3422[%iota3A, %and3A_2739, %broadcast_in_dim3A_3416] : memref<16x8x64xf32, #tpu.memory_space<vmem>>[vector<16xi32>, vector<16xi32>, vector<16xi32>], vector<16xf32>,
      %broadcast_in_dim3A_3424 = arith.constant 61 : i32
      %broadcast_in_dim3A_3425 = vector.broadcast %broadcast_in_dim3A_3424 : i32 to vector<16xi32>
      tpu.vector_store_idx %arg7[%add3A_2743, %broadcast_in_dim3A_3425], %gather3A_3423 : memref<512x64xf32, #tpu.memory_space<vmem>>[vector<16xi32>, vector<16xi32>], vector<16xf32>,
      %broadcast_in_dim3A_3426 = arith.constant 62 : i32
      %broadcast_in_dim3A_3427 = vector.broadcast %broadcast_in_dim3A_3426 : i32 to vector<16xi32>
      %gather3A_3428 = arith.constant 1 : i32
      %gather3A_3429 = arith.constant 0 : i32
      %gather3A_3430 = arith.constant 0 : i32
      %gather3A_3431 = arith.constant 0 : i32
      %gather3A_3432 = tpu.memref_slice %arg6[%gather3A_3428, %gather3A_3429, %gather3A_3430, %gather3A_3431] : memref<2x16x8x64xf32, #tpu.memory_space<vmem>> -> memref<1x16x8x64xf32, #tpu.memory_space<vmem>>
      %gather3A_3433 = tpu.memref_squeeze %gather3A_3432 : memref<1x16x8x64xf32, #tpu.memory_space<vmem>> -> memref<16x8x64xf32, #tpu.memory_space<vmem>>
      %gather3A_3434 = tpu.vector_load_idx %gather3A_3433[%iota3A, %and3A_2739, %broadcast_in_dim3A_3427] : memref<16x8x64xf32, #tpu.memory_space<vmem>>[vector<16xi32>, vector<16xi32>, vector<16xi32>], vector<16xf32>,
      %broadcast_in_dim3A_3435 = arith.constant 62 : i32
      %broadcast_in_dim3A_3436 = vector.broadcast %broadcast_in_dim3A_3435 : i32 to vector<16xi32>
      tpu.vector_store_idx %arg7[%add3A_2743, %broadcast_in_dim3A_3436], %gather3A_3434 : memref<512x64xf32, #tpu.memory_space<vmem>>[vector<16xi32>, vector<16xi32>], vector<16xf32>,
      %broadcast_in_dim3A_3437 = arith.constant 63 : i32
      %broadcast_in_dim3A_3438 = vector.broadcast %broadcast_in_dim3A_3437 : i32 to vector<16xi32>
      %gather3A_3439 = arith.constant 1 : i32
      %gather3A_3440 = arith.constant 0 : i32
      %gather3A_3441 = arith.constant 0 : i32
      %gather3A_3442 = arith.constant 0 : i32
      %gather3A_3443 = tpu.memref_slice %arg6[%gather3A_3439, %gather3A_3440, %gather3A_3441, %gather3A_3442] : memref<2x16x8x64xf32, #tpu.memory_space<vmem>> -> memref<1x16x8x64xf32, #tpu.memory_space<vmem>>
      %gather3A_3444 = tpu.memref_squeeze %gather3A_3443 : memref<1x16x8x64xf32, #tpu.memory_space<vmem>> -> memref<16x8x64xf32, #tpu.memory_space<vmem>>
      %gather3A_3445 = tpu.vector_load_idx %gather3A_3444[%iota3A, %and3A_2739, %broadcast_in_dim3A_3438] : memref<16x8x64xf32, #tpu.memory_space<vmem>>[vector<16xi32>, vector<16xi32>, vector<16xi32>], vector<16xf32>,
      %broadcast_in_dim3A_3446 = arith.constant 63 : i32
      %broadcast_in_dim3A_3447 = vector.broadcast %broadcast_in_dim3A_3446 : i32 to vector<16xi32>
      tpu.vector_store_idx %arg7[%add3A_2743, %broadcast_in_dim3A_3447], %gather3A_3445 : memref<512x64xf32, #tpu.memory_space<vmem>>[vector<16xi32>, vector<16xi32>], vector<16xf32>,
    }
    %scan3A_683 = arith.constant 16 : i32
    %mul3A_684 = arith.constant 512 : i32
    %mul3A_685 = arith.muli %add3A, %mul3A_684 : i32
    "tpu.region"() ({
      %run_scoped3A = tpu.sem_alloc : memref<!tpu.dma_semaphore, #tpu.memory_space<semaphore_mem>>
      %dma_start3A_686 = arith.constant 0 : i32
      %dma_start3A_687 = tpu.memref_slice %arg4[%mul3A_685, %dma_start3A_686] : memref<16384x64xf32, #tpu.memory_space<hbm>> -> memref<512x64xf32, #tpu.memory_space<hbm>>
      %dma_start3A_688 = arith.constant 0 : i32
      %dma_start3A_689 = tpu.memref_slice %arg4[%mul3A_685, %dma_start3A_688] : memref<16384x64xf32, #tpu.memory_space<hbm>> -> memref<512x64xf32, #tpu.memory_space<hbm>>
      tpu.enqueue_dma source(%arg7 : memref<512x64xf32, #tpu.memory_space<vmem>>) target(%dma_start3A_689 : memref<512x64xf32, #tpu.memory_space<hbm>>) target_semaphore(%run_scoped3A : memref<!tpu.dma_semaphore, #tpu.memory_space<semaphore_mem>>)
      %dma_wait3A = arith.constant 0 : i32
      %dma_wait3A_690 = tpu.memref_slice %arg4[%mul3A_685, %dma_wait3A] : memref<16384x64xf32, #tpu.memory_space<hbm>> -> memref<512x64xf32, #tpu.memory_space<hbm>>
      %dma_wait3A_691 = arith.constant 0 : i32
      %dma_wait3A_692 = tpu.memref_slice %arg4[%mul3A_685, %dma_wait3A_691] : memref<16384x64xf32, #tpu.memory_space<hbm>> -> memref<512x64xf32, #tpu.memory_space<hbm>>
      tpu.wait_dma2 semaphore(%run_scoped3A : memref<!tpu.dma_semaphore, #tpu.memory_space<semaphore_mem>>) src(%arg7 : memref<512x64xf32, #tpu.memory_space<vmem>>) dst(%dma_wait3A_692 : memref<512x64xf32, #tpu.memory_space<hbm>>)
      tpu.yield
    }) : () -> ()
    return
  }
}

</mosaic_0001>

<sc_bundles>
// kernel: kernel.3.cloned.1.call-start
scs
__scs_entry_jumppad:
0x0: {  	(pc) =	sbr.rel $0x88, $3  }
0x1: {  	(tag) =	ssettag $0x0;
	lr =	simm.s32 $0x1  }
0x2: {  	[smem:$0x3F9E] =	sst lr;
	_ =	strace $0xD0000000  }
0x3: {  	_ = 	snop  }
0x4: {  	_ = 	snop  }
0x5: {  	_ = 	snop  }
0x6: {  	_ = 	snop  }
0x7: {  	_ = 	snop  }
__scs_overlays_trampoline_lowered:
0x8: {  	[smem:$0x3FAD] =	sst s0  }
0x9: {  	[smem:$0x3FAE] =	sst s1  }
0xa: {  	[smem:$0x3FAF] =	sst s2  }
0xb: {  	[smem:$0x3FB0] =	sst s3  }
0xc: {  	[smem:$0x3FB1] =	sst s4  }
0xd: {  	[smem:$0x3FB2] =	sst s5  }
0xe: {  	[smem:$0x3FB3] =	sst s6  }
0xf: {  	[smem:$0x3FB4] =	sst s7  }
0x10: {  	[smem:$0x3FB5] =	sst s8  }
0x11: {  	[smem:$0x3FB6] =	sst s9;
	s0 =	simm.s32 @!p0 $0x0  }
0x12: {  	s1 =	sld [smem:$0x3F9C];
	s0 =	simm.s32 @p0 $0x1  }
0x13: {  	[smem:$0x3FB7] =	sst s0;
	s0 =	simm.s32 @!p1 $0x0  }
0x14: {  	s2 =	sld [smem:$0x3F9B];
	s0 =	simm.s32 @p1 $0x1  }
0x15: {  	[smem:$0x3FB8] =	sst s0;
	s0 =	simm.s32 @!p2 $0x0  }
0x16: {  	s3 =	sld [smem:$0x3FDB];
	s0 =	simm.s32 @p2 $0x1  }
0x17: {  	s4 =	simm.s32 $0x1BF5;
	[smem:$0x3FBA] =	sst s0  }
0x18: {  	s0 =	sld [smem:$0x3F9D];
	_ =	swait.ge [sflag:s4], $0x0  }
0x19: {  	s7 =	sld [smem:$0x3F9E]  }
0x1a: {  	s8 =	sadd.s32 $0xFFFFE003, lr  }
0x1b: {  	s9 =	sadd.s32 $0xFFFFFEF7, lr;
	s5 =	simm.s32 $0xFFFFFFFF;
	p2 =	slt.u32 s8, $0xFFFFF086  }
0x1c: {  	p1 =	slt.u32 s9, $0xF7A;
	s5 =	simm.s32 @!p2 $0x0  }
0x1d: {  	s5 =	simm.s32 @p1 $0x1;
	p0 =	seq.s32 s7, s2  }
0x1e: {  	s7 =	smul.u32 @!p0 $0xF7A, s2;
	p2 =	seq.s32 @!p0 s5, $0x0  }
0x1f: {  	s9 =	smul.u32 $0xF7A, s1;
	s8 =	simm.s32 @!p0 $0x1BF5;
	p2 =	por !p2, p0  }
0x20: {  	[sflag:s8] =	ssyncset.s32 @!p0 $0xFFFFF086;
	s6 =	sadd.s32 @!p0 s3, s7;
	s7 =	simm.s32 @!p0 $0x108  }
0x21: {  	s3 =	sadd.s32 s3, s9;
	s6 =	sadd.s32 @!p0 $0x88, s6;
	s7 =	simm.s32 @p2 $0x1082  }
0x22: {  	[simem:s7], [sflag:s8] =	dma.local @!p0 [hbm:s6], $0xF7A  }
0x23: {  	s9 =	sor.u32 $0xD0000000, s2;
	s6 =	simm.s32 $0x108;
	_ =	swait.ge @!p0 [sflag:s8], $0x0  }
0x24: {  	s3 =	sadd.s32 $0x88, s3;
	s6 =	simm.s32 @!p1 $0x1082;
	[sflag:s4] =	ssyncset.s32 $0xFFFFF086  }
0x25: {  	[simem:s6], [sflag:s4] =	dma.local [hbm:s3], $0xF7A  }
0x26: {  	[smem:$0x3F9E] =	sst s1;
	(tag) =	ssettag s2;
	_ =	strace s9  }
0x27: {  	s1 =	sld [smem:$0x3FAE]  }
0x28: {  	s2 =	sld [smem:$0x3FAF]  }
0x29: {  	s4 =	sld [smem:$0x3FB1]  }
0x2a: {  	p0 =	seq.s32 s5, $0x0;
	s5 =	sld [smem:$0x3FB2]  }
0x2b: {  	s6 =	sld [smem:$0x3FB3]  }
0x2c: {  	s7 =	sld [smem:$0x3FB4]  }
0x2d: {  	s3 =	simm.s32 $0x108;
	s8 =	sld [smem:$0x3FB5]  }
0x2e: {  	s3 =	simm.s32 @!p0 $0x1082;
	s9 =	sld [smem:$0x3FB6]  }
0x2f: {  	lr =	sadd.s32 s0, s3;
	s0 =	sld [smem:$0x3FAD]  }
0x30: {  	s3 =	sld [smem:$0x3FB0]  }
0x31: {  	[smem:$0x3FB9] =	sst s10  }
0x32: {  	s10 =	sld [smem:$0x3FB7];
	_ =	sdelay $0x3  }
0x33: {  	p0 =	seq.s32 s10, $0x1;
	s10 =	sld [smem:$0x3FB9];
	_ =	sdelay $0x3  }
0x34: {  	[smem:$0x3FB9] =	sst s10  }
0x35: {  	s10 =	sld [smem:$0x3FB8];
	_ =	sdelay $0x3  }
0x36: {  	p1 =	seq.s32 s10, $0x1;
	s10 =	sld [smem:$0x3FB9];
	_ =	sdelay $0x3  }
0x37: {  	[smem:$0x3FB9] =	sst s10  }
0x38: {  	s10 =	sld [smem:$0x3FBA]  }
0x39: {  	_ = 	snop;
	(pc) =	sbr.ind lr, $3  }
0x3a: {  	_ = 	snop  }
0x3b: {  	_ = 	snop  }
0x3c: {  	p2 =	seq.s32 s10, $0x1;
	s10 =	sld [smem:$0x3FB9]  }
0x3d: {  	_ =	shalt  }
0x3e: {  	_ =	shalt  }
0x3f: {  	_ =	shalt  }
0x40: {  	_ =	shalt  }
0x41: {  	_ =	shalt  }
0x42: {  	_ =	shalt  }
0x43: {  	_ =	shalt  }
0x44: {  	_ =	shalt  }
0x45: {  	_ =	shalt  }
0x46: {  	_ =	shalt  }
0x47: {  	_ =	shalt  }
0x48: {  	_ =	shalt  }
0x49: {  	_ =	shalt  }
0x4a: {  	_ =	shalt  }
0x4b: {  	_ =	shalt  }
0x4c: {  	_ =	shalt  }
0x4d: {  	_ =	shalt  }
0x4e: {  	_ =	shalt  }
0x4f: {  	_ =	shalt  }
0x50: {  	_ =	shalt  }
0x51: {  	_ =	shalt  }
0x52: {  	_ =	shalt  }
0x53: {  	_ =	shalt  }
0x54: {  	_ =	shalt  }
0x55: {  	_ =	shalt  }
0x56: {  	_ =	shalt  }
0x57: {  	_ =	shalt  }
0x58: {  	_ =	shalt  }
0x59: {  	_ =	shalt  }
0x5a: {  	_ =	shalt  }
0x5b: {  	_ =	shalt  }
0x5c: {  	_ =	shalt  }
0x5d: {  	_ =	shalt  }
0x5e: {  	_ =	shalt  }
0x5f: {  	_ =	shalt  }
0x60: {  	_ =	shalt  }
0x61: {  	_ =	shalt  }
0x62: {  	_ =	shalt  }
0x63: {  	_ =	shalt  }
0x64: {  	_ =	shalt  }
0x65: {  	_ =	shalt  }
0x66: {  	_ =	shalt  }
0x67: {  	_ =	shalt  }
0x68: {  	_ =	shalt  }
0x69: {  	_ =	shalt  }
0x6a: {  	_ =	shalt  }
0x6b: {  	_ =	shalt  }
0x6c: {  	_ =	shalt  }
0x6d: {  	_ =	shalt  }
0x6e: {  	_ =	shalt  }
0x6f: {  	_ =	shalt  }
0x70: {  	_ =	shalt  }
0x71: {  	_ =	shalt  }
0x72: {  	_ =	shalt  }
0x73: {  	_ =	shalt  }
0x74: {  	_ =	shalt  }
0x75: {  	_ =	shalt  }
0x76: {  	_ =	shalt  }
0x77: {  	_ =	shalt  }
0x78: {  	_ =	shalt  }
0x79: {  	_ =	shalt  }
0x7a: {  	_ =	shalt  }
0x7b: {  	_ =	shalt  }
0x7c: {  	_ =	shalt  }
0x7d: {  	_ =	shalt  }
0x7e: {  	_ =	shalt  }
0x7f: {  	_ =	shalt  }
0x80: {  	_ =	shalt  }
0x81: {  	_ =	shalt  }
0x82: {  	_ =	shalt  }
0x83: {  	_ =	shalt  }
0x84: {  	_ =	shalt  }
0x85: {  	_ =	shalt  }
0x86: {  	_ =	shalt  }
0x87: {  	_ =	shalt  }
.Lfunc_end0:
.L_simem_size_0:
called_computation_lowered:
.L_overlay_start_0:
0x88: {  	s2 =	sld [smem:$0x3FD9]  }
0x89: {  	s3 =	sld [smem:$0x3FFE];
	_ =	sdelay $0x1  }
0x8a: {  	s1 =	srdreg.scid  }
0x8b: {  	s0 =	sand.u32 $0x1, s1  }
0x8c: {  	s17 =	sshll.u32 s0, $0xA;
	s2 =	sadd.s32 s3, s2  }
0x8d: {  	s2 =	sadd.s32 s2, s17  }
0x8e: {  	[smem:$0x3FC5] =	sst s2  }
0x8f: {  	_ = 	snop  }
0x90: {  	s2 =	sld [smem:$0x3FD0];
	(tm) =	ssettm $0x1  }
0x91: {  	s18 =	sld [smem:$0x3FFB];
	_ =	sdelay $0x3  }
0x92: {  	_ =	strace s18  }
0x93: {  	s3 =	sld [smem:$0x3FFC];
	_ =	sdelay $0x3  }
0x94: {  	_ =	strace s3  }
0x95: {  	s3 =	sld [smem:$0x3FFD];
	_ =	sdelay $0x3  }
0x96: {  	_ =	strace s3  }
0x97: {  	_ =	strace $0x8FFFFFFF  }
0x98: {  	s19 =	sld [smem:$0x3FDB];
	_ =	sdelay $0x1  }
0x99: {  	s4 =	simm.s32 $_scs_section_size  }
0x9a: {  	s5 =	simm.s32 $_size__tile_overlayer_lowered;
	s6 =	simm.s32 $_tile_overlayer_lowered  }
0x9b: {  	s22 =	simm.s32 $0x1BFF;
	s21 =	sshll.u32 s6, $0x1;
	s3 =	sadd.s32 s4, s19  }
0x9c: {  	s7 =	simm.s32 $0x0;
	s20 =	sshll.u32 s5, $0x1;
	s5 =	sadd.s32 s21, s3  }
0x9d: {  	[timem:s7], [sflag:s22] =	dma.local [hbm:s5], s20  }
0x9e: {  	_ =	swait.ge [sflag:s22], s20  }
0x9f: {  	s4 =	ssub.s32 $0x0, s20;
	[sflag:s22] =	ssyncset.done $0x0  }
0xa0: {  	[sflag:s22] =	ssyncadd.s32 s4;
	_ =	sdelay $0x1  }
0xa1: {  	s23 =	simm.s32 $0x1B8B  }
0xa2: {  	_ =	swait.ge [sflag:s23], $0x1  }
0xa3: {  	[sflag:s23] =	ssyncset.done $0x0  }
0xa4: {  	s25 =	simm.s32 $0x1B8E;
	s24 =	sld [smem:$0x3FFE];
	[sflag:s23] =	ssyncadd.s32 $0xFFFFFFFF  }
0xa5: {  	s26 =	simm.s32 $execute0_lowered;
	[smem:$0x3FD2] =	sst s25  }
0xa6: {  	s5 =	sshll.u32 s26, $0x1;
	_ =	strace $0x80000046;
	[dreg:$0x1] =	wrdreg $0xFFFFFFFF  }
0xa7: {  	s28 =	simm.s32 $_size_execute0_lowered;
	s3 =	sadd.s32 s3, s5;
	[dreg:$0x0] =	wrdreg $0x0  }
0xa8: {  	s5 =	sshll.u32 s28, $0x1;
	[dreg:$0x2] =	wrdreg s3  }
0xa9: {  	[dreg:$0x3] =	wrdreg s5  }
0xaa: {  	[dreg:$0x4] =	wrdreg $0xC0  }
0xab: {  	_ =	task [dreg:s7], $0x5FFFF  }
0xac: {  	[dreg:$0x1] =	wrdreg $0xFFFFFFFF  }
0xad: {  	[dreg:$0x0] =	wrdreg $0x60  }
0xae: {  	[dreg:$0x2] =	wrdreg s2  }
0xaf: {  	[dreg:$0x3] =	wrdreg s24  }
0xb0: {  	[dreg:$0x4] =	wrdreg $0x9  }
0xb1: {  	_ =	task.clear_ibuf [dreg:s7], $0x5FFFF;
	_ =	strace $0x90000046  }
0xb2: {  	s29 =	simm.s32 $0x9;
	_ =	strace $0x80000048  }
0xb3: {  	_ =	swait.ge [sflag:s29], $0x1  }
0xb4: {  	[sflag:s29] =	ssyncadd.s32 $0xFFFFFFFF  }
0xb5: {  	_ =	strace $0x90000048  }
0xb6: {  	_ =	sfence  }
0xb7: {  	s30 =	sld [smem:$0x0];
	_ =	sdelay $0x2  }
0xb8: {  	s31 =	sshll.u32 s1, $0xD;
	s1 =	sshrl.u32 s1, $0x2  }
0xb9: {  	s3 =	sand.u32 $0x4000, s31;
	s1 =	sadd.s32 s1, s30  }
0xba: {  	s0 =	sor.u32 s3, s0;
	s1 =	sshll.u32 s1, $0x11  }
0xbb: {  	s0 =	sor.u32 s1, s0  }
0xbc: {  	s0 =	sadd.s32 $0x8F2B, s0  }
0xbd: {  	[sflag:s0] =	ssyncadd.remote.s32 $0x1  }
0xbe: {  	_ =	sfence.sel $0xFFFF  }
0xbf: {  	[dreg:$0x0] =	wrdreg $0xFFFFFFFF;
	(pc) =	sbr.abs _section_cstart, $3  }
0xc0: {  	[dreg:$0x1] =	wrdreg $0xFFFFFFFF  }
0xc1: {  	_ =	task.clear_ibuf [dreg:s7], $0x2FFFF;
	_ =	strace $0x9FFFFFFF  }
0xc2: {  	(tm) =	ssettm $0x7FFFFFFF  }
0xc3: {  	_ =	shalt  }
tec
execute0_lowered:
.L_overlay_start_1:
0x0: {  	(tag) =	ssettag $0x1  }
0x1: {  	v1 =	vlaneseq.u32  }
0x2: {  	v2 =	vmul.u32 $0x400, v1;
	v0 =	vmul.u32 $0x80, v1;
	_ =	sdelay $0x1  }
0x3: {  	[tilespmem:$0x1FC50] =	vst v0;
	v60 =	vor.u32 $0x5, v2  }
0x4: {  	v61 =	vor.u32 $0x6, v2;
	[tilespmem:$0x1FC60] =	vst v60  }
0x5: {  	v62 =	vor.u32 $0x7, v2;
	[tilespmem:$0x1FC70] =	vst v61  }
0x6: {  	v63 =	vor.u32 $0x8, v2;
	[tilespmem:$0x1FC80] =	vst v62  }
0x7: {  	s0 =	rddreg [dreg:$0x0];
	s1 =	simm.s32 $0x0;
	v12 =	vor.u32 $0x9, v2;
	[tilespmem:$0x1FC90] =	vst v63  }
0x8: {  	[smem:$0x7FF] =	sst s1;
	v13 =	vor.u32 $0xA, v2;
	[tilespmem:$0x1FCA0] =	vst v12  }
0x9: {  	s2 =	rddreg [dreg:$0x1];
	v14 =	vor.u32 $0xB, v2;
	_ =	strace $0x80000047;
	[tilespmem:$0x1FCB0] =	vst v13  }
0xa: {  	v15 =	vor.u32 $0xC, v2;
	[tilespmem:$0x1FCC0] =	vst v14  }
0xb: {  	v16 =	vor.u32 $0xD, v2;
	[tilespmem:$0x1FCD0] =	vst v15  }
0xc: {  	v17 =	vor.u32 $0xE, v2;
	[tilespmem:$0x1FCE0] =	vst v16  }
0xd: {  	v18 =	vor.u32 $0xF, v2;
	[tilespmem:$0x1FCF0] =	vst v17  }
0xe: {  	v19 =	vor.u32 $0x10, v2;
	[tilespmem:$0x1FD00] =	vst v18  }
0xf: {  	v20 =	vor.u32 $0x11, v2;
	[tilespmem:$0x1FD10] =	vst v19  }
0x10: {  	v21 =	vor.u32 $0x12, v2;
	[tilespmem:$0x1FD20] =	vst v20  }
0x11: {  	v22 =	vor.u32 $0x13, v2;
	[tilespmem:$0x1FD30] =	vst v21  }
0x12: {  	v23 =	vor.u32 $0x14, v2;
	[tilespmem:$0x1FD40] =	vst v22  }
0x13: {  	v24 =	vor.u32 $0x15, v2;
	[tilespmem:$0x1FD50] =	vst v23  }
0x14: {  	v25 =	vor.u32 $0x16, v2;
	[tilespmem:$0x1FD60] =	vst v24  }
0x15: {  	v26 =	vor.u32 $0x17, v2;
	[tilespmem:$0x1FD70] =	vst v25  }
0x16: {  	v27 =	vor.u32 $0x18, v2;
	[tilespmem:$0x1FD80] =	vst v26  }
0x17: {  	v28 =	vor.u32 $0x19, v2;
	[tilespmem:$0x1FD90] =	vst v27  }
0x18: {  	v29 =	vor.u32 $0x1A, v2;
	[tilespmem:$0x1FDA0] =	vst v28  }
0x19: {  	v30 =	vor.u32 $0x1B, v2;
	[tilespmem:$0x1FDB0] =	vst v29  }
0x1a: {  	v31 =	vor.u32 $0x1C, v2;
	[tilespmem:$0x1FDC0] =	vst v30  }
0x1b: {  	v32 =	vor.u32 $0x1D, v2;
	[tilespmem:$0x1FDD0] =	vst v31  }
0x1c: {  	v33 =	vor.u32 $0x1E, v2;
	[tilespmem:$0x1FDE0] =	vst v32  }
0x1d: {  	v34 =	vor.u32 $0x1F, v2;
	[tilespmem:$0x1FDF0] =	vst v33  }
0x1e: {  	v35 =	vor.u32 $0x20, v2;
	[tilespmem:$0x1FE00] =	vst v34  }
0x1f: {  	v36 =	vor.u32 $0x21, v2;
	[tilespmem:$0x1FE10] =	vst v35  }
0x20: {  	v37 =	vor.u32 $0x22, v2;
	[tilespmem:$0x1FE20] =	vst v36  }
0x21: {  	v38 =	vor.u32 $0x23, v2;
	[tilespmem:$0x1FE30] =	vst v37  }
0x22: {  	v39 =	vor.u32 $0x24, v2;
	[tilespmem:$0x1FE40] =	vst v38  }
0x23: {  	v40 =	vor.u32 $0x25, v2;
	[tilespmem:$0x1FE50] =	vst v39  }
0x24: {  	v41 =	vor.u32 $0x26, v2;
	[tilespmem:$0x1FE60] =	vst v40  }
0x25: {  	v42 =	vor.u32 $0x27, v2;
	[tilespmem:$0x1FE70] =	vst v41  }
0x26: {  	v43 =	vor.u32 $0x28, v2;
	[tilespmem:$0x1FE80] =	vst v42  }
0x27: {  	v44 =	vor.u32 $0x29, v2;
	[tilespmem:$0x1FE90] =	vst v43  }
0x28: {  	v45 =	vor.u32 $0x2A, v2;
	[tilespmem:$0x1FEA0] =	vst v44  }
0x29: {  	v46 =	vor.u32 $0x2B, v2;
	[tilespmem:$0x1FEB0] =	vst v45  }
0x2a: {  	v47 =	vor.u32 $0x2C, v2;
	[tilespmem:$0x1FEC0] =	vst v46  }
0x2b: {  	v48 =	vor.u32 $0x2D, v2;
	[tilespmem:$0x1FED0] =	vst v47  }
0x2c: {  	v49 =	vor.u32 $0x2E, v2;
	[tilespmem:$0x1FEE0] =	vst v48  }
0x2d: {  	v50 =	vor.u32 $0x2F, v2;
	[tilespmem:$0x1FEF0] =	vst v49  }
0x2e: {  	v51 =	vor.u32 $0x30, v2;
	[tilespmem:$0x1FF00] =	vst v50  }
0x2f: {  	s3 =	srdreg.scid;
	s5 =	stileid.u32;
	v52 =	vor.u32 $0x31, v2;
	[tilespmem:$0x1FF10] =	vst v51  }
0x30: {  	s17 =	simm.s32 $0x3;
	s8 =	simm.s32 $0x1;
	s9 =	simm.s32 $0x200;
	v53 =	vor.u32 $0x32, v2;
	[tilespmem:$0x1FF20] =	vst v52  }
0x31: {  	s23 =	simm.s32 $0x3A00;
	s24 =	simm.s32 $0x3E00;
	s28 =	simm.s32 $0x4A00;
	v54 =	vor.u32 $0x33, v2;
	[tilespmem:$0x1FF30] =	vst v53  }
0x32: {  	s29 =	simm.s32 $0x4E00;
	s30 =	simm.s32 $0x5200;
	s31 =	simm.s32 $0x5600;
	v55 =	vor.u32 $0x34, v2;
	[tilespmem:$0x1FF40] =	vst v54  }
0x33: {  	s10 =	simm.s32 $0x7200;
	s11 =	simm.s32 $0x7600;
	s12 =	simm.s32 $0x7A00;
	v56 =	vor.u32 $0x35, v2;
	[tilespmem:$0x1FF50] =	vst v55  }
0x34: {  	s13 =	simm.s32 $0x7E00;
	s14 =	simm.s32 $0x8200;
	s4 =	sand.u32 $0x1, s3;
	v57 =	vor.u32 $0x36, v2;
	[tilespmem:$0x1FF60] =	vst v56  }
0x35: {  	s15 =	simm.s32 $0x2;
	s5 =	sshll.u32 s5, $0xA;
	s6 =	sshll.u32 s4, $0x9;
	v58 =	vor.u32 $0x37, v2;
	[tilespmem:$0x1FF70] =	vst v57  }
0x36: {  	s18 =	simm.s32 $0x0;
	s4 =	ssub.s32 $0x2, s4;
	s5 =	sor.u32 s6, s5;
	v59 =	vor.u32 $0x38, v2;
	[tilespmem:$0x1FF80] =	vst v58  }
0x37: {  	s3 =	sadd.s32 $0x600, s2;
	s7 =	sshrl.u32 s4, $0x1;
	s6 =	sshll.u32 s5, $0x4;
	v60 =	vor.u32 $0x39, v2;
	[tilespmem:$0x1FF90] =	vst v59  }
0x38: {  	s5 =	sshrl.u32 s5, $0x3;
	s4 =	ssub.s32 s4, s7;
	s7 =	simm.s32 $0x6E00;
	v61 =	vor.u32 $0x3A, v2;
	[tilespmem:$0x1FFA0] =	vst v60  }
.Ltmp0:
0x39: {  	v62 =	vor.u32 $0x3B, v2;
	s2 =	sadd.s32 s6, s2;
	s0 =	sadd.s32 s0, s5;
	[tilespmem:$0x1FFB0] =	vst v61;
	(pc) =	sbr.rel .LBB2_1-.Ltmp0, $4  }
0x3a: {  	s26 =	smax.u32 s4, $0x1;
	s4 =	simm.s32 $0x6200;
	s5 =	simm.s32 $0x6600;
	[tilespmem:$0x1FFC0] =	vst v62  }
0x3b: {  	v63 =	vor.u32 $0x3C, v2;
	s6 =	simm.s32 $0x6A00;
	[tilespmem:$0x1FFD0] =	vst v2;
	[dreg:$0x3] =	wrdreg s0;
	s25 =	sadd.s32 $0xF42A00, s2  }
0x3c: {  	v11 =	vor.u32 $0x4, v2;
	[tilespmem:$0x1FFE0] =	vst v63;
	[dreg:$0x5] =	wrdreg s26;
	s26 =	simm.s32 $0x4600;
	s0 =	simm.s32 $0x5A00  }
0x3d: {  	v6 =	vor.u32 $0x1, v2;
	v4 =	vor.u32 $0x2, v2;
	v5 =	vor.u32 $0x3, v2;
	[tilespmem:$0x1FFF0] =	vst v11;
	s2 =	simm.s32 $0x5E00;
	[dreg:$0x4] =	wrdreg s25;
	s25 =	simm.s32 $0x4200  }
.LBB2_5:
0x3e: {  	s16 =	rddreg [dreg:$0x4];
	s17 =	simm.s32 $0x3  }
0x3f: {  	[hbm4b:s16+s1] =	stream.linear.scatter [tilespmem:s14], [sflag:$0x3], $0x10000, $0x38;
	[tilespmem:$0x18200] =	vst v63  }
0x40: {  	_ =	swait.ge [sflag:s17], $0x10000  }
0x41: {  	s18 =	rddreg [dreg:$0x6]  }
0x42: {  	s22 =	rddreg [dreg:$0x5];
	s18 =	sadd.s32 $0x1, s18  }
0x43: {  	p0 =	sne.s32 s18, s22  }
.Ltmp1:
0x44: {  	_ = 	snop;
	(pc) =	sbr.rel @!p0 .LBB2_6-.Ltmp1, $3  }
0x45: {  	_ =	sdelay $0x1  }
0x46: {  	[sflag:s17] =	ssyncset.done $0x0  }
0x47: {  	[sflag:s17] =	ssyncadd.s32 $0xFFFF0000  }
.LBB2_1:
0x48: {  	[dreg:$0x6] =	wrdreg s18  }
0x49: {  	s16 =	rddreg [dreg:$0x3]  }
0x4a: {  	[tilespmem:s1], [sflag:$0x3] =	stream.linear.gather [hbm4b:s16+s1], $0x200, $0x38;
	[tilespmem:$0x18200] =	vst v63  }
0x4b: {  	_ =	swait.ge [sflag:s17], $0x200  }
0x4c: {  	[sflag:s17] =	ssyncset.done $0x0  }
0x4d: {  	[sflag:s17] =	ssyncadd.s32 $0xFFFFFE00  }
0x4e: {  	v1 =	vld [tilespmem:$0x0];
	_ =	sdelay $0x4  }
0x4f: {  	(v2sf) =	vpush v1, $0x0;
	_ =	sdelay $0x5  }
0x50: {  	(v2sf) =	vpush v1, $0x1;
	_ =	sdelay $0x8  }
0x51: {  	s22 =	spop (v2sf)  }
0x52: {  	(v2sf) =	vpush v1, $0x2;
	s18 =	sand.u32 $0x7, s22  }
0x53: {  	s19 =	sshra.s32 s22, $0x1F;
	p1 =	slt.s32 s22, $0x1;
	p0 =	sne.s32 s18, $0x0  }
0x54: {  	s17 =	sshrl.u32 s19, $0x1D;
	p0 =	por !p1, !p0  }
0x55: {  	s16 =	sadd.s32 s17, s22;
	s17 =	simm.s32 $0x1;
	p0 =	por !p0, !p0  }
0x56: {  	s16 =	sshrl.u32 s16, $0x3;
	s17 =	simm.s32 @!p0 $0x0  }
0x57: {  	s20 =	spop (v2sf);
	s16 =	ssub.s32 s16, s17  }
0x58: {  	s21 =	sand.u32 $0x7, s20;
	p2 =	slt.s32 s20, $0x1;
	s16 =	sshll.u32 s16, $0x7  }
0x59: {  	(v2sf) =	vpush v1, $0x3;
	p1 =	sne.s32 s21, $0x0;
	s22 =	sshra.s32 s20, $0x1F;
	s16 =	sand.u32 $0x1FFFFF80, s16  }
0x5a: {  	p0 =	por !p2, !p1;
	s17 =	sshrl.u32 s22, $0x1D;
	s16 =	sadd.s32 s3, s16  }
0x5b: {  	[tilespmem:s9], [sflag:$0x1] =	stream.linear.gather [hbm4b:s16+s1], $0x400, $0x38;
	[tilespmem:$0x18200] =	vst v63  }
0x5c: {  	p0 =	por !p0, !p0;
	s16 =	sadd.s32 s17, s20;
	s17 =	simm.s32 $0x1  }
0x5d: {  	s16 =	sshrl.u32 s16, $0x3;
	s17 =	simm.s32 @!p0 $0x0  }
0x5e: {  	s16 =	ssub.s32 s16, s17  }
0x5f: {  	s16 =	sshll.u32 s16, $0x7  }
0x60: {  	s16 =	sand.u32 $0x1FFFFF80, s16  }
0x61: {  	s18 =	simm.s32 $0x600;
	s16 =	sadd.s32 s3, s16;
	s19 =	spop (v2sf)  }
0x62: {  	[tilespmem:s18], [sflag:$0x1] =	stream.linear.gather [hbm4b:s16+s1], $0x400, $0x38;
	[tilespmem:$0x18200] =	vst v63  }
0x63: {  	(v2sf) =	vpush v1, $0x4;
	s20 =	sand.u32 $0x7, s19  }
0x64: {  	s21 =	sshra.s32 s19, $0x1F;
	p4 =	slt.s32 s19, $0x1;
	p3 =	sne.s32 s20, $0x0  }
0x65: {  	s17 =	sshrl.u32 s21, $0x1D;
	p0 =	por !p4, !p3  }
0x66: {  	s16 =	sadd.s32 s17, s19;
	s17 =	simm.s32 $0x1;
	p0 =	por !p0, !p0  }
0x67: {  	s16 =	sshrl.u32 s16, $0x3;
	s17 =	simm.s32 @!p0 $0x0  }
0x68: {  	s22 =	simm.s32 $0xA00;
	s18 =	spop (v2sf);
	s16 =	ssub.s32 s16, s17  }
0x69: {  	s20 =	sshra.s32 s18, $0x1F;
	s19 =	sand.u32 $0x7, s18;
	s16 =	sshll.u32 s16, $0x7  }
0x6a: {  	(v2sf) =	vpush v1, $0x5;
	p6 =	slt.s32 s18, $0x1;
	p5 =	sne.s32 s19, $0x0;
	s16 =	sand.u32 $0x1FFFFF80, s16  }
0x6b: {  	p0 =	por !p6, !p5;
	s17 =	sshrl.u32 s20, $0x1D;
	s16 =	sadd.s32 s3, s16  }
0x6c: {  	[tilespmem:s22], [sflag:$0x1] =	stream.linear.gather [hbm4b:s16+s1], $0x400, $0x38;
	[tilespmem:$0x18200] =	vst v63  }
0x6d: {  	p0 =	por !p0, !p0;
	s16 =	sadd.s32 s17, s18;
	s17 =	simm.s32 $0x1  }
0x6e: {  	s16 =	sshrl.u32 s16, $0x3;
	s17 =	simm.s32 @!p0 $0x0  }
0x6f: {  	s16 =	ssub.s32 s16, s17  }
0x70: {  	s16 =	sshll.u32 s16, $0x7  }
0x71: {  	s16 =	sand.u32 $0x1FFFFF80, s16  }
0x72: {  	s21 =	simm.s32 $0xE00;
	s16 =	sadd.s32 s3, s16;
	s22 =	spop (v2sf)  }
0x73: {  	[tilespmem:s21], [sflag:$0x1] =	stream.linear.gather [hbm4b:s16+s1], $0x400, $0x38;
	[tilespmem:$0x18200] =	vst v63  }
0x74: {  	(v2sf) =	vpush v1, $0x6;
	s18 =	sand.u32 $0x7, s22  }
0x75: {  	s19 =	sshra.s32 s22, $0x1F;
	p2 =	slt.s32 s22, $0x1;
	p1 =	sne.s32 s18, $0x0  }
0x76: {  	s17 =	sshrl.u32 s19, $0x1D;
	p0 =	por !p2, !p1  }
0x77: {  	s16 =	sadd.s32 s17, s22;
	s17 =	simm.s32 $0x1;
	p0 =	por !p0, !p0  }
0x78: {  	s16 =	sshrl.u32 s16, $0x3;
	s17 =	simm.s32 @!p0 $0x0  }
0x79: {  	s20 =	simm.s32 $0x1200;
	s21 =	spop (v2sf);
	s16 =	ssub.s32 s16, s17  }
0x7a: {  	s18 =	sshra.s32 s21, $0x1F;
	s22 =	sand.u32 $0x7, s21;
	s16 =	sshll.u32 s16, $0x7  }
0x7b: {  	(v2sf) =	vpush v1, $0x7;
	p4 =	slt.s32 s21, $0x1;
	p3 =	sne.s32 s22, $0x0;
	s16 =	sand.u32 $0x1FFFFF80, s16  }
0x7c: {  	p0 =	por !p4, !p3;
	s17 =	sshrl.u32 s18, $0x1D;
	s16 =	sadd.s32 s3, s16  }
0x7d: {  	[tilespmem:s20], [sflag:$0x1] =	stream.linear.gather [hbm4b:s16+s1], $0x400, $0x38;
	[tilespmem:$0x18200] =	vst v63  }
0x7e: {  	p0 =	por !p0, !p0;
	s16 =	sadd.s32 s17, s21;
	s17 =	simm.s32 $0x1  }
0x7f: {  	s16 =	sshrl.u32 s16, $0x3;
	s17 =	simm.s32 @!p0 $0x0  }
0x80: {  	s16 =	ssub.s32 s16, s17  }
0x81: {  	s16 =	sshll.u32 s16, $0x7  }
0x82: {  	s16 =	sand.u32 $0x1FFFFF80, s16  }
0x83: {  	s19 =	simm.s32 $0x1600;
	s16 =	sadd.s32 s3, s16;
	s20 =	spop (v2sf)  }
0x84: {  	[tilespmem:s19], [sflag:$0x1] =	stream.linear.gather [hbm4b:s16+s1], $0x400, $0x38;
	[tilespmem:$0x18200] =	vst v63  }
0x85: {  	(v2sf) =	vpush v1, $0x8;
	s21 =	sand.u32 $0x7, s20  }
0x86: {  	s22 =	sshra.s32 s20, $0x1F;
	p6 =	slt.s32 s20, $0x1;
	p5 =	sne.s32 s21, $0x0  }
0x87: {  	s17 =	sshrl.u32 s22, $0x1D;
	p0 =	por !p6, !p5  }
0x88: {  	s16 =	sadd.s32 s17, s20;
	s17 =	simm.s32 $0x1;
	p0 =	por !p0, !p0  }
0x89: {  	s16 =	sshrl.u32 s16, $0x3;
	s17 =	simm.s32 @!p0 $0x0  }
0x8a: {  	s18 =	simm.s32 $0x1A00;
	s19 =	spop (v2sf);
	s16 =	ssub.s32 s16, s17  }
0x8b: {  	s21 =	sshra.s32 s19, $0x1F;
	s20 =	sand.u32 $0x7, s19;
	s16 =	sshll.u32 s16, $0x7  }
0x8c: {  	(v2sf) =	vpush v1, $0x9;
	p2 =	slt.s32 s19, $0x1;
	p1 =	sne.s32 s20, $0x0;
	s16 =	sand.u32 $0x1FFFFF80, s16  }
0x8d: {  	p0 =	por !p2, !p1;
	s17 =	sshrl.u32 s21, $0x1D;
	s16 =	sadd.s32 s3, s16  }
0x8e: {  	[tilespmem:s18], [sflag:$0x1] =	stream.linear.gather [hbm4b:s16+s1], $0x400, $0x38;
	[tilespmem:$0x18200] =	vst v63  }
0x8f: {  	p0 =	por !p0, !p0;
	s16 =	sadd.s32 s17, s19;
	s17 =	simm.s32 $0x1  }
0x90: {  	s16 =	sshrl.u32 s16, $0x3;
	s17 =	simm.s32 @!p0 $0x0  }
0x91: {  	s16 =	ssub.s32 s16, s17  }
0x92: {  	s16 =	sshll.u32 s16, $0x7  }
0x93: {  	s16 =	sand.u32 $0x1FFFFF80, s16  }
0x94: {  	s22 =	simm.s32 $0x1E00;
	s16 =	sadd.s32 s3, s16;
	s18 =	spop (v2sf)  }
0x95: {  	[tilespmem:s22], [sflag:$0x1] =	stream.linear.gather [hbm4b:s16+s1], $0x400, $0x38;
	[tilespmem:$0x18200] =	vst v63  }
0x96: {  	(v2sf) =	vpush v1, $0xA;
	s19 =	sand.u32 $0x7, s18  }
0x97: {  	s20 =	sshra.s32 s18, $0x1F;
	p4 =	slt.s32 s18, $0x1;
	p3 =	sne.s32 s19, $0x0  }
0x98: {  	s17 =	sshrl.u32 s20, $0x1D;
	p0 =	por !p4, !p3  }
0x99: {  	s16 =	sadd.s32 s17, s18;
	s17 =	simm.s32 $0x1;
	p0 =	por !p0, !p0  }
0x9a: {  	s16 =	sshrl.u32 s16, $0x3;
	s17 =	simm.s32 @!p0 $0x0  }
0x9b: {  	s21 =	simm.s32 $0x2200;
	s22 =	spop (v2sf);
	s16 =	ssub.s32 s16, s17  }
0x9c: {  	s19 =	sshra.s32 s22, $0x1F;
	s18 =	sand.u32 $0x7, s22;
	s16 =	sshll.u32 s16, $0x7  }
0x9d: {  	(v2sf) =	vpush v1, $0xB;
	p6 =	slt.s32 s22, $0x1;
	p5 =	sne.s32 s18, $0x0;
	s16 =	sand.u32 $0x1FFFFF80, s16  }
0x9e: {  	p0 =	por !p6, !p5;
	s17 =	sshrl.u32 s19, $0x1D;
	s16 =	sadd.s32 s3, s16  }
0x9f: {  	[tilespmem:s21], [sflag:$0x1] =	stream.linear.gather [hbm4b:s16+s1], $0x400, $0x38;
	[tilespmem:$0x18200] =	vst v63  }
0xa0: {  	p0 =	por !p0, !p0;
	s16 =	sadd.s32 s17, s22;
	s17 =	simm.s32 $0x1  }
0xa1: {  	s16 =	sshrl.u32 s16, $0x3;
	s17 =	simm.s32 @!p0 $0x0  }
0xa2: {  	s16 =	ssub.s32 s16, s17  }
0xa3: {  	s16 =	sshll.u32 s16, $0x7  }
0xa4: {  	s16 =	sand.u32 $0x1FFFFF80, s16  }
0xa5: {  	s20 =	simm.s32 $0x2600;
	s16 =	sadd.s32 s3, s16;
	s21 =	spop (v2sf)  }
0xa6: {  	v16 =	vld [tilespmem:$0x1FCA0];
	[tilespmem:s20], [sflag:$0x1] =	stream.linear.gather [hbm4b:s16+s1], $0x400, $0x38  }
0xa7: {  	v17 =	vld [tilespmem:$0x1FCB0];
	(v2sf) =	vpush v1, $0xC;
	s22 =	sand.u32 $0x7, s21  }
0xa8: {  	v18 =	vld [tilespmem:$0x1FCC0];
	s18 =	sshra.s32 s21, $0x1F;
	p2 =	slt.s32 s21, $0x1;
	p1 =	sne.s32 s22, $0x0  }
0xa9: {  	v19 =	vld [tilespmem:$0x1FCD0];
	s17 =	sshrl.u32 s18, $0x1D;
	p0 =	por !p2, !p1  }
0xaa: {  	v20 =	vld [tilespmem:$0x1FCE0];
	s16 =	sadd.s32 s17, s21;
	s17 =	simm.s32 $0x1;
	p0 =	por !p0, !p0  }
0xab: {  	v21 =	vld [tilespmem:$0x1FCF0];
	s16 =	sshrl.u32 s16, $0x3;
	s17 =	simm.s32 @!p0 $0x0  }
0xac: {  	v22 =	vld [tilespmem:$0x1FD00];
	s19 =	simm.s32 $0x2A00;
	s20 =	spop (v2sf);
	s16 =	ssub.s32 s16, s17  }
0xad: {  	v23 =	vld [tilespmem:$0x1FD10];
	s22 =	sshra.s32 s20, $0x1F;
	s21 =	sand.u32 $0x7, s20;
	s16 =	sshll.u32 s16, $0x7  }
0xae: {  	v24 =	vld [tilespmem:$0x1FD20];
	(v2sf) =	vpush v1, $0xD;
	p4 =	slt.s32 s20, $0x1;
	p3 =	sne.s32 s21, $0x0;
	s16 =	sand.u32 $0x1FFFFF80, s16  }
0xaf: {  	v25 =	vld [tilespmem:$0x1FD30];
	p0 =	por !p4, !p3;
	s17 =	sshrl.u32 s22, $0x1D;
	s16 =	sadd.s32 s3, s16  }
0xb0: {  	v26 =	vld [tilespmem:$0x1FD40];
	[tilespmem:s19], [sflag:$0x1] =	stream.linear.gather [hbm4b:s16+s1], $0x400, $0x38  }
0xb1: {  	v27 =	vld [tilespmem:$0x1FD50];
	p0 =	por !p0, !p0;
	s16 =	sadd.s32 s17, s20;
	s17 =	simm.s32 $0x1  }
0xb2: {  	v28 =	vld [tilespmem:$0x1FD60];
	s16 =	sshrl.u32 s16, $0x3;
	s17 =	simm.s32 @!p0 $0x0  }
0xb3: {  	v29 =	vld [tilespmem:$0x1FD70];
	s16 =	ssub.s32 s16, s17  }
0xb4: {  	v30 =	vld [tilespmem:$0x1FD80];
	s16 =	sshll.u32 s16, $0x7  }
0xb5: {  	v31 =	vld [tilespmem:$0x1FD90];
	s16 =	sand.u32 $0x1FFFFF80, s16  }
0xb6: {  	v32 =	vld [tilespmem:$0x1FDA0];
	s18 =	simm.s32 $0x2E00;
	s16 =	sadd.s32 s3, s16;
	s19 =	spop (v2sf)  }
0xb7: {  	v33 =	vld [tilespmem:$0x1FDB0];
	[tilespmem:s18], [sflag:$0x1] =	stream.linear.gather [hbm4b:s16+s1], $0x400, $0x38  }
0xb8: {  	v34 =	vld [tilespmem:$0x1FDC0];
	(v2sf) =	vpush v1, $0xE;
	s20 =	sand.u32 $0x7, s19  }
0xb9: {  	v35 =	vld [tilespmem:$0x1FDD0];
	s21 =	sshra.s32 s19, $0x1F;
	p6 =	slt.s32 s19, $0x1;
	p5 =	sne.s32 s20, $0x0  }
0xba: {  	v36 =	vld [tilespmem:$0x1FDE0];
	s17 =	sshrl.u32 s21, $0x1D;
	p0 =	por !p6, !p5  }
0xbb: {  	v37 =	vld [tilespmem:$0x1FDF0];
	s16 =	sadd.s32 s17, s19;
	s17 =	simm.s32 $0x1;
	p0 =	por !p0, !p0  }
0xbc: {  	v38 =	vld [tilespmem:$0x1FE00];
	s16 =	sshrl.u32 s16, $0x3;
	s17 =	simm.s32 @!p0 $0x0  }
0xbd: {  	v39 =	vld [tilespmem:$0x1FE10];
	s22 =	simm.s32 $0x3200;
	s18 =	spop (v2sf);
	s16 =	ssub.s32 s16, s17  }
0xbe: {  	v40 =	vld [tilespmem:$0x1FE20];
	s20 =	sshra.s32 s18, $0x1F;
	s19 =	sand.u32 $0x7, s18;
	s16 =	sshll.u32 s16, $0x7  }
0xbf: {  	v41 =	vld [tilespmem:$0x1FE30];
	(v2sf) =	vpush v1, $0xF;
	p2 =	slt.s32 s18, $0x1;
	p1 =	sne.s32 s19, $0x0;
	s16 =	sand.u32 $0x1FFFFF80, s16  }
0xc0: {  	v42 =	vld [tilespmem:$0x1FE40];
	p0 =	por !p2, !p1;
	s17 =	sshrl.u32 s20, $0x1D;
	s16 =	sadd.s32 s3, s16  }
0xc1: {  	v43 =	vld [tilespmem:$0x1FE50];
	[tilespmem:s22], [sflag:$0x1] =	stream.linear.gather [hbm4b:s16+s1], $0x400, $0x38  }
0xc2: {  	v44 =	vld [tilespmem:$0x1FE60];
	p0 =	por !p0, !p0;
	s16 =	sadd.s32 s17, s18;
	s17 =	simm.s32 $0x1  }
0xc3: {  	v45 =	vld [tilespmem:$0x1FE70];
	s16 =	sshrl.u32 s16, $0x3;
	s17 =	simm.s32 @!p0 $0x0  }
0xc4: {  	v46 =	vld [tilespmem:$0x1FE80];
	s16 =	ssub.s32 s16, s17  }
0xc5: {  	v47 =	vld [tilespmem:$0x1FE90];
	s16 =	sshll.u32 s16, $0x7  }
0xc6: {  	v48 =	vld [tilespmem:$0x1FEA0];
	s16 =	sand.u32 $0x1FFFFF80, s16  }
0xc7: {  	v49 =	vld [tilespmem:$0x1FEB0];
	s22 =	simm.s32 $0x3600;
	s21 =	spop (v2sf);
	s16 =	sadd.s32 s3, s16  }
0xc8: {  	v50 =	vld [tilespmem:$0x1FEC0];
	[tilespmem:s22], [sflag:$0x1] =	stream.linear.gather [hbm4b:s16+s1], $0x400, $0x38  }
0xc9: {  	v51 =	vld [tilespmem:$0x1FED0];
	s18 =	sand.u32 $0x7, s21  }
0xca: {  	v52 =	vld [tilespmem:$0x1FEE0];
	s19 =	sshra.s32 s21, $0x1F;
	p4 =	slt.s32 s21, $0x1;
	p3 =	sne.s32 s18, $0x0  }
0xcb: {  	v53 =	vld [tilespmem:$0x1FEF0];
	s16 =	sshrl.u32 s19, $0x1D;
	p0 =	por !p4, !p3  }
0xcc: {  	v54 =	vld [tilespmem:$0x1FF00];
	s17 =	simm.s32 $0x1;
	s16 =	sadd.s32 s16, s21;
	p0 =	por !p0, !p0  }
0xcd: {  	v55 =	vld [tilespmem:$0x1FF10];
	s16 =	sshrl.u32 s16, $0x3;
	s17 =	simm.s32 @!p0 $0x0  }
0xce: {  	v56 =	vld [tilespmem:$0x1FF20];
	s20 =	spop (v2sf);
	s16 =	ssub.s32 s16, s17  }
0xcf: {  	v57 =	vld [tilespmem:$0x1FF30];
	s22 =	sshra.s32 s20, $0x1F;
	s21 =	sand.u32 $0x7, s20;
	s16 =	sshll.u32 s16, $0x7  }
0xd0: {  	v58 =	vld [tilespmem:$0x1FF40];
	p6 =	slt.s32 s20, $0x1;
	p5 =	sne.s32 s21, $0x0;
	s16 =	sand.u32 $0x1FFFFF80, s16  }
0xd1: {  	v59 =	vld [tilespmem:$0x1FF50];
	p0 =	por !p6, !p5;
	s17 =	sshrl.u32 s22, $0x1D;
	s16 =	sadd.s32 s3, s16  }
0xd2: {  	v60 =	vld [tilespmem:$0x1FF60];
	[tilespmem:s23], [sflag:$0x1] =	stream.linear.gather [hbm4b:s16+s1], $0x400, $0x38  }
0xd3: {  	v61 =	vld [tilespmem:$0x1FF70];
	p0 =	por !p0, !p0;
	s16 =	sadd.s32 s17, s20;
	s17 =	simm.s32 $0x1  }
0xd4: {  	v0 =	vld [tilespmem:$0x1FF80];
	s16 =	sshrl.u32 s16, $0x3;
	s17 =	simm.s32 @!p0 $0x0  }
0xd5: {  	v8 =	vld [tilespmem:$0x1FFD0];
	s16 =	ssub.s32 s16, s17  }
.Ltmp2:
0xd6: {  	v7 =	vld [tilespmem:$0x1FF90];
	s16 =	sshll.u32 s16, $0x7;
	(pc) =	sbr.rel .LBB2_2-.Ltmp2, $4  }
0xd7: {  	v12 =	vld [tilespmem:$0x1FFA0];
	s16 =	sand.u32 $0x1FFFFF80, s16  }
0xd8: {  	v13 =	vld [tilespmem:$0x1FFB0];
	s16 =	sadd.s32 s3, s16  }
0xd9: {  	v14 =	vld [tilespmem:$0x1FFC0];
	[tilespmem:s24], [sflag:$0x1] =	stream.linear.gather [hbm4b:s16+s1], $0x400, $0x38  }
0xda: {  	v15 =	vld [tilespmem:$0x1FFE0];
	s17 =	simm.s32 $0x20;
	s16 =	simm.s32 $0x80  }
.LBB2_4:
0xdb: {  	_ =	swait.ge [sflag:s15], $0x400  }
0xdc: {  	[sflag:s15] =	ssyncset.done $0x0  }
0xdd: {  	[sflag:s15] =	ssyncadd.s32 $0xFFFFFC00  }
0xde: {  	_ =	swait.ge [sflag:s15], $0x400  }
0xdf: {  	[sflag:s15] =	ssyncset.done $0x0  }
0xe0: {  	[sflag:s15] =	ssyncadd.s32 $0xFFFFFC00  }
0xe1: {  	_ =	swait.ge [sflag:s15], $0x400  }
0xe2: {  	[sflag:s15] =	ssyncset.done $0x0  }
0xe3: {  	[sflag:s15] =	ssyncadd.s32 $0xFFFFFC00  }
0xe4: {  	_ =	swait.ge [sflag:s15], $0x400  }
0xe5: {  	[sflag:s15] =	ssyncset.done $0x0  }
0xe6: {  	[sflag:s15] =	ssyncadd.s32 $0xFFFFFC00  }
0xe7: {  	_ =	swait.ge [sflag:s15], $0x400  }
0xe8: {  	[sflag:s15] =	ssyncset.done $0x0  }
0xe9: {  	[sflag:s15] =	ssyncadd.s32 $0xFFFFFC00  }
0xea: {  	_ =	swait.ge [sflag:s15], $0x400  }
0xeb: {  	[sflag:s15] =	ssyncset.done $0x0  }
0xec: {  	[sflag:s15] =	ssyncadd.s32 $0xFFFFFC00  }
0xed: {  	_ =	swait.ge [sflag:s15], $0x400  }
0xee: {  	[sflag:s15] =	ssyncset.done $0x0  }
0xef: {  	[sflag:s15] =	ssyncadd.s32 $0xFFFFFC00  }
0xf0: {  	_ =	swait.ge [sflag:s15], $0x400  }
0xf1: {  	[sflag:s15] =	ssyncset.done $0x0  }
0xf2: {  	[sflag:s15] =	ssyncadd.s32 $0xFFFFFC00  }
0xf3: {  	_ =	swait.ge [sflag:s15], $0x400  }
0xf4: {  	[sflag:s15] =	ssyncset.done $0x0  }
0xf5: {  	[sflag:s15] =	ssyncadd.s32 $0xFFFFFC00  }
0xf6: {  	_ =	swait.ge [sflag:s15], $0x400  }
0xf7: {  	[sflag:s15] =	ssyncset.done $0x0  }
0xf8: {  	[sflag:s15] =	ssyncadd.s32 $0xFFFFFC00  }
0xf9: {  	_ =	swait.ge [sflag:s15], $0x400  }
0xfa: {  	[sflag:s15] =	ssyncset.done $0x0  }
0xfb: {  	[sflag:s15] =	ssyncadd.s32 $0xFFFFFC00  }
0xfc: {  	_ =	swait.ge [sflag:s15], $0x400  }
0xfd: {  	[sflag:s15] =	ssyncset.done $0x0  }
0xfe: {  	[sflag:s15] =	ssyncadd.s32 $0xFFFFFC00  }
0xff: {  	_ =	swait.ge [sflag:s15], $0x400  }
0x100: {  	[sflag:s15] =	ssyncset.done $0x0  }
0x101: {  	[sflag:s15] =	ssyncadd.s32 $0xFFFFFC00  }
0x102: {  	_ =	swait.ge [sflag:s15], $0x400  }
0x103: {  	[sflag:s15] =	ssyncset.done $0x0  }
0x104: {  	[sflag:s15] =	ssyncadd.s32 $0xFFFFFC00  }
0x105: {  	_ =	swait.ge [sflag:s15], $0x400  }
0x106: {  	[sflag:s15] =	ssyncset.done $0x0  }
0x107: {  	[sflag:s15] =	ssyncadd.s32 $0xFFFFFC00  }
0x108: {  	_ =	swait.ge [sflag:s15], $0x400  }
0x109: {  	[sflag:s15] =	ssyncset.done $0x0  }
0x10a: {  	[sflag:s15] =	ssyncadd.s32 $0xFFFFFC00  }
0x10b: {  	v2 =	vld [tilespmem:s19+$0x0];
	_ =	sdelay $0x4  }
0x10c: {  	v2 =	vshll.u32 v2, $0x7  }
0x10d: {  	v2 =	vand.u32 $0x380, v2  }
0x10e: {  	v0 =	vld [tilespmem:$0x1FC50];
	v3 =	vor.u32 v8, v2;
	_ =	sdelay $0x2  }
0x10f: {  	v4 =	vmov s18  }
0x110: {  	v4 =	vshll.u32 v4, $0x7  }
0x111: {  	v5 =	vld.idx.msk [tilespmem:v3+s25+$0x0], $0xffff;
	v3 =	vor.u32 v0, v4  }
0x112: {  	v4 =	vor.u32 v6, v2;
	_ =	sdelay $0x3  }
0x113: {  	[tilespmem:v3+s14+$0x0] =	vst.idx.msk $0xffff, v5  }
0x114: {  	v5 =	vor.u32 $0x1, v3;
	v4 =	vld.idx.msk [tilespmem:v4+s25+$0x0], $0xffff  }
0x115: {  	v62 =	vmov v6;
	v6 =	vor.u32 v9, v2;
	_ =	sdelay $0x3  }
0x116: {  	[tilespmem:v5+s14+$0x0] =	vst.idx.msk $0xffff, v4  }
0x117: {  	v5 =	vor.u32 $0x2, v3;
	v4 =	vld.idx.msk [tilespmem:v6+s25+$0x0], $0xffff  }
0x118: {  	v6 =	vor.u32 v10, v2  }
0x119: {  	v11 =	vld [tilespmem:$0x1FFF0];
	_ =	sdelay $0x2  }
0x11a: {  	[tilespmem:v5+s14+$0x0] =	vst.idx.msk $0xffff, v4  }
0x11b: {  	v5 =	vor.u32 $0x3, v3;
	v4 =	vld.idx.msk [tilespmem:v6+s25+$0x0], $0xffff  }
0x11c: {  	v6 =	vor.u32 v11, v2  }
0x11d: {  	v0 =	vld [tilespmem:$0x1FC60];
	_ =	sdelay $0x2  }
0x11e: {  	[tilespmem:v5+s14+$0x0] =	vst.idx.msk $0xffff, v4  }
0x11f: {  	v5 =	vor.u32 $0x4, v3;
	v4 =	vld.idx.msk [tilespmem:v6+s25+$0x0], $0xffff  }
0x120: {  	v6 =	vor.u32 v0, v2  }
0x121: {  	v0 =	vld [tilespmem:$0x1FC70];
	_ =	sdelay $0x2  }
0x122: {  	[tilespmem:v5+s14+$0x0] =	vst.idx.msk $0xffff, v4  }
0x123: {  	v5 =	vor.u32 $0x5, v3;
	v4 =	vld.idx.msk [tilespmem:v6+s25+$0x0], $0xffff  }
0x124: {  	v6 =	vor.u32 v0, v2  }
0x125: {  	v0 =	vld [tilespmem:$0x1FC80];
	_ =	sdelay $0x2  }
0x126: {  	[tilespmem:v5+s14+$0x0] =	vst.idx.msk $0xffff, v4  }
0x127: {  	v5 =	vor.u32 $0x6, v3;
	v4 =	vld.idx.msk [tilespmem:v6+s25+$0x0], $0xffff  }
0x128: {  	v6 =	vor.u32 v0, v2  }
0x129: {  	v0 =	vld [tilespmem:$0x1FC90];
	_ =	sdelay $0x2  }
0x12a: {  	[tilespmem:v5+s14+$0x0] =	vst.idx.msk $0xffff, v4  }
0x12b: {  	v5 =	vor.u32 $0x7, v3;
	v4 =	vld.idx.msk [tilespmem:v6+s25+$0x0], $0xffff  }
0x12c: {  	v6 =	vor.u32 v0, v2  }
0x12d: {  	v16 =	vld [tilespmem:$0x1FCA0];
	_ =	sdelay $0x2  }
0x12e: {  	[tilespmem:v5+s14+$0x0] =	vst.idx.msk $0xffff, v4  }
0x12f: {  	v5 =	vor.u32 $0x8, v3;
	v4 =	vld.idx.msk [tilespmem:v6+s25+$0x0], $0xffff  }
0x130: {  	v6 =	vor.u32 v16, v2  }
0x131: {  	v17 =	vld [tilespmem:$0x1FCB0];
	_ =	sdelay $0x2  }
0x132: {  	[tilespmem:v5+s14+$0x0] =	vst.idx.msk $0xffff, v4  }
0x133: {  	v5 =	vor.u32 $0x9, v3;
	v4 =	vld.idx.msk [tilespmem:v6+s25+$0x0], $0xffff  }
0x134: {  	v6 =	vor.u32 v17, v2  }
0x135: {  	v18 =	vld [tilespmem:$0x1FCC0];
	_ =	sdelay $0x2  }
0x136: {  	[tilespmem:v5+s14+$0x0] =	vst.idx.msk $0xffff, v4  }
0x137: {  	v5 =	vor.u32 $0xA, v3;
	v4 =	vld.idx.msk [tilespmem:v6+s25+$0x0], $0xffff  }
0x138: {  	v6 =	vor.u32 v18, v2  }
0x139: {  	v19 =	vld [tilespmem:$0x1FCD0];
	_ =	sdelay $0x2  }
0x13a: {  	[tilespmem:v5+s14+$0x0] =	vst.idx.msk $0xffff, v4  }
0x13b: {  	v5 =	vor.u32 $0xB, v3;
	v4 =	vld.idx.msk [tilespmem:v6+s25+$0x0], $0xffff  }
0x13c: {  	v6 =	vor.u32 v19, v2  }
0x13d: {  	v20 =	vld [tilespmem:$0x1FCE0];
	_ =	sdelay $0x2  }
0x13e: {  	[tilespmem:v5+s14+$0x0] =	vst.idx.msk $0xffff, v4  }
0x13f: {  	v5 =	vor.u32 $0xC, v3;
	v4 =	vld.idx.msk [tilespmem:v6+s25+$0x0], $0xffff  }
0x140: {  	v6 =	vor.u32 v20, v2  }
0x141: {  	v21 =	vld [tilespmem:$0x1FCF0];
	_ =	sdelay $0x2  }
0x142: {  	[tilespmem:v5+s14+$0x0] =	vst.idx.msk $0xffff, v4  }
0x143: {  	v5 =	vor.u32 $0xD, v3;
	v4 =	vld.idx.msk [tilespmem:v6+s25+$0x0], $0xffff  }
0x144: {  	v6 =	vor.u32 v21, v2  }
0x145: {  	v22 =	vld [tilespmem:$0x1FD00];
	_ =	sdelay $0x2  }
0x146: {  	[tilespmem:v5+s14+$0x0] =	vst.idx.msk $0xffff, v4  }
0x147: {  	v5 =	vor.u32 $0xE, v3;
	v4 =	vld.idx.msk [tilespmem:v6+s25+$0x0], $0xffff  }
0x148: {  	v6 =	vor.u32 v22, v2  }
0x149: {  	v23 =	vld [tilespmem:$0x1FD10];
	_ =	sdelay $0x2  }
0x14a: {  	[tilespmem:v5+s14+$0x0] =	vst.idx.msk $0xffff, v4  }
0x14b: {  	v5 =	vor.u32 $0xF, v3;
	v4 =	vld.idx.msk [tilespmem:v6+s25+$0x0], $0xffff  }
0x14c: {  	v6 =	vor.u32 v23, v2  }
0x14d: {  	v24 =	vld [tilespmem:$0x1FD20];
	_ =	sdelay $0x2  }
0x14e: {  	[tilespmem:v5+s14+$0x0] =	vst.idx.msk $0xffff, v4  }
0x14f: {  	v5 =	vor.u32 $0x10, v3;
	v4 =	vld.idx.msk [tilespmem:v6+s25+$0x0], $0xffff  }
0x150: {  	v6 =	vor.u32 v24, v2  }
0x151: {  	v25 =	vld [tilespmem:$0x1FD30];
	_ =	sdelay $0x2  }
0x152: {  	[tilespmem:v5+s14+$0x0] =	vst.idx.msk $0xffff, v4  }
0x153: {  	v5 =	vor.u32 $0x11, v3;
	v4 =	vld.idx.msk [tilespmem:v6+s25+$0x0], $0xffff  }
0x154: {  	v6 =	vor.u32 v25, v2  }
0x155: {  	v26 =	vld [tilespmem:$0x1FD40];
	_ =	sdelay $0x2  }
0x156: {  	[tilespmem:v5+s14+$0x0] =	vst.idx.msk $0xffff, v4  }
0x157: {  	v5 =	vor.u32 $0x12, v3;
	v4 =	vld.idx.msk [tilespmem:v6+s25+$0x0], $0xffff  }
0x158: {  	v6 =	vor.u32 v26, v2  }
0x159: {  	v27 =	vld [tilespmem:$0x1FD50];
	_ =	sdelay $0x2  }
0x15a: {  	[tilespmem:v5+s14+$0x0] =	vst.idx.msk $0xffff, v4  }
0x15b: {  	v5 =	vor.u32 $0x13, v3;
	v4 =	vld.idx.msk [tilespmem:v6+s25+$0x0], $0xffff  }
0x15c: {  	v6 =	vor.u32 v27, v2  }
0x15d: {  	v28 =	vld [tilespmem:$0x1FD60];
	_ =	sdelay $0x2  }
0x15e: {  	[tilespmem:v5+s14+$0x0] =	vst.idx.msk $0xffff, v4  }
0x15f: {  	v5 =	vor.u32 $0x14, v3;
	v4 =	vld.idx.msk [tilespmem:v6+s25+$0x0], $0xffff  }
0x160: {  	v6 =	vor.u32 v28, v2  }
0x161: {  	v29 =	vld [tilespmem:$0x1FD70];
	_ =	sdelay $0x2  }
0x162: {  	[tilespmem:v5+s14+$0x0] =	vst.idx.msk $0xffff, v4  }
0x163: {  	v5 =	vor.u32 $0x15, v3;
	v4 =	vld.idx.msk [tilespmem:v6+s25+$0x0], $0xffff  }
0x164: {  	v6 =	vor.u32 v29, v2  }
0x165: {  	v30 =	vld [tilespmem:$0x1FD80];
	_ =	sdelay $0x2  }
0x166: {  	[tilespmem:v5+s14+$0x0] =	vst.idx.msk $0xffff, v4  }
0x167: {  	v5 =	vor.u32 $0x16, v3;
	v4 =	vld.idx.msk [tilespmem:v6+s25+$0x0], $0xffff  }
0x168: {  	v6 =	vor.u32 v30, v2  }
0x169: {  	v31 =	vld [tilespmem:$0x1FD90];
	_ =	sdelay $0x2  }
0x16a: {  	[tilespmem:v5+s14+$0x0] =	vst.idx.msk $0xffff, v4  }
0x16b: {  	v5 =	vor.u32 $0x17, v3;
	v4 =	vld.idx.msk [tilespmem:v6+s25+$0x0], $0xffff  }
0x16c: {  	v6 =	vor.u32 v31, v2  }
0x16d: {  	v32 =	vld [tilespmem:$0x1FDA0];
	_ =	sdelay $0x2  }
0x16e: {  	[tilespmem:v5+s14+$0x0] =	vst.idx.msk $0xffff, v4  }
0x16f: {  	v5 =	vor.u32 $0x18, v3;
	v4 =	vld.idx.msk [tilespmem:v6+s25+$0x0], $0xffff  }
0x170: {  	v6 =	vor.u32 v32, v2  }
0x171: {  	v33 =	vld [tilespmem:$0x1FDB0];
	_ =	sdelay $0x2  }
0x172: {  	[tilespmem:v5+s14+$0x0] =	vst.idx.msk $0xffff, v4  }
0x173: {  	v5 =	vor.u32 $0x19, v3;
	v4 =	vld.idx.msk [tilespmem:v6+s25+$0x0], $0xffff  }
0x174: {  	v6 =	vor.u32 v33, v2  }
0x175: {  	v34 =	vld [tilespmem:$0x1FDC0];
	_ =	sdelay $0x2  }
0x176: {  	[tilespmem:v5+s14+$0x0] =	vst.idx.msk $0xffff, v4  }
0x177: {  	v5 =	vor.u32 $0x1A, v3;
	v4 =	vld.idx.msk [tilespmem:v6+s25+$0x0], $0xffff  }
0x178: {  	v6 =	vor.u32 v34, v2  }
0x179: {  	v35 =	vld [tilespmem:$0x1FDD0];
	_ =	sdelay $0x2  }
0x17a: {  	[tilespmem:v5+s14+$0x0] =	vst.idx.msk $0xffff, v4  }
0x17b: {  	v5 =	vor.u32 $0x1B, v3;
	v4 =	vld.idx.msk [tilespmem:v6+s25+$0x0], $0xffff  }
0x17c: {  	v6 =	vor.u32 v35, v2  }
0x17d: {  	v36 =	vld [tilespmem:$0x1FDE0];
	_ =	sdelay $0x2  }
0x17e: {  	[tilespmem:v5+s14+$0x0] =	vst.idx.msk $0xffff, v4  }
0x17f: {  	v5 =	vor.u32 $0x1C, v3;
	v4 =	vld.idx.msk [tilespmem:v6+s25+$0x0], $0xffff  }
0x180: {  	v6 =	vor.u32 v36, v2  }
0x181: {  	v37 =	vld [tilespmem:$0x1FDF0];
	_ =	sdelay $0x2  }
0x182: {  	[tilespmem:v5+s14+$0x0] =	vst.idx.msk $0xffff, v4  }
0x183: {  	v5 =	vor.u32 $0x1D, v3;
	v4 =	vld.idx.msk [tilespmem:v6+s25+$0x0], $0xffff  }
0x184: {  	v6 =	vor.u32 v37, v2  }
0x185: {  	v38 =	vld [tilespmem:$0x1FE00];
	_ =	sdelay $0x2  }
0x186: {  	[tilespmem:v5+s14+$0x0] =	vst.idx.msk $0xffff, v4  }
0x187: {  	v5 =	vor.u32 $0x1E, v3;
	v4 =	vld.idx.msk [tilespmem:v6+s25+$0x0], $0xffff  }
0x188: {  	v6 =	vor.u32 v38, v2  }
0x189: {  	v39 =	vld [tilespmem:$0x1FE10];
	_ =	sdelay $0x2  }
0x18a: {  	[tilespmem:v5+s14+$0x0] =	vst.idx.msk $0xffff, v4  }
0x18b: {  	v5 =	vor.u32 $0x1F, v3;
	v4 =	vld.idx.msk [tilespmem:v6+s25+$0x0], $0xffff  }
0x18c: {  	v6 =	vor.u32 v39, v2  }
0x18d: {  	v40 =	vld [tilespmem:$0x1FE20];
	_ =	sdelay $0x2  }
0x18e: {  	[tilespmem:v5+s14+$0x0] =	vst.idx.msk $0xffff, v4  }
0x18f: {  	v5 =	vor.u32 $0x20, v3;
	v4 =	vld.idx.msk [tilespmem:v6+s25+$0x0], $0xffff  }
0x190: {  	v6 =	vor.u32 v40, v2  }
0x191: {  	v41 =	vld [tilespmem:$0x1FE30];
	_ =	sdelay $0x2  }
0x192: {  	[tilespmem:v5+s14+$0x0] =	vst.idx.msk $0xffff, v4  }
0x193: {  	v5 =	vor.u32 $0x21, v3;
	v4 =	vld.idx.msk [tilespmem:v6+s25+$0x0], $0xffff  }
0x194: {  	v6 =	vor.u32 v41, v2  }
0x195: {  	v42 =	vld [tilespmem:$0x1FE40];
	_ =	sdelay $0x2  }
0x196: {  	[tilespmem:v5+s14+$0x0] =	vst.idx.msk $0xffff, v4  }
0x197: {  	v5 =	vor.u32 $0x22, v3;
	v4 =	vld.idx.msk [tilespmem:v6+s25+$0x0], $0xffff  }
0x198: {  	v6 =	vor.u32 v42, v2  }
0x199: {  	v43 =	vld [tilespmem:$0x1FE50];
	_ =	sdelay $0x2  }
0x19a: {  	[tilespmem:v5+s14+$0x0] =	vst.idx.msk $0xffff, v4  }
0x19b: {  	v5 =	vor.u32 $0x23, v3;
	v4 =	vld.idx.msk [tilespmem:v6+s25+$0x0], $0xffff  }
0x19c: {  	v6 =	vor.u32 v43, v2  }
0x19d: {  	v44 =	vld [tilespmem:$0x1FE60];
	_ =	sdelay $0x2  }
0x19e: {  	[tilespmem:v5+s14+$0x0] =	vst.idx.msk $0xffff, v4  }
0x19f: {  	v5 =	vor.u32 $0x24, v3;
	v4 =	vld.idx.msk [tilespmem:v6+s25+$0x0], $0xffff  }
0x1a0: {  	v6 =	vor.u32 v44, v2  }
0x1a1: {  	v45 =	vld [tilespmem:$0x1FE70];
	_ =	sdelay $0x2  }
0x1a2: {  	[tilespmem:v5+s14+$0x0] =	vst.idx.msk $0xffff, v4  }
0x1a3: {  	v5 =	vor.u32 $0x25, v3;
	v4 =	vld.idx.msk [tilespmem:v6+s25+$0x0], $0xffff  }
0x1a4: {  	v6 =	vor.u32 v45, v2  }
0x1a5: {  	v46 =	vld [tilespmem:$0x1FE80];
	_ =	sdelay $0x2  }
0x1a6: {  	[tilespmem:v5+s14+$0x0] =	vst.idx.msk $0xffff, v4  }
0x1a7: {  	v5 =	vor.u32 $0x26, v3;
	v4 =	vld.idx.msk [tilespmem:v6+s25+$0x0], $0xffff  }
0x1a8: {  	v6 =	vor.u32 v46, v2  }
0x1a9: {  	v47 =	vld [tilespmem:$0x1FE90];
	_ =	sdelay $0x2  }
0x1aa: {  	[tilespmem:v5+s14+$0x0] =	vst.idx.msk $0xffff, v4  }
0x1ab: {  	v5 =	vor.u32 $0x27, v3;
	v4 =	vld.idx.msk [tilespmem:v6+s25+$0x0], $0xffff  }
0x1ac: {  	v6 =	vor.u32 v47, v2  }
0x1ad: {  	v48 =	vld [tilespmem:$0x1FEA0];
	_ =	sdelay $0x2  }
0x1ae: {  	[tilespmem:v5+s14+$0x0] =	vst.idx.msk $0xffff, v4  }
0x1af: {  	v5 =	vor.u32 $0x28, v3;
	v4 =	vld.idx.msk [tilespmem:v6+s25+$0x0], $0xffff  }
0x1b0: {  	v6 =	vor.u32 v48, v2  }
0x1b1: {  	v49 =	vld [tilespmem:$0x1FEB0];
	_ =	sdelay $0x2  }
0x1b2: {  	[tilespmem:v5+s14+$0x0] =	vst.idx.msk $0xffff, v4  }
0x1b3: {  	v5 =	vor.u32 $0x29, v3;
	v4 =	vld.idx.msk [tilespmem:v6+s25+$0x0], $0xffff  }
0x1b4: {  	v6 =	vor.u32 v49, v2  }
0x1b5: {  	v50 =	vld [tilespmem:$0x1FEC0];
	_ =	sdelay $0x2  }
0x1b6: {  	[tilespmem:v5+s14+$0x0] =	vst.idx.msk $0xffff, v4  }
0x1b7: {  	v5 =	vor.u32 $0x2A, v3;
	v4 =	vld.idx.msk [tilespmem:v6+s25+$0x0], $0xffff  }
0x1b8: {  	v6 =	vor.u32 v50, v2  }
0x1b9: {  	v51 =	vld [tilespmem:$0x1FED0];
	_ =	sdelay $0x2  }
0x1ba: {  	[tilespmem:v5+s14+$0x0] =	vst.idx.msk $0xffff, v4  }
0x1bb: {  	v5 =	vor.u32 $0x2B, v3;
	v4 =	vld.idx.msk [tilespmem:v6+s25+$0x0], $0xffff  }
0x1bc: {  	v6 =	vor.u32 v51, v2  }
0x1bd: {  	v52 =	vld [tilespmem:$0x1FEE0];
	_ =	sdelay $0x2  }
0x1be: {  	[tilespmem:v5+s14+$0x0] =	vst.idx.msk $0xffff, v4  }
0x1bf: {  	v5 =	vor.u32 $0x2C, v3;
	v4 =	vld.idx.msk [tilespmem:v6+s25+$0x0], $0xffff  }
0x1c0: {  	v6 =	vor.u32 v52, v2  }
0x1c1: {  	v53 =	vld [tilespmem:$0x1FEF0];
	_ =	sdelay $0x2  }
0x1c2: {  	[tilespmem:v5+s14+$0x0] =	vst.idx.msk $0xffff, v4  }
0x1c3: {  	v5 =	vor.u32 $0x2D, v3;
	v4 =	vld.idx.msk [tilespmem:v6+s25+$0x0], $0xffff  }
0x1c4: {  	v6 =	vor.u32 v53, v2  }
0x1c5: {  	v54 =	vld [tilespmem:$0x1FF00];
	_ =	sdelay $0x2  }
0x1c6: {  	[tilespmem:v5+s14+$0x0] =	vst.idx.msk $0xffff, v4  }
0x1c7: {  	v5 =	vor.u32 $0x2E, v3;
	v4 =	vld.idx.msk [tilespmem:v6+s25+$0x0], $0xffff  }
0x1c8: {  	v6 =	vor.u32 v54, v2  }
0x1c9: {  	v55 =	vld [tilespmem:$0x1FF10];
	_ =	sdelay $0x2  }
0x1ca: {  	[tilespmem:v5+s14+$0x0] =	vst.idx.msk $0xffff, v4  }
0x1cb: {  	v5 =	vor.u32 $0x2F, v3;
	v4 =	vld.idx.msk [tilespmem:v6+s25+$0x0], $0xffff  }
0x1cc: {  	v6 =	vor.u32 v55, v2  }
0x1cd: {  	v56 =	vld [tilespmem:$0x1FF20];
	_ =	sdelay $0x2  }
0x1ce: {  	[tilespmem:v5+s14+$0x0] =	vst.idx.msk $0xffff, v4  }
0x1cf: {  	v5 =	vor.u32 $0x30, v3;
	v4 =	vld.idx.msk [tilespmem:v6+s25+$0x0], $0xffff  }
0x1d0: {  	v6 =	vor.u32 v56, v2  }
0x1d1: {  	v57 =	vld [tilespmem:$0x1FF30];
	_ =	sdelay $0x2  }
0x1d2: {  	[tilespmem:v5+s14+$0x0] =	vst.idx.msk $0xffff, v4  }
0x1d3: {  	v5 =	vor.u32 $0x31, v3;
	v4 =	vld.idx.msk [tilespmem:v6+s25+$0x0], $0xffff  }
0x1d4: {  	v6 =	vor.u32 v57, v2  }
0x1d5: {  	v58 =	vld [tilespmem:$0x1FF40];
	_ =	sdelay $0x2  }
0x1d6: {  	[tilespmem:v5+s14+$0x0] =	vst.idx.msk $0xffff, v4  }
0x1d7: {  	v5 =	vor.u32 $0x32, v3;
	v4 =	vld.idx.msk [tilespmem:v6+s25+$0x0], $0xffff  }
0x1d8: {  	v6 =	vor.u32 v58, v2  }
0x1d9: {  	v59 =	vld [tilespmem:$0x1FF50];
	_ =	sdelay $0x2  }
0x1da: {  	[tilespmem:v5+s14+$0x0] =	vst.idx.msk $0xffff, v4  }
0x1db: {  	v5 =	vor.u32 $0x33, v3;
	v4 =	vld.idx.msk [tilespmem:v6+s25+$0x0], $0xffff  }
0x1dc: {  	v6 =	vor.u32 v59, v2  }
0x1dd: {  	v60 =	vld [tilespmem:$0x1FF60];
	_ =	sdelay $0x2  }
0x1de: {  	[tilespmem:v5+s14+$0x0] =	vst.idx.msk $0xffff, v4  }
0x1df: {  	v5 =	vor.u32 $0x34, v3;
	v4 =	vld.idx.msk [tilespmem:v6+s25+$0x0], $0xffff  }
0x1e0: {  	v6 =	vor.u32 v60, v2  }
0x1e1: {  	v61 =	vld [tilespmem:$0x1FF70];
	_ =	sdelay $0x2  }
0x1e2: {  	[tilespmem:v5+s14+$0x0] =	vst.idx.msk $0xffff, v4  }
0x1e3: {  	v5 =	vor.u32 $0x35, v3;
	v4 =	vld.idx.msk [tilespmem:v6+s25+$0x0], $0xffff  }
0x1e4: {  	v6 =	vor.u32 v61, v2  }
0x1e5: {  	v0 =	vld [tilespmem:$0x1FF80];
	_ =	sdelay $0x2  }
0x1e6: {  	[tilespmem:v5+s14+$0x0] =	vst.idx.msk $0xffff, v4  }
0x1e7: {  	v5 =	vor.u32 $0x36, v3;
	v4 =	vld.idx.msk [tilespmem:v6+s25+$0x0], $0xffff  }
0x1e8: {  	v6 =	vor.u32 v0, v2  }
0x1e9: {  	v7 =	vld [tilespmem:$0x1FF90];
	_ =	sdelay $0x2  }
0x1ea: {  	[tilespmem:v5+s14+$0x0] =	vst.idx.msk $0xffff, v4  }
0x1eb: {  	v5 =	vor.u32 $0x37, v3;
	v4 =	vld.idx.msk [tilespmem:v6+s25+$0x0], $0xffff  }
0x1ec: {  	v6 =	vor.u32 v7, v2  }
0x1ed: {  	v12 =	vld [tilespmem:$0x1FFA0];
	_ =	sdelay $0x2  }
0x1ee: {  	[tilespmem:v5+s14+$0x0] =	vst.idx.msk $0xffff, v4  }
0x1ef: {  	v5 =	vor.u32 $0x38, v3;
	v4 =	vld.idx.msk [tilespmem:v6+s25+$0x0], $0xffff  }
0x1f0: {  	v6 =	vor.u32 v12, v2  }
0x1f1: {  	v13 =	vld [tilespmem:$0x1FFB0];
	_ =	sdelay $0x2  }
0x1f2: {  	[tilespmem:v5+s14+$0x0] =	vst.idx.msk $0xffff, v4  }
0x1f3: {  	v5 =	vor.u32 $0x39, v3;
	v4 =	vld.idx.msk [tilespmem:v6+s25+$0x0], $0xffff  }
0x1f4: {  	v6 =	vor.u32 v13, v2  }
0x1f5: {  	v14 =	vld [tilespmem:$0x1FFC0];
	_ =	sdelay $0x2  }
0x1f6: {  	[tilespmem:v5+s14+$0x0] =	vst.idx.msk $0xffff, v4  }
0x1f7: {  	v5 =	vor.u32 $0x3A, v3;
	v4 =	vld.idx.msk [tilespmem:v6+s25+$0x0], $0xffff  }
0x1f8: {  	v6 =	vor.u32 v14, v2  }
0x1f9: {  	v15 =	vld [tilespmem:$0x1FFE0];
	_ =	sdelay $0x2  }
0x1fa: {  	[tilespmem:v5+s14+$0x0] =	vst.idx.msk $0xffff, v4  }
0x1fb: {  	v5 =	vor.u32 $0x3B, v3;
	v4 =	vld.idx.msk [tilespmem:v6+s25+$0x0], $0xffff  }
0x1fc: {  	v6 =	vor.u32 v15, v2;
	_ =	sdelay $0x3  }
0x1fd: {  	[tilespmem:v5+s14+$0x0] =	vst.idx.msk $0xffff, v4  }
0x1fe: {  	v4 =	vld.idx.msk [tilespmem:v6+s25+$0x0], $0xffff  }
0x1ff: {  	v6 =	vld [tilespmem:$0x1FC40];
	_ =	sdelay $0x3  }
0x200: {  	v5 =	vor.u32 $0x3C, v3  }
0x201: {  	v6 =	vor.u32 v6, v2;
	_ =	sdelay $0x3  }
0x202: {  	[tilespmem:v5+s14+$0x0] =	vst.idx.msk $0xffff, v4  }
0x203: {  	v5 =	vor.u32 $0x3D, v3;
	v4 =	vld.idx.msk [tilespmem:v6+s25+$0x0], $0xffff  }
0x204: {  	v6 =	vor.u32 v63, v2;
	_ =	sdelay $0x3  }
0x205: {  	[tilespmem:v5+s14+$0x0] =	vst.idx.msk $0xffff, v4  }
0x206: {  	v5 =	vor.u32 $0x3E, v3;
	v4 =	vld.idx.msk [tilespmem:v6+s25+$0x0], $0xffff  }
0x207: {  	v1 =	vor.u32 v1, v2;
	_ =	sdelay $0x3  }
0x208: {  	s17 =	sadd.s32 $0x20, s17;
	[tilespmem:v5+s14+$0x0] =	vst.idx.msk $0xffff, v4  }
0x209: {  	p0 =	sne.s32 s17, $0x220;
	v2 =	vor.u32 $0x3F, v3;
	v1 =	vld.idx.msk [tilespmem:v1+s25+$0x0], $0xffff  }
.Ltmp3:
0x20a: {  	_ = 	snop;
	(pc) =	sbr.rel @!p0 .LBB2_5-.Ltmp3, $2  }
0x20b: {  	_ =	sdelay $0x2  }
0x20c: {  	s16 =	sadd.s32 $0x80, s16;
	v6 =	vmov v62;
	v5 =	vmov v10;
	v4 =	vmov v9;
	[tilespmem:v2+s14+$0x0] =	vst.idx.msk $0xffff, v1  }
.LBB2_2:
0x20d: {  	s19 =	sadd.s32 $0xFFFFFF80, s16  }
0x20e: {  	s18 =	sadd.s32 $0xFFFFFFF0, s17;
	s19 =	sand.u32 $0x600, s19  }
0x20f: {  	s21 =	sand.u32 $0x70, s18;
	s20 =	sshrl.u32 s19, $0x2  }
0x210: {  	s19 =	sor.u32 s21, s20  }
0x211: {  	v1 =	vld [tilespmem:s19+$0x0];
	_ =	sdelay $0x4  }
0x212: {  	(v2sf) =	vpush v1, $0x0;
	_ =	sdelay $0xa  }
0x213: {  	(v2sf) =	vpush v1, $0x1;
	_ =	sdelay $0x3  }
0x214: {  	s21 =	spop (v2sf)  }
0x215: {  	s22 =	sand.u32 $0x7, s21  }
0x216: {  	p1 =	slt.s32 s21, $0x1;
	p0 =	sne.s32 s22, $0x0;
	s22 =	sshra.s32 s21, $0x1F  }
0x217: {  	s22 =	sshrl.u32 s22, $0x1D;
	p0 =	por !p1, !p0  }
0x218: {  	s21 =	sadd.s32 s22, s21;
	p0 =	por !p0, !p0;
	s22 =	simm.s32 $0x1  }
0x219: {  	s21 =	sshrl.u32 s21, $0x3;
	s22 =	simm.s32 @!p0 $0x0  }
0x21a: {  	s21 =	ssub.s32 s21, s22  }
0x21b: {  	(v2sf) =	vpush v1, $0x2;
	s21 =	sshll.u32 s21, $0x7  }
0x21c: {  	s21 =	sand.u32 $0x1FFFFF80, s21  }
0x21d: {  	s21 =	sadd.s32 s3, s21  }
0x21e: {  	[tilespmem:s25], [sflag:$0x2] =	stream.linear.gather [hbm4b:s21+s1], $0x400, $0x38;
	[tilespmem:$0x18200] =	vst v63  }
0x21f: {  	s21 =	spop (v2sf)  }
0x220: {  	s22 =	sand.u32 $0x7, s21  }
0x221: {  	p2 =	slt.s32 s21, $0x1;
	p1 =	sne.s32 s22, $0x0;
	s22 =	sshra.s32 s21, $0x1F  }
0x222: {  	s22 =	sshrl.u32 s22, $0x1D;
	p0 =	por !p2, !p1  }
0x223: {  	s21 =	sadd.s32 s22, s21;
	p0 =	por !p0, !p0;
	s22 =	simm.s32 $0x1  }
0x224: {  	s21 =	sshrl.u32 s21, $0x3;
	s22 =	simm.s32 @!p0 $0x0  }
0x225: {  	s21 =	ssub.s32 s21, s22  }
0x226: {  	(v2sf) =	vpush v1, $0x3;
	s21 =	sshll.u32 s21, $0x7  }
0x227: {  	s21 =	sand.u32 $0x1FFFFF80, s21  }
0x228: {  	s21 =	sadd.s32 s3, s21  }
0x229: {  	[tilespmem:s26], [sflag:$0x2] =	stream.linear.gather [hbm4b:s21+s1], $0x400, $0x38;
	[tilespmem:$0x18200] =	vst v63  }
0x22a: {  	s21 =	spop (v2sf)  }
0x22b: {  	s22 =	sand.u32 $0x7, s21  }
0x22c: {  	p4 =	slt.s32 s21, $0x1;
	p3 =	sne.s32 s22, $0x0;
	s22 =	sshra.s32 s21, $0x1F  }
0x22d: {  	s22 =	sshrl.u32 s22, $0x1D;
	p0 =	por !p4, !p3  }
0x22e: {  	s21 =	sadd.s32 s22, s21;
	p0 =	por !p0, !p0;
	s22 =	simm.s32 $0x1  }
0x22f: {  	s21 =	sshrl.u32 s21, $0x3;
	s22 =	simm.s32 @!p0 $0x0  }
0x230: {  	s21 =	ssub.s32 s21, s22  }
0x231: {  	(v2sf) =	vpush v1, $0x4;
	s21 =	sshll.u32 s21, $0x7  }
0x232: {  	s21 =	sand.u32 $0x1FFFFF80, s21  }
0x233: {  	s21 =	sadd.s32 s3, s21  }
0x234: {  	[tilespmem:s28], [sflag:$0x2] =	stream.linear.gather [hbm4b:s21+s1], $0x400, $0x38;
	[tilespmem:$0x18200] =	vst v63  }
0x235: {  	s21 =	spop (v2sf)  }
0x236: {  	s22 =	sand.u32 $0x7, s21  }
0x237: {  	p6 =	slt.s32 s21, $0x1;
	p5 =	sne.s32 s22, $0x0;
	s22 =	sshra.s32 s21, $0x1F  }
0x238: {  	s22 =	sshrl.u32 s22, $0x1D;
	p0 =	por !p6, !p5  }
0x239: {  	s21 =	sadd.s32 s22, s21;
	p0 =	por !p0, !p0;
	s22 =	simm.s32 $0x1  }
0x23a: {  	s21 =	sshrl.u32 s21, $0x3;
	s22 =	simm.s32 @!p0 $0x0  }
0x23b: {  	s21 =	ssub.s32 s21, s22  }
0x23c: {  	(v2sf) =	vpush v1, $0x5;
	s21 =	sshll.u32 s21, $0x7  }
0x23d: {  	s21 =	sand.u32 $0x1FFFFF80, s21  }
0x23e: {  	s21 =	sadd.s32 s3, s21  }
0x23f: {  	[tilespmem:s29], [sflag:$0x2] =	stream.linear.gather [hbm4b:s21+s1], $0x400, $0x38;
	[tilespmem:$0x18200] =	vst v63  }
0x240: {  	s21 =	spop (v2sf)  }
0x241: {  	s22 =	sand.u32 $0x7, s21  }
0x242: {  	p2 =	slt.s32 s21, $0x1;
	p1 =	sne.s32 s22, $0x0;
	s22 =	sshra.s32 s21, $0x1F  }
0x243: {  	s22 =	sshrl.u32 s22, $0x1D;
	p0 =	por !p2, !p1  }
0x244: {  	s21 =	sadd.s32 s22, s21;
	p0 =	por !p0, !p0;
	s22 =	simm.s32 $0x1  }
0x245: {  	s21 =	sshrl.u32 s21, $0x3;
	s22 =	simm.s32 @!p0 $0x0  }
0x246: {  	s21 =	ssub.s32 s21, s22  }
0x247: {  	(v2sf) =	vpush v1, $0x6;
	s21 =	sshll.u32 s21, $0x7  }
0x248: {  	s21 =	sand.u32 $0x1FFFFF80, s21  }
0x249: {  	s21 =	sadd.s32 s3, s21  }
0x24a: {  	[tilespmem:s30], [sflag:$0x2] =	stream.linear.gather [hbm4b:s21+s1], $0x400, $0x38;
	[tilespmem:$0x18200] =	vst v63  }
0x24b: {  	s21 =	spop (v2sf)  }
0x24c: {  	s22 =	sand.u32 $0x7, s21  }
0x24d: {  	p4 =	slt.s32 s21, $0x1;
	p3 =	sne.s32 s22, $0x0;
	s22 =	sshra.s32 s21, $0x1F  }
0x24e: {  	s22 =	sshrl.u32 s22, $0x1D;
	p0 =	por !p4, !p3  }
0x24f: {  	s21 =	sadd.s32 s22, s21;
	p0 =	por !p0, !p0;
	s22 =	simm.s32 $0x1  }
0x250: {  	s21 =	sshrl.u32 s21, $0x3;
	s22 =	simm.s32 @!p0 $0x0  }
0x251: {  	s21 =	ssub.s32 s21, s22  }
0x252: {  	(v2sf) =	vpush v1, $0x7;
	s21 =	sshll.u32 s21, $0x7  }
0x253: {  	s21 =	sand.u32 $0x1FFFFF80, s21  }
0x254: {  	s21 =	sadd.s32 s3, s21  }
0x255: {  	[tilespmem:s31], [sflag:$0x2] =	stream.linear.gather [hbm4b:s21+s1], $0x400, $0x38;
	[tilespmem:$0x18200] =	vst v63  }
0x256: {  	s21 =	spop (v2sf)  }
0x257: {  	s22 =	sand.u32 $0x7, s21  }
0x258: {  	p6 =	slt.s32 s21, $0x1;
	p5 =	sne.s32 s22, $0x0;
	s22 =	sshra.s32 s21, $0x1F  }
0x259: {  	s22 =	sshrl.u32 s22, $0x1D;
	p0 =	por !p6, !p5  }
0x25a: {  	s21 =	sadd.s32 s22, s21;
	p0 =	por !p0, !p0;
	s22 =	simm.s32 $0x1  }
0x25b: {  	s21 =	sshrl.u32 s21, $0x3;
	s22 =	simm.s32 @!p0 $0x0  }
0x25c: {  	s21 =	ssub.s32 s21, s22  }
0x25d: {  	(v2sf) =	vpush v1, $0x8;
	s21 =	sshll.u32 s21, $0x7  }
0x25e: {  	s21 =	sand.u32 $0x1FFFFF80, s21  }
0x25f: {  	s21 =	sadd.s32 s3, s21  }
0x260: {  	[tilespmem:s0], [sflag:$0x2] =	stream.linear.gather [hbm4b:s21+s1], $0x400, $0x38;
	[tilespmem:$0x18200] =	vst v63  }
0x261: {  	s21 =	spop (v2sf)  }
0x262: {  	s22 =	sand.u32 $0x7, s21  }
0x263: {  	p2 =	slt.s32 s21, $0x1;
	p1 =	sne.s32 s22, $0x0;
	s22 =	sshra.s32 s21, $0x1F  }
0x264: {  	s22 =	sshrl.u32 s22, $0x1D;
	p0 =	por !p2, !p1  }
0x265: {  	s21 =	sadd.s32 s22, s21;
	p0 =	por !p0, !p0;
	s22 =	simm.s32 $0x1  }
0x266: {  	s21 =	sshrl.u32 s21, $0x3;
	s22 =	simm.s32 @!p0 $0x0  }
0x267: {  	s21 =	ssub.s32 s21, s22  }
0x268: {  	(v2sf) =	vpush v1, $0x9;
	s21 =	sshll.u32 s21, $0x7  }
0x269: {  	s21 =	sand.u32 $0x1FFFFF80, s21  }
0x26a: {  	s21 =	sadd.s32 s3, s21  }
0x26b: {  	[tilespmem:s2], [sflag:$0x2] =	stream.linear.gather [hbm4b:s21+s1], $0x400, $0x38;
	[tilespmem:$0x18200] =	vst v63  }
0x26c: {  	s21 =	spop (v2sf)  }
0x26d: {  	s22 =	sand.u32 $0x7, s21  }
0x26e: {  	p4 =	slt.s32 s21, $0x1;
	p3 =	sne.s32 s22, $0x0;
	s22 =	sshra.s32 s21, $0x1F  }
0x26f: {  	s22 =	sshrl.u32 s22, $0x1D;
	p0 =	por !p4, !p3  }
0x270: {  	s21 =	sadd.s32 s22, s21;
	p0 =	por !p0, !p0;
	s22 =	simm.s32 $0x1  }
0x271: {  	s21 =	sshrl.u32 s21, $0x3;
	s22 =	simm.s32 @!p0 $0x0  }
0x272: {  	s21 =	ssub.s32 s21, s22  }
0x273: {  	(v2sf) =	vpush v1, $0xA;
	s21 =	sshll.u32 s21, $0x7  }
0x274: {  	s21 =	sand.u32 $0x1FFFFF80, s21  }
0x275: {  	s21 =	sadd.s32 s3, s21  }
0x276: {  	[tilespmem:s4], [sflag:$0x2] =	stream.linear.gather [hbm4b:s21+s1], $0x400, $0x38;
	[tilespmem:$0x18200] =	vst v63  }
0x277: {  	s21 =	spop (v2sf)  }
0x278: {  	s22 =	sand.u32 $0x7, s21  }
0x279: {  	p6 =	slt.s32 s21, $0x1;
	p5 =	sne.s32 s22, $0x0;
	s22 =	sshra.s32 s21, $0x1F  }
0x27a: {  	s22 =	sshrl.u32 s22, $0x1D;
	p0 =	por !p6, !p5  }
0x27b: {  	s21 =	sadd.s32 s22, s21;
	p0 =	por !p0, !p0;
	s22 =	simm.s32 $0x1  }
0x27c: {  	s21 =	sshrl.u32 s21, $0x3;
	s22 =	simm.s32 @!p0 $0x0  }
0x27d: {  	s21 =	ssub.s32 s21, s22  }
0x27e: {  	(v2sf) =	vpush v1, $0xB;
	s21 =	sshll.u32 s21, $0x7  }
0x27f: {  	s21 =	sand.u32 $0x1FFFFF80, s21  }
0x280: {  	s21 =	sadd.s32 s3, s21  }
0x281: {  	[tilespmem:s5], [sflag:$0x2] =	stream.linear.gather [hbm4b:s21+s1], $0x400, $0x38;
	[tilespmem:$0x18200] =	vst v63  }
0x282: {  	s21 =	spop (v2sf)  }
0x283: {  	s22 =	sand.u32 $0x7, s21  }
0x284: {  	p2 =	slt.s32 s21, $0x1;
	p1 =	sne.s32 s22, $0x0;
	s22 =	sshra.s32 s21, $0x1F  }
0x285: {  	s22 =	sshrl.u32 s22, $0x1D;
	p0 =	por !p2, !p1  }
0x286: {  	s21 =	sadd.s32 s22, s21;
	p0 =	por !p0, !p0;
	s22 =	simm.s32 $0x1  }
0x287: {  	s21 =	sshrl.u32 s21, $0x3;
	s22 =	simm.s32 @!p0 $0x0  }
0x288: {  	s21 =	ssub.s32 s21, s22  }
0x289: {  	(v2sf) =	vpush v1, $0xC;
	s21 =	sshll.u32 s21, $0x7  }
0x28a: {  	s21 =	sand.u32 $0x1FFFFF80, s21  }
0x28b: {  	s21 =	sadd.s32 s3, s21  }
0x28c: {  	[tilespmem:s6], [sflag:$0x2] =	stream.linear.gather [hbm4b:s21+s1], $0x400, $0x38;
	[tilespmem:$0x18200] =	vst v63  }
0x28d: {  	s21 =	spop (v2sf)  }
0x28e: {  	s22 =	sand.u32 $0x7, s21  }
0x28f: {  	p4 =	slt.s32 s21, $0x1;
	p3 =	sne.s32 s22, $0x0;
	s22 =	sshra.s32 s21, $0x1F  }
0x290: {  	s22 =	sshrl.u32 s22, $0x1D;
	p0 =	por !p4, !p3  }
0x291: {  	s21 =	sadd.s32 s22, s21;
	p0 =	por !p0, !p0;
	s22 =	simm.s32 $0x1  }
0x292: {  	s21 =	sshrl.u32 s21, $0x3;
	s22 =	simm.s32 @!p0 $0x0  }
0x293: {  	s21 =	ssub.s32 s21, s22  }
0x294: {  	(v2sf) =	vpush v1, $0xD;
	s21 =	sshll.u32 s21, $0x7  }
0x295: {  	s21 =	sand.u32 $0x1FFFFF80, s21  }
0x296: {  	s21 =	sadd.s32 s3, s21  }
0x297: {  	[tilespmem:s7], [sflag:$0x2] =	stream.linear.gather [hbm4b:s21+s1], $0x400, $0x38;
	[tilespmem:$0x18200] =	vst v63  }
0x298: {  	s21 =	spop (v2sf)  }
0x299: {  	s22 =	sand.u32 $0x7, s21  }
0x29a: {  	p6 =	slt.s32 s21, $0x1;
	p5 =	sne.s32 s22, $0x0;
	s22 =	sshra.s32 s21, $0x1F  }
0x29b: {  	s22 =	sshrl.u32 s22, $0x1D;
	p0 =	por !p6, !p5  }
0x29c: {  	s21 =	sadd.s32 s22, s21;
	p0 =	por !p0, !p0;
	s22 =	simm.s32 $0x1  }
0x29d: {  	(v2sf) =	vpush v1, $0xE;
	s21 =	sshrl.u32 s21, $0x3;
	s22 =	simm.s32 @!p0 $0x0  }
0x29e: {  	s21 =	ssub.s32 s21, s22  }
0x29f: {  	s21 =	sshll.u32 s21, $0x7  }
0x2a0: {  	s21 =	sand.u32 $0x1FFFFF80, s21  }
0x2a1: {  	s21 =	sadd.s32 s3, s21  }
0x2a2: {  	[tilespmem:s10], [sflag:$0x2] =	stream.linear.gather [hbm4b:s21+s1], $0x400, $0x38;
	[tilespmem:$0x18200] =	vst v63  }
0x2a3: {  	s21 =	spop (v2sf)  }
0x2a4: {  	s22 =	sand.u32 $0x7, s21  }
0x2a5: {  	p2 =	slt.s32 s21, $0x1;
	p1 =	sne.s32 s22, $0x0;
	s22 =	sshra.s32 s21, $0x1F  }
0x2a6: {  	s22 =	sshrl.u32 s22, $0x1D;
	p0 =	por !p2, !p1  }
0x2a7: {  	s21 =	sadd.s32 s22, s21;
	p0 =	por !p0, !p0;
	s22 =	simm.s32 $0x1  }
0x2a8: {  	s21 =	sshrl.u32 s21, $0x3;
	s22 =	simm.s32 @!p0 $0x0  }
0x2a9: {  	(v2sf) =	vpush v1, $0xF;
	s21 =	ssub.s32 s21, s22  }
0x2aa: {  	s21 =	sshll.u32 s21, $0x7  }
0x2ab: {  	s21 =	sand.u32 $0x1FFFFF80, s21  }
0x2ac: {  	s22 =	spop (v2sf);
	s21 =	sadd.s32 s3, s21  }
0x2ad: {  	[tilespmem:s11], [sflag:$0x2] =	stream.linear.gather [hbm4b:s21+s1], $0x400, $0x38;
	[tilespmem:$0x18200] =	vst v63  }
0x2ae: {  	s21 =	sand.u32 $0x7, s22  }
0x2af: {  	p4 =	slt.s32 s22, $0x1;
	p3 =	sne.s32 s21, $0x0;
	s21 =	sshra.s32 s22, $0x1F  }
0x2b0: {  	s21 =	sshrl.u32 s21, $0x1D;
	p0 =	por !p4, !p3  }
0x2b1: {  	s21 =	sadd.s32 s21, s22;
	p0 =	por !p0, !p0;
	s22 =	simm.s32 $0x1  }
0x2b2: {  	s21 =	sshrl.u32 s21, $0x3;
	s22 =	simm.s32 @!p0 $0x0  }
0x2b3: {  	s21 =	ssub.s32 s21, s22  }
0x2b4: {  	s21 =	sshll.u32 s21, $0x7  }
0x2b5: {  	s21 =	sand.u32 $0x1FFFFF80, s21  }
0x2b6: {  	s21 =	sadd.s32 s3, s21  }
0x2b7: {  	[tilespmem:s12], [sflag:$0x2] =	stream.linear.gather [hbm4b:s21+s1], $0x400, $0x38;
	[tilespmem:$0x18200] =	vst v63  }
0x2b8: {  	s21 =	spop (v2sf)  }
0x2b9: {  	s22 =	sand.u32 $0x7, s21  }
0x2ba: {  	p6 =	slt.s32 s21, $0x1;
	p5 =	sne.s32 s22, $0x0;
	s22 =	sshra.s32 s21, $0x1F  }
0x2bb: {  	s22 =	sshrl.u32 s22, $0x1D;
	p0 =	por !p6, !p5  }
0x2bc: {  	s21 =	sadd.s32 s22, s21;
	p0 =	por !p0, !p0;
	s22 =	simm.s32 $0x1  }
0x2bd: {  	s21 =	sshrl.u32 s21, $0x3;
	s22 =	simm.s32 @!p0 $0x0  }
0x2be: {  	s21 =	ssub.s32 s21, s22  }
0x2bf: {  	s21 =	sshll.u32 s21, $0x7  }
0x2c0: {  	s21 =	sand.u32 $0x1FFFFF80, s21  }
0x2c1: {  	s21 =	sadd.s32 s3, s21  }
0x2c2: {  	[tilespmem:s13], [sflag:$0x2] =	stream.linear.gather [hbm4b:s21+s1], $0x400, $0x38;
	[tilespmem:$0x18200] =	vst v63  }
0x2c3: {  	_ =	swait.ge [sflag:s8], $0x400  }
0x2c4: {  	[sflag:s8] =	ssyncset.done $0x0  }
0x2c5: {  	[sflag:s8] =	ssyncadd.s32 $0xFFFFFC00  }
0x2c6: {  	_ =	swait.ge [sflag:s8], $0x400  }
0x2c7: {  	[sflag:s8] =	ssyncset.done $0x0  }
0x2c8: {  	[sflag:s8] =	ssyncadd.s32 $0xFFFFFC00  }
0x2c9: {  	_ =	swait.ge [sflag:s8], $0x400  }
0x2ca: {  	[sflag:s8] =	ssyncset.done $0x0  }
0x2cb: {  	[sflag:s8] =	ssyncadd.s32 $0xFFFFFC00  }
0x2cc: {  	_ =	swait.ge [sflag:s8], $0x400  }
0x2cd: {  	[sflag:s8] =	ssyncset.done $0x0  }
0x2ce: {  	[sflag:s8] =	ssyncadd.s32 $0xFFFFFC00  }
0x2cf: {  	_ =	swait.ge [sflag:s8], $0x400  }
0x2d0: {  	[sflag:s8] =	ssyncset.done $0x0  }
0x2d1: {  	[sflag:s8] =	ssyncadd.s32 $0xFFFFFC00  }
0x2d2: {  	_ =	swait.ge [sflag:s8], $0x400  }
0x2d3: {  	[sflag:s8] =	ssyncset.done $0x0  }
0x2d4: {  	[sflag:s8] =	ssyncadd.s32 $0xFFFFFC00  }
0x2d5: {  	_ =	swait.ge [sflag:s8], $0x400  }
0x2d6: {  	[sflag:s8] =	ssyncset.done $0x0  }
0x2d7: {  	[sflag:s8] =	ssyncadd.s32 $0xFFFFFC00  }
0x2d8: {  	_ =	swait.ge [sflag:s8], $0x400  }
0x2d9: {  	[sflag:s8] =	ssyncset.done $0x0  }
0x2da: {  	[sflag:s8] =	ssyncadd.s32 $0xFFFFFC00  }
0x2db: {  	_ =	swait.ge [sflag:s8], $0x400  }
0x2dc: {  	[sflag:s8] =	ssyncset.done $0x0  }
0x2dd: {  	[sflag:s8] =	ssyncadd.s32 $0xFFFFFC00  }
0x2de: {  	_ =	swait.ge [sflag:s8], $0x400  }
0x2df: {  	[sflag:s8] =	ssyncset.done $0x0  }
0x2e0: {  	[sflag:s8] =	ssyncadd.s32 $0xFFFFFC00  }
0x2e1: {  	_ =	swait.ge [sflag:s8], $0x400  }
0x2e2: {  	[sflag:s8] =	ssyncset.done $0x0  }
0x2e3: {  	[sflag:s8] =	ssyncadd.s32 $0xFFFFFC00  }
0x2e4: {  	_ =	swait.ge [sflag:s8], $0x400  }
0x2e5: {  	[sflag:s8] =	ssyncset.done $0x0  }
0x2e6: {  	[sflag:s8] =	ssyncadd.s32 $0xFFFFFC00  }
0x2e7: {  	_ =	swait.ge [sflag:s8], $0x400  }
0x2e8: {  	[sflag:s8] =	ssyncset.done $0x0  }
0x2e9: {  	[sflag:s8] =	ssyncadd.s32 $0xFFFFFC00  }
0x2ea: {  	_ =	swait.ge [sflag:s8], $0x400  }
0x2eb: {  	[sflag:s8] =	ssyncset.done $0x0  }
0x2ec: {  	[sflag:s8] =	ssyncadd.s32 $0xFFFFFC00  }
0x2ed: {  	_ =	swait.ge [sflag:s8], $0x400  }
0x2ee: {  	[sflag:s8] =	ssyncset.done $0x0  }
0x2ef: {  	[sflag:s8] =	ssyncadd.s32 $0xFFFFFC00  }
0x2f0: {  	s21 =	sadd.s32 $0xFFFFFFE0, s17;
	_ =	swait.ge [sflag:s8], $0x400  }
0x2f1: {  	s22 =	sand.u32 $0x60, s21;
	[sflag:s8] =	ssyncset.done $0x0  }
0x2f2: {  	s20 =	sor.u32 s22, s20;
	[sflag:s8] =	ssyncadd.s32 $0xFFFFFC00  }
0x2f3: {  	v1 =	vld [tilespmem:s20+$0x0];
	_ =	sdelay $0x4  }
0x2f4: {  	v1 =	vshll.u32 v1, $0x7  }
0x2f5: {  	v2 =	vand.u32 $0x380, v1  }
0x2f6: {  	v9 =	vld [tilespmem:$0x1FC50];
	v1 =	vor.u32 v8, v2;
	_ =	sdelay $0x2  }
0x2f7: {  	v3 =	vmov s21  }
0x2f8: {  	v3 =	vshll.u32 v3, $0x7  }
0x2f9: {  	v3 =	vor.u32 v9, v3;
	v1 =	vld.idx.msk [tilespmem:v1+s9+$0x0], $0xffff  }
0x2fa: {  	v62 =	vor.u32 v6, v2;
	_ =	sdelay $0x3  }
0x2fb: {  	[tilespmem:v3+s14+$0x0] =	vst.idx.msk $0xffff, v1  }
0x2fc: {  	v1 =	vld.idx.msk [tilespmem:v62+s9+$0x0], $0xffff;
	v62 =	vor.u32 $0x1, v3  }
0x2fd: {  	v63 =	vor.u32 v4, v2;
	_ =	sdelay $0x3  }
0x2fe: {  	[tilespmem:v62+s14+$0x0] =	vst.idx.msk $0xffff, v1  }
0x2ff: {  	v62 =	vor.u32 $0x2, v3;
	v1 =	vld.idx.msk [tilespmem:v63+s9+$0x0], $0xffff  }
0x300: {  	v63 =	vor.u32 v5, v2;
	_ =	sdelay $0x3  }
0x301: {  	[tilespmem:v62+s14+$0x0] =	vst.idx.msk $0xffff, v1  }
0x302: {  	v62 =	vor.u32 $0x3, v3;
	v1 =	vld.idx.msk [tilespmem:v63+s9+$0x0], $0xffff  }
0x303: {  	v63 =	vor.u32 v11, v2  }
0x304: {  	v9 =	vmov v4;
	v4 =	vld [tilespmem:$0x1FC60];
	_ =	sdelay $0x2  }
0x305: {  	[tilespmem:v62+s14+$0x0] =	vst.idx.msk $0xffff, v1  }
0x306: {  	v62 =	vor.u32 $0x4, v3;
	v1 =	vld.idx.msk [tilespmem:v63+s9+$0x0], $0xffff  }
0x307: {  	v63 =	vor.u32 v4, v2  }
0x308: {  	v4 =	vld [tilespmem:$0x1FC70];
	_ =	sdelay $0x2  }
0x309: {  	[tilespmem:v62+s14+$0x0] =	vst.idx.msk $0xffff, v1  }
0x30a: {  	v62 =	vor.u32 $0x5, v3;
	v1 =	vld.idx.msk [tilespmem:v63+s9+$0x0], $0xffff  }
0x30b: {  	v63 =	vor.u32 v4, v2  }
0x30c: {  	v4 =	vld [tilespmem:$0x1FC80];
	_ =	sdelay $0x2  }
0x30d: {  	[tilespmem:v62+s14+$0x0] =	vst.idx.msk $0xffff, v1  }
0x30e: {  	v62 =	vor.u32 $0x6, v3;
	v1 =	vld.idx.msk [tilespmem:v63+s9+$0x0], $0xffff  }
0x30f: {  	v63 =	vor.u32 v4, v2  }
0x310: {  	v4 =	vld [tilespmem:$0x1FC90];
	_ =	sdelay $0x2  }
0x311: {  	[tilespmem:v62+s14+$0x0] =	vst.idx.msk $0xffff, v1  }
0x312: {  	v62 =	vor.u32 $0x7, v3;
	v1 =	vld.idx.msk [tilespmem:v63+s9+$0x0], $0xffff  }
0x313: {  	v63 =	vor.u32 v4, v2;
	_ =	sdelay $0x3  }
0x314: {  	[tilespmem:v62+s14+$0x0] =	vst.idx.msk $0xffff, v1  }
0x315: {  	v62 =	vor.u32 $0x8, v3;
	v1 =	vld.idx.msk [tilespmem:v63+s9+$0x0], $0xffff  }
0x316: {  	v16 =	vor.u32 v16, v2;
	_ =	sdelay $0x3  }
0x317: {  	[tilespmem:v62+s14+$0x0] =	vst.idx.msk $0xffff, v1  }
0x318: {  	v1 =	vld.idx.msk [tilespmem:v16+s9+$0x0], $0xffff;
	v16 =	vor.u32 $0x9, v3  }
0x319: {  	v17 =	vor.u32 v17, v2;
	_ =	sdelay $0x3  }
0x31a: {  	[tilespmem:v16+s14+$0x0] =	vst.idx.msk $0xffff, v1  }
0x31b: {  	v16 =	vor.u32 $0xA, v3;
	v1 =	vld.idx.msk [tilespmem:v17+s9+$0x0], $0xffff  }
0x31c: {  	v17 =	vor.u32 v18, v2;
	_ =	sdelay $0x3  }
0x31d: {  	[tilespmem:v16+s14+$0x0] =	vst.idx.msk $0xffff, v1  }
0x31e: {  	v18 =	vor.u32 $0xB, v3;
	v1 =	vld.idx.msk [tilespmem:v17+s9+$0x0], $0xffff  }
0x31f: {  	v19 =	vor.u32 v19, v2;
	_ =	sdelay $0x3  }
0x320: {  	[tilespmem:v18+s14+$0x0] =	vst.idx.msk $0xffff, v1  }
0x321: {  	v16 =	vor.u32 $0xC, v3;
	v1 =	vld.idx.msk [tilespmem:v19+s9+$0x0], $0xffff  }
0x322: {  	v17 =	vor.u32 v20, v2;
	_ =	sdelay $0x3  }
0x323: {  	[tilespmem:v16+s14+$0x0] =	vst.idx.msk $0xffff, v1  }
0x324: {  	v18 =	vor.u32 $0xD, v3;
	v1 =	vld.idx.msk [tilespmem:v17+s9+$0x0], $0xffff  }
0x325: {  	v19 =	vor.u32 v21, v2;
	_ =	sdelay $0x3  }
0x326: {  	[tilespmem:v18+s14+$0x0] =	vst.idx.msk $0xffff, v1  }
0x327: {  	v20 =	vor.u32 $0xE, v3;
	v1 =	vld.idx.msk [tilespmem:v19+s9+$0x0], $0xffff  }
0x328: {  	v21 =	vor.u32 v22, v2;
	_ =	sdelay $0x3  }
0x329: {  	[tilespmem:v20+s14+$0x0] =	vst.idx.msk $0xffff, v1  }
0x32a: {  	v22 =	vor.u32 $0xF, v3;
	v1 =	vld.idx.msk [tilespmem:v21+s9+$0x0], $0xffff  }
0x32b: {  	v23 =	vor.u32 v23, v2;
	_ =	sdelay $0x3  }
0x32c: {  	[tilespmem:v22+s14+$0x0] =	vst.idx.msk $0xffff, v1  }
0x32d: {  	v16 =	vor.u32 $0x10, v3;
	v1 =	vld.idx.msk [tilespmem:v23+s9+$0x0], $0xffff  }
0x32e: {  	v17 =	vor.u32 v24, v2;
	_ =	sdelay $0x3  }
0x32f: {  	[tilespmem:v16+s14+$0x0] =	vst.idx.msk $0xffff, v1  }
0x330: {  	v18 =	vor.u32 $0x11, v3;
	v1 =	vld.idx.msk [tilespmem:v17+s9+$0x0], $0xffff  }
0x331: {  	v19 =	vor.u32 v25, v2;
	_ =	sdelay $0x3  }
0x332: {  	[tilespmem:v18+s14+$0x0] =	vst.idx.msk $0xffff, v1  }
0x333: {  	v20 =	vor.u32 $0x12, v3;
	v1 =	vld.idx.msk [tilespmem:v19+s9+$0x0], $0xffff  }
0x334: {  	v21 =	vor.u32 v26, v2;
	_ =	sdelay $0x3  }
0x335: {  	[tilespmem:v20+s14+$0x0] =	vst.idx.msk $0xffff, v1  }
0x336: {  	v22 =	vor.u32 $0x13, v3;
	v1 =	vld.idx.msk [tilespmem:v21+s9+$0x0], $0xffff  }
0x337: {  	v23 =	vor.u32 v27, v2;
	_ =	sdelay $0x3  }
0x338: {  	[tilespmem:v22+s14+$0x0] =	vst.idx.msk $0xffff, v1  }
0x339: {  	v24 =	vor.u32 $0x14, v3;
	v1 =	vld.idx.msk [tilespmem:v23+s9+$0x0], $0xffff  }
0x33a: {  	v25 =	vor.u32 v28, v2;
	_ =	sdelay $0x3  }
0x33b: {  	[tilespmem:v24+s14+$0x0] =	vst.idx.msk $0xffff, v1  }
0x33c: {  	v26 =	vor.u32 $0x15, v3;
	v1 =	vld.idx.msk [tilespmem:v25+s9+$0x0], $0xffff  }
0x33d: {  	v27 =	vor.u32 v29, v2;
	_ =	sdelay $0x3  }
0x33e: {  	[tilespmem:v26+s14+$0x0] =	vst.idx.msk $0xffff, v1  }
0x33f: {  	v28 =	vor.u32 $0x16, v3;
	v1 =	vld.idx.msk [tilespmem:v27+s9+$0x0], $0xffff  }
0x340: {  	v29 =	vor.u32 v30, v2;
	_ =	sdelay $0x3  }
0x341: {  	[tilespmem:v28+s14+$0x0] =	vst.idx.msk $0xffff, v1  }
0x342: {  	v30 =	vor.u32 $0x17, v3;
	v1 =	vld.idx.msk [tilespmem:v29+s9+$0x0], $0xffff  }
0x343: {  	v16 =	vor.u32 v31, v2;
	_ =	sdelay $0x3  }
0x344: {  	[tilespmem:v30+s14+$0x0] =	vst.idx.msk $0xffff, v1  }
0x345: {  	v17 =	vor.u32 $0x18, v3;
	v1 =	vld.idx.msk [tilespmem:v16+s9+$0x0], $0xffff  }
0x346: {  	v18 =	vor.u32 v32, v2;
	_ =	sdelay $0x3  }
0x347: {  	[tilespmem:v17+s14+$0x0] =	vst.idx.msk $0xffff, v1  }
0x348: {  	v19 =	vor.u32 $0x19, v3;
	v1 =	vld.idx.msk [tilespmem:v18+s9+$0x0], $0xffff  }
0x349: {  	v20 =	vor.u32 v33, v2;
	_ =	sdelay $0x3  }
0x34a: {  	[tilespmem:v19+s14+$0x0] =	vst.idx.msk $0xffff, v1  }
0x34b: {  	v21 =	vor.u32 $0x1A, v3;
	v1 =	vld.idx.msk [tilespmem:v20+s9+$0x0], $0xffff  }
0x34c: {  	v22 =	vor.u32 v34, v2;
	_ =	sdelay $0x3  }
0x34d: {  	[tilespmem:v21+s14+$0x0] =	vst.idx.msk $0xffff, v1  }
0x34e: {  	v23 =	vor.u32 $0x1B, v3;
	v1 =	vld.idx.msk [tilespmem:v22+s9+$0x0], $0xffff  }
0x34f: {  	v24 =	vor.u32 v35, v2;
	_ =	sdelay $0x3  }
0x350: {  	[tilespmem:v23+s14+$0x0] =	vst.idx.msk $0xffff, v1  }
0x351: {  	v25 =	vor.u32 $0x1C, v3;
	v1 =	vld.idx.msk [tilespmem:v24+s9+$0x0], $0xffff  }
0x352: {  	v26 =	vor.u32 v36, v2;
	_ =	sdelay $0x3  }
0x353: {  	[tilespmem:v25+s14+$0x0] =	vst.idx.msk $0xffff, v1  }
0x354: {  	v27 =	vor.u32 $0x1D, v3;
	v1 =	vld.idx.msk [tilespmem:v26+s9+$0x0], $0xffff  }
0x355: {  	v28 =	vor.u32 v37, v2;
	_ =	sdelay $0x3  }
0x356: {  	[tilespmem:v27+s14+$0x0] =	vst.idx.msk $0xffff, v1  }
0x357: {  	v29 =	vor.u32 $0x1E, v3;
	v1 =	vld.idx.msk [tilespmem:v28+s9+$0x0], $0xffff  }
0x358: {  	v30 =	vor.u32 v38, v2;
	_ =	sdelay $0x3  }
0x359: {  	[tilespmem:v29+s14+$0x0] =	vst.idx.msk $0xffff, v1  }
0x35a: {  	v31 =	vor.u32 $0x1F, v3;
	v1 =	vld.idx.msk [tilespmem:v30+s9+$0x0], $0xffff  }
0x35b: {  	v32 =	vor.u32 v39, v2;
	_ =	sdelay $0x3  }
0x35c: {  	[tilespmem:v31+s14+$0x0] =	vst.idx.msk $0xffff, v1  }
0x35d: {  	v33 =	vor.u32 $0x20, v3;
	v1 =	vld.idx.msk [tilespmem:v32+s9+$0x0], $0xffff  }
0x35e: {  	v34 =	vor.u32 v40, v2;
	_ =	sdelay $0x3  }
0x35f: {  	[tilespmem:v33+s14+$0x0] =	vst.idx.msk $0xffff, v1  }
0x360: {  	v35 =	vor.u32 $0x21, v3;
	v1 =	vld.idx.msk [tilespmem:v34+s9+$0x0], $0xffff  }
0x361: {  	v36 =	vor.u32 v41, v2;
	_ =	sdelay $0x3  }
0x362: {  	[tilespmem:v35+s14+$0x0] =	vst.idx.msk $0xffff, v1  }
0x363: {  	v37 =	vor.u32 $0x22, v3;
	v1 =	vld.idx.msk [tilespmem:v36+s9+$0x0], $0xffff  }
0x364: {  	v38 =	vor.u32 v42, v2;
	_ =	sdelay $0x3  }
0x365: {  	[tilespmem:v37+s14+$0x0] =	vst.idx.msk $0xffff, v1  }
0x366: {  	v39 =	vor.u32 $0x23, v3;
	v1 =	vld.idx.msk [tilespmem:v38+s9+$0x0], $0xffff  }
0x367: {  	v40 =	vor.u32 v43, v2;
	_ =	sdelay $0x3  }
0x368: {  	[tilespmem:v39+s14+$0x0] =	vst.idx.msk $0xffff, v1  }
0x369: {  	v41 =	vor.u32 $0x24, v3;
	v1 =	vld.idx.msk [tilespmem:v40+s9+$0x0], $0xffff  }
0x36a: {  	v42 =	vor.u32 v44, v2;
	_ =	sdelay $0x3  }
0x36b: {  	[tilespmem:v41+s14+$0x0] =	vst.idx.msk $0xffff, v1  }
0x36c: {  	v43 =	vor.u32 $0x25, v3;
	v1 =	vld.idx.msk [tilespmem:v42+s9+$0x0], $0xffff  }
0x36d: {  	v44 =	vor.u32 v45, v2;
	_ =	sdelay $0x3  }
0x36e: {  	[tilespmem:v43+s14+$0x0] =	vst.idx.msk $0xffff, v1  }
0x36f: {  	v45 =	vor.u32 $0x26, v3;
	v1 =	vld.idx.msk [tilespmem:v44+s9+$0x0], $0xffff  }
0x370: {  	v16 =	vor.u32 v46, v2;
	_ =	sdelay $0x3  }
0x371: {  	[tilespmem:v45+s14+$0x0] =	vst.idx.msk $0xffff, v1  }
0x372: {  	v17 =	vor.u32 $0x27, v3;
	v1 =	vld.idx.msk [tilespmem:v16+s9+$0x0], $0xffff  }
0x373: {  	v18 =	vor.u32 v47, v2;
	_ =	sdelay $0x3  }
0x374: {  	[tilespmem:v17+s14+$0x0] =	vst.idx.msk $0xffff, v1  }
0x375: {  	v19 =	vor.u32 $0x28, v3;
	v1 =	vld.idx.msk [tilespmem:v18+s9+$0x0], $0xffff  }
0x376: {  	v20 =	vor.u32 v48, v2;
	_ =	sdelay $0x3  }
0x377: {  	[tilespmem:v19+s14+$0x0] =	vst.idx.msk $0xffff, v1  }
0x378: {  	v21 =	vor.u32 $0x29, v3;
	v1 =	vld.idx.msk [tilespmem:v20+s9+$0x0], $0xffff  }
0x379: {  	v22 =	vor.u32 v49, v2;
	_ =	sdelay $0x3  }
0x37a: {  	[tilespmem:v21+s14+$0x0] =	vst.idx.msk $0xffff, v1  }
0x37b: {  	v23 =	vor.u32 $0x2A, v3;
	v1 =	vld.idx.msk [tilespmem:v22+s9+$0x0], $0xffff  }
0x37c: {  	v24 =	vor.u32 v50, v2;
	_ =	sdelay $0x3  }
0x37d: {  	[tilespmem:v23+s14+$0x0] =	vst.idx.msk $0xffff, v1  }
0x37e: {  	v25 =	vor.u32 $0x2B, v3;
	v1 =	vld.idx.msk [tilespmem:v24+s9+$0x0], $0xffff  }
0x37f: {  	v26 =	vor.u32 v51, v2;
	_ =	sdelay $0x3  }
0x380: {  	[tilespmem:v25+s14+$0x0] =	vst.idx.msk $0xffff, v1  }
0x381: {  	v27 =	vor.u32 $0x2C, v3;
	v1 =	vld.idx.msk [tilespmem:v26+s9+$0x0], $0xffff  }
0x382: {  	v28 =	vor.u32 v52, v2;
	_ =	sdelay $0x3  }
0x383: {  	[tilespmem:v27+s14+$0x0] =	vst.idx.msk $0xffff, v1  }
0x384: {  	v29 =	vor.u32 $0x2D, v3;
	v1 =	vld.idx.msk [tilespmem:v28+s9+$0x0], $0xffff  }
0x385: {  	v30 =	vor.u32 v53, v2;
	_ =	sdelay $0x3  }
0x386: {  	[tilespmem:v29+s14+$0x0] =	vst.idx.msk $0xffff, v1  }
0x387: {  	v31 =	vor.u32 $0x2E, v3;
	v1 =	vld.idx.msk [tilespmem:v30+s9+$0x0], $0xffff  }
0x388: {  	v32 =	vor.u32 v54, v2;
	_ =	sdelay $0x3  }
0x389: {  	[tilespmem:v31+s14+$0x0] =	vst.idx.msk $0xffff, v1  }
0x38a: {  	v33 =	vor.u32 $0x2F, v3;
	v1 =	vld.idx.msk [tilespmem:v32+s9+$0x0], $0xffff  }
0x38b: {  	v34 =	vor.u32 v55, v2;
	_ =	sdelay $0x3  }
0x38c: {  	[tilespmem:v33+s14+$0x0] =	vst.idx.msk $0xffff, v1  }
0x38d: {  	v35 =	vor.u32 $0x30, v3;
	v1 =	vld.idx.msk [tilespmem:v34+s9+$0x0], $0xffff  }
0x38e: {  	v36 =	vor.u32 v56, v2;
	_ =	sdelay $0x3  }
0x38f: {  	[tilespmem:v35+s14+$0x0] =	vst.idx.msk $0xffff, v1  }
0x390: {  	v37 =	vor.u32 $0x31, v3;
	v1 =	vld.idx.msk [tilespmem:v36+s9+$0x0], $0xffff  }
0x391: {  	v38 =	vor.u32 v57, v2;
	_ =	sdelay $0x3  }
0x392: {  	[tilespmem:v37+s14+$0x0] =	vst.idx.msk $0xffff, v1  }
0x393: {  	v39 =	vor.u32 $0x32, v3;
	v1 =	vld.idx.msk [tilespmem:v38+s9+$0x0], $0xffff  }
0x394: {  	v40 =	vor.u32 v58, v2;
	_ =	sdelay $0x3  }
0x395: {  	[tilespmem:v39+s14+$0x0] =	vst.idx.msk $0xffff, v1  }
0x396: {  	v41 =	vor.u32 $0x33, v3;
	v1 =	vld.idx.msk [tilespmem:v40+s9+$0x0], $0xffff  }
0x397: {  	v42 =	vor.u32 v59, v2;
	_ =	sdelay $0x3  }
0x398: {  	[tilespmem:v41+s14+$0x0] =	vst.idx.msk $0xffff, v1  }
0x399: {  	v43 =	vor.u32 $0x34, v3;
	v1 =	vld.idx.msk [tilespmem:v42+s9+$0x0], $0xffff  }
0x39a: {  	v44 =	vor.u32 v60, v2;
	_ =	sdelay $0x3  }
0x39b: {  	[tilespmem:v43+s14+$0x0] =	vst.idx.msk $0xffff, v1  }
0x39c: {  	v45 =	vor.u32 $0x35, v3;
	v1 =	vld.idx.msk [tilespmem:v44+s9+$0x0], $0xffff  }
0x39d: {  	v46 =	vor.u32 v61, v2;
	_ =	sdelay $0x3  }
0x39e: {  	[tilespmem:v45+s14+$0x0] =	vst.idx.msk $0xffff, v1  }
0x39f: {  	v47 =	vor.u32 $0x36, v3;
	v1 =	vld.idx.msk [tilespmem:v46+s9+$0x0], $0xffff  }
0x3a0: {  	v48 =	vor.u32 v0, v2;
	_ =	sdelay $0x3  }
0x3a1: {  	[tilespmem:v47+s14+$0x0] =	vst.idx.msk $0xffff, v1  }
0x3a2: {  	v49 =	vor.u32 $0x37, v3;
	v1 =	vld.idx.msk [tilespmem:v48+s9+$0x0], $0xffff  }
0x3a3: {  	v50 =	vor.u32 v7, v2;
	_ =	sdelay $0x3  }
0x3a4: {  	[tilespmem:v49+s14+$0x0] =	vst.idx.msk $0xffff, v1  }
0x3a5: {  	v51 =	vor.u32 $0x38, v3;
	v1 =	vld.idx.msk [tilespmem:v50+s9+$0x0], $0xffff  }
0x3a6: {  	v52 =	vor.u32 v12, v2;
	_ =	sdelay $0x3  }
0x3a7: {  	[tilespmem:v51+s14+$0x0] =	vst.idx.msk $0xffff, v1  }
0x3a8: {  	v53 =	vor.u32 $0x39, v3;
	v1 =	vld.idx.msk [tilespmem:v52+s9+$0x0], $0xffff  }
0x3a9: {  	v54 =	vor.u32 v13, v2;
	_ =	sdelay $0x3  }
0x3aa: {  	[tilespmem:v53+s14+$0x0] =	vst.idx.msk $0xffff, v1  }
0x3ab: {  	v55 =	vor.u32 $0x3A, v3;
	v1 =	vld.idx.msk [tilespmem:v54+s9+$0x0], $0xffff  }
0x3ac: {  	v56 =	vor.u32 v14, v2;
	_ =	sdelay $0x3  }
0x3ad: {  	[tilespmem:v55+s14+$0x0] =	vst.idx.msk $0xffff, v1  }
0x3ae: {  	v57 =	vor.u32 $0x3B, v3;
	v1 =	vld.idx.msk [tilespmem:v56+s9+$0x0], $0xffff  }
0x3af: {  	v58 =	vor.u32 v15, v2;
	_ =	sdelay $0x3  }
0x3b0: {  	[tilespmem:v57+s14+$0x0] =	vst.idx.msk $0xffff, v1  }
0x3b1: {  	v0 =	vor.u32 $0x3D, v8;
	v59 =	vor.u32 $0x3C, v3;
	v1 =	vld.idx.msk [tilespmem:v58+s9+$0x0], $0xffff  }
0x3b2: {  	v4 =	vor.u32 v0, v2;
	_ =	sdelay $0x3  }
0x3b3: {  	[tilespmem:v59+s14+$0x0] =	vst.idx.msk $0xffff, v1  }
0x3b4: {  	v63 =	vor.u32 $0x3E, v8;
	v1 =	vld.idx.msk [tilespmem:v4+s9+$0x0], $0xffff;
	v4 =	vor.u32 $0x3D, v3  }
0x3b5: {  	v10 =	vmov v5;
	v5 =	vor.u32 v63, v2;
	_ =	sdelay $0x3  }
0x3b6: {  	[tilespmem:v4+s14+$0x0] =	vst.idx.msk $0xffff, v1  }
0x3b7: {  	v1 =	vor.u32 $0x3F, v8;
	v4 =	vld.idx.msk [tilespmem:v5+s9+$0x0], $0xffff;
	v5 =	vor.u32 $0x3E, v3  }
0x3b8: {  	v2 =	vor.u32 v1, v2;
	_ =	sdelay $0x3  }
0x3b9: {  	[tilespmem:v5+s14+$0x0] =	vst.idx.msk $0xffff, v4  }
0x3ba: {  	p0 =	seq.s32 s17, $0x200;
	v3 =	vor.u32 $0x3F, v3;
	v2 =	vld.idx.msk [tilespmem:v2+s9+$0x0], $0xffff  }
.Ltmp4:
0x3bb: {  	_ = 	snop;
	(pc) =	sbr.rel @p0 .LBB2_4-.Ltmp4, $3  }
0x3bc: {  	_ =	sdelay $0x1  }
0x3bd: {  	[tilespmem:$0x1FC40] =	vst v0  }
0x3be: {  	[tilespmem:v3+s14+$0x0] =	vst.idx.msk $0xffff, v2  }
0x3bf: {  	s20 =	sand.u32 $0xE00, s16  }
0x3c0: {  	s21 =	sand.u32 $0x60, s17;
	s20 =	sshrl.u32 s20, $0x2  }
0x3c1: {  	s20 =	sor.u32 s21, s20  }
0x3c2: {  	v2 =	vld [tilespmem:s20+$0x0];
	_ =	sdelay $0x4  }
0x3c3: {  	(v2sf) =	vpush v2, $0x0;
	_ =	sdelay $0xa  }
0x3c4: {  	(v2sf) =	vpush v2, $0x1;
	_ =	sdelay $0x3  }
0x3c5: {  	s20 =	spop (v2sf)  }
0x3c6: {  	s22 =	sand.u32 $0x7, s20  }
0x3c7: {  	p1 =	slt.s32 s20, $0x1;
	p0 =	sne.s32 s22, $0x0;
	s22 =	sshra.s32 s20, $0x1F  }
0x3c8: {  	s21 =	sshrl.u32 s22, $0x1D;
	p0 =	por !p1, !p0  }
0x3c9: {  	s20 =	sadd.s32 s21, s20;
	p0 =	por !p0, !p0;
	s21 =	simm.s32 $0x1  }
0x3ca: {  	s20 =	sshrl.u32 s20, $0x3;
	s21 =	simm.s32 @!p0 $0x0  }
0x3cb: {  	s20 =	ssub.s32 s20, s21  }
0x3cc: {  	(v2sf) =	vpush v2, $0x2;
	s20 =	sshll.u32 s20, $0x7  }
0x3cd: {  	s20 =	sand.u32 $0x1FFFFF80, s20  }
0x3ce: {  	s20 =	sadd.s32 s3, s20  }
0x3cf: {  	[tilespmem:s9], [sflag:$0x1] =	stream.linear.gather [hbm4b:s20+s1], $0x400, $0x38;
	[tilespmem:$0x18200] =	vst v63  }
0x3d0: {  	s20 =	spop (v2sf)  }
0x3d1: {  	s22 =	sand.u32 $0x7, s20  }
0x3d2: {  	p2 =	slt.s32 s20, $0x1;
	p1 =	sne.s32 s22, $0x0;
	s22 =	sshra.s32 s20, $0x1F  }
0x3d3: {  	s21 =	sshrl.u32 s22, $0x1D;
	p0 =	por !p2, !p1  }
0x3d4: {  	s20 =	sadd.s32 s21, s20;
	p0 =	por !p0, !p0;
	s21 =	simm.s32 $0x1  }
0x3d5: {  	s20 =	sshrl.u32 s20, $0x3;
	s21 =	simm.s32 @!p0 $0x0  }
0x3d6: {  	s20 =	ssub.s32 s20, s21  }
0x3d7: {  	(v2sf) =	vpush v2, $0x3;
	s20 =	sshll.u32 s20, $0x7  }
0x3d8: {  	s20 =	sand.u32 $0x1FFFFF80, s20  }
0x3d9: {  	s22 =	simm.s32 $0x600;
	s20 =	sadd.s32 s3, s20  }
0x3da: {  	[tilespmem:s22], [sflag:$0x1] =	stream.linear.gather [hbm4b:s20+s1], $0x400, $0x38;
	[tilespmem:$0x18200] =	vst v63  }
0x3db: {  	s20 =	spop (v2sf)  }
0x3dc: {  	s22 =	sand.u32 $0x7, s20  }
0x3dd: {  	p4 =	slt.s32 s20, $0x1;
	p3 =	sne.s32 s22, $0x0;
	s22 =	sshra.s32 s20, $0x1F  }
0x3de: {  	s21 =	sshrl.u32 s22, $0x1D;
	p0 =	por !p4, !p3  }
0x3df: {  	s20 =	sadd.s32 s21, s20;
	p0 =	por !p0, !p0;
	s21 =	simm.s32 $0x1  }
0x3e0: {  	s20 =	sshrl.u32 s20, $0x3;
	s21 =	simm.s32 @!p0 $0x0  }
0x3e1: {  	s20 =	ssub.s32 s20, s21  }
0x3e2: {  	(v2sf) =	vpush v2, $0x4;
	s20 =	sshll.u32 s20, $0x7  }
0x3e3: {  	s20 =	sand.u32 $0x1FFFFF80, s20  }
0x3e4: {  	s22 =	simm.s32 $0xA00;
	s20 =	sadd.s32 s3, s20  }
0x3e5: {  	[tilespmem:s22], [sflag:$0x1] =	stream.linear.gather [hbm4b:s20+s1], $0x400, $0x38;
	[tilespmem:$0x18200] =	vst v63  }
0x3e6: {  	s20 =	spop (v2sf)  }
0x3e7: {  	s22 =	sand.u32 $0x7, s20  }
0x3e8: {  	p6 =	slt.s32 s20, $0x1;
	p5 =	sne.s32 s22, $0x0;
	s22 =	sshra.s32 s20, $0x1F  }
0x3e9: {  	s21 =	sshrl.u32 s22, $0x1D;
	p0 =	por !p6, !p5  }
0x3ea: {  	s20 =	sadd.s32 s21, s20;
	p0 =	por !p0, !p0;
	s21 =	simm.s32 $0x1  }
0x3eb: {  	s20 =	sshrl.u32 s20, $0x3;
	s21 =	simm.s32 @!p0 $0x0  }
0x3ec: {  	s20 =	ssub.s32 s20, s21  }
0x3ed: {  	(v2sf) =	vpush v2, $0x5;
	s20 =	sshll.u32 s20, $0x7  }
0x3ee: {  	s20 =	sand.u32 $0x1FFFFF80, s20  }
0x3ef: {  	s22 =	simm.s32 $0xE00;
	s20 =	sadd.s32 s3, s20  }
0x3f0: {  	[tilespmem:s22], [sflag:$0x1] =	stream.linear.gather [hbm4b:s20+s1], $0x400, $0x38;
	[tilespmem:$0x18200] =	vst v63  }
0x3f1: {  	s20 =	spop (v2sf)  }
0x3f2: {  	s22 =	sand.u32 $0x7, s20  }
0x3f3: {  	p2 =	slt.s32 s20, $0x1;
	p1 =	sne.s32 s22, $0x0;
	s22 =	sshra.s32 s20, $0x1F  }
0x3f4: {  	s21 =	sshrl.u32 s22, $0x1D;
	p0 =	por !p2, !p1  }
0x3f5: {  	s20 =	sadd.s32 s21, s20;
	p0 =	por !p0, !p0;
	s21 =	simm.s32 $0x1  }
0x3f6: {  	s20 =	sshrl.u32 s20, $0x3;
	s21 =	simm.s32 @!p0 $0x0  }
0x3f7: {  	s20 =	ssub.s32 s20, s21  }
0x3f8: {  	(v2sf) =	vpush v2, $0x6;
	s20 =	sshll.u32 s20, $0x7  }
0x3f9: {  	s20 =	sand.u32 $0x1FFFFF80, s20  }
0x3fa: {  	s22 =	simm.s32 $0x1200;
	s20 =	sadd.s32 s3, s20  }
0x3fb: {  	[tilespmem:s22], [sflag:$0x1] =	stream.linear.gather [hbm4b:s20+s1], $0x400, $0x38;
	[tilespmem:$0x18200] =	vst v63  }
0x3fc: {  	s20 =	spop (v2sf)  }
0x3fd: {  	s22 =	sand.u32 $0x7, s20  }
0x3fe: {  	p4 =	slt.s32 s20, $0x1;
	p3 =	sne.s32 s22, $0x0;
	s22 =	sshra.s32 s20, $0x1F  }
0x3ff: {  	s21 =	sshrl.u32 s22, $0x1D;
	p0 =	por !p4, !p3  }
0x400: {  	s20 =	sadd.s32 s21, s20;
	p0 =	por !p0, !p0;
	s21 =	simm.s32 $0x1  }
0x401: {  	s20 =	sshrl.u32 s20, $0x3;
	s21 =	simm.s32 @!p0 $0x0  }
0x402: {  	s20 =	ssub.s32 s20, s21  }
0x403: {  	(v2sf) =	vpush v2, $0x7;
	s20 =	sshll.u32 s20, $0x7  }
0x404: {  	s20 =	sand.u32 $0x1FFFFF80, s20  }
0x405: {  	s22 =	simm.s32 $0x1600;
	s20 =	sadd.s32 s3, s20  }
0x406: {  	[tilespmem:s22], [sflag:$0x1] =	stream.linear.gather [hbm4b:s20+s1], $0x400, $0x38;
	[tilespmem:$0x18200] =	vst v63  }
0x407: {  	s20 =	spop (v2sf)  }
0x408: {  	s22 =	sand.u32 $0x7, s20  }
0x409: {  	p6 =	slt.s32 s20, $0x1;
	p5 =	sne.s32 s22, $0x0;
	s22 =	sshra.s32 s20, $0x1F  }
0x40a: {  	s21 =	sshrl.u32 s22, $0x1D;
	p0 =	por !p6, !p5  }
0x40b: {  	s20 =	sadd.s32 s21, s20;
	p0 =	por !p0, !p0;
	s21 =	simm.s32 $0x1  }
0x40c: {  	s20 =	sshrl.u32 s20, $0x3;
	s21 =	simm.s32 @!p0 $0x0  }
0x40d: {  	s20 =	ssub.s32 s20, s21  }
0x40e: {  	(v2sf) =	vpush v2, $0x8;
	s20 =	sshll.u32 s20, $0x7  }
0x40f: {  	s20 =	sand.u32 $0x1FFFFF80, s20  }
0x410: {  	s22 =	simm.s32 $0x1A00;
	s20 =	sadd.s32 s3, s20  }
0x411: {  	[tilespmem:s22], [sflag:$0x1] =	stream.linear.gather [hbm4b:s20+s1], $0x400, $0x38;
	[tilespmem:$0x18200] =	vst v63  }
0x412: {  	s20 =	spop (v2sf)  }
0x413: {  	s22 =	sand.u32 $0x7, s20  }
0x414: {  	p2 =	slt.s32 s20, $0x1;
	p1 =	sne.s32 s22, $0x0;
	s22 =	sshra.s32 s20, $0x1F  }
0x415: {  	s21 =	sshrl.u32 s22, $0x1D;
	p0 =	por !p2, !p1  }
0x416: {  	s20 =	sadd.s32 s21, s20;
	p0 =	por !p0, !p0;
	s21 =	simm.s32 $0x1  }
0x417: {  	s20 =	sshrl.u32 s20, $0x3;
	s21 =	simm.s32 @!p0 $0x0  }
0x418: {  	s20 =	ssub.s32 s20, s21  }
0x419: {  	(v2sf) =	vpush v2, $0x9;
	s20 =	sshll.u32 s20, $0x7  }
0x41a: {  	s20 =	sand.u32 $0x1FFFFF80, s20  }
0x41b: {  	s22 =	simm.s32 $0x1E00;
	s20 =	sadd.s32 s3, s20  }
0x41c: {  	[tilespmem:s22], [sflag:$0x1] =	stream.linear.gather [hbm4b:s20+s1], $0x400, $0x38;
	[tilespmem:$0x18200] =	vst v63  }
0x41d: {  	s20 =	spop (v2sf)  }
0x41e: {  	s22 =	sand.u32 $0x7, s20  }
0x41f: {  	p4 =	slt.s32 s20, $0x1;
	p3 =	sne.s32 s22, $0x0;
	s22 =	sshra.s32 s20, $0x1F  }
0x420: {  	s21 =	sshrl.u32 s22, $0x1D;
	p0 =	por !p4, !p3  }
0x421: {  	s20 =	sadd.s32 s21, s20;
	p0 =	por !p0, !p0;
	s21 =	simm.s32 $0x1  }
0x422: {  	s20 =	sshrl.u32 s20, $0x3;
	s21 =	simm.s32 @!p0 $0x0  }
0x423: {  	s20 =	ssub.s32 s20, s21  }
0x424: {  	(v2sf) =	vpush v2, $0xA;
	s20 =	sshll.u32 s20, $0x7  }
0x425: {  	s20 =	sand.u32 $0x1FFFFF80, s20  }
0x426: {  	s22 =	simm.s32 $0x2200;
	s20 =	sadd.s32 s3, s20  }
0x427: {  	[tilespmem:s22], [sflag:$0x1] =	stream.linear.gather [hbm4b:s20+s1], $0x400, $0x38;
	[tilespmem:$0x18200] =	vst v63  }
0x428: {  	s20 =	spop (v2sf)  }
0x429: {  	s22 =	sand.u32 $0x7, s20  }
0x42a: {  	p6 =	slt.s32 s20, $0x1;
	p5 =	sne.s32 s22, $0x0;
	s22 =	sshra.s32 s20, $0x1F  }
0x42b: {  	s21 =	sshrl.u32 s22, $0x1D;
	p0 =	por !p6, !p5  }
0x42c: {  	s20 =	sadd.s32 s21, s20;
	p0 =	por !p0, !p0;
	s21 =	simm.s32 $0x1  }
0x42d: {  	s20 =	sshrl.u32 s20, $0x3;
	s21 =	simm.s32 @!p0 $0x0  }
0x42e: {  	s20 =	ssub.s32 s20, s21  }
0x42f: {  	(v2sf) =	vpush v2, $0xB;
	s20 =	sshll.u32 s20, $0x7  }
0x430: {  	s20 =	sand.u32 $0x1FFFFF80, s20  }
0x431: {  	s22 =	simm.s32 $0x2600;
	s20 =	sadd.s32 s3, s20  }
0x432: {  	[tilespmem:s22], [sflag:$0x1] =	stream.linear.gather [hbm4b:s20+s1], $0x400, $0x38;
	[tilespmem:$0x18200] =	vst v63  }
0x433: {  	s20 =	spop (v2sf)  }
0x434: {  	s22 =	sand.u32 $0x7, s20  }
0x435: {  	p2 =	slt.s32 s20, $0x1;
	p1 =	sne.s32 s22, $0x0;
	s22 =	sshra.s32 s20, $0x1F  }
0x436: {  	s21 =	sshrl.u32 s22, $0x1D;
	p0 =	por !p2, !p1  }
0x437: {  	s20 =	sadd.s32 s21, s20;
	p0 =	por !p0, !p0;
	s21 =	simm.s32 $0x1  }
0x438: {  	s20 =	sshrl.u32 s20, $0x3;
	s21 =	simm.s32 @!p0 $0x0  }
0x439: {  	s20 =	ssub.s32 s20, s21  }
0x43a: {  	(v2sf) =	vpush v2, $0xC;
	s20 =	sshll.u32 s20, $0x7  }
0x43b: {  	s20 =	sand.u32 $0x1FFFFF80, s20  }
0x43c: {  	s22 =	simm.s32 $0x2A00;
	s20 =	sadd.s32 s3, s20  }
0x43d: {  	[tilespmem:s22], [sflag:$0x1] =	stream.linear.gather [hbm4b:s20+s1], $0x400, $0x38;
	[tilespmem:$0x18200] =	vst v63  }
0x43e: {  	s20 =	spop (v2sf)  }
0x43f: {  	s22 =	sand.u32 $0x7, s20  }
0x440: {  	p4 =	slt.s32 s20, $0x1;
	p3 =	sne.s32 s22, $0x0;
	s22 =	sshra.s32 s20, $0x1F  }
0x441: {  	s21 =	sshrl.u32 s22, $0x1D;
	p0 =	por !p4, !p3  }
0x442: {  	s20 =	sadd.s32 s21, s20;
	p0 =	por !p0, !p0;
	s21 =	simm.s32 $0x1  }
0x443: {  	s20 =	sshrl.u32 s20, $0x3;
	s21 =	simm.s32 @!p0 $0x0  }
0x444: {  	s20 =	ssub.s32 s20, s21  }
0x445: {  	(v2sf) =	vpush v2, $0xD;
	s20 =	sshll.u32 s20, $0x7  }
0x446: {  	s20 =	sand.u32 $0x1FFFFF80, s20  }
0x447: {  	s22 =	simm.s32 $0x2E00;
	s20 =	sadd.s32 s3, s20  }
0x448: {  	[tilespmem:s22], [sflag:$0x1] =	stream.linear.gather [hbm4b:s20+s1], $0x400, $0x38;
	[tilespmem:$0x18200] =	vst v63  }
0x449: {  	s20 =	spop (v2sf)  }
0x44a: {  	s22 =	sand.u32 $0x7, s20  }
0x44b: {  	p6 =	slt.s32 s20, $0x1;
	p5 =	sne.s32 s22, $0x0;
	s22 =	sshra.s32 s20, $0x1F  }
0x44c: {  	s21 =	sshrl.u32 s22, $0x1D;
	p0 =	por !p6, !p5  }
0x44d: {  	s20 =	sadd.s32 s21, s20;
	p0 =	por !p0, !p0;
	s21 =	simm.s32 $0x1  }
0x44e: {  	(v2sf) =	vpush v2, $0xE;
	s20 =	sshrl.u32 s20, $0x3;
	s21 =	simm.s32 @!p0 $0x0  }
0x44f: {  	s20 =	ssub.s32 s20, s21  }
0x450: {  	s20 =	sshll.u32 s20, $0x7  }
0x451: {  	s20 =	sand.u32 $0x1FFFFF80, s20  }
0x452: {  	s22 =	simm.s32 $0x3200;
	s20 =	sadd.s32 s3, s20  }
0x453: {  	[tilespmem:s22], [sflag:$0x1] =	stream.linear.gather [hbm4b:s20+s1], $0x400, $0x38;
	[tilespmem:$0x18200] =	vst v63  }
0x454: {  	s20 =	spop (v2sf)  }
0x455: {  	s22 =	sand.u32 $0x7, s20  }
0x456: {  	p2 =	slt.s32 s20, $0x1;
	p1 =	sne.s32 s22, $0x0;
	s22 =	sshra.s32 s20, $0x1F  }
0x457: {  	s21 =	sshrl.u32 s22, $0x1D;
	p0 =	por !p2, !p1  }
0x458: {  	s20 =	sadd.s32 s21, s20;
	p0 =	por !p0, !p0;
	s21 =	simm.s32 $0x1  }
0x459: {  	s20 =	sshrl.u32 s20, $0x3;
	s21 =	simm.s32 @!p0 $0x0  }
0x45a: {  	(v2sf) =	vpush v2, $0xF;
	s20 =	ssub.s32 s20, s21  }
0x45b: {  	s20 =	sshll.u32 s20, $0x7  }
0x45c: {  	s20 =	sand.u32 $0x1FFFFF80, s20  }
0x45d: {  	s22 =	simm.s32 $0x3600;
	s21 =	spop (v2sf);
	s20 =	sadd.s32 s3, s20  }
0x45e: {  	[tilespmem:s22], [sflag:$0x1] =	stream.linear.gather [hbm4b:s20+s1], $0x400, $0x38;
	[tilespmem:$0x18200] =	vst v63  }
0x45f: {  	s22 =	sand.u32 $0x7, s21  }
0x460: {  	p4 =	slt.s32 s21, $0x1;
	p3 =	sne.s32 s22, $0x0;
	s22 =	sshra.s32 s21, $0x1F  }
0x461: {  	s20 =	sshrl.u32 s22, $0x1D;
	p0 =	por !p4, !p3  }
0x462: {  	s20 =	sadd.s32 s20, s21;
	p0 =	por !p0, !p0;
	s21 =	simm.s32 $0x1  }
0x463: {  	s20 =	sshrl.u32 s20, $0x3;
	s21 =	simm.s32 @!p0 $0x0  }
0x464: {  	s20 =	ssub.s32 s20, s21  }
0x465: {  	s20 =	sshll.u32 s20, $0x7  }
0x466: {  	s20 =	sand.u32 $0x1FFFFF80, s20  }
0x467: {  	s20 =	sadd.s32 s3, s20  }
0x468: {  	[tilespmem:s23], [sflag:$0x1] =	stream.linear.gather [hbm4b:s20+s1], $0x400, $0x38;
	[tilespmem:$0x18200] =	vst v63  }
0x469: {  	s20 =	spop (v2sf)  }
0x46a: {  	s22 =	sand.u32 $0x7, s20  }
0x46b: {  	p6 =	slt.s32 s20, $0x1;
	p5 =	sne.s32 s22, $0x0;
	s22 =	sshra.s32 s20, $0x1F  }
0x46c: {  	s21 =	sshrl.u32 s22, $0x1D;
	p0 =	por !p6, !p5  }
0x46d: {  	s20 =	sadd.s32 s21, s20;
	p0 =	por !p0, !p0;
	s21 =	simm.s32 $0x1  }
0x46e: {  	s20 =	sshrl.u32 s20, $0x3;
	s21 =	simm.s32 @!p0 $0x0  }
.Ltmp5:
0x46f: {  	s20 =	ssub.s32 s20, s21;
	(pc) =	sbr.rel .LBB2_4-.Ltmp5, $4  }
0x470: {  	s20 =	sshll.u32 s20, $0x7  }
0x471: {  	s20 =	sand.u32 $0x1FFFFF80, s20  }
0x472: {  	s20 =	sadd.s32 s3, s20  }
0x473: {  	[tilespmem:s24], [sflag:$0x1] =	stream.linear.gather [hbm4b:s20+s1], $0x400, $0x38;
	[tilespmem:$0x18200] =	vst v63  }
.LBB2_6:
0x474: {  	_ =	sfence.sel $0x180000  }
0x475: {  	[bflag:$0x0] =	sbarrier.arrive $0xFFFF  }
0x476: {  	_ =	strace $0x90000047  }
0x477: {  	s0 =	stileid.u32;
	[bflag:$0x2] =	sbarrier.arrive $0xFFFF  }
0x478: {  	p0 =	sne.s32 s0, $0x0;
	s0 =	rddreg [dreg:$0x2]  }
0x479: {  	s0 =	sadd.s32 @!p0 $0x100000, s0  }
0x47a: {  	[sflag:s0] =	ssyncadd.tile.s32 @!p0 $0x1;
	_ =	shalt  }
.Lfunc_end2:
_tile_overlayer_lowered:
.L_overlay_start_2:
0x47b: {  	(tag) =	ssettag $0x2  }
0x47c: {  	s0 =	rddreg [dreg:$0x0];
	s2 =	stileid.u32  }
0x47d: {  	s1 =	rddreg [dreg:$0x1];
	p0 =	sne.s32 s2, $0x0  }
0x47e: {  	s3 =	rddreg [dreg:$0x2];
	[bflag:$0x3] =	sbarrier.arrive $0xFFFF;
	s2 =	simm.s32 @!p0 $0x1C03  }
0x47f: {  	[timem:s3], [sflag:s2] =	dma.local @!p0 [hbm:s0], s1  }
0x480: {  	s0 =	simm.s32 @!p0 $0x3  }
0x481: {  	_ =	swait.ge @!p0 [sflag:s0], s1  }
0x482: {  	s1 =	ssub.s32 @!p0 $0x0, s1;
	[sflag:s0] =	ssyncset.done @!p0 $0x0  }
0x483: {  	[sflag:s0] =	ssyncadd.s32 @!p0 s1  }
0x484: {  	[bflag:$0x3] =	sbarrier.arrive $0xFFFF  }
0x485: {  	_ =	shalt  }

</sc_bundles>
